<compile_context>
chip_gen: v7x
topology: tpu7x:2x2x1
jax: 0.10.2.dev20260603
libtpu: 0.0.44.dev20260713+nightly
codegen_flags: <defaults>
</compile_context>

<pallas_src>
import functools

import jax
import jax.numpy as jnp
from jax import lax
from jax.experimental import pallas as pl
from jax.experimental.pallas import tpu as pltpu
from jax.experimental.pallas import tpu_sc as plsc

_B, _S = 4, 2048
_H = 768
_VOCAB = 260
_HASH_V = 100000
_BASE = 257
_NGRAMS = (3, 4, 5, 6)
_EPS = 1e-12

_NT = _B * _S
_NC = 2
_NSC = 16
_NW = _NC * _NSC
_K = 16
_HALO = 16

_NSPLIT = 1
_HTOK = _NT // _NSPLIT

_BT = 2048
_NB = _HTOK // _BT


def _make_sc_body(h_off, ntok):
    tpw = ntok // _NW
    nchunk = tpw // _K

    def _sc_body(ids_hbm, t3, t4, t5, t6, comb_hbm,
                 ids_v, hv_v, a0, a1, a2, a3, b0, b1, b2, b3,
                 sga, sgb, soa, sob):
        wid = lax.axis_index("s") * _NC + lax.axis_index("c")
        lt0 = wid * tpw
        t0 = lt0 + h_off
        pltpu.sync_copy(ids_hbm.at[pl.ds(t0, tpw)],
                        ids_v.at[pl.ds(_HALO, tpw)])

        @pl.when(t0 > 0)
        def _load_halo():
            hbase = pl.multiple_of(jnp.maximum(t0 - _HALO, 0), _HALO)
            pltpu.sync_copy(ids_hbm.at[pl.ds(hbase, _HALO)],
                            ids_v.at[pl.ds(0, _HALO)])

        p0 = lax.rem(t0, _S)
        iota = lax.iota(jnp.int32, 16)

        def hash_group(g, carry):
            shs = []
            for j in range(max(_NGRAMS)):
                shs.append(ids_v[pl.ds(_HALO + g * 16 - j, 16)])
            posv = iota + (p0 + g * 16)
            for ni, n in enumerate(_NGRAMS):
                tot = shs[0] * pow(_BASE, n - 1, _HASH_V)
                for j in range(1, n):
                    tot = tot + shs[j] * pow(_BASE, n - 1 - j, _HASH_V)
                hv = jnp.where(posv < (n - 1), shs[0], lax.rem(tot, _HASH_V))
                hv_v[ni, pl.ds(g * 16, 16)] = hv
            return carry

        ngroup_01 = 2 * (_K // 16)
        lax.fori_loop(0, ngroup_01, hash_group, 0)

        tables = (t3, t4, t5, t6)
        seta = (a0, a1, a2, a3)
        setb = (b0, b1, b2, b3)

        def issue(c, bufs, sem):
            for ti in range(4):
                pltpu.async_copy(
                    tables[ti].at[hv_v.at[ti, pl.ds(c * _K, _K)]],
                    bufs[ti], sem)

        def drain(c, bufs, sem):
            for ti in range(4):
                pltpu.make_async_copy(
                    tables[ti].at[hv_v.at[ti, pl.ds(c * _K, _K)]],
                    bufs[ti], sem).wait()

        def out_wait(bufs, osem):
            pltpu.make_async_copy(bufs[0], comb_hbm.at[pl.ds(0, _K)],
                                  osem).wait()

        def accum_and_put(c, bufs, osem):
            def acc_row(r, carry2):
                for q in range(_H // 16):
                    sl = pl.ds(q * 16, 16)
                    plsc.addupdate(bufs[0].at[r, sl],
                                   (bufs[1][r, sl] + bufs[2][r, sl])
                                   + bufs[3][r, sl])
                return carry2

            lax.fori_loop(0, _K, acc_row, 0)
            pltpu.async_copy(bufs[0], comb_hbm.at[pl.ds(lt0 + c * _K, _K)],
                             osem)

        issue(0, seta, sga)

        def body(i, carry):
            ca = 2 * i
            issue(ca + 1, setb, sgb)

            @pl.when(i == 0)
            def _hash_rest():
                lax.fori_loop(ngroup_01, tpw // 16, hash_group, 0)
            drain(ca, seta, sga)

            @pl.when(i > 0)
            def _wa():
                out_wait(seta, soa)

            accum_and_put(ca, seta, soa)

            @pl.when(i < nchunk // 2 - 1)
            def _ia():
                issue(ca + 2, seta, sga)

            drain(ca + 1, setb, sgb)

            @pl.when(i > 0)
            def _wb():
                out_wait(setb, sob)

            accum_and_put(ca + 1, setb, sob)
            return carry

        lax.fori_loop(0, nchunk // 2, body, 0)
        out_wait(seta, soa)
        out_wait(setb, sob)

    return _sc_body


def _sc_combine(h_off, ntok, ids_flat, t3, t4, t5, t6):
    tpw = ntok // _NW
    run = functools.partial(
        pl.kernel,
        mesh=plsc.VectorSubcoreMesh(core_axis_name="c", subcore_axis_name="s"),
        out_type=jax.ShapeDtypeStruct((ntok, _H), jnp.float32),
        scratch_types=(
            [pltpu.VMEM((tpw + _HALO,), jnp.int32),
             pltpu.VMEM((len(_NGRAMS), tpw), jnp.int32)]
            + [pltpu.VMEM((_K, _H), jnp.float32) for _ in range(8)]
            + [pltpu.SemaphoreType.DMA for _ in range(4)]
        ),
    )(_make_sc_body(h_off, ntok))
    return run(ids_flat, t3, t4, t5, t6)


def _tc_body(ids_ref, comb_ref, pos_ref, w_ref, g_ref, be_ref, o_ref):
    ids = ids_ref[0, 0, :]
    onehot = (ids[:, None]
              == lax.broadcasted_iota(jnp.int32, (_BT, _VOCAB), 1)
              ).astype(jnp.bfloat16)
    word = jnp.dot(onehot, w_ref[...], preferred_element_type=jnp.float32)
    pbase = lax.rem(pl.program_id(0), _S // _BT) * _BT
    pos = pos_ref[pl.ds(pbase, _BT), :]
    emb = word + pos + comb_ref[...] * (1.0 / len(_NGRAMS))
    mu = jnp.mean(emb, axis=1, keepdims=True)
    xc = emb - mu
    var = jnp.mean(xc * xc, axis=1, keepdims=True)
    inv = lax.rsqrt(var + _EPS)
    o_ref[...] = xc * inv * g_ref[...] + be_ref[...]


def _tc_finish(ids_slice, comb, pos_emb, word_emb, gamma2, beta2):
    return pl.pallas_call(
        _tc_body,
        grid=(_NB,),
        in_specs=[
            pl.BlockSpec((1, 1, _BT), lambda i: (i, 0, 0)),
            pl.BlockSpec((_BT, _H), lambda i: (i, 0)),
            pl.BlockSpec((_S, _H), lambda i: (0, 0)),
            pl.BlockSpec((_VOCAB, _H), lambda i: (0, 0)),
            pl.BlockSpec((1, _H), lambda i: (0, 0)),
            pl.BlockSpec((1, _H), lambda i: (0, 0)),
        ],
        out_specs=pl.BlockSpec((_BT, _H), lambda i: (i, 0)),
        out_shape=jax.ShapeDtypeStruct((_HTOK, _H), jnp.float32),
    )(ids_slice.reshape(_NB, 1, _BT), comb, pos_emb,
      word_emb.astype(jnp.bfloat16), gamma2, beta2)


def kernel(input_ids, word_emb, pos_emb, hash_emb_3, hash_emb_4, hash_emb_5,
           hash_emb_6, gamma, beta):
    ids_flat = input_ids.reshape(_NT)
    gamma2 = gamma.reshape(1, _H)
    beta2 = beta.reshape(1, _H)
    outs = []
    for h in range(_NSPLIT):
        comb = _sc_combine(h * _HTOK, _HTOK, ids_flat, hash_emb_3,
                           hash_emb_4, hash_emb_5, hash_emb_6)
        ids_slice = lax.slice(ids_flat, (h * _HTOK,), ((h + 1) * _HTOK,))
        outs.append(_tc_finish(ids_slice, comb, pos_emb, word_emb,
                               gamma2, beta2))
    return jnp.concatenate(outs, axis=0).reshape(_B, _S, _H)

# --- scband reference (transcript-rebuilt; emitter-appended) ---
"""Pipeline reference for scband-bert-blt-embeddings-80891414053419 (READ-ONLY COPY).

The authoritative reference and input builder live on the scoring server;
editing this copy changes nothing except your own understanding.
"""

import jax, jax.numpy as jnp
import numpy as np

B, S = 4, 2048
VOCAB = 260
HIDDEN = 768
MAXPOS = 2048
HASH_V = 100000
BASE = 257
NGRAMS = [3, 4, 5, 6]
EPS = 1e-12


def setup_inputs(seed: int = 0) -> dict:
    key = jax.random.key(seed)
    ks = jax.random.split(key, 9)
    inp = {}
    inp["input_ids"] = jax.random.randint(ks[0], (B, S), 0, VOCAB, dtype=jnp.int32)
    inp["word_emb"] = jax.random.normal(ks[1], (VOCAB, HIDDEN), dtype=jnp.float32) * 0.02
    inp["pos_emb"] = jax.random.normal(ks[2], (MAXPOS, HIDDEN), dtype=jnp.float32) * 0.02
    for i, n in enumerate(NGRAMS):
        inp[f"hash_emb_{n}"] = jax.random.normal(ks[3 + i], (HASH_V, HIDDEN), dtype=jnp.float32) * 0.02
    inp["gamma"] = jnp.ones((HIDDEN,), dtype=jnp.float32)
    inp["beta"] = jnp.zeros((HIDDEN,), dtype=jnp.float32)
    return inp


def _ngram_hash(ids, n):
    # Rolling polynomial hash, equivalent to the per-position loop in the
    # original: hash(i) = sum_j ids[i-j] * BASE^(n-1-j) mod HASH_V for i >= n-1,
    # else ids[i] % HASH_V. Mod applied per accumulation step keeps int32 safe.
    S_ = ids.shape[1]
    total = jnp.zeros_like(ids)
    for j in range(n):
        coef = pow(BASE, n - 1 - j, HASH_V)
        shifted = jnp.pad(ids, ((0, 0), (j, 0)))[:, :S_]
        total = (total + shifted * coef) % HASH_V
    pos = jnp.arange(S_)
    return jnp.where(pos[None, :] < n - 1, ids % HASH_V, total)


def reference(input_ids, word_emb, pos_emb, hash_emb_3, hash_emb_4, hash_emb_5, hash_emb_6, gamma, beta):
    tables = {3: hash_emb_3, 4: hash_emb_4, 5: hash_emb_5, 6: hash_emb_6}
    bsz = input_ids.shape[0]
    slen = input_ids.shape[1]
    # HashNGramEmbedding: sum of per-ngram gathered embeddings, averaged
    combined = jnp.zeros((bsz, slen, HIDDEN), dtype=jnp.float32)
    for n in NGRAMS:
        hv = _ngram_hash(input_ids, n)
        combined = combined + jnp.take(tables[n], hv, axis=0)
    combined = combined / float(len(NGRAMS))
    # byte (word) embeddings + position embeddings + hash ngram embeddings
    emb = jnp.take(word_emb, input_ids, axis=0) + pos_emb[None, :slen, :] + combined
    # layer norm (dropout is identity at inference)
    mu = jnp.mean(emb, axis=-1, keepdims=True)
    var = jnp.var(emb, axis=-1, keepdims=True)
    out = (emb - mu) / jnp.sqrt(var + EPS) * gamma + beta
    return out

if __name__ == "__main__":
    import jax
    _d = setup_inputs()
    print(jax.jit(kernel)(*tuple(_d.values())))

</pallas_src>

<mosaic_0001>
#map = affine_map<(d0, d1) -> (0)>
#map1 = affine_map<(d0, d1) -> (0, 0)>
module attributes {stable_mosaic.version = 14 : i64} {
  func.func @_sc_body(%arg0: i32, %arg1: i32, %arg2: memref<8192xi32, #tpu.memory_space<hbm>>, %arg3: memref<100000x768xf32, #tpu.memory_space<hbm>>, %arg4: memref<100000x768xf32, #tpu.memory_space<hbm>>, %arg5: memref<100000x768xf32, #tpu.memory_space<hbm>>, %arg6: memref<100000x768xf32, #tpu.memory_space<hbm>>, %arg7: memref<8192x768xf32, #tpu.memory_space<hbm>>, %arg8: memref<272xi32, #tpu.memory_space<vmem>>, %arg9: memref<4x256xi32, #tpu.memory_space<vmem>>, %arg10: memref<16x768xf32, #tpu.memory_space<vmem>>, %arg11: memref<16x768xf32, #tpu.memory_space<vmem>>, %arg12: memref<16x768xf32, #tpu.memory_space<vmem>>, %arg13: memref<16x768xf32, #tpu.memory_space<vmem>>, %arg14: memref<16x768xf32, #tpu.memory_space<vmem>>, %arg15: memref<16x768xf32, #tpu.memory_space<vmem>>, %arg16: memref<16x768xf32, #tpu.memory_space<vmem>>, %arg17: memref<16x768xf32, #tpu.memory_space<vmem>>, %arg18: memref<!tpu.dma_semaphore, #tpu.memory_space<semaphore_mem>>, %arg19: memref<!tpu.dma_semaphore, #tpu.memory_space<semaphore_mem>>, %arg20: memref<!tpu.dma_semaphore, #tpu.memory_space<semaphore_mem>>, %arg21: memref<!tpu.dma_semaphore, #tpu.memory_space<semaphore_mem>>) attributes {dimension_semantics = [#tpu.dimension_semantics<core_parallel>, #tpu.dimension_semantics<subcore_parallel>], iteration_bounds = array<i64: 2, 16>, scalar_prefetch = 0 : i64, scratch_operands = 14 : i64, tpu.core_type = #tpu.core_type<sc_vector_subcore>, window_params = [{transform_indices = #map}, {transform_indices = #map1}, {transform_indices = #map1}, {transform_indices = #map1}, {transform_indices = #map1}, {transform_indices = #map1}]} {
    %mul3A = arith.constant 2 : i32
    %mul3A_0 = arith.muli %arg1, %mul3A : i32
    %add3A = arith.addi %mul3A_0, %arg0 : i32
    %mul3A_1 = arith.constant 256 : i32
    %mul3A_2 = arith.muli %add3A, %mul3A_1 : i32
    %add3A_3 = arith.constant 0 : i32
    %add3A_4 = arith.addi %mul3A_2, %add3A_3 : i32
    "tpu.region"() ({
      %run_scoped3A = tpu.sem_alloc : memref<!tpu.dma_semaphore, #tpu.memory_space<semaphore_mem>>
      %dma_start3A_57 = arith.constant 16 : i32
      %dma_start3A_58 = tpu.memref_slice %arg8[%dma_start3A_57] : memref<272xi32, #tpu.memory_space<vmem>> -> memref<256xi32, #tpu.memory_space<vmem>>
      %dma_start3A_59 = tpu.memref_slice %arg2[%add3A_4] : memref<8192xi32, #tpu.memory_space<hbm>> -> memref<256xi32, #tpu.memory_space<hbm>>
      %dma_start3A_60 = arith.constant 16 : i32
      %dma_start3A_61 = tpu.memref_slice %arg8[%dma_start3A_60] : memref<272xi32, #tpu.memory_space<vmem>> -> memref<256xi32, #tpu.memory_space<vmem>>
      %dma_start3A_62 = tpu.memref_slice %arg2[%add3A_4] : memref<8192xi32, #tpu.memory_space<hbm>> -> memref<256xi32, #tpu.memory_space<hbm>>
      tpu.enqueue_dma source(%dma_start3A_62 : memref<256xi32, #tpu.memory_space<hbm>>) target(%dma_start3A_61 : memref<256xi32, #tpu.memory_space<vmem>>) target_semaphore(%run_scoped3A : memref<!tpu.dma_semaphore, #tpu.memory_space<semaphore_mem>>)
      %dma_wait3A_63 = arith.constant 16 : i32
      %dma_wait3A_64 = tpu.memref_slice %arg8[%dma_wait3A_63] : memref<272xi32, #tpu.memory_space<vmem>> -> memref<256xi32, #tpu.memory_space<vmem>>
      %dma_wait3A_65 = tpu.memref_slice %arg2[%add3A_4] : memref<8192xi32, #tpu.memory_space<hbm>> -> memref<256xi32, #tpu.memory_space<hbm>>
      %dma_wait3A_66 = arith.constant 16 : i32
      %dma_wait3A_67 = tpu.memref_slice %arg8[%dma_wait3A_66] : memref<272xi32, #tpu.memory_space<vmem>> -> memref<256xi32, #tpu.memory_space<vmem>>
      %dma_wait3A_68 = tpu.memref_slice %arg2[%add3A_4] : memref<8192xi32, #tpu.memory_space<hbm>> -> memref<256xi32, #tpu.memory_space<hbm>>
      tpu.wait_dma2 semaphore(%run_scoped3A : memref<!tpu.dma_semaphore, #tpu.memory_space<semaphore_mem>>) src(%dma_wait3A_68 : memref<256xi32, #tpu.memory_space<hbm>>) dst(%dma_wait3A_67 : memref<256xi32, #tpu.memory_space<vmem>>)
      tpu.yield
    }) : () -> ()
    %gt3A = arith.constant 0 : i32
    %gt3A_5 = arith.cmpi sgt, %add3A_4, %gt3A : i32
    %convert_element_type3A = arith.extui %gt3A_5 : i1 to i32
    %cond3A = arith.constant 0 : i32
    %cond3A_6 = arith.cmpi ne, %convert_element_type3A, %cond3A : i32
    scf.if %cond3A_6 {
      %sub3A = arith.constant 16 : i32
      %sub3A_57 = arith.subi %add3A_4, %sub3A : i32
      %max3A = arith.constant 0 : i32
      %max3A_58 = arith.maxsi %sub3A_57, %max3A : i32
      %multiple_of3A = tpu.assume_multiple %max3A_58, 16 : i32
      "tpu.region"() ({
        %run_scoped3A = tpu.sem_alloc : memref<!tpu.dma_semaphore, #tpu.memory_space<semaphore_mem>>
        %dma_start3A_59 = arith.constant 0 : i32
        %dma_start3A_60 = tpu.memref_slice %arg8[%dma_start3A_59] : memref<272xi32, #tpu.memory_space<vmem>> -> memref<16xi32, #tpu.memory_space<vmem>>
        %dma_start3A_61 = tpu.memref_slice %arg2[%multiple_of3A] : memref<8192xi32, #tpu.memory_space<hbm>> -> memref<16xi32, #tpu.memory_space<hbm>>
        %dma_start3A_62 = arith.constant 0 : i32
        %dma_start3A_63 = tpu.memref_slice %arg8[%dma_start3A_62] : memref<272xi32, #tpu.memory_space<vmem>> -> memref<16xi32, #tpu.memory_space<vmem>>
        %dma_start3A_64 = tpu.memref_slice %arg2[%multiple_of3A] : memref<8192xi32, #tpu.memory_space<hbm>> -> memref<16xi32, #tpu.memory_space<hbm>>
        tpu.enqueue_dma source(%dma_start3A_64 : memref<16xi32, #tpu.memory_space<hbm>>) target(%dma_start3A_63 : memref<16xi32, #tpu.memory_space<vmem>>) target_semaphore(%run_scoped3A : memref<!tpu.dma_semaphore, #tpu.memory_space<semaphore_mem>>)
        %dma_wait3A_65 = arith.constant 0 : i32
        %dma_wait3A_66 = tpu.memref_slice %arg8[%dma_wait3A_65] : memref<272xi32, #tpu.memory_space<vmem>> -> memref<16xi32, #tpu.memory_space<vmem>>
        %dma_wait3A_67 = tpu.memref_slice %arg2[%multiple_of3A] : memref<8192xi32, #tpu.memory_space<hbm>> -> memref<16xi32, #tpu.memory_space<hbm>>
        %dma_wait3A_68 = arith.constant 0 : i32
        %dma_wait3A_69 = tpu.memref_slice %arg8[%dma_wait3A_68] : memref<272xi32, #tpu.memory_space<vmem>> -> memref<16xi32, #tpu.memory_space<vmem>>
        %dma_wait3A_70 = tpu.memref_slice %arg2[%multiple_of3A] : memref<8192xi32, #tpu.memory_space<hbm>> -> memref<16xi32, #tpu.memory_space<hbm>>
        tpu.wait_dma2 semaphore(%run_scoped3A : memref<!tpu.dma_semaphore, #tpu.memory_space<semaphore_mem>>) src(%dma_wait3A_70 : memref<16xi32, #tpu.memory_space<hbm>>) dst(%dma_wait3A_69 : memref<16xi32, #tpu.memory_space<vmem>>)
        tpu.yield
      }) : () -> ()
    } else {
    }
    %rem3A = arith.constant 2048 : i32
    %rem3A_7 = arith.remsi %add3A_4, %rem3A : i32
    %iota3A = tpu.iota {dimensions = array<i32: 0>} : vector<16xi32>
    %scan3A = arith.constant 0 : i32
    %scan3A_8 = arith.constant 0 : i32
    %scan3A_9 = arith.constant 2 : i32
    %scan3A_10 = arith.addi %scan3A_8, %scan3A_9 : i32
    %scan3A_11 = arith.constant 1 : i32
    scf.for %scan3A_57 = %scan3A_8 to %scan3A_10 step %scan3A_11  : i32 {
      %mul3A_58 = arith.constant 16 : i32
      %mul3A_59 = arith.muli %scan3A_57, %mul3A_58 : i32
      %add3A_60 = arith.constant 16 : i32
      %add3A_61 = arith.addi %add3A_60, %mul3A_59 : i32
      %sub3A = arith.constant 0 : i32
      %sub3A_62 = arith.subi %add3A_61, %sub3A : i32
      %get3A = arith.index_cast %sub3A_62 : i32 to index
      %get3A_63 = tpu.vector_load %arg8[%get3A] {strides = array<i32>} : memref<272xi32, #tpu.memory_space<vmem>>, vector<16xi32>,
      %get3A_64 = vector.shape_cast %get3A_63 : vector<16xi32> to vector<16xi32>
      %mul3A_65 = arith.constant 16 : i32
      %mul3A_66 = arith.muli %scan3A_57, %mul3A_65 : i32
      %add3A_67 = arith.constant 16 : i32
      %add3A_68 = arith.addi %add3A_67, %mul3A_66 : i32
      %sub3A_69 = arith.constant 1 : i32
      %sub3A_70 = arith.subi %add3A_68, %sub3A_69 : i32
      %get3A_71 = arith.index_cast %sub3A_70 : i32 to index
      %get3A_72 = tpu.vector_load %arg8[%get3A_71] {strides = array<i32>} : memref<272xi32, #tpu.memory_space<vmem>>, vector<16xi32>,
      %get3A_73 = vector.shape_cast %get3A_72 : vector<16xi32> to vector<16xi32>
      %mul3A_74 = arith.constant 16 : i32
      %mul3A_75 = arith.muli %scan3A_57, %mul3A_74 : i32
      %add3A_76 = arith.constant 16 : i32
      %add3A_77 = arith.addi %add3A_76, %mul3A_75 : i32
      %sub3A_78 = arith.constant 2 : i32
      %sub3A_79 = arith.subi %add3A_77, %sub3A_78 : i32
      %get3A_80 = arith.index_cast %sub3A_79 : i32 to index
      %get3A_81 = tpu.vector_load %arg8[%get3A_80] {strides = array<i32>} : memref<272xi32, #tpu.memory_space<vmem>>, vector<16xi32>,
      %get3A_82 = vector.shape_cast %get3A_81 : vector<16xi32> to vector<16xi32>
      %mul3A_83 = arith.constant 16 : i32
      %mul3A_84 = arith.muli %scan3A_57, %mul3A_83 : i32
      %add3A_85 = arith.constant 16 : i32
      %add3A_86 = arith.addi %add3A_85, %mul3A_84 : i32
      %sub3A_87 = arith.constant 3 : i32
      %sub3A_88 = arith.subi %add3A_86, %sub3A_87 : i32
      %get3A_89 = arith.index_cast %sub3A_88 : i32 to index
      %get3A_90 = tpu.vector_load %arg8[%get3A_89] {strides = array<i32>} : memref<272xi32, #tpu.memory_space<vmem>>, vector<16xi32>,
      %get3A_91 = vector.shape_cast %get3A_90 : vector<16xi32> to vector<16xi32>
      %mul3A_92 = arith.constant 16 : i32
      %mul3A_93 = arith.muli %scan3A_57, %mul3A_92 : i32
      %add3A_94 = arith.constant 16 : i32
      %add3A_95 = arith.addi %add3A_94, %mul3A_93 : i32
      %sub3A_96 = arith.constant 4 : i32
      %sub3A_97 = arith.subi %add3A_95, %sub3A_96 : i32
      %get3A_98 = arith.index_cast %sub3A_97 : i32 to index
      %get3A_99 = tpu.vector_load %arg8[%get3A_98] {strides = array<i32>} : memref<272xi32, #tpu.memory_space<vmem>>, vector<16xi32>,
      %get3A_100 = vector.shape_cast %get3A_99 : vector<16xi32> to vector<16xi32>
      %mul3A_101 = arith.constant 16 : i32
      %mul3A_102 = arith.muli %scan3A_57, %mul3A_101 : i32
      %add3A_103 = arith.constant 16 : i32
      %add3A_104 = arith.addi %add3A_103, %mul3A_102 : i32
      %sub3A_105 = arith.constant 5 : i32
      %sub3A_106 = arith.subi %add3A_104, %sub3A_105 : i32
      %get3A_107 = arith.index_cast %sub3A_106 : i32 to index
      %get3A_108 = tpu.vector_load %arg8[%get3A_107] {strides = array<i32>} : memref<272xi32, #tpu.memory_space<vmem>>, vector<16xi32>,
      %get3A_109 = vector.shape_cast %get3A_108 : vector<16xi32> to vector<16xi32>
      %mul3A_110 = arith.constant 16 : i32
      %mul3A_111 = arith.muli %scan3A_57, %mul3A_110 : i32
      %add3A_112 = arith.addi %rem3A_7, %mul3A_111 : i32
      %add3A_113 = vector.broadcast %add3A_112 : i32 to vector<16xi32>
      %add3A_114 = arith.addi %iota3A, %add3A_113 : vector<16xi32>
      %mul3A_115 = arith.constant 66049 : i32
      %mul3A_116 = vector.broadcast %mul3A_115 : i32 to vector<16xi32>
      %mul3A_117 = arith.muli %get3A_64, %mul3A_116 : vector<16xi32>
      %mul3A_118 = arith.constant 257 : i32
      %mul3A_119 = vector.broadcast %mul3A_118 : i32 to vector<16xi32>
      %mul3A_120 = arith.muli %get3A_73, %mul3A_119 : vector<16xi32>
      %add3A_121 = arith.addi %mul3A_117, %mul3A_120 : vector<16xi32>
      %mul3A_122 = arith.constant 1 : i32
      %mul3A_123 = vector.broadcast %mul3A_122 : i32 to vector<16xi32>
      %mul3A_124 = arith.muli %get3A_82, %mul3A_123 : vector<16xi32>
      %add3A_125 = arith.addi %add3A_121, %mul3A_124 : vector<16xi32>
      %lt3A = arith.constant 2 : i32
      %lt3A_126 = vector.broadcast %lt3A : i32 to vector<16xi32>
      %lt3A_127 = arith.cmpi slt, %add3A_114, %lt3A_126 : vector<16xi32>
      %rem3A_128 = arith.constant 100000 : i32
      %rem3A_129 = vector.broadcast %rem3A_128 : i32 to vector<16xi32>
      %rem3A_130 = arith.remsi %add3A_125, %rem3A_129 : vector<16xi32>
      %select_n3A = arith.select %lt3A_127, %get3A_64, %rem3A_130 : vector<16xi1>, vector<16xi32>
      %mul3A_131 = arith.constant 16 : i32
      %mul3A_132 = arith.muli %scan3A_57, %mul3A_131 : i32
      %swap3A = arith.constant 0 : i32
      %swap3A_133 = arith.index_cast %swap3A : i32 to index
      %swap3A_134 = arith.index_cast %mul3A_132 : i32 to index
      %swap3A_135 = tpu.vector_load %arg9[%swap3A_133, %swap3A_134] {strides = array<i32>} : memref<4x256xi32, #tpu.memory_space<vmem>>, vector<1x16xi32>,
      %swap3A_136 = vector.shape_cast %swap3A_135 : vector<1x16xi32> to vector<16xi32>
      %swap3A_137 = vector.shape_cast %select_n3A : vector<16xi32> to vector<1x16xi32>
      tpu.vector_store %arg9[%swap3A_133, %swap3A_134], %swap3A_137 {strides = array<i32>} : memref<4x256xi32, #tpu.memory_space<vmem>>, vector<1x16xi32>,
      %mul3A_138 = arith.constant 74593 : i32
      %mul3A_139 = vector.broadcast %mul3A_138 : i32 to vector<16xi32>
      %mul3A_140 = arith.muli %get3A_64, %mul3A_139 : vector<16xi32>
      %mul3A_141 = arith.constant 66049 : i32
      %mul3A_142 = vector.broadcast %mul3A_141 : i32 to vector<16xi32>
      %mul3A_143 = arith.muli %get3A_73, %mul3A_142 : vector<16xi32>
      %add3A_144 = arith.addi %mul3A_140, %mul3A_143 : vector<16xi32>
      %mul3A_145 = arith.constant 257 : i32
      %mul3A_146 = vector.broadcast %mul3A_145 : i32 to vector<16xi32>
      %mul3A_147 = arith.muli %get3A_82, %mul3A_146 : vector<16xi32>
      %add3A_148 = arith.addi %add3A_144, %mul3A_147 : vector<16xi32>
      %mul3A_149 = arith.constant 1 : i32
      %mul3A_150 = vector.broadcast %mul3A_149 : i32 to vector<16xi32>
      %mul3A_151 = arith.muli %get3A_91, %mul3A_150 : vector<16xi32>
      %add3A_152 = arith.addi %add3A_148, %mul3A_151 : vector<16xi32>
      %lt3A_153 = arith.constant 3 : i32
      %lt3A_154 = vector.broadcast %lt3A_153 : i32 to vector<16xi32>
      %lt3A_155 = arith.cmpi slt, %add3A_114, %lt3A_154 : vector<16xi32>
      %rem3A_156 = arith.constant 100000 : i32
      %rem3A_157 = vector.broadcast %rem3A_156 : i32 to vector<16xi32>
      %rem3A_158 = arith.remsi %add3A_152, %rem3A_157 : vector<16xi32>
      %select_n3A_159 = arith.select %lt3A_155, %get3A_64, %rem3A_158 : vector<16xi1>, vector<16xi32>
      %mul3A_160 = arith.constant 16 : i32
      %mul3A_161 = arith.muli %scan3A_57, %mul3A_160 : i32
      %swap3A_162 = arith.constant 1 : i32
      %swap3A_163 = arith.index_cast %swap3A_162 : i32 to index
      %swap3A_164 = arith.index_cast %mul3A_161 : i32 to index
      %swap3A_165 = tpu.vector_load %arg9[%swap3A_163, %swap3A_164] {strides = array<i32>} : memref<4x256xi32, #tpu.memory_space<vmem>>, vector<1x16xi32>,
      %swap3A_166 = vector.shape_cast %swap3A_165 : vector<1x16xi32> to vector<16xi32>
      %swap3A_167 = vector.shape_cast %select_n3A_159 : vector<16xi32> to vector<1x16xi32>
      tpu.vector_store %arg9[%swap3A_163, %swap3A_164], %swap3A_167 {strides = array<i32>} : memref<4x256xi32, #tpu.memory_space<vmem>>, vector<1x16xi32>,
      %mul3A_168 = arith.constant 70401 : i32
      %mul3A_169 = vector.broadcast %mul3A_168 : i32 to vector<16xi32>
      %mul3A_170 = arith.muli %get3A_64, %mul3A_169 : vector<16xi32>
      %mul3A_171 = arith.constant 74593 : i32
      %mul3A_172 = vector.broadcast %mul3A_171 : i32 to vector<16xi32>
      %mul3A_173 = arith.muli %get3A_73, %mul3A_172 : vector<16xi32>
      %add3A_174 = arith.addi %mul3A_170, %mul3A_173 : vector<16xi32>
      %mul3A_175 = arith.constant 66049 : i32
      %mul3A_176 = vector.broadcast %mul3A_175 : i32 to vector<16xi32>
      %mul3A_177 = arith.muli %get3A_82, %mul3A_176 : vector<16xi32>
      %add3A_178 = arith.addi %add3A_174, %mul3A_177 : vector<16xi32>
      %mul3A_179 = arith.constant 257 : i32
      %mul3A_180 = vector.broadcast %mul3A_179 : i32 to vector<16xi32>
      %mul3A_181 = arith.muli %get3A_91, %mul3A_180 : vector<16xi32>
      %add3A_182 = arith.addi %add3A_178, %mul3A_181 : vector<16xi32>
      %mul3A_183 = arith.constant 1 : i32
      %mul3A_184 = vector.broadcast %mul3A_183 : i32 to vector<16xi32>
      %mul3A_185 = arith.muli %get3A_100, %mul3A_184 : vector<16xi32>
      %add3A_186 = arith.addi %add3A_182, %mul3A_185 : vector<16xi32>
      %lt3A_187 = arith.constant 4 : i32
      %lt3A_188 = vector.broadcast %lt3A_187 : i32 to vector<16xi32>
      %lt3A_189 = arith.cmpi slt, %add3A_114, %lt3A_188 : vector<16xi32>
      %rem3A_190 = arith.constant 100000 : i32
      %rem3A_191 = vector.broadcast %rem3A_190 : i32 to vector<16xi32>
      %rem3A_192 = arith.remsi %add3A_186, %rem3A_191 : vector<16xi32>
      %select_n3A_193 = arith.select %lt3A_189, %get3A_64, %rem3A_192 : vector<16xi1>, vector<16xi32>
      %mul3A_194 = arith.constant 16 : i32
      %mul3A_195 = arith.muli %scan3A_57, %mul3A_194 : i32
      %swap3A_196 = arith.constant 2 : i32
      %swap3A_197 = arith.index_cast %swap3A_196 : i32 to index
      %swap3A_198 = arith.index_cast %mul3A_195 : i32 to index
      %swap3A_199 = tpu.vector_load %arg9[%swap3A_197, %swap3A_198] {strides = array<i32>} : memref<4x256xi32, #tpu.memory_space<vmem>>, vector<1x16xi32>,
      %swap3A_200 = vector.shape_cast %swap3A_199 : vector<1x16xi32> to vector<16xi32>
      %swap3A_201 = vector.shape_cast %select_n3A_193 : vector<16xi32> to vector<1x16xi32>
      tpu.vector_store %arg9[%swap3A_197, %swap3A_198], %swap3A_201 {strides = array<i32>} : memref<4x256xi32, #tpu.memory_space<vmem>>, vector<1x16xi32>,
      %mul3A_202 = arith.constant 93057 : i32
      %mul3A_203 = vector.broadcast %mul3A_202 : i32 to vector<16xi32>
      %mul3A_204 = arith.muli %get3A_64, %mul3A_203 : vector<16xi32>
      %mul3A_205 = arith.constant 70401 : i32
      %mul3A_206 = vector.broadcast %mul3A_205 : i32 to vector<16xi32>
      %mul3A_207 = arith.muli %get3A_73, %mul3A_206 : vector<16xi32>
      %add3A_208 = arith.addi %mul3A_204, %mul3A_207 : vector<16xi32>
      %mul3A_209 = arith.constant 74593 : i32
      %mul3A_210 = vector.broadcast %mul3A_209 : i32 to vector<16xi32>
      %mul3A_211 = arith.muli %get3A_82, %mul3A_210 : vector<16xi32>
      %add3A_212 = arith.addi %add3A_208, %mul3A_211 : vector<16xi32>
      %mul3A_213 = arith.constant 66049 : i32
      %mul3A_214 = vector.broadcast %mul3A_213 : i32 to vector<16xi32>
      %mul3A_215 = arith.muli %get3A_91, %mul3A_214 : vector<16xi32>
      %add3A_216 = arith.addi %add3A_212, %mul3A_215 : vector<16xi32>
      %mul3A_217 = arith.constant 257 : i32
      %mul3A_218 = vector.broadcast %mul3A_217 : i32 to vector<16xi32>
      %mul3A_219 = arith.muli %get3A_100, %mul3A_218 : vector<16xi32>
      %add3A_220 = arith.addi %add3A_216, %mul3A_219 : vector<16xi32>
      %mul3A_221 = arith.constant 1 : i32
      %mul3A_222 = vector.broadcast %mul3A_221 : i32 to vector<16xi32>
      %mul3A_223 = arith.muli %get3A_109, %mul3A_222 : vector<16xi32>
      %add3A_224 = arith.addi %add3A_220, %mul3A_223 : vector<16xi32>
      %lt3A_225 = arith.constant 5 : i32
      %lt3A_226 = vector.broadcast %lt3A_225 : i32 to vector<16xi32>
      %lt3A_227 = arith.cmpi slt, %add3A_114, %lt3A_226 : vector<16xi32>
      %rem3A_228 = arith.constant 100000 : i32
      %rem3A_229 = vector.broadcast %rem3A_228 : i32 to vector<16xi32>
      %rem3A_230 = arith.remsi %add3A_224, %rem3A_229 : vector<16xi32>
      %select_n3A_231 = arith.select %lt3A_227, %get3A_64, %rem3A_230 : vector<16xi1>, vector<16xi32>
      %mul3A_232 = arith.constant 16 : i32
      %mul3A_233 = arith.muli %scan3A_57, %mul3A_232 : i32
      %swap3A_234 = arith.constant 3 : i32
      %swap3A_235 = arith.index_cast %swap3A_234 : i32 to index
      %swap3A_236 = arith.index_cast %mul3A_233 : i32 to index
      %swap3A_237 = tpu.vector_load %arg9[%swap3A_235, %swap3A_236] {strides = array<i32>} : memref<4x256xi32, #tpu.memory_space<vmem>>, vector<1x16xi32>,
      %swap3A_238 = vector.shape_cast %swap3A_237 : vector<1x16xi32> to vector<16xi32>
      %swap3A_239 = vector.shape_cast %select_n3A_231 : vector<16xi32> to vector<1x16xi32>
      tpu.vector_store %arg9[%swap3A_235, %swap3A_236], %swap3A_239 {strides = array<i32>} : memref<4x256xi32, #tpu.memory_space<vmem>>, vector<1x16xi32>,
    }
    %scan3A_12 = arith.constant 2 : i32
    %dma_start3A = arith.constant 0 : i32
    %dma_start3A_13 = arith.constant 0 : i32
    %dma_start3A_14 = tpu.memref_slice %arg9[%dma_start3A, %dma_start3A_13] : memref<4x256xi32, #tpu.memory_space<vmem>> -> memref<1x16xi32, #tpu.memory_space<vmem>>
    %dma_start3A_15 = tpu.memref_squeeze %dma_start3A_14 : memref<1x16xi32, #tpu.memory_space<vmem>> -> memref<16xi32, #tpu.memory_space<vmem>>
    %dma_start3A_16 = arith.constant 0 : i32
    %dma_start3A_17 = arith.constant 0 : i32
    %dma_start3A_18 = tpu.memref_slice %arg3[%dma_start3A_16, %dma_start3A_17] : memref<100000x768xf32, #tpu.memory_space<hbm>> -> memref<100000x768xf32, #tpu.memory_space<hbm>>
    tpu.enqueue_indirect_dma source(%dma_start3A_18 : memref<100000x768xf32, #tpu.memory_space<hbm>>) target(%arg10 : memref<16x768xf32, #tpu.memory_space<vmem>>) offsets(%dma_start3A_15 : memref<16xi32, #tpu.memory_space<vmem>>) semaphore(%arg18 : memref<!tpu.dma_semaphore, #tpu.memory_space<semaphore_mem>>)
    %dma_start3A_19 = arith.constant 1 : i32
    %dma_start3A_20 = arith.constant 0 : i32
    %dma_start3A_21 = tpu.memref_slice %arg9[%dma_start3A_19, %dma_start3A_20] : memref<4x256xi32, #tpu.memory_space<vmem>> -> memref<1x16xi32, #tpu.memory_space<vmem>>
    %dma_start3A_22 = tpu.memref_squeeze %dma_start3A_21 : memref<1x16xi32, #tpu.memory_space<vmem>> -> memref<16xi32, #tpu.memory_space<vmem>>
    %dma_start3A_23 = arith.constant 0 : i32
    %dma_start3A_24 = arith.constant 0 : i32
    %dma_start3A_25 = tpu.memref_slice %arg4[%dma_start3A_23, %dma_start3A_24] : memref<100000x768xf32, #tpu.memory_space<hbm>> -> memref<100000x768xf32, #tpu.memory_space<hbm>>
    tpu.enqueue_indirect_dma source(%dma_start3A_25 : memref<100000x768xf32, #tpu.memory_space<hbm>>) target(%arg11 : memref<16x768xf32, #tpu.memory_space<vmem>>) offsets(%dma_start3A_22 : memref<16xi32, #tpu.memory_space<vmem>>) semaphore(%arg18 : memref<!tpu.dma_semaphore, #tpu.memory_space<semaphore_mem>>)
    %dma_start3A_26 = arith.constant 2 : i32
    %dma_start3A_27 = arith.constant 0 : i32
    %dma_start3A_28 = tpu.memref_slice %arg9[%dma_start3A_26, %dma_start3A_27] : memref<4x256xi32, #tpu.memory_space<vmem>> -> memref<1x16xi32, #tpu.memory_space<vmem>>
    %dma_start3A_29 = tpu.memref_squeeze %dma_start3A_28 : memref<1x16xi32, #tpu.memory_space<vmem>> -> memref<16xi32, #tpu.memory_space<vmem>>
    %dma_start3A_30 = arith.constant 0 : i32
    %dma_start3A_31 = arith.constant 0 : i32
    %dma_start3A_32 = tpu.memref_slice %arg5[%dma_start3A_30, %dma_start3A_31] : memref<100000x768xf32, #tpu.memory_space<hbm>> -> memref<100000x768xf32, #tpu.memory_space<hbm>>
    tpu.enqueue_indirect_dma source(%dma_start3A_32 : memref<100000x768xf32, #tpu.memory_space<hbm>>) target(%arg12 : memref<16x768xf32, #tpu.memory_space<vmem>>) offsets(%dma_start3A_29 : memref<16xi32, #tpu.memory_space<vmem>>) semaphore(%arg18 : memref<!tpu.dma_semaphore, #tpu.memory_space<semaphore_mem>>)
    %dma_start3A_33 = arith.constant 3 : i32
    %dma_start3A_34 = arith.constant 0 : i32
    %dma_start3A_35 = tpu.memref_slice %arg9[%dma_start3A_33, %dma_start3A_34] : memref<4x256xi32, #tpu.memory_space<vmem>> -> memref<1x16xi32, #tpu.memory_space<vmem>>
    %dma_start3A_36 = tpu.memref_squeeze %dma_start3A_35 : memref<1x16xi32, #tpu.memory_space<vmem>> -> memref<16xi32, #tpu.memory_space<vmem>>
    %dma_start3A_37 = arith.constant 0 : i32
    %dma_start3A_38 = arith.constant 0 : i32
    %dma_start3A_39 = tpu.memref_slice %arg6[%dma_start3A_37, %dma_start3A_38] : memref<100000x768xf32, #tpu.memory_space<hbm>> -> memref<100000x768xf32, #tpu.memory_space<hbm>>
    tpu.enqueue_indirect_dma source(%dma_start3A_39 : memref<100000x768xf32, #tpu.memory_space<hbm>>) target(%arg13 : memref<16x768xf32, #tpu.memory_space<vmem>>) offsets(%dma_start3A_36 : memref<16xi32, #tpu.memory_space<vmem>>) semaphore(%arg18 : memref<!tpu.dma_semaphore, #tpu.memory_space<semaphore_mem>>)
    %scan3A_40 = arith.constant 0 : i32
    %scan3A_41 = arith.constant 0 : i32
    %scan3A_42 = arith.constant 8 : i32
    %scan3A_43 = arith.addi %scan3A_41, %scan3A_42 : i32
    %scan3A_44 = arith.constant 1 : i32
    scf.for %scan3A_57 = %scan3A_41 to %scan3A_43 step %scan3A_44  : i32 {
      %mul3A_58 = arith.constant 2 : i32
      %mul3A_59 = arith.muli %mul3A_58, %scan3A_57 : i32
      %add3A_60 = arith.constant 1 : i32
      %add3A_61 = arith.addi %mul3A_59, %add3A_60 : i32
      %mul3A_62 = arith.constant 16 : i32
      %mul3A_63 = arith.muli %add3A_61, %mul3A_62 : i32
      %dma_start3A_64 = arith.constant 0 : i32
      %dma_start3A_65 = tpu.memref_slice %arg9[%dma_start3A_64, %mul3A_63] : memref<4x256xi32, #tpu.memory_space<vmem>> -> memref<1x16xi32, #tpu.memory_space<vmem>>
      %dma_start3A_66 = tpu.memref_squeeze %dma_start3A_65 : memref<1x16xi32, #tpu.memory_space<vmem>> -> memref<16xi32, #tpu.memory_space<vmem>>
      %dma_start3A_67 = arith.constant 0 : i32
      %dma_start3A_68 = arith.constant 0 : i32
      %dma_start3A_69 = tpu.memref_slice %arg3[%dma_start3A_67, %dma_start3A_68] : memref<100000x768xf32, #tpu.memory_space<hbm>> -> memref<100000x768xf32, #tpu.memory_space<hbm>>
      tpu.enqueue_indirect_dma source(%dma_start3A_69 : memref<100000x768xf32, #tpu.memory_space<hbm>>) target(%arg14 : memref<16x768xf32, #tpu.memory_space<vmem>>) offsets(%dma_start3A_66 : memref<16xi32, #tpu.memory_space<vmem>>) semaphore(%arg19 : memref<!tpu.dma_semaphore, #tpu.memory_space<semaphore_mem>>)
      %mul3A_70 = arith.constant 16 : i32
      %mul3A_71 = arith.muli %add3A_61, %mul3A_70 : i32
      %dma_start3A_72 = arith.constant 1 : i32
      %dma_start3A_73 = tpu.memref_slice %arg9[%dma_start3A_72, %mul3A_71] : memref<4x256xi32, #tpu.memory_space<vmem>> -> memref<1x16xi32, #tpu.memory_space<vmem>>
      %dma_start3A_74 = tpu.memref_squeeze %dma_start3A_73 : memref<1x16xi32, #tpu.memory_space<vmem>> -> memref<16xi32, #tpu.memory_space<vmem>>
      %dma_start3A_75 = arith.constant 0 : i32
      %dma_start3A_76 = arith.constant 0 : i32
      %dma_start3A_77 = tpu.memref_slice %arg4[%dma_start3A_75, %dma_start3A_76] : memref<100000x768xf32, #tpu.memory_space<hbm>> -> memref<100000x768xf32, #tpu.memory_space<hbm>>
      tpu.enqueue_indirect_dma source(%dma_start3A_77 : memref<100000x768xf32, #tpu.memory_space<hbm>>) target(%arg15 : memref<16x768xf32, #tpu.memory_space<vmem>>) offsets(%dma_start3A_74 : memref<16xi32, #tpu.memory_space<vmem>>) semaphore(%arg19 : memref<!tpu.dma_semaphore, #tpu.memory_space<semaphore_mem>>)
      %mul3A_78 = arith.constant 16 : i32
      %mul3A_79 = arith.muli %add3A_61, %mul3A_78 : i32
      %dma_start3A_80 = arith.constant 2 : i32
      %dma_start3A_81 = tpu.memref_slice %arg9[%dma_start3A_80, %mul3A_79] : memref<4x256xi32, #tpu.memory_space<vmem>> -> memref<1x16xi32, #tpu.memory_space<vmem>>
      %dma_start3A_82 = tpu.memref_squeeze %dma_start3A_81 : memref<1x16xi32, #tpu.memory_space<vmem>> -> memref<16xi32, #tpu.memory_space<vmem>>
      %dma_start3A_83 = arith.constant 0 : i32
      %dma_start3A_84 = arith.constant 0 : i32
      %dma_start3A_85 = tpu.memref_slice %arg5[%dma_start3A_83, %dma_start3A_84] : memref<100000x768xf32, #tpu.memory_space<hbm>> -> memref<100000x768xf32, #tpu.memory_space<hbm>>
      tpu.enqueue_indirect_dma source(%dma_start3A_85 : memref<100000x768xf32, #tpu.memory_space<hbm>>) target(%arg16 : memref<16x768xf32, #tpu.memory_space<vmem>>) offsets(%dma_start3A_82 : memref<16xi32, #tpu.memory_space<vmem>>) semaphore(%arg19 : memref<!tpu.dma_semaphore, #tpu.memory_space<semaphore_mem>>)
      %mul3A_86 = arith.constant 16 : i32
      %mul3A_87 = arith.muli %add3A_61, %mul3A_86 : i32
      %dma_start3A_88 = arith.constant 3 : i32
      %dma_start3A_89 = tpu.memref_slice %arg9[%dma_start3A_88, %mul3A_87] : memref<4x256xi32, #tpu.memory_space<vmem>> -> memref<1x16xi32, #tpu.memory_space<vmem>>
      %dma_start3A_90 = tpu.memref_squeeze %dma_start3A_89 : memref<1x16xi32, #tpu.memory_space<vmem>> -> memref<16xi32, #tpu.memory_space<vmem>>
      %dma_start3A_91 = arith.constant 0 : i32
      %dma_start3A_92 = arith.constant 0 : i32
      %dma_start3A_93 = tpu.memref_slice %arg6[%dma_start3A_91, %dma_start3A_92] : memref<100000x768xf32, #tpu.memory_space<hbm>> -> memref<100000x768xf32, #tpu.memory_space<hbm>>
      tpu.enqueue_indirect_dma source(%dma_start3A_93 : memref<100000x768xf32, #tpu.memory_space<hbm>>) target(%arg17 : memref<16x768xf32, #tpu.memory_space<vmem>>) offsets(%dma_start3A_90 : memref<16xi32, #tpu.memory_space<vmem>>) semaphore(%arg19 : memref<!tpu.dma_semaphore, #tpu.memory_space<semaphore_mem>>)
      %eq3A = arith.constant 0 : i32
      %eq3A_94 = arith.cmpi eq, %scan3A_57, %eq3A : i32
      %convert_element_type3A_95 = arith.extui %eq3A_94 : i1 to i32
      %cond3A_96 = arith.constant 0 : i32
      %cond3A_97 = arith.cmpi ne, %convert_element_type3A_95, %cond3A_96 : i32
      scf.if %cond3A_97 {
        %scan3A_206 = arith.constant 0 : i32
        %scan3A_207 = arith.constant 2 : i32
        %scan3A_208 = arith.constant 14 : i32
        %scan3A_209 = arith.addi %scan3A_207, %scan3A_208 : i32
        %scan3A_210 = arith.constant 1 : i32
        scf.for %scan3A_212 = %scan3A_207 to %scan3A_209 step %scan3A_210  : i32 {
          %mul3A_213 = arith.constant 16 : i32
          %mul3A_214 = arith.muli %scan3A_212, %mul3A_213 : i32
          %add3A_215 = arith.constant 16 : i32
          %add3A_216 = arith.addi %add3A_215, %mul3A_214 : i32
          %sub3A = arith.constant 0 : i32
          %sub3A_217 = arith.subi %add3A_216, %sub3A : i32
          %get3A = arith.index_cast %sub3A_217 : i32 to index
          %get3A_218 = tpu.vector_load %arg8[%get3A] {strides = array<i32>} : memref<272xi32, #tpu.memory_space<vmem>>, vector<16xi32>,
          %get3A_219 = vector.shape_cast %get3A_218 : vector<16xi32> to vector<16xi32>
          %mul3A_220 = arith.constant 16 : i32
          %mul3A_221 = arith.muli %scan3A_212, %mul3A_220 : i32
          %add3A_222 = arith.constant 16 : i32
          %add3A_223 = arith.addi %add3A_222, %mul3A_221 : i32
          %sub3A_224 = arith.constant 1 : i32
          %sub3A_225 = arith.subi %add3A_223, %sub3A_224 : i32
          %get3A_226 = arith.index_cast %sub3A_225 : i32 to index
          %get3A_227 = tpu.vector_load %arg8[%get3A_226] {strides = array<i32>} : memref<272xi32, #tpu.memory_space<vmem>>, vector<16xi32>,
          %get3A_228 = vector.shape_cast %get3A_227 : vector<16xi32> to vector<16xi32>
          %mul3A_229 = arith.constant 16 : i32
          %mul3A_230 = arith.muli %scan3A_212, %mul3A_229 : i32
          %add3A_231 = arith.constant 16 : i32
          %add3A_232 = arith.addi %add3A_231, %mul3A_230 : i32
          %sub3A_233 = arith.constant 2 : i32
          %sub3A_234 = arith.subi %add3A_232, %sub3A_233 : i32
          %get3A_235 = arith.index_cast %sub3A_234 : i32 to index
          %get3A_236 = tpu.vector_load %arg8[%get3A_235] {strides = array<i32>} : memref<272xi32, #tpu.memory_space<vmem>>, vector<16xi32>,
          %get3A_237 = vector.shape_cast %get3A_236 : vector<16xi32> to vector<16xi32>
          %mul3A_238 = arith.constant 16 : i32
          %mul3A_239 = arith.muli %scan3A_212, %mul3A_238 : i32
          %add3A_240 = arith.constant 16 : i32
          %add3A_241 = arith.addi %add3A_240, %mul3A_239 : i32
          %sub3A_242 = arith.constant 3 : i32
          %sub3A_243 = arith.subi %add3A_241, %sub3A_242 : i32
          %get3A_244 = arith.index_cast %sub3A_243 : i32 to index
          %get3A_245 = tpu.vector_load %arg8[%get3A_244] {strides = array<i32>} : memref<272xi32, #tpu.memory_space<vmem>>, vector<16xi32>,
          %get3A_246 = vector.shape_cast %get3A_245 : vector<16xi32> to vector<16xi32>
          %mul3A_247 = arith.constant 16 : i32
          %mul3A_248 = arith.muli %scan3A_212, %mul3A_247 : i32
          %add3A_249 = arith.constant 16 : i32
          %add3A_250 = arith.addi %add3A_249, %mul3A_248 : i32
          %sub3A_251 = arith.constant 4 : i32
          %sub3A_252 = arith.subi %add3A_250, %sub3A_251 : i32
          %get3A_253 = arith.index_cast %sub3A_252 : i32 to index
          %get3A_254 = tpu.vector_load %arg8[%get3A_253] {strides = array<i32>} : memref<272xi32, #tpu.memory_space<vmem>>, vector<16xi32>,
          %get3A_255 = vector.shape_cast %get3A_254 : vector<16xi32> to vector<16xi32>
          %mul3A_256 = arith.constant 16 : i32
          %mul3A_257 = arith.muli %scan3A_212, %mul3A_256 : i32
          %add3A_258 = arith.constant 16 : i32
          %add3A_259 = arith.addi %add3A_258, %mul3A_257 : i32
          %sub3A_260 = arith.constant 5 : i32
          %sub3A_261 = arith.subi %add3A_259, %sub3A_260 : i32
          %get3A_262 = arith.index_cast %sub3A_261 : i32 to index
          %get3A_263 = tpu.vector_load %arg8[%get3A_262] {strides = array<i32>} : memref<272xi32, #tpu.memory_space<vmem>>, vector<16xi32>,
          %get3A_264 = vector.shape_cast %get3A_263 : vector<16xi32> to vector<16xi32>
          %mul3A_265 = arith.constant 16 : i32
          %mul3A_266 = arith.muli %scan3A_212, %mul3A_265 : i32
          %add3A_267 = arith.addi %rem3A_7, %mul3A_266 : i32
          %add3A_268 = vector.broadcast %add3A_267 : i32 to vector<16xi32>
          %add3A_269 = arith.addi %iota3A, %add3A_268 : vector<16xi32>
          %mul3A_270 = arith.constant 66049 : i32
          %mul3A_271 = vector.broadcast %mul3A_270 : i32 to vector<16xi32>
          %mul3A_272 = arith.muli %get3A_219, %mul3A_271 : vector<16xi32>
          %mul3A_273 = arith.constant 257 : i32
          %mul3A_274 = vector.broadcast %mul3A_273 : i32 to vector<16xi32>
          %mul3A_275 = arith.muli %get3A_228, %mul3A_274 : vector<16xi32>
          %add3A_276 = arith.addi %mul3A_272, %mul3A_275 : vector<16xi32>
          %mul3A_277 = arith.constant 1 : i32
          %mul3A_278 = vector.broadcast %mul3A_277 : i32 to vector<16xi32>
          %mul3A_279 = arith.muli %get3A_237, %mul3A_278 : vector<16xi32>
          %add3A_280 = arith.addi %add3A_276, %mul3A_279 : vector<16xi32>
          %lt3A_281 = arith.constant 2 : i32
          %lt3A_282 = vector.broadcast %lt3A_281 : i32 to vector<16xi32>
          %lt3A_283 = arith.cmpi slt, %add3A_269, %lt3A_282 : vector<16xi32>
          %rem3A_284 = arith.constant 100000 : i32
          %rem3A_285 = vector.broadcast %rem3A_284 : i32 to vector<16xi32>
          %rem3A_286 = arith.remsi %add3A_280, %rem3A_285 : vector<16xi32>
          %select_n3A = arith.select %lt3A_283, %get3A_219, %rem3A_286 : vector<16xi1>, vector<16xi32>
          %mul3A_287 = arith.constant 16 : i32
          %mul3A_288 = arith.muli %scan3A_212, %mul3A_287 : i32
          %swap3A = arith.constant 0 : i32
          %swap3A_289 = arith.index_cast %swap3A : i32 to index
          %swap3A_290 = arith.index_cast %mul3A_288 : i32 to index
          %swap3A_291 = tpu.vector_load %arg9[%swap3A_289, %swap3A_290] {strides = array<i32>} : memref<4x256xi32, #tpu.memory_space<vmem>>, vector<1x16xi32>,
          %swap3A_292 = vector.shape_cast %swap3A_291 : vector<1x16xi32> to vector<16xi32>
          %swap3A_293 = vector.shape_cast %select_n3A : vector<16xi32> to vector<1x16xi32>
          tpu.vector_store %arg9[%swap3A_289, %swap3A_290], %swap3A_293 {strides = array<i32>} : memref<4x256xi32, #tpu.memory_space<vmem>>, vector<1x16xi32>,
          %mul3A_294 = arith.constant 74593 : i32
          %mul3A_295 = vector.broadcast %mul3A_294 : i32 to vector<16xi32>
          %mul3A_296 = arith.muli %get3A_219, %mul3A_295 : vector<16xi32>
          %mul3A_297 = arith.constant 66049 : i32
          %mul3A_298 = vector.broadcast %mul3A_297 : i32 to vector<16xi32>
          %mul3A_299 = arith.muli %get3A_228, %mul3A_298 : vector<16xi32>
          %add3A_300 = arith.addi %mul3A_296, %mul3A_299 : vector<16xi32>
          %mul3A_301 = arith.constant 257 : i32
          %mul3A_302 = vector.broadcast %mul3A_301 : i32 to vector<16xi32>
          %mul3A_303 = arith.muli %get3A_237, %mul3A_302 : vector<16xi32>
          %add3A_304 = arith.addi %add3A_300, %mul3A_303 : vector<16xi32>
          %mul3A_305 = arith.constant 1 : i32
          %mul3A_306 = vector.broadcast %mul3A_305 : i32 to vector<16xi32>
          %mul3A_307 = arith.muli %get3A_246, %mul3A_306 : vector<16xi32>
          %add3A_308 = arith.addi %add3A_304, %mul3A_307 : vector<16xi32>
          %lt3A_309 = arith.constant 3 : i32
          %lt3A_310 = vector.broadcast %lt3A_309 : i32 to vector<16xi32>
          %lt3A_311 = arith.cmpi slt, %add3A_269, %lt3A_310 : vector<16xi32>
          %rem3A_312 = arith.constant 100000 : i32
          %rem3A_313 = vector.broadcast %rem3A_312 : i32 to vector<16xi32>
          %rem3A_314 = arith.remsi %add3A_308, %rem3A_313 : vector<16xi32>
          %select_n3A_315 = arith.select %lt3A_311, %get3A_219, %rem3A_314 : vector<16xi1>, vector<16xi32>
          %mul3A_316 = arith.constant 16 : i32
          %mul3A_317 = arith.muli %scan3A_212, %mul3A_316 : i32
          %swap3A_318 = arith.constant 1 : i32
          %swap3A_319 = arith.index_cast %swap3A_318 : i32 to index
          %swap3A_320 = arith.index_cast %mul3A_317 : i32 to index
          %swap3A_321 = tpu.vector_load %arg9[%swap3A_319, %swap3A_320] {strides = array<i32>} : memref<4x256xi32, #tpu.memory_space<vmem>>, vector<1x16xi32>,
          %swap3A_322 = vector.shape_cast %swap3A_321 : vector<1x16xi32> to vector<16xi32>
          %swap3A_323 = vector.shape_cast %select_n3A_315 : vector<16xi32> to vector<1x16xi32>
          tpu.vector_store %arg9[%swap3A_319, %swap3A_320], %swap3A_323 {strides = array<i32>} : memref<4x256xi32, #tpu.memory_space<vmem>>, vector<1x16xi32>,
          %mul3A_324 = arith.constant 70401 : i32
          %mul3A_325 = vector.broadcast %mul3A_324 : i32 to vector<16xi32>
          %mul3A_326 = arith.muli %get3A_219, %mul3A_325 : vector<16xi32>
          %mul3A_327 = arith.constant 74593 : i32
          %mul3A_328 = vector.broadcast %mul3A_327 : i32 to vector<16xi32>
          %mul3A_329 = arith.muli %get3A_228, %mul3A_328 : vector<16xi32>
          %add3A_330 = arith.addi %mul3A_326, %mul3A_329 : vector<16xi32>
          %mul3A_331 = arith.constant 66049 : i32
          %mul3A_332 = vector.broadcast %mul3A_331 : i32 to vector<16xi32>
          %mul3A_333 = arith.muli %get3A_237, %mul3A_332 : vector<16xi32>
          %add3A_334 = arith.addi %add3A_330, %mul3A_333 : vector<16xi32>
          %mul3A_335 = arith.constant 257 : i32
          %mul3A_336 = vector.broadcast %mul3A_335 : i32 to vector<16xi32>
          %mul3A_337 = arith.muli %get3A_246, %mul3A_336 : vector<16xi32>
          %add3A_338 = arith.addi %add3A_334, %mul3A_337 : vector<16xi32>
          %mul3A_339 = arith.constant 1 : i32
          %mul3A_340 = vector.broadcast %mul3A_339 : i32 to vector<16xi32>
          %mul3A_341 = arith.muli %get3A_255, %mul3A_340 : vector<16xi32>
          %add3A_342 = arith.addi %add3A_338, %mul3A_341 : vector<16xi32>
          %lt3A_343 = arith.constant 4 : i32
          %lt3A_344 = vector.broadcast %lt3A_343 : i32 to vector<16xi32>
          %lt3A_345 = arith.cmpi slt, %add3A_269, %lt3A_344 : vector<16xi32>
          %rem3A_346 = arith.constant 100000 : i32
          %rem3A_347 = vector.broadcast %rem3A_346 : i32 to vector<16xi32>
          %rem3A_348 = arith.remsi %add3A_342, %rem3A_347 : vector<16xi32>
          %select_n3A_349 = arith.select %lt3A_345, %get3A_219, %rem3A_348 : vector<16xi1>, vector<16xi32>
          %mul3A_350 = arith.constant 16 : i32
          %mul3A_351 = arith.muli %scan3A_212, %mul3A_350 : i32
          %swap3A_352 = arith.constant 2 : i32
          %swap3A_353 = arith.index_cast %swap3A_352 : i32 to index
          %swap3A_354 = arith.index_cast %mul3A_351 : i32 to index
          %swap3A_355 = tpu.vector_load %arg9[%swap3A_353, %swap3A_354] {strides = array<i32>} : memref<4x256xi32, #tpu.memory_space<vmem>>, vector<1x16xi32>,
          %swap3A_356 = vector.shape_cast %swap3A_355 : vector<1x16xi32> to vector<16xi32>
          %swap3A_357 = vector.shape_cast %select_n3A_349 : vector<16xi32> to vector<1x16xi32>
          tpu.vector_store %arg9[%swap3A_353, %swap3A_354], %swap3A_357 {strides = array<i32>} : memref<4x256xi32, #tpu.memory_space<vmem>>, vector<1x16xi32>,
          %mul3A_358 = arith.constant 93057 : i32
          %mul3A_359 = vector.broadcast %mul3A_358 : i32 to vector<16xi32>
          %mul3A_360 = arith.muli %get3A_219, %mul3A_359 : vector<16xi32>
          %mul3A_361 = arith.constant 70401 : i32
          %mul3A_362 = vector.broadcast %mul3A_361 : i32 to vector<16xi32>
          %mul3A_363 = arith.muli %get3A_228, %mul3A_362 : vector<16xi32>
          %add3A_364 = arith.addi %mul3A_360, %mul3A_363 : vector<16xi32>
          %mul3A_365 = arith.constant 74593 : i32
          %mul3A_366 = vector.broadcast %mul3A_365 : i32 to vector<16xi32>
          %mul3A_367 = arith.muli %get3A_237, %mul3A_366 : vector<16xi32>
          %add3A_368 = arith.addi %add3A_364, %mul3A_367 : vector<16xi32>
          %mul3A_369 = arith.constant 66049 : i32
          %mul3A_370 = vector.broadcast %mul3A_369 : i32 to vector<16xi32>
          %mul3A_371 = arith.muli %get3A_246, %mul3A_370 : vector<16xi32>
          %add3A_372 = arith.addi %add3A_368, %mul3A_371 : vector<16xi32>
          %mul3A_373 = arith.constant 257 : i32
          %mul3A_374 = vector.broadcast %mul3A_373 : i32 to vector<16xi32>
          %mul3A_375 = arith.muli %get3A_255, %mul3A_374 : vector<16xi32>
          %add3A_376 = arith.addi %add3A_372, %mul3A_375 : vector<16xi32>
          %mul3A_377 = arith.constant 1 : i32
          %mul3A_378 = vector.broadcast %mul3A_377 : i32 to vector<16xi32>
          %mul3A_379 = arith.muli %get3A_264, %mul3A_378 : vector<16xi32>
          %add3A_380 = arith.addi %add3A_376, %mul3A_379 : vector<16xi32>
          %lt3A_381 = arith.constant 5 : i32
          %lt3A_382 = vector.broadcast %lt3A_381 : i32 to vector<16xi32>
          %lt3A_383 = arith.cmpi slt, %add3A_269, %lt3A_382 : vector<16xi32>
          %rem3A_384 = arith.constant 100000 : i32
          %rem3A_385 = vector.broadcast %rem3A_384 : i32 to vector<16xi32>
          %rem3A_386 = arith.remsi %add3A_380, %rem3A_385 : vector<16xi32>
          %select_n3A_387 = arith.select %lt3A_383, %get3A_219, %rem3A_386 : vector<16xi1>, vector<16xi32>
          %mul3A_388 = arith.constant 16 : i32
          %mul3A_389 = arith.muli %scan3A_212, %mul3A_388 : i32
          %swap3A_390 = arith.constant 3 : i32
          %swap3A_391 = arith.index_cast %swap3A_390 : i32 to index
          %swap3A_392 = arith.index_cast %mul3A_389 : i32 to index
          %swap3A_393 = tpu.vector_load %arg9[%swap3A_391, %swap3A_392] {strides = array<i32>} : memref<4x256xi32, #tpu.memory_space<vmem>>, vector<1x16xi32>,
          %swap3A_394 = vector.shape_cast %swap3A_393 : vector<1x16xi32> to vector<16xi32>
          %swap3A_395 = vector.shape_cast %select_n3A_387 : vector<16xi32> to vector<1x16xi32>
          tpu.vector_store %arg9[%swap3A_391, %swap3A_392], %swap3A_395 {strides = array<i32>} : memref<4x256xi32, #tpu.memory_space<vmem>>, vector<1x16xi32>,
        }
        %scan3A_211 = arith.constant 14 : i32
      } else {
      }
      %mul3A_98 = arith.constant 16 : i32
      %mul3A_99 = arith.muli %mul3A_59, %mul3A_98 : i32
      %dma_wait3A_100 = arith.constant 0 : i32
      %dma_wait3A_101 = tpu.memref_slice %arg9[%dma_wait3A_100, %mul3A_99] : memref<4x256xi32, #tpu.memory_space<vmem>> -> memref<1x16xi32, #tpu.memory_space<vmem>>
      %dma_wait3A_102 = tpu.memref_squeeze %dma_wait3A_101 : memref<1x16xi32, #tpu.memory_space<vmem>> -> memref<16xi32, #tpu.memory_space<vmem>>
      %dma_wait3A_103 = arith.constant 0 : i32
      %dma_wait3A_104 = arith.constant 0 : i32
      %dma_wait3A_105 = tpu.memref_slice %arg3[%dma_wait3A_103, %dma_wait3A_104] : memref<100000x768xf32, #tpu.memory_space<hbm>> -> memref<100000x768xf32, #tpu.memory_space<hbm>>
      tpu.wait_indirect_dma semaphore(%arg18 : memref<!tpu.dma_semaphore, #tpu.memory_space<semaphore_mem>>) src(%dma_wait3A_105 : memref<100000x768xf32, #tpu.memory_space<hbm>>) dst(%arg10 : memref<16x768xf32, #tpu.memory_space<vmem>>)
      %mul3A_106 = arith.constant 16 : i32
      %mul3A_107 = arith.muli %mul3A_59, %mul3A_106 : i32
      %dma_wait3A_108 = arith.constant 1 : i32
      %dma_wait3A_109 = tpu.memref_slice %arg9[%dma_wait3A_108, %mul3A_107] : memref<4x256xi32, #tpu.memory_space<vmem>> -> memref<1x16xi32, #tpu.memory_space<vmem>>
      %dma_wait3A_110 = tpu.memref_squeeze %dma_wait3A_109 : memref<1x16xi32, #tpu.memory_space<vmem>> -> memref<16xi32, #tpu.memory_space<vmem>>
      %dma_wait3A_111 = arith.constant 0 : i32
      %dma_wait3A_112 = arith.constant 0 : i32
      %dma_wait3A_113 = tpu.memref_slice %arg4[%dma_wait3A_111, %dma_wait3A_112] : memref<100000x768xf32, #tpu.memory_space<hbm>> -> memref<100000x768xf32, #tpu.memory_space<hbm>>
      tpu.wait_indirect_dma semaphore(%arg18 : memref<!tpu.dma_semaphore, #tpu.memory_space<semaphore_mem>>) src(%dma_wait3A_113 : memref<100000x768xf32, #tpu.memory_space<hbm>>) dst(%arg11 : memref<16x768xf32, #tpu.memory_space<vmem>>)
      %mul3A_114 = arith.constant 16 : i32
      %mul3A_115 = arith.muli %mul3A_59, %mul3A_114 : i32
      %dma_wait3A_116 = arith.constant 2 : i32
      %dma_wait3A_117 = tpu.memref_slice %arg9[%dma_wait3A_116, %mul3A_115] : memref<4x256xi32, #tpu.memory_space<vmem>> -> memref<1x16xi32, #tpu.memory_space<vmem>>
      %dma_wait3A_118 = tpu.memref_squeeze %dma_wait3A_117 : memref<1x16xi32, #tpu.memory_space<vmem>> -> memref<16xi32, #tpu.memory_space<vmem>>
      %dma_wait3A_119 = arith.constant 0 : i32
      %dma_wait3A_120 = arith.constant 0 : i32
      %dma_wait3A_121 = tpu.memref_slice %arg5[%dma_wait3A_119, %dma_wait3A_120] : memref<100000x768xf32, #tpu.memory_space<hbm>> -> memref<100000x768xf32, #tpu.memory_space<hbm>>
      tpu.wait_indirect_dma semaphore(%arg18 : memref<!tpu.dma_semaphore, #tpu.memory_space<semaphore_mem>>) src(%dma_wait3A_121 : memref<100000x768xf32, #tpu.memory_space<hbm>>) dst(%arg12 : memref<16x768xf32, #tpu.memory_space<vmem>>)
      %mul3A_122 = arith.constant 16 : i32
      %mul3A_123 = arith.muli %mul3A_59, %mul3A_122 : i32
      %dma_wait3A_124 = arith.constant 3 : i32
      %dma_wait3A_125 = tpu.memref_slice %arg9[%dma_wait3A_124, %mul3A_123] : memref<4x256xi32, #tpu.memory_space<vmem>> -> memref<1x16xi32, #tpu.memory_space<vmem>>
      %dma_wait3A_126 = tpu.memref_squeeze %dma_wait3A_125 : memref<1x16xi32, #tpu.memory_space<vmem>> -> memref<16xi32, #tpu.memory_space<vmem>>
      %dma_wait3A_127 = arith.constant 0 : i32
      %dma_wait3A_128 = arith.constant 0 : i32
      %dma_wait3A_129 = tpu.memref_slice %arg6[%dma_wait3A_127, %dma_wait3A_128] : memref<100000x768xf32, #tpu.memory_space<hbm>> -> memref<100000x768xf32, #tpu.memory_space<hbm>>
      tpu.wait_indirect_dma semaphore(%arg18 : memref<!tpu.dma_semaphore, #tpu.memory_space<semaphore_mem>>) src(%dma_wait3A_129 : memref<100000x768xf32, #tpu.memory_space<hbm>>) dst(%arg13 : memref<16x768xf32, #tpu.memory_space<vmem>>)
      %gt3A_130 = arith.constant 0 : i32
      %gt3A_131 = arith.cmpi sgt, %scan3A_57, %gt3A_130 : i32
      %convert_element_type3A_132 = arith.extui %gt3A_131 : i1 to i32
      %cond3A_133 = arith.constant 0 : i32
      %cond3A_134 = arith.cmpi ne, %convert_element_type3A_132, %cond3A_133 : i32
      scf.if %cond3A_134 {
        %dma_wait3A_206 = arith.constant 0 : i32
        %dma_wait3A_207 = arith.constant 0 : i32
        %dma_wait3A_208 = tpu.memref_slice %arg7[%dma_wait3A_206, %dma_wait3A_207] : memref<8192x768xf32, #tpu.memory_space<hbm>> -> memref<16x768xf32, #tpu.memory_space<hbm>>
        %dma_wait3A_209 = arith.constant 0 : i32
        %dma_wait3A_210 = arith.constant 0 : i32
        %dma_wait3A_211 = tpu.memref_slice %arg7[%dma_wait3A_209, %dma_wait3A_210] : memref<8192x768xf32, #tpu.memory_space<hbm>> -> memref<16x768xf32, #tpu.memory_space<hbm>>
        tpu.wait_dma2 semaphore(%arg20 : memref<!tpu.dma_semaphore, #tpu.memory_space<semaphore_mem>>) src(%arg10 : memref<16x768xf32, #tpu.memory_space<vmem>>) dst(%dma_wait3A_211 : memref<16x768xf32, #tpu.memory_space<hbm>>)
      } else {
      }
      %scan3A_135 = arith.constant 0 : i32
      %scan3A_136 = arith.constant 0 : i32
      %scan3A_137 = arith.constant 16 : i32
      %scan3A_138 = arith.addi %scan3A_136, %scan3A_137 : i32
      %scan3A_139 = arith.constant 1 : i32
      scf.for %scan3A_206 = %scan3A_136 to %scan3A_138 step %scan3A_139  : i32 {
        %get3A = arith.index_cast %scan3A_206 : i32 to index
        %get3A_207 = arith.constant 0 : index
        %get3A_208 = tpu.vector_load %arg11[%get3A, %get3A_207] {strides = array<i32>} : memref<16x768xf32, #tpu.memory_space<vmem>>, vector<1x16xf32>,
        %get3A_209 = vector.shape_cast %get3A_208 : vector<1x16xf32> to vector<16xf32>
        %get3A_210 = arith.index_cast %scan3A_206 : i32 to index
        %get3A_211 = arith.constant 0 : index
        %get3A_212 = tpu.vector_load %arg12[%get3A_210, %get3A_211] {strides = array<i32>} : memref<16x768xf32, #tpu.memory_space<vmem>>, vector<1x16xf32>,
        %get3A_213 = vector.shape_cast %get3A_212 : vector<1x16xf32> to vector<16xf32>
        %add3A_214 = arith.addf %get3A_209, %get3A_213 : vector<16xf32>
        %get3A_215 = arith.index_cast %scan3A_206 : i32 to index
        %get3A_216 = arith.constant 0 : index
        %get3A_217 = tpu.vector_load %arg13[%get3A_215, %get3A_216] {strides = array<i32>} : memref<16x768xf32, #tpu.memory_space<vmem>>, vector<1x16xf32>,
        %get3A_218 = vector.shape_cast %get3A_217 : vector<1x16xf32> to vector<16xf32>
        %add3A_219 = arith.addf %add3A_214, %get3A_218 : vector<16xf32>
        %swap3A = arith.index_cast %scan3A_206 : i32 to index
        %swap3A_220 = arith.constant 0 : index
        %swap3A_221 = tpu.vector_load %arg10[%swap3A, %swap3A_220] {strides = array<i32>} : memref<16x768xf32, #tpu.memory_space<vmem>>, vector<1x16xf32>,
        %swap3A_222 = vector.shape_cast %swap3A_221 : vector<1x16xf32> to vector<16xf32>
        %swap3A_223 = vector.shape_cast %add3A_219 : vector<16xf32> to vector<1x16xf32>
        tpu.vector_store %arg10[%swap3A, %swap3A_220], %swap3A_223 {add = true, strides = array<i32>} : memref<16x768xf32, #tpu.memory_space<vmem>>, vector<1x16xf32>,
        %get3A_224 = arith.index_cast %scan3A_206 : i32 to index
        %get3A_225 = arith.constant 16 : index
        %get3A_226 = tpu.vector_load %arg11[%get3A_224, %get3A_225] {strides = array<i32>} : memref<16x768xf32, #tpu.memory_space<vmem>>, vector<1x16xf32>,
        %get3A_227 = vector.shape_cast %get3A_226 : vector<1x16xf32> to vector<16xf32>
        %get3A_228 = arith.index_cast %scan3A_206 : i32 to index
        %get3A_229 = arith.constant 16 : index
        %get3A_230 = tpu.vector_load %arg12[%get3A_228, %get3A_229] {strides = array<i32>} : memref<16x768xf32, #tpu.memory_space<vmem>>, vector<1x16xf32>,
        %get3A_231 = vector.shape_cast %get3A_230 : vector<1x16xf32> to vector<16xf32>
        %add3A_232 = arith.addf %get3A_227, %get3A_231 : vector<16xf32>
        %get3A_233 = arith.index_cast %scan3A_206 : i32 to index
        %get3A_234 = arith.constant 16 : index
        %get3A_235 = tpu.vector_load %arg13[%get3A_233, %get3A_234] {strides = array<i32>} : memref<16x768xf32, #tpu.memory_space<vmem>>, vector<1x16xf32>,
        %get3A_236 = vector.shape_cast %get3A_235 : vector<1x16xf32> to vector<16xf32>
        %add3A_237 = arith.addf %add3A_232, %get3A_236 : vector<16xf32>
        %swap3A_238 = arith.index_cast %scan3A_206 : i32 to index
        %swap3A_239 = arith.constant 16 : index
        %swap3A_240 = tpu.vector_load %arg10[%swap3A_238, %swap3A_239] {strides = array<i32>} : memref<16x768xf32, #tpu.memory_space<vmem>>, vector<1x16xf32>,
        %swap3A_241 = vector.shape_cast %swap3A_240 : vector<1x16xf32> to vector<16xf32>
        %swap3A_242 = vector.shape_cast %add3A_237 : vector<16xf32> to vector<1x16xf32>
        tpu.vector_store %arg10[%swap3A_238, %swap3A_239], %swap3A_242 {add = true, strides = array<i32>} : memref<16x768xf32, #tpu.memory_space<vmem>>, vector<1x16xf32>,
        %get3A_243 = arith.index_cast %scan3A_206 : i32 to index
        %get3A_244 = arith.constant 32 : index
        %get3A_245 = tpu.vector_load %arg11[%get3A_243, %get3A_244] {strides = array<i32>} : memref<16x768xf32, #tpu.memory_space<vmem>>, vector<1x16xf32>,
        %get3A_246 = vector.shape_cast %get3A_245 : vector<1x16xf32> to vector<16xf32>
        %get3A_247 = arith.index_cast %scan3A_206 : i32 to index
        %get3A_248 = arith.constant 32 : index
        %get3A_249 = tpu.vector_load %arg12[%get3A_247, %get3A_248] {strides = array<i32>} : memref<16x768xf32, #tpu.memory_space<vmem>>, vector<1x16xf32>,
        %get3A_250 = vector.shape_cast %get3A_249 : vector<1x16xf32> to vector<16xf32>
        %add3A_251 = arith.addf %get3A_246, %get3A_250 : vector<16xf32>
        %get3A_252 = arith.index_cast %scan3A_206 : i32 to index
        %get3A_253 = arith.constant 32 : index
        %get3A_254 = tpu.vector_load %arg13[%get3A_252, %get3A_253] {strides = array<i32>} : memref<16x768xf32, #tpu.memory_space<vmem>>, vector<1x16xf32>,
        %get3A_255 = vector.shape_cast %get3A_254 : vector<1x16xf32> to vector<16xf32>
        %add3A_256 = arith.addf %add3A_251, %get3A_255 : vector<16xf32>
        %swap3A_257 = arith.index_cast %scan3A_206 : i32 to index
        %swap3A_258 = arith.constant 32 : index
        %swap3A_259 = tpu.vector_load %arg10[%swap3A_257, %swap3A_258] {strides = array<i32>} : memref<16x768xf32, #tpu.memory_space<vmem>>, vector<1x16xf32>,
        %swap3A_260 = vector.shape_cast %swap3A_259 : vector<1x16xf32> to vector<16xf32>
        %swap3A_261 = vector.shape_cast %add3A_256 : vector<16xf32> to vector<1x16xf32>
        tpu.vector_store %arg10[%swap3A_257, %swap3A_258], %swap3A_261 {add = true, strides = array<i32>} : memref<16x768xf32, #tpu.memory_space<vmem>>, vector<1x16xf32>,
        %get3A_262 = arith.index_cast %scan3A_206 : i32 to index
        %get3A_263 = arith.constant 48 : index
        %get3A_264 = tpu.vector_load %arg11[%get3A_262, %get3A_263] {strides = array<i32>} : memref<16x768xf32, #tpu.memory_space<vmem>>, vector<1x16xf32>,
        %get3A_265 = vector.shape_cast %get3A_264 : vector<1x16xf32> to vector<16xf32>
        %get3A_266 = arith.index_cast %scan3A_206 : i32 to index
        %get3A_267 = arith.constant 48 : index
        %get3A_268 = tpu.vector_load %arg12[%get3A_266, %get3A_267] {strides = array<i32>} : memref<16x768xf32, #tpu.memory_space<vmem>>, vector<1x16xf32>,
        %get3A_269 = vector.shape_cast %get3A_268 : vector<1x16xf32> to vector<16xf32>
        %add3A_270 = arith.addf %get3A_265, %get3A_269 : vector<16xf32>
        %get3A_271 = arith.index_cast %scan3A_206 : i32 to index
        %get3A_272 = arith.constant 48 : index
        %get3A_273 = tpu.vector_load %arg13[%get3A_271, %get3A_272] {strides = array<i32>} : memref<16x768xf32, #tpu.memory_space<vmem>>, vector<1x16xf32>,
        %get3A_274 = vector.shape_cast %get3A_273 : vector<1x16xf32> to vector<16xf32>
        %add3A_275 = arith.addf %add3A_270, %get3A_274 : vector<16xf32>
        %swap3A_276 = arith.index_cast %scan3A_206 : i32 to index
        %swap3A_277 = arith.constant 48 : index
        %swap3A_278 = tpu.vector_load %arg10[%swap3A_276, %swap3A_277] {strides = array<i32>} : memref<16x768xf32, #tpu.memory_space<vmem>>, vector<1x16xf32>,
        %swap3A_279 = vector.shape_cast %swap3A_278 : vector<1x16xf32> to vector<16xf32>
        %swap3A_280 = vector.shape_cast %add3A_275 : vector<16xf32> to vector<1x16xf32>
        tpu.vector_store %arg10[%swap3A_276, %swap3A_277], %swap3A_280 {add = true, strides = array<i32>} : memref<16x768xf32, #tpu.memory_space<vmem>>, vector<1x16xf32>,
        %get3A_281 = arith.index_cast %scan3A_206 : i32 to index
        %get3A_282 = arith.constant 64 : index
        %get3A_283 = tpu.vector_load %arg11[%get3A_281, %get3A_282] {strides = array<i32>} : memref<16x768xf32, #tpu.memory_space<vmem>>, vector<1x16xf32>,
        %get3A_284 = vector.shape_cast %get3A_283 : vector<1x16xf32> to vector<16xf32>
        %get3A_285 = arith.index_cast %scan3A_206 : i32 to index
        %get3A_286 = arith.constant 64 : index
        %get3A_287 = tpu.vector_load %arg12[%get3A_285, %get3A_286] {strides = array<i32>} : memref<16x768xf32, #tpu.memory_space<vmem>>, vector<1x16xf32>,
        %get3A_288 = vector.shape_cast %get3A_287 : vector<1x16xf32> to vector<16xf32>
        %add3A_289 = arith.addf %get3A_284, %get3A_288 : vector<16xf32>
        %get3A_290 = arith.index_cast %scan3A_206 : i32 to index
        %get3A_291 = arith.constant 64 : index
        %get3A_292 = tpu.vector_load %arg13[%get3A_290, %get3A_291] {strides = array<i32>} : memref<16x768xf32, #tpu.memory_space<vmem>>, vector<1x16xf32>,
        %get3A_293 = vector.shape_cast %get3A_292 : vector<1x16xf32> to vector<16xf32>
        %add3A_294 = arith.addf %add3A_289, %get3A_293 : vector<16xf32>
        %swap3A_295 = arith.index_cast %scan3A_206 : i32 to index
        %swap3A_296 = arith.constant 64 : index
        %swap3A_297 = tpu.vector_load %arg10[%swap3A_295, %swap3A_296] {strides = array<i32>} : memref<16x768xf32, #tpu.memory_space<vmem>>, vector<1x16xf32>,
        %swap3A_298 = vector.shape_cast %swap3A_297 : vector<1x16xf32> to vector<16xf32>
        %swap3A_299 = vector.shape_cast %add3A_294 : vector<16xf32> to vector<1x16xf32>
        tpu.vector_store %arg10[%swap3A_295, %swap3A_296], %swap3A_299 {add = true, strides = array<i32>} : memref<16x768xf32, #tpu.memory_space<vmem>>, vector<1x16xf32>,
        %get3A_300 = arith.index_cast %scan3A_206 : i32 to index
        %get3A_301 = arith.constant 80 : index
        %get3A_302 = tpu.vector_load %arg11[%get3A_300, %get3A_301] {strides = array<i32>} : memref<16x768xf32, #tpu.memory_space<vmem>>, vector<1x16xf32>,
        %get3A_303 = vector.shape_cast %get3A_302 : vector<1x16xf32> to vector<16xf32>
        %get3A_304 = arith.index_cast %scan3A_206 : i32 to index
        %get3A_305 = arith.constant 80 : index
        %get3A_306 = tpu.vector_load %arg12[%get3A_304, %get3A_305] {strides = array<i32>} : memref<16x768xf32, #tpu.memory_space<vmem>>, vector<1x16xf32>,
        %get3A_307 = vector.shape_cast %get3A_306 : vector<1x16xf32> to vector<16xf32>
        %add3A_308 = arith.addf %get3A_303, %get3A_307 : vector<16xf32>
        %get3A_309 = arith.index_cast %scan3A_206 : i32 to index
        %get3A_310 = arith.constant 80 : index
        %get3A_311 = tpu.vector_load %arg13[%get3A_309, %get3A_310] {strides = array<i32>} : memref<16x768xf32, #tpu.memory_space<vmem>>, vector<1x16xf32>,
        %get3A_312 = vector.shape_cast %get3A_311 : vector<1x16xf32> to vector<16xf32>
        %add3A_313 = arith.addf %add3A_308, %get3A_312 : vector<16xf32>
        %swap3A_314 = arith.index_cast %scan3A_206 : i32 to index
        %swap3A_315 = arith.constant 80 : index
        %swap3A_316 = tpu.vector_load %arg10[%swap3A_314, %swap3A_315] {strides = array<i32>} : memref<16x768xf32, #tpu.memory_space<vmem>>, vector<1x16xf32>,
        %swap3A_317 = vector.shape_cast %swap3A_316 : vector<1x16xf32> to vector<16xf32>
        %swap3A_318 = vector.shape_cast %add3A_313 : vector<16xf32> to vector<1x16xf32>
        tpu.vector_store %arg10[%swap3A_314, %swap3A_315], %swap3A_318 {add = true, strides = array<i32>} : memref<16x768xf32, #tpu.memory_space<vmem>>, vector<1x16xf32>,
        %get3A_319 = arith.index_cast %scan3A_206 : i32 to index
        %get3A_320 = arith.constant 96 : index
        %get3A_321 = tpu.vector_load %arg11[%get3A_319, %get3A_320] {strides = array<i32>} : memref<16x768xf32, #tpu.memory_space<vmem>>, vector<1x16xf32>,
        %get3A_322 = vector.shape_cast %get3A_321 : vector<1x16xf32> to vector<16xf32>
        %get3A_323 = arith.index_cast %scan3A_206 : i32 to index
        %get3A_324 = arith.constant 96 : index
        %get3A_325 = tpu.vector_load %arg12[%get3A_323, %get3A_324] {strides = array<i32>} : memref<16x768xf32, #tpu.memory_space<vmem>>, vector<1x16xf32>,
        %get3A_326 = vector.shape_cast %get3A_325 : vector<1x16xf32> to vector<16xf32>
        %add3A_327 = arith.addf %get3A_322, %get3A_326 : vector<16xf32>
        %get3A_328 = arith.index_cast %scan3A_206 : i32 to index
        %get3A_329 = arith.constant 96 : index
        %get3A_330 = tpu.vector_load %arg13[%get3A_328, %get3A_329] {strides = array<i32>} : memref<16x768xf32, #tpu.memory_space<vmem>>, vector<1x16xf32>,
        %get3A_331 = vector.shape_cast %get3A_330 : vector<1x16xf32> to vector<16xf32>
        %add3A_332 = arith.addf %add3A_327, %get3A_331 : vector<16xf32>
        %swap3A_333 = arith.index_cast %scan3A_206 : i32 to index
        %swap3A_334 = arith.constant 96 : index
        %swap3A_335 = tpu.vector_load %arg10[%swap3A_333, %swap3A_334] {strides = array<i32>} : memref<16x768xf32, #tpu.memory_space<vmem>>, vector<1x16xf32>,
        %swap3A_336 = vector.shape_cast %swap3A_335 : vector<1x16xf32> to vector<16xf32>
        %swap3A_337 = vector.shape_cast %add3A_332 : vector<16xf32> to vector<1x16xf32>
        tpu.vector_store %arg10[%swap3A_333, %swap3A_334], %swap3A_337 {add = true, strides = array<i32>} : memref<16x768xf32, #tpu.memory_space<vmem>>, vector<1x16xf32>,
        %get3A_338 = arith.index_cast %scan3A_206 : i32 to index
        %get3A_339 = arith.constant 112 : index
        %get3A_340 = tpu.vector_load %arg11[%get3A_338, %get3A_339] {strides = array<i32>} : memref<16x768xf32, #tpu.memory_space<vmem>>, vector<1x16xf32>,
        %get3A_341 = vector.shape_cast %get3A_340 : vector<1x16xf32> to vector<16xf32>
        %get3A_342 = arith.index_cast %scan3A_206 : i32 to index
        %get3A_343 = arith.constant 112 : index
        %get3A_344 = tpu.vector_load %arg12[%get3A_342, %get3A_343] {strides = array<i32>} : memref<16x768xf32, #tpu.memory_space<vmem>>, vector<1x16xf32>,
        %get3A_345 = vector.shape_cast %get3A_344 : vector<1x16xf32> to vector<16xf32>
        %add3A_346 = arith.addf %get3A_341, %get3A_345 : vector<16xf32>
        %get3A_347 = arith.index_cast %scan3A_206 : i32 to index
        %get3A_348 = arith.constant 112 : index
        %get3A_349 = tpu.vector_load %arg13[%get3A_347, %get3A_348] {strides = array<i32>} : memref<16x768xf32, #tpu.memory_space<vmem>>, vector<1x16xf32>,
        %get3A_350 = vector.shape_cast %get3A_349 : vector<1x16xf32> to vector<16xf32>
        %add3A_351 = arith.addf %add3A_346, %get3A_350 : vector<16xf32>
        %swap3A_352 = arith.index_cast %scan3A_206 : i32 to index
        %swap3A_353 = arith.constant 112 : index
        %swap3A_354 = tpu.vector_load %arg10[%swap3A_352, %swap3A_353] {strides = array<i32>} : memref<16x768xf32, #tpu.memory_space<vmem>>, vector<1x16xf32>,
        %swap3A_355 = vector.shape_cast %swap3A_354 : vector<1x16xf32> to vector<16xf32>
        %swap3A_356 = vector.shape_cast %add3A_351 : vector<16xf32> to vector<1x16xf32>
        tpu.vector_store %arg10[%swap3A_352, %swap3A_353], %swap3A_356 {add = true, strides = array<i32>} : memref<16x768xf32, #tpu.memory_space<vmem>>, vector<1x16xf32>,
        %get3A_357 = arith.index_cast %scan3A_206 : i32 to index
        %get3A_358 = arith.constant 128 : index
        %get3A_359 = tpu.vector_load %arg11[%get3A_357, %get3A_358] {strides = array<i32>} : memref<16x768xf32, #tpu.memory_space<vmem>>, vector<1x16xf32>,
        %get3A_360 = vector.shape_cast %get3A_359 : vector<1x16xf32> to vector<16xf32>
        %get3A_361 = arith.index_cast %scan3A_206 : i32 to index
        %get3A_362 = arith.constant 128 : index
        %get3A_363 = tpu.vector_load %arg12[%get3A_361, %get3A_362] {strides = array<i32>} : memref<16x768xf32, #tpu.memory_space<vmem>>, vector<1x16xf32>,
        %get3A_364 = vector.shape_cast %get3A_363 : vector<1x16xf32> to vector<16xf32>
        %add3A_365 = arith.addf %get3A_360, %get3A_364 : vector<16xf32>
        %get3A_366 = arith.index_cast %scan3A_206 : i32 to index
        %get3A_367 = arith.constant 128 : index
        %get3A_368 = tpu.vector_load %arg13[%get3A_366, %get3A_367] {strides = array<i32>} : memref<16x768xf32, #tpu.memory_space<vmem>>, vector<1x16xf32>,
        %get3A_369 = vector.shape_cast %get3A_368 : vector<1x16xf32> to vector<16xf32>
        %add3A_370 = arith.addf %add3A_365, %get3A_369 : vector<16xf32>
        %swap3A_371 = arith.index_cast %scan3A_206 : i32 to index
        %swap3A_372 = arith.constant 128 : index
        %swap3A_373 = tpu.vector_load %arg10[%swap3A_371, %swap3A_372] {strides = array<i32>} : memref<16x768xf32, #tpu.memory_space<vmem>>, vector<1x16xf32>,
        %swap3A_374 = vector.shape_cast %swap3A_373 : vector<1x16xf32> to vector<16xf32>
        %swap3A_375 = vector.shape_cast %add3A_370 : vector<16xf32> to vector<1x16xf32>
        tpu.vector_store %arg10[%swap3A_371, %swap3A_372], %swap3A_375 {add = true, strides = array<i32>} : memref<16x768xf32, #tpu.memory_space<vmem>>, vector<1x16xf32>,
        %get3A_376 = arith.index_cast %scan3A_206 : i32 to index
        %get3A_377 = arith.constant 144 : index
        %get3A_378 = tpu.vector_load %arg11[%get3A_376, %get3A_377] {strides = array<i32>} : memref<16x768xf32, #tpu.memory_space<vmem>>, vector<1x16xf32>,
        %get3A_379 = vector.shape_cast %get3A_378 : vector<1x16xf32> to vector<16xf32>
        %get3A_380 = arith.index_cast %scan3A_206 : i32 to index
        %get3A_381 = arith.constant 144 : index
        %get3A_382 = tpu.vector_load %arg12[%get3A_380, %get3A_381] {strides = array<i32>} : memref<16x768xf32, #tpu.memory_space<vmem>>, vector<1x16xf32>,
        %get3A_383 = vector.shape_cast %get3A_382 : vector<1x16xf32> to vector<16xf32>
        %add3A_384 = arith.addf %get3A_379, %get3A_383 : vector<16xf32>
        %get3A_385 = arith.index_cast %scan3A_206 : i32 to index
        %get3A_386 = arith.constant 144 : index
        %get3A_387 = tpu.vector_load %arg13[%get3A_385, %get3A_386] {strides = array<i32>} : memref<16x768xf32, #tpu.memory_space<vmem>>, vector<1x16xf32>,
        %get3A_388 = vector.shape_cast %get3A_387 : vector<1x16xf32> to vector<16xf32>
        %add3A_389 = arith.addf %add3A_384, %get3A_388 : vector<16xf32>
        %swap3A_390 = arith.index_cast %scan3A_206 : i32 to index
        %swap3A_391 = arith.constant 144 : index
        %swap3A_392 = tpu.vector_load %arg10[%swap3A_390, %swap3A_391] {strides = array<i32>} : memref<16x768xf32, #tpu.memory_space<vmem>>, vector<1x16xf32>,
        %swap3A_393 = vector.shape_cast %swap3A_392 : vector<1x16xf32> to vector<16xf32>
        %swap3A_394 = vector.shape_cast %add3A_389 : vector<16xf32> to vector<1x16xf32>
        tpu.vector_store %arg10[%swap3A_390, %swap3A_391], %swap3A_394 {add = true, strides = array<i32>} : memref<16x768xf32, #tpu.memory_space<vmem>>, vector<1x16xf32>,
        %get3A_395 = arith.index_cast %scan3A_206 : i32 to index
        %get3A_396 = arith.constant 160 : index
        %get3A_397 = tpu.vector_load %arg11[%get3A_395, %get3A_396] {strides = array<i32>} : memref<16x768xf32, #tpu.memory_space<vmem>>, vector<1x16xf32>,
        %get3A_398 = vector.shape_cast %get3A_397 : vector<1x16xf32> to vector<16xf32>
        %get3A_399 = arith.index_cast %scan3A_206 : i32 to index
        %get3A_400 = arith.constant 160 : index
        %get3A_401 = tpu.vector_load %arg12[%get3A_399, %get3A_400] {strides = array<i32>} : memref<16x768xf32, #tpu.memory_space<vmem>>, vector<1x16xf32>,
        %get3A_402 = vector.shape_cast %get3A_401 : vector<1x16xf32> to vector<16xf32>
        %add3A_403 = arith.addf %get3A_398, %get3A_402 : vector<16xf32>
        %get3A_404 = arith.index_cast %scan3A_206 : i32 to index
        %get3A_405 = arith.constant 160 : index
        %get3A_406 = tpu.vector_load %arg13[%get3A_404, %get3A_405] {strides = array<i32>} : memref<16x768xf32, #tpu.memory_space<vmem>>, vector<1x16xf32>,
        %get3A_407 = vector.shape_cast %get3A_406 : vector<1x16xf32> to vector<16xf32>
        %add3A_408 = arith.addf %add3A_403, %get3A_407 : vector<16xf32>
        %swap3A_409 = arith.index_cast %scan3A_206 : i32 to index
        %swap3A_410 = arith.constant 160 : index
        %swap3A_411 = tpu.vector_load %arg10[%swap3A_409, %swap3A_410] {strides = array<i32>} : memref<16x768xf32, #tpu.memory_space<vmem>>, vector<1x16xf32>,
        %swap3A_412 = vector.shape_cast %swap3A_411 : vector<1x16xf32> to vector<16xf32>
        %swap3A_413 = vector.shape_cast %add3A_408 : vector<16xf32> to vector<1x16xf32>
        tpu.vector_store %arg10[%swap3A_409, %swap3A_410], %swap3A_413 {add = true, strides = array<i32>} : memref<16x768xf32, #tpu.memory_space<vmem>>, vector<1x16xf32>,
        %get3A_414 = arith.index_cast %scan3A_206 : i32 to index
        %get3A_415 = arith.constant 176 : index
        %get3A_416 = tpu.vector_load %arg11[%get3A_414, %get3A_415] {strides = array<i32>} : memref<16x768xf32, #tpu.memory_space<vmem>>, vector<1x16xf32>,
        %get3A_417 = vector.shape_cast %get3A_416 : vector<1x16xf32> to vector<16xf32>
        %get3A_418 = arith.index_cast %scan3A_206 : i32 to index
        %get3A_419 = arith.constant 176 : index
        %get3A_420 = tpu.vector_load %arg12[%get3A_418, %get3A_419] {strides = array<i32>} : memref<16x768xf32, #tpu.memory_space<vmem>>, vector<1x16xf32>,
        %get3A_421 = vector.shape_cast %get3A_420 : vector<1x16xf32> to vector<16xf32>
        %add3A_422 = arith.addf %get3A_417, %get3A_421 : vector<16xf32>
        %get3A_423 = arith.index_cast %scan3A_206 : i32 to index
        %get3A_424 = arith.constant 176 : index
        %get3A_425 = tpu.vector_load %arg13[%get3A_423, %get3A_424] {strides = array<i32>} : memref<16x768xf32, #tpu.memory_space<vmem>>, vector<1x16xf32>,
        %get3A_426 = vector.shape_cast %get3A_425 : vector<1x16xf32> to vector<16xf32>
        %add3A_427 = arith.addf %add3A_422, %get3A_426 : vector<16xf32>
        %swap3A_428 = arith.index_cast %scan3A_206 : i32 to index
        %swap3A_429 = arith.constant 176 : index
        %swap3A_430 = tpu.vector_load %arg10[%swap3A_428, %swap3A_429] {strides = array<i32>} : memref<16x768xf32, #tpu.memory_space<vmem>>, vector<1x16xf32>,
        %swap3A_431 = vector.shape_cast %swap3A_430 : vector<1x16xf32> to vector<16xf32>
        %swap3A_432 = vector.shape_cast %add3A_427 : vector<16xf32> to vector<1x16xf32>
        tpu.vector_store %arg10[%swap3A_428, %swap3A_429], %swap3A_432 {add = true, strides = array<i32>} : memref<16x768xf32, #tpu.memory_space<vmem>>, vector<1x16xf32>,
        %get3A_433 = arith.index_cast %scan3A_206 : i32 to index
        %get3A_434 = arith.constant 192 : index
        %get3A_435 = tpu.vector_load %arg11[%get3A_433, %get3A_434] {strides = array<i32>} : memref<16x768xf32, #tpu.memory_space<vmem>>, vector<1x16xf32>,
        %get3A_436 = vector.shape_cast %get3A_435 : vector<1x16xf32> to vector<16xf32>
        %get3A_437 = arith.index_cast %scan3A_206 : i32 to index
        %get3A_438 = arith.constant 192 : index
        %get3A_439 = tpu.vector_load %arg12[%get3A_437, %get3A_438] {strides = array<i32>} : memref<16x768xf32, #tpu.memory_space<vmem>>, vector<1x16xf32>,
        %get3A_440 = vector.shape_cast %get3A_439 : vector<1x16xf32> to vector<16xf32>
        %add3A_441 = arith.addf %get3A_436, %get3A_440 : vector<16xf32>
        %get3A_442 = arith.index_cast %scan3A_206 : i32 to index
        %get3A_443 = arith.constant 192 : index
        %get3A_444 = tpu.vector_load %arg13[%get3A_442, %get3A_443] {strides = array<i32>} : memref<16x768xf32, #tpu.memory_space<vmem>>, vector<1x16xf32>,
        %get3A_445 = vector.shape_cast %get3A_444 : vector<1x16xf32> to vector<16xf32>
        %add3A_446 = arith.addf %add3A_441, %get3A_445 : vector<16xf32>
        %swap3A_447 = arith.index_cast %scan3A_206 : i32 to index
        %swap3A_448 = arith.constant 192 : index
        %swap3A_449 = tpu.vector_load %arg10[%swap3A_447, %swap3A_448] {strides = array<i32>} : memref<16x768xf32, #tpu.memory_space<vmem>>, vector<1x16xf32>,
        %swap3A_450 = vector.shape_cast %swap3A_449 : vector<1x16xf32> to vector<16xf32>
        %swap3A_451 = vector.shape_cast %add3A_446 : vector<16xf32> to vector<1x16xf32>
        tpu.vector_store %arg10[%swap3A_447, %swap3A_448], %swap3A_451 {add = true, strides = array<i32>} : memref<16x768xf32, #tpu.memory_space<vmem>>, vector<1x16xf32>,
        %get3A_452 = arith.index_cast %scan3A_206 : i32 to index
        %get3A_453 = arith.constant 208 : index
        %get3A_454 = tpu.vector_load %arg11[%get3A_452, %get3A_453] {strides = array<i32>} : memref<16x768xf32, #tpu.memory_space<vmem>>, vector<1x16xf32>,
        %get3A_455 = vector.shape_cast %get3A_454 : vector<1x16xf32> to vector<16xf32>
        %get3A_456 = arith.index_cast %scan3A_206 : i32 to index
        %get3A_457 = arith.constant 208 : index
        %get3A_458 = tpu.vector_load %arg12[%get3A_456, %get3A_457] {strides = array<i32>} : memref<16x768xf32, #tpu.memory_space<vmem>>, vector<1x16xf32>,
        %get3A_459 = vector.shape_cast %get3A_458 : vector<1x16xf32> to vector<16xf32>
        %add3A_460 = arith.addf %get3A_455, %get3A_459 : vector<16xf32>
        %get3A_461 = arith.index_cast %scan3A_206 : i32 to index
        %get3A_462 = arith.constant 208 : index
        %get3A_463 = tpu.vector_load %arg13[%get3A_461, %get3A_462] {strides = array<i32>} : memref<16x768xf32, #tpu.memory_space<vmem>>, vector<1x16xf32>,
        %get3A_464 = vector.shape_cast %get3A_463 : vector<1x16xf32> to vector<16xf32>
        %add3A_465 = arith.addf %add3A_460, %get3A_464 : vector<16xf32>
        %swap3A_466 = arith.index_cast %scan3A_206 : i32 to index
        %swap3A_467 = arith.constant 208 : index
        %swap3A_468 = tpu.vector_load %arg10[%swap3A_466, %swap3A_467] {strides = array<i32>} : memref<16x768xf32, #tpu.memory_space<vmem>>, vector<1x16xf32>,
        %swap3A_469 = vector.shape_cast %swap3A_468 : vector<1x16xf32> to vector<16xf32>
        %swap3A_470 = vector.shape_cast %add3A_465 : vector<16xf32> to vector<1x16xf32>
        tpu.vector_store %arg10[%swap3A_466, %swap3A_467], %swap3A_470 {add = true, strides = array<i32>} : memref<16x768xf32, #tpu.memory_space<vmem>>, vector<1x16xf32>,
        %get3A_471 = arith.index_cast %scan3A_206 : i32 to index
        %get3A_472 = arith.constant 224 : index
        %get3A_473 = tpu.vector_load %arg11[%get3A_471, %get3A_472] {strides = array<i32>} : memref<16x768xf32, #tpu.memory_space<vmem>>, vector<1x16xf32>,
        %get3A_474 = vector.shape_cast %get3A_473 : vector<1x16xf32> to vector<16xf32>
        %get3A_475 = arith.index_cast %scan3A_206 : i32 to index
        %get3A_476 = arith.constant 224 : index
        %get3A_477 = tpu.vector_load %arg12[%get3A_475, %get3A_476] {strides = array<i32>} : memref<16x768xf32, #tpu.memory_space<vmem>>, vector<1x16xf32>,
        %get3A_478 = vector.shape_cast %get3A_477 : vector<1x16xf32> to vector<16xf32>
        %add3A_479 = arith.addf %get3A_474, %get3A_478 : vector<16xf32>
        %get3A_480 = arith.index_cast %scan3A_206 : i32 to index
        %get3A_481 = arith.constant 224 : index
        %get3A_482 = tpu.vector_load %arg13[%get3A_480, %get3A_481] {strides = array<i32>} : memref<16x768xf32, #tpu.memory_space<vmem>>, vector<1x16xf32>,
        %get3A_483 = vector.shape_cast %get3A_482 : vector<1x16xf32> to vector<16xf32>
        %add3A_484 = arith.addf %add3A_479, %get3A_483 : vector<16xf32>
        %swap3A_485 = arith.index_cast %scan3A_206 : i32 to index
        %swap3A_486 = arith.constant 224 : index
        %swap3A_487 = tpu.vector_load %arg10[%swap3A_485, %swap3A_486] {strides = array<i32>} : memref<16x768xf32, #tpu.memory_space<vmem>>, vector<1x16xf32>,
        %swap3A_488 = vector.shape_cast %swap3A_487 : vector<1x16xf32> to vector<16xf32>
        %swap3A_489 = vector.shape_cast %add3A_484 : vector<16xf32> to vector<1x16xf32>
        tpu.vector_store %arg10[%swap3A_485, %swap3A_486], %swap3A_489 {add = true, strides = array<i32>} : memref<16x768xf32, #tpu.memory_space<vmem>>, vector<1x16xf32>,
        %get3A_490 = arith.index_cast %scan3A_206 : i32 to index
        %get3A_491 = arith.constant 240 : index
        %get3A_492 = tpu.vector_load %arg11[%get3A_490, %get3A_491] {strides = array<i32>} : memref<16x768xf32, #tpu.memory_space<vmem>>, vector<1x16xf32>,
        %get3A_493 = vector.shape_cast %get3A_492 : vector<1x16xf32> to vector<16xf32>
        %get3A_494 = arith.index_cast %scan3A_206 : i32 to index
        %get3A_495 = arith.constant 240 : index
        %get3A_496 = tpu.vector_load %arg12[%get3A_494, %get3A_495] {strides = array<i32>} : memref<16x768xf32, #tpu.memory_space<vmem>>, vector<1x16xf32>,
        %get3A_497 = vector.shape_cast %get3A_496 : vector<1x16xf32> to vector<16xf32>
        %add3A_498 = arith.addf %get3A_493, %get3A_497 : vector<16xf32>
        %get3A_499 = arith.index_cast %scan3A_206 : i32 to index
        %get3A_500 = arith.constant 240 : index
        %get3A_501 = tpu.vector_load %arg13[%get3A_499, %get3A_500] {strides = array<i32>} : memref<16x768xf32, #tpu.memory_space<vmem>>, vector<1x16xf32>,
        %get3A_502 = vector.shape_cast %get3A_501 : vector<1x16xf32> to vector<16xf32>
        %add3A_503 = arith.addf %add3A_498, %get3A_502 : vector<16xf32>
        %swap3A_504 = arith.index_cast %scan3A_206 : i32 to index
        %swap3A_505 = arith.constant 240 : index
        %swap3A_506 = tpu.vector_load %arg10[%swap3A_504, %swap3A_505] {strides = array<i32>} : memref<16x768xf32, #tpu.memory_space<vmem>>, vector<1x16xf32>,
        %swap3A_507 = vector.shape_cast %swap3A_506 : vector<1x16xf32> to vector<16xf32>
        %swap3A_508 = vector.shape_cast %add3A_503 : vector<16xf32> to vector<1x16xf32>
        tpu.vector_store %arg10[%swap3A_504, %swap3A_505], %swap3A_508 {add = true, strides = array<i32>} : memref<16x768xf32, #tpu.memory_space<vmem>>, vector<1x16xf32>,
        %get3A_509 = arith.index_cast %scan3A_206 : i32 to index
        %get3A_510 = arith.constant 256 : index
        %get3A_511 = tpu.vector_load %arg11[%get3A_509, %get3A_510] {strides = array<i32>} : memref<16x768xf32, #tpu.memory_space<vmem>>, vector<1x16xf32>,
        %get3A_512 = vector.shape_cast %get3A_511 : vector<1x16xf32> to vector<16xf32>
        %get3A_513 = arith.index_cast %scan3A_206 : i32 to index
        %get3A_514 = arith.constant 256 : index
        %get3A_515 = tpu.vector_load %arg12[%get3A_513, %get3A_514] {strides = array<i32>} : memref<16x768xf32, #tpu.memory_space<vmem>>, vector<1x16xf32>,
        %get3A_516 = vector.shape_cast %get3A_515 : vector<1x16xf32> to vector<16xf32>
        %add3A_517 = arith.addf %get3A_512, %get3A_516 : vector<16xf32>
        %get3A_518 = arith.index_cast %scan3A_206 : i32 to index
        %get3A_519 = arith.constant 256 : index
        %get3A_520 = tpu.vector_load %arg13[%get3A_518, %get3A_519] {strides = array<i32>} : memref<16x768xf32, #tpu.memory_space<vmem>>, vector<1x16xf32>,
        %get3A_521 = vector.shape_cast %get3A_520 : vector<1x16xf32> to vector<16xf32>
        %add3A_522 = arith.addf %add3A_517, %get3A_521 : vector<16xf32>
        %swap3A_523 = arith.index_cast %scan3A_206 : i32 to index
        %swap3A_524 = arith.constant 256 : index
        %swap3A_525 = tpu.vector_load %arg10[%swap3A_523, %swap3A_524] {strides = array<i32>} : memref<16x768xf32, #tpu.memory_space<vmem>>, vector<1x16xf32>,
        %swap3A_526 = vector.shape_cast %swap3A_525 : vector<1x16xf32> to vector<16xf32>
        %swap3A_527 = vector.shape_cast %add3A_522 : vector<16xf32> to vector<1x16xf32>
        tpu.vector_store %arg10[%swap3A_523, %swap3A_524], %swap3A_527 {add = true, strides = array<i32>} : memref<16x768xf32, #tpu.memory_space<vmem>>, vector<1x16xf32>,
        %get3A_528 = arith.index_cast %scan3A_206 : i32 to index
        %get3A_529 = arith.constant 272 : index
        %get3A_530 = tpu.vector_load %arg11[%get3A_528, %get3A_529] {strides = array<i32>} : memref<16x768xf32, #tpu.memory_space<vmem>>, vector<1x16xf32>,
        %get3A_531 = vector.shape_cast %get3A_530 : vector<1x16xf32> to vector<16xf32>
        %get3A_532 = arith.index_cast %scan3A_206 : i32 to index
        %get3A_533 = arith.constant 272 : index
        %get3A_534 = tpu.vector_load %arg12[%get3A_532, %get3A_533] {strides = array<i32>} : memref<16x768xf32, #tpu.memory_space<vmem>>, vector<1x16xf32>,
        %get3A_535 = vector.shape_cast %get3A_534 : vector<1x16xf32> to vector<16xf32>
        %add3A_536 = arith.addf %get3A_531, %get3A_535 : vector<16xf32>
        %get3A_537 = arith.index_cast %scan3A_206 : i32 to index
        %get3A_538 = arith.constant 272 : index
        %get3A_539 = tpu.vector_load %arg13[%get3A_537, %get3A_538] {strides = array<i32>} : memref<16x768xf32, #tpu.memory_space<vmem>>, vector<1x16xf32>,
        %get3A_540 = vector.shape_cast %get3A_539 : vector<1x16xf32> to vector<16xf32>
        %add3A_541 = arith.addf %add3A_536, %get3A_540 : vector<16xf32>
        %swap3A_542 = arith.index_cast %scan3A_206 : i32 to index
        %swap3A_543 = arith.constant 272 : index
        %swap3A_544 = tpu.vector_load %arg10[%swap3A_542, %swap3A_543] {strides = array<i32>} : memref<16x768xf32, #tpu.memory_space<vmem>>, vector<1x16xf32>,
        %swap3A_545 = vector.shape_cast %swap3A_544 : vector<1x16xf32> to vector<16xf32>
        %swap3A_546 = vector.shape_cast %add3A_541 : vector<16xf32> to vector<1x16xf32>
        tpu.vector_store %arg10[%swap3A_542, %swap3A_543], %swap3A_546 {add = true, strides = array<i32>} : memref<16x768xf32, #tpu.memory_space<vmem>>, vector<1x16xf32>,
        %get3A_547 = arith.index_cast %scan3A_206 : i32 to index
        %get3A_548 = arith.constant 288 : index
        %get3A_549 = tpu.vector_load %arg11[%get3A_547, %get3A_548] {strides = array<i32>} : memref<16x768xf32, #tpu.memory_space<vmem>>, vector<1x16xf32>,
        %get3A_550 = vector.shape_cast %get3A_549 : vector<1x16xf32> to vector<16xf32>
        %get3A_551 = arith.index_cast %scan3A_206 : i32 to index
        %get3A_552 = arith.constant 288 : index
        %get3A_553 = tpu.vector_load %arg12[%get3A_551, %get3A_552] {strides = array<i32>} : memref<16x768xf32, #tpu.memory_space<vmem>>, vector<1x16xf32>,
        %get3A_554 = vector.shape_cast %get3A_553 : vector<1x16xf32> to vector<16xf32>
        %add3A_555 = arith.addf %get3A_550, %get3A_554 : vector<16xf32>
        %get3A_556 = arith.index_cast %scan3A_206 : i32 to index
        %get3A_557 = arith.constant 288 : index
        %get3A_558 = tpu.vector_load %arg13[%get3A_556, %get3A_557] {strides = array<i32>} : memref<16x768xf32, #tpu.memory_space<vmem>>, vector<1x16xf32>,
        %get3A_559 = vector.shape_cast %get3A_558 : vector<1x16xf32> to vector<16xf32>
        %add3A_560 = arith.addf %add3A_555, %get3A_559 : vector<16xf32>
        %swap3A_561 = arith.index_cast %scan3A_206 : i32 to index
        %swap3A_562 = arith.constant 288 : index
        %swap3A_563 = tpu.vector_load %arg10[%swap3A_561, %swap3A_562] {strides = array<i32>} : memref<16x768xf32, #tpu.memory_space<vmem>>, vector<1x16xf32>,
        %swap3A_564 = vector.shape_cast %swap3A_563 : vector<1x16xf32> to vector<16xf32>
        %swap3A_565 = vector.shape_cast %add3A_560 : vector<16xf32> to vector<1x16xf32>
        tpu.vector_store %arg10[%swap3A_561, %swap3A_562], %swap3A_565 {add = true, strides = array<i32>} : memref<16x768xf32, #tpu.memory_space<vmem>>, vector<1x16xf32>,
        %get3A_566 = arith.index_cast %scan3A_206 : i32 to index
        %get3A_567 = arith.constant 304 : index
        %get3A_568 = tpu.vector_load %arg11[%get3A_566, %get3A_567] {strides = array<i32>} : memref<16x768xf32, #tpu.memory_space<vmem>>, vector<1x16xf32>,
        %get3A_569 = vector.shape_cast %get3A_568 : vector<1x16xf32> to vector<16xf32>
        %get3A_570 = arith.index_cast %scan3A_206 : i32 to index
        %get3A_571 = arith.constant 304 : index
        %get3A_572 = tpu.vector_load %arg12[%get3A_570, %get3A_571] {strides = array<i32>} : memref<16x768xf32, #tpu.memory_space<vmem>>, vector<1x16xf32>,
        %get3A_573 = vector.shape_cast %get3A_572 : vector<1x16xf32> to vector<16xf32>
        %add3A_574 = arith.addf %get3A_569, %get3A_573 : vector<16xf32>
        %get3A_575 = arith.index_cast %scan3A_206 : i32 to index
        %get3A_576 = arith.constant 304 : index
        %get3A_577 = tpu.vector_load %arg13[%get3A_575, %get3A_576] {strides = array<i32>} : memref<16x768xf32, #tpu.memory_space<vmem>>, vector<1x16xf32>,
        %get3A_578 = vector.shape_cast %get3A_577 : vector<1x16xf32> to vector<16xf32>
        %add3A_579 = arith.addf %add3A_574, %get3A_578 : vector<16xf32>
        %swap3A_580 = arith.index_cast %scan3A_206 : i32 to index
        %swap3A_581 = arith.constant 304 : index
        %swap3A_582 = tpu.vector_load %arg10[%swap3A_580, %swap3A_581] {strides = array<i32>} : memref<16x768xf32, #tpu.memory_space<vmem>>, vector<1x16xf32>,
        %swap3A_583 = vector.shape_cast %swap3A_582 : vector<1x16xf32> to vector<16xf32>
        %swap3A_584 = vector.shape_cast %add3A_579 : vector<16xf32> to vector<1x16xf32>
        tpu.vector_store %arg10[%swap3A_580, %swap3A_581], %swap3A_584 {add = true, strides = array<i32>} : memref<16x768xf32, #tpu.memory_space<vmem>>, vector<1x16xf32>,
        %get3A_585 = arith.index_cast %scan3A_206 : i32 to index
        %get3A_586 = arith.constant 320 : index
        %get3A_587 = tpu.vector_load %arg11[%get3A_585, %get3A_586] {strides = array<i32>} : memref<16x768xf32, #tpu.memory_space<vmem>>, vector<1x16xf32>,
        %get3A_588 = vector.shape_cast %get3A_587 : vector<1x16xf32> to vector<16xf32>
        %get3A_589 = arith.index_cast %scan3A_206 : i32 to index
        %get3A_590 = arith.constant 320 : index
        %get3A_591 = tpu.vector_load %arg12[%get3A_589, %get3A_590] {strides = array<i32>} : memref<16x768xf32, #tpu.memory_space<vmem>>, vector<1x16xf32>,
        %get3A_592 = vector.shape_cast %get3A_591 : vector<1x16xf32> to vector<16xf32>
        %add3A_593 = arith.addf %get3A_588, %get3A_592 : vector<16xf32>
        %get3A_594 = arith.index_cast %scan3A_206 : i32 to index
        %get3A_595 = arith.constant 320 : index
        %get3A_596 = tpu.vector_load %arg13[%get3A_594, %get3A_595] {strides = array<i32>} : memref<16x768xf32, #tpu.memory_space<vmem>>, vector<1x16xf32>,
        %get3A_597 = vector.shape_cast %get3A_596 : vector<1x16xf32> to vector<16xf32>
        %add3A_598 = arith.addf %add3A_593, %get3A_597 : vector<16xf32>
        %swap3A_599 = arith.index_cast %scan3A_206 : i32 to index
        %swap3A_600 = arith.constant 320 : index
        %swap3A_601 = tpu.vector_load %arg10[%swap3A_599, %swap3A_600] {strides = array<i32>} : memref<16x768xf32, #tpu.memory_space<vmem>>, vector<1x16xf32>,
        %swap3A_602 = vector.shape_cast %swap3A_601 : vector<1x16xf32> to vector<16xf32>
        %swap3A_603 = vector.shape_cast %add3A_598 : vector<16xf32> to vector<1x16xf32>
        tpu.vector_store %arg10[%swap3A_599, %swap3A_600], %swap3A_603 {add = true, strides = array<i32>} : memref<16x768xf32, #tpu.memory_space<vmem>>, vector<1x16xf32>,
        %get3A_604 = arith.index_cast %scan3A_206 : i32 to index
        %get3A_605 = arith.constant 336 : index
        %get3A_606 = tpu.vector_load %arg11[%get3A_604, %get3A_605] {strides = array<i32>} : memref<16x768xf32, #tpu.memory_space<vmem>>, vector<1x16xf32>,
        %get3A_607 = vector.shape_cast %get3A_606 : vector<1x16xf32> to vector<16xf32>
        %get3A_608 = arith.index_cast %scan3A_206 : i32 to index
        %get3A_609 = arith.constant 336 : index
        %get3A_610 = tpu.vector_load %arg12[%get3A_608, %get3A_609] {strides = array<i32>} : memref<16x768xf32, #tpu.memory_space<vmem>>, vector<1x16xf32>,
        %get3A_611 = vector.shape_cast %get3A_610 : vector<1x16xf32> to vector<16xf32>
        %add3A_612 = arith.addf %get3A_607, %get3A_611 : vector<16xf32>
        %get3A_613 = arith.index_cast %scan3A_206 : i32 to index
        %get3A_614 = arith.constant 336 : index
        %get3A_615 = tpu.vector_load %arg13[%get3A_613, %get3A_614] {strides = array<i32>} : memref<16x768xf32, #tpu.memory_space<vmem>>, vector<1x16xf32>,
        %get3A_616 = vector.shape_cast %get3A_615 : vector<1x16xf32> to vector<16xf32>
        %add3A_617 = arith.addf %add3A_612, %get3A_616 : vector<16xf32>
        %swap3A_618 = arith.index_cast %scan3A_206 : i32 to index
        %swap3A_619 = arith.constant 336 : index
        %swap3A_620 = tpu.vector_load %arg10[%swap3A_618, %swap3A_619] {strides = array<i32>} : memref<16x768xf32, #tpu.memory_space<vmem>>, vector<1x16xf32>,
        %swap3A_621 = vector.shape_cast %swap3A_620 : vector<1x16xf32> to vector<16xf32>
        %swap3A_622 = vector.shape_cast %add3A_617 : vector<16xf32> to vector<1x16xf32>
        tpu.vector_store %arg10[%swap3A_618, %swap3A_619], %swap3A_622 {add = true, strides = array<i32>} : memref<16x768xf32, #tpu.memory_space<vmem>>, vector<1x16xf32>,
        %get3A_623 = arith.index_cast %scan3A_206 : i32 to index
        %get3A_624 = arith.constant 352 : index
        %get3A_625 = tpu.vector_load %arg11[%get3A_623, %get3A_624] {strides = array<i32>} : memref<16x768xf32, #tpu.memory_space<vmem>>, vector<1x16xf32>,
        %get3A_626 = vector.shape_cast %get3A_625 : vector<1x16xf32> to vector<16xf32>
        %get3A_627 = arith.index_cast %scan3A_206 : i32 to index
        %get3A_628 = arith.constant 352 : index
        %get3A_629 = tpu.vector_load %arg12[%get3A_627, %get3A_628] {strides = array<i32>} : memref<16x768xf32, #tpu.memory_space<vmem>>, vector<1x16xf32>,
        %get3A_630 = vector.shape_cast %get3A_629 : vector<1x16xf32> to vector<16xf32>
        %add3A_631 = arith.addf %get3A_626, %get3A_630 : vector<16xf32>
        %get3A_632 = arith.index_cast %scan3A_206 : i32 to index
        %get3A_633 = arith.constant 352 : index
        %get3A_634 = tpu.vector_load %arg13[%get3A_632, %get3A_633] {strides = array<i32>} : memref<16x768xf32, #tpu.memory_space<vmem>>, vector<1x16xf32>,
        %get3A_635 = vector.shape_cast %get3A_634 : vector<1x16xf32> to vector<16xf32>
        %add3A_636 = arith.addf %add3A_631, %get3A_635 : vector<16xf32>
        %swap3A_637 = arith.index_cast %scan3A_206 : i32 to index
        %swap3A_638 = arith.constant 352 : index
        %swap3A_639 = tpu.vector_load %arg10[%swap3A_637, %swap3A_638] {strides = array<i32>} : memref<16x768xf32, #tpu.memory_space<vmem>>, vector<1x16xf32>,
        %swap3A_640 = vector.shape_cast %swap3A_639 : vector<1x16xf32> to vector<16xf32>
        %swap3A_641 = vector.shape_cast %add3A_636 : vector<16xf32> to vector<1x16xf32>
        tpu.vector_store %arg10[%swap3A_637, %swap3A_638], %swap3A_641 {add = true, strides = array<i32>} : memref<16x768xf32, #tpu.memory_space<vmem>>, vector<1x16xf32>,
        %get3A_642 = arith.index_cast %scan3A_206 : i32 to index
        %get3A_643 = arith.constant 368 : index
        %get3A_644 = tpu.vector_load %arg11[%get3A_642, %get3A_643] {strides = array<i32>} : memref<16x768xf32, #tpu.memory_space<vmem>>, vector<1x16xf32>,
        %get3A_645 = vector.shape_cast %get3A_644 : vector<1x16xf32> to vector<16xf32>
        %get3A_646 = arith.index_cast %scan3A_206 : i32 to index
        %get3A_647 = arith.constant 368 : index
        %get3A_648 = tpu.vector_load %arg12[%get3A_646, %get3A_647] {strides = array<i32>} : memref<16x768xf32, #tpu.memory_space<vmem>>, vector<1x16xf32>,
        %get3A_649 = vector.shape_cast %get3A_648 : vector<1x16xf32> to vector<16xf32>
        %add3A_650 = arith.addf %get3A_645, %get3A_649 : vector<16xf32>
        %get3A_651 = arith.index_cast %scan3A_206 : i32 to index
        %get3A_652 = arith.constant 368 : index
        %get3A_653 = tpu.vector_load %arg13[%get3A_651, %get3A_652] {strides = array<i32>} : memref<16x768xf32, #tpu.memory_space<vmem>>, vector<1x16xf32>,
        %get3A_654 = vector.shape_cast %get3A_653 : vector<1x16xf32> to vector<16xf32>
        %add3A_655 = arith.addf %add3A_650, %get3A_654 : vector<16xf32>
        %swap3A_656 = arith.index_cast %scan3A_206 : i32 to index
        %swap3A_657 = arith.constant 368 : index
        %swap3A_658 = tpu.vector_load %arg10[%swap3A_656, %swap3A_657] {strides = array<i32>} : memref<16x768xf32, #tpu.memory_space<vmem>>, vector<1x16xf32>,
        %swap3A_659 = vector.shape_cast %swap3A_658 : vector<1x16xf32> to vector<16xf32>
        %swap3A_660 = vector.shape_cast %add3A_655 : vector<16xf32> to vector<1x16xf32>
        tpu.vector_store %arg10[%swap3A_656, %swap3A_657], %swap3A_660 {add = true, strides = array<i32>} : memref<16x768xf32, #tpu.memory_space<vmem>>, vector<1x16xf32>,
        %get3A_661 = arith.index_cast %scan3A_206 : i32 to index
        %get3A_662 = arith.constant 384 : index
        %get3A_663 = tpu.vector_load %arg11[%get3A_661, %get3A_662] {strides = array<i32>} : memref<16x768xf32, #tpu.memory_space<vmem>>, vector<1x16xf32>,
        %get3A_664 = vector.shape_cast %get3A_663 : vector<1x16xf32> to vector<16xf32>
        %get3A_665 = arith.index_cast %scan3A_206 : i32 to index
        %get3A_666 = arith.constant 384 : index
        %get3A_667 = tpu.vector_load %arg12[%get3A_665, %get3A_666] {strides = array<i32>} : memref<16x768xf32, #tpu.memory_space<vmem>>, vector<1x16xf32>,
        %get3A_668 = vector.shape_cast %get3A_667 : vector<1x16xf32> to vector<16xf32>
        %add3A_669 = arith.addf %get3A_664, %get3A_668 : vector<16xf32>
        %get3A_670 = arith.index_cast %scan3A_206 : i32 to index
        %get3A_671 = arith.constant 384 : index
        %get3A_672 = tpu.vector_load %arg13[%get3A_670, %get3A_671] {strides = array<i32>} : memref<16x768xf32, #tpu.memory_space<vmem>>, vector<1x16xf32>,
        %get3A_673 = vector.shape_cast %get3A_672 : vector<1x16xf32> to vector<16xf32>
        %add3A_674 = arith.addf %add3A_669, %get3A_673 : vector<16xf32>
        %swap3A_675 = arith.index_cast %scan3A_206 : i32 to index
        %swap3A_676 = arith.constant 384 : index
        %swap3A_677 = tpu.vector_load %arg10[%swap3A_675, %swap3A_676] {strides = array<i32>} : memref<16x768xf32, #tpu.memory_space<vmem>>, vector<1x16xf32>,
        %swap3A_678 = vector.shape_cast %swap3A_677 : vector<1x16xf32> to vector<16xf32>
        %swap3A_679 = vector.shape_cast %add3A_674 : vector<16xf32> to vector<1x16xf32>
        tpu.vector_store %arg10[%swap3A_675, %swap3A_676], %swap3A_679 {add = true, strides = array<i32>} : memref<16x768xf32, #tpu.memory_space<vmem>>, vector<1x16xf32>,
        %get3A_680 = arith.index_cast %scan3A_206 : i32 to index
        %get3A_681 = arith.constant 400 : index
        %get3A_682 = tpu.vector_load %arg11[%get3A_680, %get3A_681] {strides = array<i32>} : memref<16x768xf32, #tpu.memory_space<vmem>>, vector<1x16xf32>,
        %get3A_683 = vector.shape_cast %get3A_682 : vector<1x16xf32> to vector<16xf32>
        %get3A_684 = arith.index_cast %scan3A_206 : i32 to index
        %get3A_685 = arith.constant 400 : index
        %get3A_686 = tpu.vector_load %arg12[%get3A_684, %get3A_685] {strides = array<i32>} : memref<16x768xf32, #tpu.memory_space<vmem>>, vector<1x16xf32>,
        %get3A_687 = vector.shape_cast %get3A_686 : vector<1x16xf32> to vector<16xf32>
        %add3A_688 = arith.addf %get3A_683, %get3A_687 : vector<16xf32>
        %get3A_689 = arith.index_cast %scan3A_206 : i32 to index
        %get3A_690 = arith.constant 400 : index
        %get3A_691 = tpu.vector_load %arg13[%get3A_689, %get3A_690] {strides = array<i32>} : memref<16x768xf32, #tpu.memory_space<vmem>>, vector<1x16xf32>,
        %get3A_692 = vector.shape_cast %get3A_691 : vector<1x16xf32> to vector<16xf32>
        %add3A_693 = arith.addf %add3A_688, %get3A_692 : vector<16xf32>
        %swap3A_694 = arith.index_cast %scan3A_206 : i32 to index
        %swap3A_695 = arith.constant 400 : index
        %swap3A_696 = tpu.vector_load %arg10[%swap3A_694, %swap3A_695] {strides = array<i32>} : memref<16x768xf32, #tpu.memory_space<vmem>>, vector<1x16xf32>,
        %swap3A_697 = vector.shape_cast %swap3A_696 : vector<1x16xf32> to vector<16xf32>
        %swap3A_698 = vector.shape_cast %add3A_693 : vector<16xf32> to vector<1x16xf32>
        tpu.vector_store %arg10[%swap3A_694, %swap3A_695], %swap3A_698 {add = true, strides = array<i32>} : memref<16x768xf32, #tpu.memory_space<vmem>>, vector<1x16xf32>,
        %get3A_699 = arith.index_cast %scan3A_206 : i32 to index
        %get3A_700 = arith.constant 416 : index
        %get3A_701 = tpu.vector_load %arg11[%get3A_699, %get3A_700] {strides = array<i32>} : memref<16x768xf32, #tpu.memory_space<vmem>>, vector<1x16xf32>,
        %get3A_702 = vector.shape_cast %get3A_701 : vector<1x16xf32> to vector<16xf32>
        %get3A_703 = arith.index_cast %scan3A_206 : i32 to index
        %get3A_704 = arith.constant 416 : index
        %get3A_705 = tpu.vector_load %arg12[%get3A_703, %get3A_704] {strides = array<i32>} : memref<16x768xf32, #tpu.memory_space<vmem>>, vector<1x16xf32>,
        %get3A_706 = vector.shape_cast %get3A_705 : vector<1x16xf32> to vector<16xf32>
        %add3A_707 = arith.addf %get3A_702, %get3A_706 : vector<16xf32>
        %get3A_708 = arith.index_cast %scan3A_206 : i32 to index
        %get3A_709 = arith.constant 416 : index
        %get3A_710 = tpu.vector_load %arg13[%get3A_708, %get3A_709] {strides = array<i32>} : memref<16x768xf32, #tpu.memory_space<vmem>>, vector<1x16xf32>,
        %get3A_711 = vector.shape_cast %get3A_710 : vector<1x16xf32> to vector<16xf32>
        %add3A_712 = arith.addf %add3A_707, %get3A_711 : vector<16xf32>
        %swap3A_713 = arith.index_cast %scan3A_206 : i32 to index
        %swap3A_714 = arith.constant 416 : index
        %swap3A_715 = tpu.vector_load %arg10[%swap3A_713, %swap3A_714] {strides = array<i32>} : memref<16x768xf32, #tpu.memory_space<vmem>>, vector<1x16xf32>,
        %swap3A_716 = vector.shape_cast %swap3A_715 : vector<1x16xf32> to vector<16xf32>
        %swap3A_717 = vector.shape_cast %add3A_712 : vector<16xf32> to vector<1x16xf32>
        tpu.vector_store %arg10[%swap3A_713, %swap3A_714], %swap3A_717 {add = true, strides = array<i32>} : memref<16x768xf32, #tpu.memory_space<vmem>>, vector<1x16xf32>,
        %get3A_718 = arith.index_cast %scan3A_206 : i32 to index
        %get3A_719 = arith.constant 432 : index
        %get3A_720 = tpu.vector_load %arg11[%get3A_718, %get3A_719] {strides = array<i32>} : memref<16x768xf32, #tpu.memory_space<vmem>>, vector<1x16xf32>,
        %get3A_721 = vector.shape_cast %get3A_720 : vector<1x16xf32> to vector<16xf32>
        %get3A_722 = arith.index_cast %scan3A_206 : i32 to index
        %get3A_723 = arith.constant 432 : index
        %get3A_724 = tpu.vector_load %arg12[%get3A_722, %get3A_723] {strides = array<i32>} : memref<16x768xf32, #tpu.memory_space<vmem>>, vector<1x16xf32>,
        %get3A_725 = vector.shape_cast %get3A_724 : vector<1x16xf32> to vector<16xf32>
        %add3A_726 = arith.addf %get3A_721, %get3A_725 : vector<16xf32>
        %get3A_727 = arith.index_cast %scan3A_206 : i32 to index
        %get3A_728 = arith.constant 432 : index
        %get3A_729 = tpu.vector_load %arg13[%get3A_727, %get3A_728] {strides = array<i32>} : memref<16x768xf32, #tpu.memory_space<vmem>>, vector<1x16xf32>,
        %get3A_730 = vector.shape_cast %get3A_729 : vector<1x16xf32> to vector<16xf32>
        %add3A_731 = arith.addf %add3A_726, %get3A_730 : vector<16xf32>
        %swap3A_732 = arith.index_cast %scan3A_206 : i32 to index
        %swap3A_733 = arith.constant 432 : index
        %swap3A_734 = tpu.vector_load %arg10[%swap3A_732, %swap3A_733] {strides = array<i32>} : memref<16x768xf32, #tpu.memory_space<vmem>>, vector<1x16xf32>,
        %swap3A_735 = vector.shape_cast %swap3A_734 : vector<1x16xf32> to vector<16xf32>
        %swap3A_736 = vector.shape_cast %add3A_731 : vector<16xf32> to vector<1x16xf32>
        tpu.vector_store %arg10[%swap3A_732, %swap3A_733], %swap3A_736 {add = true, strides = array<i32>} : memref<16x768xf32, #tpu.memory_space<vmem>>, vector<1x16xf32>,
        %get3A_737 = arith.index_cast %scan3A_206 : i32 to index
        %get3A_738 = arith.constant 448 : index
        %get3A_739 = tpu.vector_load %arg11[%get3A_737, %get3A_738] {strides = array<i32>} : memref<16x768xf32, #tpu.memory_space<vmem>>, vector<1x16xf32>,
        %get3A_740 = vector.shape_cast %get3A_739 : vector<1x16xf32> to vector<16xf32>
        %get3A_741 = arith.index_cast %scan3A_206 : i32 to index
        %get3A_742 = arith.constant 448 : index
        %get3A_743 = tpu.vector_load %arg12[%get3A_741, %get3A_742] {strides = array<i32>} : memref<16x768xf32, #tpu.memory_space<vmem>>, vector<1x16xf32>,
        %get3A_744 = vector.shape_cast %get3A_743 : vector<1x16xf32> to vector<16xf32>
        %add3A_745 = arith.addf %get3A_740, %get3A_744 : vector<16xf32>
        %get3A_746 = arith.index_cast %scan3A_206 : i32 to index
        %get3A_747 = arith.constant 448 : index
        %get3A_748 = tpu.vector_load %arg13[%get3A_746, %get3A_747] {strides = array<i32>} : memref<16x768xf32, #tpu.memory_space<vmem>>, vector<1x16xf32>,
        %get3A_749 = vector.shape_cast %get3A_748 : vector<1x16xf32> to vector<16xf32>
        %add3A_750 = arith.addf %add3A_745, %get3A_749 : vector<16xf32>
        %swap3A_751 = arith.index_cast %scan3A_206 : i32 to index
        %swap3A_752 = arith.constant 448 : index
        %swap3A_753 = tpu.vector_load %arg10[%swap3A_751, %swap3A_752] {strides = array<i32>} : memref<16x768xf32, #tpu.memory_space<vmem>>, vector<1x16xf32>,
        %swap3A_754 = vector.shape_cast %swap3A_753 : vector<1x16xf32> to vector<16xf32>
        %swap3A_755 = vector.shape_cast %add3A_750 : vector<16xf32> to vector<1x16xf32>
        tpu.vector_store %arg10[%swap3A_751, %swap3A_752], %swap3A_755 {add = true, strides = array<i32>} : memref<16x768xf32, #tpu.memory_space<vmem>>, vector<1x16xf32>,
        %get3A_756 = arith.index_cast %scan3A_206 : i32 to index
        %get3A_757 = arith.constant 464 : index
        %get3A_758 = tpu.vector_load %arg11[%get3A_756, %get3A_757] {strides = array<i32>} : memref<16x768xf32, #tpu.memory_space<vmem>>, vector<1x16xf32>,
        %get3A_759 = vector.shape_cast %get3A_758 : vector<1x16xf32> to vector<16xf32>
        %get3A_760 = arith.index_cast %scan3A_206 : i32 to index
        %get3A_761 = arith.constant 464 : index
        %get3A_762 = tpu.vector_load %arg12[%get3A_760, %get3A_761] {strides = array<i32>} : memref<16x768xf32, #tpu.memory_space<vmem>>, vector<1x16xf32>,
        %get3A_763 = vector.shape_cast %get3A_762 : vector<1x16xf32> to vector<16xf32>
        %add3A_764 = arith.addf %get3A_759, %get3A_763 : vector<16xf32>
        %get3A_765 = arith.index_cast %scan3A_206 : i32 to index
        %get3A_766 = arith.constant 464 : index
        %get3A_767 = tpu.vector_load %arg13[%get3A_765, %get3A_766] {strides = array<i32>} : memref<16x768xf32, #tpu.memory_space<vmem>>, vector<1x16xf32>,
        %get3A_768 = vector.shape_cast %get3A_767 : vector<1x16xf32> to vector<16xf32>
        %add3A_769 = arith.addf %add3A_764, %get3A_768 : vector<16xf32>
        %swap3A_770 = arith.index_cast %scan3A_206 : i32 to index
        %swap3A_771 = arith.constant 464 : index
        %swap3A_772 = tpu.vector_load %arg10[%swap3A_770, %swap3A_771] {strides = array<i32>} : memref<16x768xf32, #tpu.memory_space<vmem>>, vector<1x16xf32>,
        %swap3A_773 = vector.shape_cast %swap3A_772 : vector<1x16xf32> to vector<16xf32>
        %swap3A_774 = vector.shape_cast %add3A_769 : vector<16xf32> to vector<1x16xf32>
        tpu.vector_store %arg10[%swap3A_770, %swap3A_771], %swap3A_774 {add = true, strides = array<i32>} : memref<16x768xf32, #tpu.memory_space<vmem>>, vector<1x16xf32>,
        %get3A_775 = arith.index_cast %scan3A_206 : i32 to index
        %get3A_776 = arith.constant 480 : index
        %get3A_777 = tpu.vector_load %arg11[%get3A_775, %get3A_776] {strides = array<i32>} : memref<16x768xf32, #tpu.memory_space<vmem>>, vector<1x16xf32>,
        %get3A_778 = vector.shape_cast %get3A_777 : vector<1x16xf32> to vector<16xf32>
        %get3A_779 = arith.index_cast %scan3A_206 : i32 to index
        %get3A_780 = arith.constant 480 : index
        %get3A_781 = tpu.vector_load %arg12[%get3A_779, %get3A_780] {strides = array<i32>} : memref<16x768xf32, #tpu.memory_space<vmem>>, vector<1x16xf32>,
        %get3A_782 = vector.shape_cast %get3A_781 : vector<1x16xf32> to vector<16xf32>
        %add3A_783 = arith.addf %get3A_778, %get3A_782 : vector<16xf32>
        %get3A_784 = arith.index_cast %scan3A_206 : i32 to index
        %get3A_785 = arith.constant 480 : index
        %get3A_786 = tpu.vector_load %arg13[%get3A_784, %get3A_785] {strides = array<i32>} : memref<16x768xf32, #tpu.memory_space<vmem>>, vector<1x16xf32>,
        %get3A_787 = vector.shape_cast %get3A_786 : vector<1x16xf32> to vector<16xf32>
        %add3A_788 = arith.addf %add3A_783, %get3A_787 : vector<16xf32>
        %swap3A_789 = arith.index_cast %scan3A_206 : i32 to index
        %swap3A_790 = arith.constant 480 : index
        %swap3A_791 = tpu.vector_load %arg10[%swap3A_789, %swap3A_790] {strides = array<i32>} : memref<16x768xf32, #tpu.memory_space<vmem>>, vector<1x16xf32>,
        %swap3A_792 = vector.shape_cast %swap3A_791 : vector<1x16xf32> to vector<16xf32>
        %swap3A_793 = vector.shape_cast %add3A_788 : vector<16xf32> to vector<1x16xf32>
        tpu.vector_store %arg10[%swap3A_789, %swap3A_790], %swap3A_793 {add = true, strides = array<i32>} : memref<16x768xf32, #tpu.memory_space<vmem>>, vector<1x16xf32>,
        %get3A_794 = arith.index_cast %scan3A_206 : i32 to index
        %get3A_795 = arith.constant 496 : index
        %get3A_796 = tpu.vector_load %arg11[%get3A_794, %get3A_795] {strides = array<i32>} : memref<16x768xf32, #tpu.memory_space<vmem>>, vector<1x16xf32>,
        %get3A_797 = vector.shape_cast %get3A_796 : vector<1x16xf32> to vector<16xf32>
        %get3A_798 = arith.index_cast %scan3A_206 : i32 to index
        %get3A_799 = arith.constant 496 : index
        %get3A_800 = tpu.vector_load %arg12[%get3A_798, %get3A_799] {strides = array<i32>} : memref<16x768xf32, #tpu.memory_space<vmem>>, vector<1x16xf32>,
        %get3A_801 = vector.shape_cast %get3A_800 : vector<1x16xf32> to vector<16xf32>
        %add3A_802 = arith.addf %get3A_797, %get3A_801 : vector<16xf32>
        %get3A_803 = arith.index_cast %scan3A_206 : i32 to index
        %get3A_804 = arith.constant 496 : index
        %get3A_805 = tpu.vector_load %arg13[%get3A_803, %get3A_804] {strides = array<i32>} : memref<16x768xf32, #tpu.memory_space<vmem>>, vector<1x16xf32>,
        %get3A_806 = vector.shape_cast %get3A_805 : vector<1x16xf32> to vector<16xf32>
        %add3A_807 = arith.addf %add3A_802, %get3A_806 : vector<16xf32>
        %swap3A_808 = arith.index_cast %scan3A_206 : i32 to index
        %swap3A_809 = arith.constant 496 : index
        %swap3A_810 = tpu.vector_load %arg10[%swap3A_808, %swap3A_809] {strides = array<i32>} : memref<16x768xf32, #tpu.memory_space<vmem>>, vector<1x16xf32>,
        %swap3A_811 = vector.shape_cast %swap3A_810 : vector<1x16xf32> to vector<16xf32>
        %swap3A_812 = vector.shape_cast %add3A_807 : vector<16xf32> to vector<1x16xf32>
        tpu.vector_store %arg10[%swap3A_808, %swap3A_809], %swap3A_812 {add = true, strides = array<i32>} : memref<16x768xf32, #tpu.memory_space<vmem>>, vector<1x16xf32>,
        %get3A_813 = arith.index_cast %scan3A_206 : i32 to index
        %get3A_814 = arith.constant 512 : index
        %get3A_815 = tpu.vector_load %arg11[%get3A_813, %get3A_814] {strides = array<i32>} : memref<16x768xf32, #tpu.memory_space<vmem>>, vector<1x16xf32>,
        %get3A_816 = vector.shape_cast %get3A_815 : vector<1x16xf32> to vector<16xf32>
        %get3A_817 = arith.index_cast %scan3A_206 : i32 to index
        %get3A_818 = arith.constant 512 : index
        %get3A_819 = tpu.vector_load %arg12[%get3A_817, %get3A_818] {strides = array<i32>} : memref<16x768xf32, #tpu.memory_space<vmem>>, vector<1x16xf32>,
        %get3A_820 = vector.shape_cast %get3A_819 : vector<1x16xf32> to vector<16xf32>
        %add3A_821 = arith.addf %get3A_816, %get3A_820 : vector<16xf32>
        %get3A_822 = arith.index_cast %scan3A_206 : i32 to index
        %get3A_823 = arith.constant 512 : index
        %get3A_824 = tpu.vector_load %arg13[%get3A_822, %get3A_823] {strides = array<i32>} : memref<16x768xf32, #tpu.memory_space<vmem>>, vector<1x16xf32>,
        %get3A_825 = vector.shape_cast %get3A_824 : vector<1x16xf32> to vector<16xf32>
        %add3A_826 = arith.addf %add3A_821, %get3A_825 : vector<16xf32>
        %swap3A_827 = arith.index_cast %scan3A_206 : i32 to index
        %swap3A_828 = arith.constant 512 : index
        %swap3A_829 = tpu.vector_load %arg10[%swap3A_827, %swap3A_828] {strides = array<i32>} : memref<16x768xf32, #tpu.memory_space<vmem>>, vector<1x16xf32>,
        %swap3A_830 = vector.shape_cast %swap3A_829 : vector<1x16xf32> to vector<16xf32>
        %swap3A_831 = vector.shape_cast %add3A_826 : vector<16xf32> to vector<1x16xf32>
        tpu.vector_store %arg10[%swap3A_827, %swap3A_828], %swap3A_831 {add = true, strides = array<i32>} : memref<16x768xf32, #tpu.memory_space<vmem>>, vector<1x16xf32>,
        %get3A_832 = arith.index_cast %scan3A_206 : i32 to index
        %get3A_833 = arith.constant 528 : index
        %get3A_834 = tpu.vector_load %arg11[%get3A_832, %get3A_833] {strides = array<i32>} : memref<16x768xf32, #tpu.memory_space<vmem>>, vector<1x16xf32>,
        %get3A_835 = vector.shape_cast %get3A_834 : vector<1x16xf32> to vector<16xf32>
        %get3A_836 = arith.index_cast %scan3A_206 : i32 to index
        %get3A_837 = arith.constant 528 : index
        %get3A_838 = tpu.vector_load %arg12[%get3A_836, %get3A_837] {strides = array<i32>} : memref<16x768xf32, #tpu.memory_space<vmem>>, vector<1x16xf32>,
        %get3A_839 = vector.shape_cast %get3A_838 : vector<1x16xf32> to vector<16xf32>
        %add3A_840 = arith.addf %get3A_835, %get3A_839 : vector<16xf32>
        %get3A_841 = arith.index_cast %scan3A_206 : i32 to index
        %get3A_842 = arith.constant 528 : index
        %get3A_843 = tpu.vector_load %arg13[%get3A_841, %get3A_842] {strides = array<i32>} : memref<16x768xf32, #tpu.memory_space<vmem>>, vector<1x16xf32>,
        %get3A_844 = vector.shape_cast %get3A_843 : vector<1x16xf32> to vector<16xf32>
        %add3A_845 = arith.addf %add3A_840, %get3A_844 : vector<16xf32>
        %swap3A_846 = arith.index_cast %scan3A_206 : i32 to index
        %swap3A_847 = arith.constant 528 : index
        %swap3A_848 = tpu.vector_load %arg10[%swap3A_846, %swap3A_847] {strides = array<i32>} : memref<16x768xf32, #tpu.memory_space<vmem>>, vector<1x16xf32>,
        %swap3A_849 = vector.shape_cast %swap3A_848 : vector<1x16xf32> to vector<16xf32>
        %swap3A_850 = vector.shape_cast %add3A_845 : vector<16xf32> to vector<1x16xf32>
        tpu.vector_store %arg10[%swap3A_846, %swap3A_847], %swap3A_850 {add = true, strides = array<i32>} : memref<16x768xf32, #tpu.memory_space<vmem>>, vector<1x16xf32>,
        %get3A_851 = arith.index_cast %scan3A_206 : i32 to index
        %get3A_852 = arith.constant 544 : index
        %get3A_853 = tpu.vector_load %arg11[%get3A_851, %get3A_852] {strides = array<i32>} : memref<16x768xf32, #tpu.memory_space<vmem>>, vector<1x16xf32>,
        %get3A_854 = vector.shape_cast %get3A_853 : vector<1x16xf32> to vector<16xf32>
        %get3A_855 = arith.index_cast %scan3A_206 : i32 to index
        %get3A_856 = arith.constant 544 : index
        %get3A_857 = tpu.vector_load %arg12[%get3A_855, %get3A_856] {strides = array<i32>} : memref<16x768xf32, #tpu.memory_space<vmem>>, vector<1x16xf32>,
        %get3A_858 = vector.shape_cast %get3A_857 : vector<1x16xf32> to vector<16xf32>
        %add3A_859 = arith.addf %get3A_854, %get3A_858 : vector<16xf32>
        %get3A_860 = arith.index_cast %scan3A_206 : i32 to index
        %get3A_861 = arith.constant 544 : index
        %get3A_862 = tpu.vector_load %arg13[%get3A_860, %get3A_861] {strides = array<i32>} : memref<16x768xf32, #tpu.memory_space<vmem>>, vector<1x16xf32>,
        %get3A_863 = vector.shape_cast %get3A_862 : vector<1x16xf32> to vector<16xf32>
        %add3A_864 = arith.addf %add3A_859, %get3A_863 : vector<16xf32>
        %swap3A_865 = arith.index_cast %scan3A_206 : i32 to index
        %swap3A_866 = arith.constant 544 : index
        %swap3A_867 = tpu.vector_load %arg10[%swap3A_865, %swap3A_866] {strides = array<i32>} : memref<16x768xf32, #tpu.memory_space<vmem>>, vector<1x16xf32>,
        %swap3A_868 = vector.shape_cast %swap3A_867 : vector<1x16xf32> to vector<16xf32>
        %swap3A_869 = vector.shape_cast %add3A_864 : vector<16xf32> to vector<1x16xf32>
        tpu.vector_store %arg10[%swap3A_865, %swap3A_866], %swap3A_869 {add = true, strides = array<i32>} : memref<16x768xf32, #tpu.memory_space<vmem>>, vector<1x16xf32>,
        %get3A_870 = arith.index_cast %scan3A_206 : i32 to index
        %get3A_871 = arith.constant 560 : index
        %get3A_872 = tpu.vector_load %arg11[%get3A_870, %get3A_871] {strides = array<i32>} : memref<16x768xf32, #tpu.memory_space<vmem>>, vector<1x16xf32>,
        %get3A_873 = vector.shape_cast %get3A_872 : vector<1x16xf32> to vector<16xf32>
        %get3A_874 = arith.index_cast %scan3A_206 : i32 to index
        %get3A_875 = arith.constant 560 : index
        %get3A_876 = tpu.vector_load %arg12[%get3A_874, %get3A_875] {strides = array<i32>} : memref<16x768xf32, #tpu.memory_space<vmem>>, vector<1x16xf32>,
        %get3A_877 = vector.shape_cast %get3A_876 : vector<1x16xf32> to vector<16xf32>
        %add3A_878 = arith.addf %get3A_873, %get3A_877 : vector<16xf32>
        %get3A_879 = arith.index_cast %scan3A_206 : i32 to index
        %get3A_880 = arith.constant 560 : index
        %get3A_881 = tpu.vector_load %arg13[%get3A_879, %get3A_880] {strides = array<i32>} : memref<16x768xf32, #tpu.memory_space<vmem>>, vector<1x16xf32>,
        %get3A_882 = vector.shape_cast %get3A_881 : vector<1x16xf32> to vector<16xf32>
        %add3A_883 = arith.addf %add3A_878, %get3A_882 : vector<16xf32>
        %swap3A_884 = arith.index_cast %scan3A_206 : i32 to index
        %swap3A_885 = arith.constant 560 : index
        %swap3A_886 = tpu.vector_load %arg10[%swap3A_884, %swap3A_885] {strides = array<i32>} : memref<16x768xf32, #tpu.memory_space<vmem>>, vector<1x16xf32>,
        %swap3A_887 = vector.shape_cast %swap3A_886 : vector<1x16xf32> to vector<16xf32>
        %swap3A_888 = vector.shape_cast %add3A_883 : vector<16xf32> to vector<1x16xf32>
        tpu.vector_store %arg10[%swap3A_884, %swap3A_885], %swap3A_888 {add = true, strides = array<i32>} : memref<16x768xf32, #tpu.memory_space<vmem>>, vector<1x16xf32>,
        %get3A_889 = arith.index_cast %scan3A_206 : i32 to index
        %get3A_890 = arith.constant 576 : index
        %get3A_891 = tpu.vector_load %arg11[%get3A_889, %get3A_890] {strides = array<i32>} : memref<16x768xf32, #tpu.memory_space<vmem>>, vector<1x16xf32>,
        %get3A_892 = vector.shape_cast %get3A_891 : vector<1x16xf32> to vector<16xf32>
        %get3A_893 = arith.index_cast %scan3A_206 : i32 to index
        %get3A_894 = arith.constant 576 : index
        %get3A_895 = tpu.vector_load %arg12[%get3A_893, %get3A_894] {strides = array<i32>} : memref<16x768xf32, #tpu.memory_space<vmem>>, vector<1x16xf32>,
        %get3A_896 = vector.shape_cast %get3A_895 : vector<1x16xf32> to vector<16xf32>
        %add3A_897 = arith.addf %get3A_892, %get3A_896 : vector<16xf32>
        %get3A_898 = arith.index_cast %scan3A_206 : i32 to index
        %get3A_899 = arith.constant 576 : index
        %get3A_900 = tpu.vector_load %arg13[%get3A_898, %get3A_899] {strides = array<i32>} : memref<16x768xf32, #tpu.memory_space<vmem>>, vector<1x16xf32>,
        %get3A_901 = vector.shape_cast %get3A_900 : vector<1x16xf32> to vector<16xf32>
        %add3A_902 = arith.addf %add3A_897, %get3A_901 : vector<16xf32>
        %swap3A_903 = arith.index_cast %scan3A_206 : i32 to index
        %swap3A_904 = arith.constant 576 : index
        %swap3A_905 = tpu.vector_load %arg10[%swap3A_903, %swap3A_904] {strides = array<i32>} : memref<16x768xf32, #tpu.memory_space<vmem>>, vector<1x16xf32>,
        %swap3A_906 = vector.shape_cast %swap3A_905 : vector<1x16xf32> to vector<16xf32>
        %swap3A_907 = vector.shape_cast %add3A_902 : vector<16xf32> to vector<1x16xf32>
        tpu.vector_store %arg10[%swap3A_903, %swap3A_904], %swap3A_907 {add = true, strides = array<i32>} : memref<16x768xf32, #tpu.memory_space<vmem>>, vector<1x16xf32>,
        %get3A_908 = arith.index_cast %scan3A_206 : i32 to index
        %get3A_909 = arith.constant 592 : index
        %get3A_910 = tpu.vector_load %arg11[%get3A_908, %get3A_909] {strides = array<i32>} : memref<16x768xf32, #tpu.memory_space<vmem>>, vector<1x16xf32>,
        %get3A_911 = vector.shape_cast %get3A_910 : vector<1x16xf32> to vector<16xf32>
        %get3A_912 = arith.index_cast %scan3A_206 : i32 to index
        %get3A_913 = arith.constant 592 : index
        %get3A_914 = tpu.vector_load %arg12[%get3A_912, %get3A_913] {strides = array<i32>} : memref<16x768xf32, #tpu.memory_space<vmem>>, vector<1x16xf32>,
        %get3A_915 = vector.shape_cast %get3A_914 : vector<1x16xf32> to vector<16xf32>
        %add3A_916 = arith.addf %get3A_911, %get3A_915 : vector<16xf32>
        %get3A_917 = arith.index_cast %scan3A_206 : i32 to index
        %get3A_918 = arith.constant 592 : index
        %get3A_919 = tpu.vector_load %arg13[%get3A_917, %get3A_918] {strides = array<i32>} : memref<16x768xf32, #tpu.memory_space<vmem>>, vector<1x16xf32>,
        %get3A_920 = vector.shape_cast %get3A_919 : vector<1x16xf32> to vector<16xf32>
        %add3A_921 = arith.addf %add3A_916, %get3A_920 : vector<16xf32>
        %swap3A_922 = arith.index_cast %scan3A_206 : i32 to index
        %swap3A_923 = arith.constant 592 : index
        %swap3A_924 = tpu.vector_load %arg10[%swap3A_922, %swap3A_923] {strides = array<i32>} : memref<16x768xf32, #tpu.memory_space<vmem>>, vector<1x16xf32>,
        %swap3A_925 = vector.shape_cast %swap3A_924 : vector<1x16xf32> to vector<16xf32>
        %swap3A_926 = vector.shape_cast %add3A_921 : vector<16xf32> to vector<1x16xf32>
        tpu.vector_store %arg10[%swap3A_922, %swap3A_923], %swap3A_926 {add = true, strides = array<i32>} : memref<16x768xf32, #tpu.memory_space<vmem>>, vector<1x16xf32>,
        %get3A_927 = arith.index_cast %scan3A_206 : i32 to index
        %get3A_928 = arith.constant 608 : index
        %get3A_929 = tpu.vector_load %arg11[%get3A_927, %get3A_928] {strides = array<i32>} : memref<16x768xf32, #tpu.memory_space<vmem>>, vector<1x16xf32>,
        %get3A_930 = vector.shape_cast %get3A_929 : vector<1x16xf32> to vector<16xf32>
        %get3A_931 = arith.index_cast %scan3A_206 : i32 to index
        %get3A_932 = arith.constant 608 : index
        %get3A_933 = tpu.vector_load %arg12[%get3A_931, %get3A_932] {strides = array<i32>} : memref<16x768xf32, #tpu.memory_space<vmem>>, vector<1x16xf32>,
        %get3A_934 = vector.shape_cast %get3A_933 : vector<1x16xf32> to vector<16xf32>
        %add3A_935 = arith.addf %get3A_930, %get3A_934 : vector<16xf32>
        %get3A_936 = arith.index_cast %scan3A_206 : i32 to index
        %get3A_937 = arith.constant 608 : index
        %get3A_938 = tpu.vector_load %arg13[%get3A_936, %get3A_937] {strides = array<i32>} : memref<16x768xf32, #tpu.memory_space<vmem>>, vector<1x16xf32>,
        %get3A_939 = vector.shape_cast %get3A_938 : vector<1x16xf32> to vector<16xf32>
        %add3A_940 = arith.addf %add3A_935, %get3A_939 : vector<16xf32>
        %swap3A_941 = arith.index_cast %scan3A_206 : i32 to index
        %swap3A_942 = arith.constant 608 : index
        %swap3A_943 = tpu.vector_load %arg10[%swap3A_941, %swap3A_942] {strides = array<i32>} : memref<16x768xf32, #tpu.memory_space<vmem>>, vector<1x16xf32>,
        %swap3A_944 = vector.shape_cast %swap3A_943 : vector<1x16xf32> to vector<16xf32>
        %swap3A_945 = vector.shape_cast %add3A_940 : vector<16xf32> to vector<1x16xf32>
        tpu.vector_store %arg10[%swap3A_941, %swap3A_942], %swap3A_945 {add = true, strides = array<i32>} : memref<16x768xf32, #tpu.memory_space<vmem>>, vector<1x16xf32>,
        %get3A_946 = arith.index_cast %scan3A_206 : i32 to index
        %get3A_947 = arith.constant 624 : index
        %get3A_948 = tpu.vector_load %arg11[%get3A_946, %get3A_947] {strides = array<i32>} : memref<16x768xf32, #tpu.memory_space<vmem>>, vector<1x16xf32>,
        %get3A_949 = vector.shape_cast %get3A_948 : vector<1x16xf32> to vector<16xf32>
        %get3A_950 = arith.index_cast %scan3A_206 : i32 to index
        %get3A_951 = arith.constant 624 : index
        %get3A_952 = tpu.vector_load %arg12[%get3A_950, %get3A_951] {strides = array<i32>} : memref<16x768xf32, #tpu.memory_space<vmem>>, vector<1x16xf32>,
        %get3A_953 = vector.shape_cast %get3A_952 : vector<1x16xf32> to vector<16xf32>
        %add3A_954 = arith.addf %get3A_949, %get3A_953 : vector<16xf32>
        %get3A_955 = arith.index_cast %scan3A_206 : i32 to index
        %get3A_956 = arith.constant 624 : index
        %get3A_957 = tpu.vector_load %arg13[%get3A_955, %get3A_956] {strides = array<i32>} : memref<16x768xf32, #tpu.memory_space<vmem>>, vector<1x16xf32>,
        %get3A_958 = vector.shape_cast %get3A_957 : vector<1x16xf32> to vector<16xf32>
        %add3A_959 = arith.addf %add3A_954, %get3A_958 : vector<16xf32>
        %swap3A_960 = arith.index_cast %scan3A_206 : i32 to index
        %swap3A_961 = arith.constant 624 : index
        %swap3A_962 = tpu.vector_load %arg10[%swap3A_960, %swap3A_961] {strides = array<i32>} : memref<16x768xf32, #tpu.memory_space<vmem>>, vector<1x16xf32>,
        %swap3A_963 = vector.shape_cast %swap3A_962 : vector<1x16xf32> to vector<16xf32>
        %swap3A_964 = vector.shape_cast %add3A_959 : vector<16xf32> to vector<1x16xf32>
        tpu.vector_store %arg10[%swap3A_960, %swap3A_961], %swap3A_964 {add = true, strides = array<i32>} : memref<16x768xf32, #tpu.memory_space<vmem>>, vector<1x16xf32>,
        %get3A_965 = arith.index_cast %scan3A_206 : i32 to index
        %get3A_966 = arith.constant 640 : index
        %get3A_967 = tpu.vector_load %arg11[%get3A_965, %get3A_966] {strides = array<i32>} : memref<16x768xf32, #tpu.memory_space<vmem>>, vector<1x16xf32>,
        %get3A_968 = vector.shape_cast %get3A_967 : vector<1x16xf32> to vector<16xf32>
        %get3A_969 = arith.index_cast %scan3A_206 : i32 to index
        %get3A_970 = arith.constant 640 : index
        %get3A_971 = tpu.vector_load %arg12[%get3A_969, %get3A_970] {strides = array<i32>} : memref<16x768xf32, #tpu.memory_space<vmem>>, vector<1x16xf32>,
        %get3A_972 = vector.shape_cast %get3A_971 : vector<1x16xf32> to vector<16xf32>
        %add3A_973 = arith.addf %get3A_968, %get3A_972 : vector<16xf32>
        %get3A_974 = arith.index_cast %scan3A_206 : i32 to index
        %get3A_975 = arith.constant 640 : index
        %get3A_976 = tpu.vector_load %arg13[%get3A_974, %get3A_975] {strides = array<i32>} : memref<16x768xf32, #tpu.memory_space<vmem>>, vector<1x16xf32>,
        %get3A_977 = vector.shape_cast %get3A_976 : vector<1x16xf32> to vector<16xf32>
        %add3A_978 = arith.addf %add3A_973, %get3A_977 : vector<16xf32>
        %swap3A_979 = arith.index_cast %scan3A_206 : i32 to index
        %swap3A_980 = arith.constant 640 : index
        %swap3A_981 = tpu.vector_load %arg10[%swap3A_979, %swap3A_980] {strides = array<i32>} : memref<16x768xf32, #tpu.memory_space<vmem>>, vector<1x16xf32>,
        %swap3A_982 = vector.shape_cast %swap3A_981 : vector<1x16xf32> to vector<16xf32>
        %swap3A_983 = vector.shape_cast %add3A_978 : vector<16xf32> to vector<1x16xf32>
        tpu.vector_store %arg10[%swap3A_979, %swap3A_980], %swap3A_983 {add = true, strides = array<i32>} : memref<16x768xf32, #tpu.memory_space<vmem>>, vector<1x16xf32>,
        %get3A_984 = arith.index_cast %scan3A_206 : i32 to index
        %get3A_985 = arith.constant 656 : index
        %get3A_986 = tpu.vector_load %arg11[%get3A_984, %get3A_985] {strides = array<i32>} : memref<16x768xf32, #tpu.memory_space<vmem>>, vector<1x16xf32>,
        %get3A_987 = vector.shape_cast %get3A_986 : vector<1x16xf32> to vector<16xf32>
        %get3A_988 = arith.index_cast %scan3A_206 : i32 to index
        %get3A_989 = arith.constant 656 : index
        %get3A_990 = tpu.vector_load %arg12[%get3A_988, %get3A_989] {strides = array<i32>} : memref<16x768xf32, #tpu.memory_space<vmem>>, vector<1x16xf32>,
        %get3A_991 = vector.shape_cast %get3A_990 : vector<1x16xf32> to vector<16xf32>
        %add3A_992 = arith.addf %get3A_987, %get3A_991 : vector<16xf32>
        %get3A_993 = arith.index_cast %scan3A_206 : i32 to index
        %get3A_994 = arith.constant 656 : index
        %get3A_995 = tpu.vector_load %arg13[%get3A_993, %get3A_994] {strides = array<i32>} : memref<16x768xf32, #tpu.memory_space<vmem>>, vector<1x16xf32>,
        %get3A_996 = vector.shape_cast %get3A_995 : vector<1x16xf32> to vector<16xf32>
        %add3A_997 = arith.addf %add3A_992, %get3A_996 : vector<16xf32>
        %swap3A_998 = arith.index_cast %scan3A_206 : i32 to index
        %swap3A_999 = arith.constant 656 : index
        %swap3A_1000 = tpu.vector_load %arg10[%swap3A_998, %swap3A_999] {strides = array<i32>} : memref<16x768xf32, #tpu.memory_space<vmem>>, vector<1x16xf32>,
        %swap3A_1001 = vector.shape_cast %swap3A_1000 : vector<1x16xf32> to vector<16xf32>
        %swap3A_1002 = vector.shape_cast %add3A_997 : vector<16xf32> to vector<1x16xf32>
        tpu.vector_store %arg10[%swap3A_998, %swap3A_999], %swap3A_1002 {add = true, strides = array<i32>} : memref<16x768xf32, #tpu.memory_space<vmem>>, vector<1x16xf32>,
        %get3A_1003 = arith.index_cast %scan3A_206 : i32 to index
        %get3A_1004 = arith.constant 672 : index
        %get3A_1005 = tpu.vector_load %arg11[%get3A_1003, %get3A_1004] {strides = array<i32>} : memref<16x768xf32, #tpu.memory_space<vmem>>, vector<1x16xf32>,
        %get3A_1006 = vector.shape_cast %get3A_1005 : vector<1x16xf32> to vector<16xf32>
        %get3A_1007 = arith.index_cast %scan3A_206 : i32 to index
        %get3A_1008 = arith.constant 672 : index
        %get3A_1009 = tpu.vector_load %arg12[%get3A_1007, %get3A_1008] {strides = array<i32>} : memref<16x768xf32, #tpu.memory_space<vmem>>, vector<1x16xf32>,
        %get3A_1010 = vector.shape_cast %get3A_1009 : vector<1x16xf32> to vector<16xf32>
        %add3A_1011 = arith.addf %get3A_1006, %get3A_1010 : vector<16xf32>
        %get3A_1012 = arith.index_cast %scan3A_206 : i32 to index
        %get3A_1013 = arith.constant 672 : index
        %get3A_1014 = tpu.vector_load %arg13[%get3A_1012, %get3A_1013] {strides = array<i32>} : memref<16x768xf32, #tpu.memory_space<vmem>>, vector<1x16xf32>,
        %get3A_1015 = vector.shape_cast %get3A_1014 : vector<1x16xf32> to vector<16xf32>
        %add3A_1016 = arith.addf %add3A_1011, %get3A_1015 : vector<16xf32>
        %swap3A_1017 = arith.index_cast %scan3A_206 : i32 to index
        %swap3A_1018 = arith.constant 672 : index
        %swap3A_1019 = tpu.vector_load %arg10[%swap3A_1017, %swap3A_1018] {strides = array<i32>} : memref<16x768xf32, #tpu.memory_space<vmem>>, vector<1x16xf32>,
        %swap3A_1020 = vector.shape_cast %swap3A_1019 : vector<1x16xf32> to vector<16xf32>
        %swap3A_1021 = vector.shape_cast %add3A_1016 : vector<16xf32> to vector<1x16xf32>
        tpu.vector_store %arg10[%swap3A_1017, %swap3A_1018], %swap3A_1021 {add = true, strides = array<i32>} : memref<16x768xf32, #tpu.memory_space<vmem>>, vector<1x16xf32>,
        %get3A_1022 = arith.index_cast %scan3A_206 : i32 to index
        %get3A_1023 = arith.constant 688 : index
        %get3A_1024 = tpu.vector_load %arg11[%get3A_1022, %get3A_1023] {strides = array<i32>} : memref<16x768xf32, #tpu.memory_space<vmem>>, vector<1x16xf32>,
        %get3A_1025 = vector.shape_cast %get3A_1024 : vector<1x16xf32> to vector<16xf32>
        %get3A_1026 = arith.index_cast %scan3A_206 : i32 to index
        %get3A_1027 = arith.constant 688 : index
        %get3A_1028 = tpu.vector_load %arg12[%get3A_1026, %get3A_1027] {strides = array<i32>} : memref<16x768xf32, #tpu.memory_space<vmem>>, vector<1x16xf32>,
        %get3A_1029 = vector.shape_cast %get3A_1028 : vector<1x16xf32> to vector<16xf32>
        %add3A_1030 = arith.addf %get3A_1025, %get3A_1029 : vector<16xf32>
        %get3A_1031 = arith.index_cast %scan3A_206 : i32 to index
        %get3A_1032 = arith.constant 688 : index
        %get3A_1033 = tpu.vector_load %arg13[%get3A_1031, %get3A_1032] {strides = array<i32>} : memref<16x768xf32, #tpu.memory_space<vmem>>, vector<1x16xf32>,
        %get3A_1034 = vector.shape_cast %get3A_1033 : vector<1x16xf32> to vector<16xf32>
        %add3A_1035 = arith.addf %add3A_1030, %get3A_1034 : vector<16xf32>
        %swap3A_1036 = arith.index_cast %scan3A_206 : i32 to index
        %swap3A_1037 = arith.constant 688 : index
        %swap3A_1038 = tpu.vector_load %arg10[%swap3A_1036, %swap3A_1037] {strides = array<i32>} : memref<16x768xf32, #tpu.memory_space<vmem>>, vector<1x16xf32>,
        %swap3A_1039 = vector.shape_cast %swap3A_1038 : vector<1x16xf32> to vector<16xf32>
        %swap3A_1040 = vector.shape_cast %add3A_1035 : vector<16xf32> to vector<1x16xf32>
        tpu.vector_store %arg10[%swap3A_1036, %swap3A_1037], %swap3A_1040 {add = true, strides = array<i32>} : memref<16x768xf32, #tpu.memory_space<vmem>>, vector<1x16xf32>,
        %get3A_1041 = arith.index_cast %scan3A_206 : i32 to index
        %get3A_1042 = arith.constant 704 : index
        %get3A_1043 = tpu.vector_load %arg11[%get3A_1041, %get3A_1042] {strides = array<i32>} : memref<16x768xf32, #tpu.memory_space<vmem>>, vector<1x16xf32>,
        %get3A_1044 = vector.shape_cast %get3A_1043 : vector<1x16xf32> to vector<16xf32>
        %get3A_1045 = arith.index_cast %scan3A_206 : i32 to index
        %get3A_1046 = arith.constant 704 : index
        %get3A_1047 = tpu.vector_load %arg12[%get3A_1045, %get3A_1046] {strides = array<i32>} : memref<16x768xf32, #tpu.memory_space<vmem>>, vector<1x16xf32>,
        %get3A_1048 = vector.shape_cast %get3A_1047 : vector<1x16xf32> to vector<16xf32>
        %add3A_1049 = arith.addf %get3A_1044, %get3A_1048 : vector<16xf32>
        %get3A_1050 = arith.index_cast %scan3A_206 : i32 to index
        %get3A_1051 = arith.constant 704 : index
        %get3A_1052 = tpu.vector_load %arg13[%get3A_1050, %get3A_1051] {strides = array<i32>} : memref<16x768xf32, #tpu.memory_space<vmem>>, vector<1x16xf32>,
        %get3A_1053 = vector.shape_cast %get3A_1052 : vector<1x16xf32> to vector<16xf32>
        %add3A_1054 = arith.addf %add3A_1049, %get3A_1053 : vector<16xf32>
        %swap3A_1055 = arith.index_cast %scan3A_206 : i32 to index
        %swap3A_1056 = arith.constant 704 : index
        %swap3A_1057 = tpu.vector_load %arg10[%swap3A_1055, %swap3A_1056] {strides = array<i32>} : memref<16x768xf32, #tpu.memory_space<vmem>>, vector<1x16xf32>,
        %swap3A_1058 = vector.shape_cast %swap3A_1057 : vector<1x16xf32> to vector<16xf32>
        %swap3A_1059 = vector.shape_cast %add3A_1054 : vector<16xf32> to vector<1x16xf32>
        tpu.vector_store %arg10[%swap3A_1055, %swap3A_1056], %swap3A_1059 {add = true, strides = array<i32>} : memref<16x768xf32, #tpu.memory_space<vmem>>, vector<1x16xf32>,
        %get3A_1060 = arith.index_cast %scan3A_206 : i32 to index
        %get3A_1061 = arith.constant 720 : index
        %get3A_1062 = tpu.vector_load %arg11[%get3A_1060, %get3A_1061] {strides = array<i32>} : memref<16x768xf32, #tpu.memory_space<vmem>>, vector<1x16xf32>,
        %get3A_1063 = vector.shape_cast %get3A_1062 : vector<1x16xf32> to vector<16xf32>
        %get3A_1064 = arith.index_cast %scan3A_206 : i32 to index
        %get3A_1065 = arith.constant 720 : index
        %get3A_1066 = tpu.vector_load %arg12[%get3A_1064, %get3A_1065] {strides = array<i32>} : memref<16x768xf32, #tpu.memory_space<vmem>>, vector<1x16xf32>,
        %get3A_1067 = vector.shape_cast %get3A_1066 : vector<1x16xf32> to vector<16xf32>
        %add3A_1068 = arith.addf %get3A_1063, %get3A_1067 : vector<16xf32>
        %get3A_1069 = arith.index_cast %scan3A_206 : i32 to index
        %get3A_1070 = arith.constant 720 : index
        %get3A_1071 = tpu.vector_load %arg13[%get3A_1069, %get3A_1070] {strides = array<i32>} : memref<16x768xf32, #tpu.memory_space<vmem>>, vector<1x16xf32>,
        %get3A_1072 = vector.shape_cast %get3A_1071 : vector<1x16xf32> to vector<16xf32>
        %add3A_1073 = arith.addf %add3A_1068, %get3A_1072 : vector<16xf32>
        %swap3A_1074 = arith.index_cast %scan3A_206 : i32 to index
        %swap3A_1075 = arith.constant 720 : index
        %swap3A_1076 = tpu.vector_load %arg10[%swap3A_1074, %swap3A_1075] {strides = array<i32>} : memref<16x768xf32, #tpu.memory_space<vmem>>, vector<1x16xf32>,
        %swap3A_1077 = vector.shape_cast %swap3A_1076 : vector<1x16xf32> to vector<16xf32>
        %swap3A_1078 = vector.shape_cast %add3A_1073 : vector<16xf32> to vector<1x16xf32>
        tpu.vector_store %arg10[%swap3A_1074, %swap3A_1075], %swap3A_1078 {add = true, strides = array<i32>} : memref<16x768xf32, #tpu.memory_space<vmem>>, vector<1x16xf32>,
        %get3A_1079 = arith.index_cast %scan3A_206 : i32 to index
        %get3A_1080 = arith.constant 736 : index
        %get3A_1081 = tpu.vector_load %arg11[%get3A_1079, %get3A_1080] {strides = array<i32>} : memref<16x768xf32, #tpu.memory_space<vmem>>, vector<1x16xf32>,
        %get3A_1082 = vector.shape_cast %get3A_1081 : vector<1x16xf32> to vector<16xf32>
        %get3A_1083 = arith.index_cast %scan3A_206 : i32 to index
        %get3A_1084 = arith.constant 736 : index
        %get3A_1085 = tpu.vector_load %arg12[%get3A_1083, %get3A_1084] {strides = array<i32>} : memref<16x768xf32, #tpu.memory_space<vmem>>, vector<1x16xf32>,
        %get3A_1086 = vector.shape_cast %get3A_1085 : vector<1x16xf32> to vector<16xf32>
        %add3A_1087 = arith.addf %get3A_1082, %get3A_1086 : vector<16xf32>
        %get3A_1088 = arith.index_cast %scan3A_206 : i32 to index
        %get3A_1089 = arith.constant 736 : index
        %get3A_1090 = tpu.vector_load %arg13[%get3A_1088, %get3A_1089] {strides = array<i32>} : memref<16x768xf32, #tpu.memory_space<vmem>>, vector<1x16xf32>,
        %get3A_1091 = vector.shape_cast %get3A_1090 : vector<1x16xf32> to vector<16xf32>
        %add3A_1092 = arith.addf %add3A_1087, %get3A_1091 : vector<16xf32>
        %swap3A_1093 = arith.index_cast %scan3A_206 : i32 to index
        %swap3A_1094 = arith.constant 736 : index
        %swap3A_1095 = tpu.vector_load %arg10[%swap3A_1093, %swap3A_1094] {strides = array<i32>} : memref<16x768xf32, #tpu.memory_space<vmem>>, vector<1x16xf32>,
        %swap3A_1096 = vector.shape_cast %swap3A_1095 : vector<1x16xf32> to vector<16xf32>
        %swap3A_1097 = vector.shape_cast %add3A_1092 : vector<16xf32> to vector<1x16xf32>
        tpu.vector_store %arg10[%swap3A_1093, %swap3A_1094], %swap3A_1097 {add = true, strides = array<i32>} : memref<16x768xf32, #tpu.memory_space<vmem>>, vector<1x16xf32>,
        %get3A_1098 = arith.index_cast %scan3A_206 : i32 to index
        %get3A_1099 = arith.constant 752 : index
        %get3A_1100 = tpu.vector_load %arg11[%get3A_1098, %get3A_1099] {strides = array<i32>} : memref<16x768xf32, #tpu.memory_space<vmem>>, vector<1x16xf32>,
        %get3A_1101 = vector.shape_cast %get3A_1100 : vector<1x16xf32> to vector<16xf32>
        %get3A_1102 = arith.index_cast %scan3A_206 : i32 to index
        %get3A_1103 = arith.constant 752 : index
        %get3A_1104 = tpu.vector_load %arg12[%get3A_1102, %get3A_1103] {strides = array<i32>} : memref<16x768xf32, #tpu.memory_space<vmem>>, vector<1x16xf32>,
        %get3A_1105 = vector.shape_cast %get3A_1104 : vector<1x16xf32> to vector<16xf32>
        %add3A_1106 = arith.addf %get3A_1101, %get3A_1105 : vector<16xf32>
        %get3A_1107 = arith.index_cast %scan3A_206 : i32 to index
        %get3A_1108 = arith.constant 752 : index
        %get3A_1109 = tpu.vector_load %arg13[%get3A_1107, %get3A_1108] {strides = array<i32>} : memref<16x768xf32, #tpu.memory_space<vmem>>, vector<1x16xf32>,
        %get3A_1110 = vector.shape_cast %get3A_1109 : vector<1x16xf32> to vector<16xf32>
        %add3A_1111 = arith.addf %add3A_1106, %get3A_1110 : vector<16xf32>
        %swap3A_1112 = arith.index_cast %scan3A_206 : i32 to index
        %swap3A_1113 = arith.constant 752 : index
        %swap3A_1114 = tpu.vector_load %arg10[%swap3A_1112, %swap3A_1113] {strides = array<i32>} : memref<16x768xf32, #tpu.memory_space<vmem>>, vector<1x16xf32>,
        %swap3A_1115 = vector.shape_cast %swap3A_1114 : vector<1x16xf32> to vector<16xf32>
        %swap3A_1116 = vector.shape_cast %add3A_1111 : vector<16xf32> to vector<1x16xf32>
        tpu.vector_store %arg10[%swap3A_1112, %swap3A_1113], %swap3A_1116 {add = true, strides = array<i32>} : memref<16x768xf32, #tpu.memory_space<vmem>>, vector<1x16xf32>,
      }
      %scan3A_140 = arith.constant 16 : i32
      %mul3A_141 = arith.constant 16 : i32
      %mul3A_142 = arith.muli %mul3A_59, %mul3A_141 : i32
      %add3A_143 = arith.addi %mul3A_2, %mul3A_142 : i32
      %dma_start3A_144 = arith.constant 0 : i32
      %dma_start3A_145 = tpu.memref_slice %arg7[%add3A_143, %dma_start3A_144] : memref<8192x768xf32, #tpu.memory_space<hbm>> -> memref<16x768xf32, #tpu.memory_space<hbm>>
      %dma_start3A_146 = arith.constant 0 : i32
      %dma_start3A_147 = tpu.memref_slice %arg7[%add3A_143, %dma_start3A_146] : memref<8192x768xf32, #tpu.memory_space<hbm>> -> memref<16x768xf32, #tpu.memory_space<hbm>>
      tpu.enqueue_dma source(%arg10 : memref<16x768xf32, #tpu.memory_space<vmem>>) target(%dma_start3A_147 : memref<16x768xf32, #tpu.memory_space<hbm>>) target_semaphore(%arg20 : memref<!tpu.dma_semaphore, #tpu.memory_space<semaphore_mem>>)
      %lt3A = arith.constant 7 : i32
      %lt3A_148 = arith.cmpi slt, %scan3A_57, %lt3A : i32
      %convert_element_type3A_149 = arith.extui %lt3A_148 : i1 to i32
      %cond3A_150 = arith.constant 0 : i32
      %cond3A_151 = arith.cmpi ne, %convert_element_type3A_149, %cond3A_150 : i32
      scf.if %cond3A_151 {
        %add3A_206 = arith.constant 2 : i32
        %add3A_207 = arith.addi %mul3A_59, %add3A_206 : i32
        %mul3A_208 = arith.constant 16 : i32
        %mul3A_209 = arith.muli %add3A_207, %mul3A_208 : i32
        %dma_start3A_210 = arith.constant 0 : i32
        %dma_start3A_211 = tpu.memref_slice %arg9[%dma_start3A_210, %mul3A_209] : memref<4x256xi32, #tpu.memory_space<vmem>> -> memref<1x16xi32, #tpu.memory_space<vmem>>
        %dma_start3A_212 = tpu.memref_squeeze %dma_start3A_211 : memref<1x16xi32, #tpu.memory_space<vmem>> -> memref<16xi32, #tpu.memory_space<vmem>>
        %dma_start3A_213 = arith.constant 0 : i32
        %dma_start3A_214 = arith.constant 0 : i32
        %dma_start3A_215 = tpu.memref_slice %arg3[%dma_start3A_213, %dma_start3A_214] : memref<100000x768xf32, #tpu.memory_space<hbm>> -> memref<100000x768xf32, #tpu.memory_space<hbm>>
        tpu.enqueue_indirect_dma source(%dma_start3A_215 : memref<100000x768xf32, #tpu.memory_space<hbm>>) target(%arg10 : memref<16x768xf32, #tpu.memory_space<vmem>>) offsets(%dma_start3A_212 : memref<16xi32, #tpu.memory_space<vmem>>) semaphore(%arg18 : memref<!tpu.dma_semaphore, #tpu.memory_space<semaphore_mem>>)
        %mul3A_216 = arith.constant 16 : i32
        %mul3A_217 = arith.muli %add3A_207, %mul3A_216 : i32
        %dma_start3A_218 = arith.constant 1 : i32
        %dma_start3A_219 = tpu.memref_slice %arg9[%dma_start3A_218, %mul3A_217] : memref<4x256xi32, #tpu.memory_space<vmem>> -> memref<1x16xi32, #tpu.memory_space<vmem>>
        %dma_start3A_220 = tpu.memref_squeeze %dma_start3A_219 : memref<1x16xi32, #tpu.memory_space<vmem>> -> memref<16xi32, #tpu.memory_space<vmem>>
        %dma_start3A_221 = arith.constant 0 : i32
        %dma_start3A_222 = arith.constant 0 : i32
        %dma_start3A_223 = tpu.memref_slice %arg4[%dma_start3A_221, %dma_start3A_222] : memref<100000x768xf32, #tpu.memory_space<hbm>> -> memref<100000x768xf32, #tpu.memory_space<hbm>>
        tpu.enqueue_indirect_dma source(%dma_start3A_223 : memref<100000x768xf32, #tpu.memory_space<hbm>>) target(%arg11 : memref<16x768xf32, #tpu.memory_space<vmem>>) offsets(%dma_start3A_220 : memref<16xi32, #tpu.memory_space<vmem>>) semaphore(%arg18 : memref<!tpu.dma_semaphore, #tpu.memory_space<semaphore_mem>>)
        %mul3A_224 = arith.constant 16 : i32
        %mul3A_225 = arith.muli %add3A_207, %mul3A_224 : i32
        %dma_start3A_226 = arith.constant 2 : i32
        %dma_start3A_227 = tpu.memref_slice %arg9[%dma_start3A_226, %mul3A_225] : memref<4x256xi32, #tpu.memory_space<vmem>> -> memref<1x16xi32, #tpu.memory_space<vmem>>
        %dma_start3A_228 = tpu.memref_squeeze %dma_start3A_227 : memref<1x16xi32, #tpu.memory_space<vmem>> -> memref<16xi32, #tpu.memory_space<vmem>>
        %dma_start3A_229 = arith.constant 0 : i32
        %dma_start3A_230 = arith.constant 0 : i32
        %dma_start3A_231 = tpu.memref_slice %arg5[%dma_start3A_229, %dma_start3A_230] : memref<100000x768xf32, #tpu.memory_space<hbm>> -> memref<100000x768xf32, #tpu.memory_space<hbm>>
        tpu.enqueue_indirect_dma source(%dma_start3A_231 : memref<100000x768xf32, #tpu.memory_space<hbm>>) target(%arg12 : memref<16x768xf32, #tpu.memory_space<vmem>>) offsets(%dma_start3A_228 : memref<16xi32, #tpu.memory_space<vmem>>) semaphore(%arg18 : memref<!tpu.dma_semaphore, #tpu.memory_space<semaphore_mem>>)
        %mul3A_232 = arith.constant 16 : i32
        %mul3A_233 = arith.muli %add3A_207, %mul3A_232 : i32
        %dma_start3A_234 = arith.constant 3 : i32
        %dma_start3A_235 = tpu.memref_slice %arg9[%dma_start3A_234, %mul3A_233] : memref<4x256xi32, #tpu.memory_space<vmem>> -> memref<1x16xi32, #tpu.memory_space<vmem>>
        %dma_start3A_236 = tpu.memref_squeeze %dma_start3A_235 : memref<1x16xi32, #tpu.memory_space<vmem>> -> memref<16xi32, #tpu.memory_space<vmem>>
        %dma_start3A_237 = arith.constant 0 : i32
        %dma_start3A_238 = arith.constant 0 : i32
        %dma_start3A_239 = tpu.memref_slice %arg6[%dma_start3A_237, %dma_start3A_238] : memref<100000x768xf32, #tpu.memory_space<hbm>> -> memref<100000x768xf32, #tpu.memory_space<hbm>>
        tpu.enqueue_indirect_dma source(%dma_start3A_239 : memref<100000x768xf32, #tpu.memory_space<hbm>>) target(%arg13 : memref<16x768xf32, #tpu.memory_space<vmem>>) offsets(%dma_start3A_236 : memref<16xi32, #tpu.memory_space<vmem>>) semaphore(%arg18 : memref<!tpu.dma_semaphore, #tpu.memory_space<semaphore_mem>>)
      } else {
      }
      %add3A_152 = arith.constant 1 : i32
      %add3A_153 = arith.addi %mul3A_59, %add3A_152 : i32
      %mul3A_154 = arith.constant 16 : i32
      %mul3A_155 = arith.muli %add3A_153, %mul3A_154 : i32
      %dma_wait3A_156 = arith.constant 0 : i32
      %dma_wait3A_157 = tpu.memref_slice %arg9[%dma_wait3A_156, %mul3A_155] : memref<4x256xi32, #tpu.memory_space<vmem>> -> memref<1x16xi32, #tpu.memory_space<vmem>>
      %dma_wait3A_158 = tpu.memref_squeeze %dma_wait3A_157 : memref<1x16xi32, #tpu.memory_space<vmem>> -> memref<16xi32, #tpu.memory_space<vmem>>
      %dma_wait3A_159 = arith.constant 0 : i32
      %dma_wait3A_160 = arith.constant 0 : i32
      %dma_wait3A_161 = tpu.memref_slice %arg3[%dma_wait3A_159, %dma_wait3A_160] : memref<100000x768xf32, #tpu.memory_space<hbm>> -> memref<100000x768xf32, #tpu.memory_space<hbm>>
      tpu.wait_indirect_dma semaphore(%arg19 : memref<!tpu.dma_semaphore, #tpu.memory_space<semaphore_mem>>) src(%dma_wait3A_161 : memref<100000x768xf32, #tpu.memory_space<hbm>>) dst(%arg14 : memref<16x768xf32, #tpu.memory_space<vmem>>)
      %mul3A_162 = arith.constant 16 : i32
      %mul3A_163 = arith.muli %add3A_153, %mul3A_162 : i32
      %dma_wait3A_164 = arith.constant 1 : i32
      %dma_wait3A_165 = tpu.memref_slice %arg9[%dma_wait3A_164, %mul3A_163] : memref<4x256xi32, #tpu.memory_space<vmem>> -> memref<1x16xi32, #tpu.memory_space<vmem>>
      %dma_wait3A_166 = tpu.memref_squeeze %dma_wait3A_165 : memref<1x16xi32, #tpu.memory_space<vmem>> -> memref<16xi32, #tpu.memory_space<vmem>>
      %dma_wait3A_167 = arith.constant 0 : i32
      %dma_wait3A_168 = arith.constant 0 : i32
      %dma_wait3A_169 = tpu.memref_slice %arg4[%dma_wait3A_167, %dma_wait3A_168] : memref<100000x768xf32, #tpu.memory_space<hbm>> -> memref<100000x768xf32, #tpu.memory_space<hbm>>
      tpu.wait_indirect_dma semaphore(%arg19 : memref<!tpu.dma_semaphore, #tpu.memory_space<semaphore_mem>>) src(%dma_wait3A_169 : memref<100000x768xf32, #tpu.memory_space<hbm>>) dst(%arg15 : memref<16x768xf32, #tpu.memory_space<vmem>>)
      %mul3A_170 = arith.constant 16 : i32
      %mul3A_171 = arith.muli %add3A_153, %mul3A_170 : i32
      %dma_wait3A_172 = arith.constant 2 : i32
      %dma_wait3A_173 = tpu.memref_slice %arg9[%dma_wait3A_172, %mul3A_171] : memref<4x256xi32, #tpu.memory_space<vmem>> -> memref<1x16xi32, #tpu.memory_space<vmem>>
      %dma_wait3A_174 = tpu.memref_squeeze %dma_wait3A_173 : memref<1x16xi32, #tpu.memory_space<vmem>> -> memref<16xi32, #tpu.memory_space<vmem>>
      %dma_wait3A_175 = arith.constant 0 : i32
      %dma_wait3A_176 = arith.constant 0 : i32
      %dma_wait3A_177 = tpu.memref_slice %arg5[%dma_wait3A_175, %dma_wait3A_176] : memref<100000x768xf32, #tpu.memory_space<hbm>> -> memref<100000x768xf32, #tpu.memory_space<hbm>>
      tpu.wait_indirect_dma semaphore(%arg19 : memref<!tpu.dma_semaphore, #tpu.memory_space<semaphore_mem>>) src(%dma_wait3A_177 : memref<100000x768xf32, #tpu.memory_space<hbm>>) dst(%arg16 : memref<16x768xf32, #tpu.memory_space<vmem>>)
      %mul3A_178 = arith.constant 16 : i32
      %mul3A_179 = arith.muli %add3A_153, %mul3A_178 : i32
      %dma_wait3A_180 = arith.constant 3 : i32
      %dma_wait3A_181 = tpu.memref_slice %arg9[%dma_wait3A_180, %mul3A_179] : memref<4x256xi32, #tpu.memory_space<vmem>> -> memref<1x16xi32, #tpu.memory_space<vmem>>
      %dma_wait3A_182 = tpu.memref_squeeze %dma_wait3A_181 : memref<1x16xi32, #tpu.memory_space<vmem>> -> memref<16xi32, #tpu.memory_space<vmem>>
      %dma_wait3A_183 = arith.constant 0 : i32
      %dma_wait3A_184 = arith.constant 0 : i32
      %dma_wait3A_185 = tpu.memref_slice %arg6[%dma_wait3A_183, %dma_wait3A_184] : memref<100000x768xf32, #tpu.memory_space<hbm>> -> memref<100000x768xf32, #tpu.memory_space<hbm>>
      tpu.wait_indirect_dma semaphore(%arg19 : memref<!tpu.dma_semaphore, #tpu.memory_space<semaphore_mem>>) src(%dma_wait3A_185 : memref<100000x768xf32, #tpu.memory_space<hbm>>) dst(%arg17 : memref<16x768xf32, #tpu.memory_space<vmem>>)
      %gt3A_186 = arith.constant 0 : i32
      %gt3A_187 = arith.cmpi sgt, %scan3A_57, %gt3A_186 : i32
      %convert_element_type3A_188 = arith.extui %gt3A_187 : i1 to i32
      %cond3A_189 = arith.constant 0 : i32
      %cond3A_190 = arith.cmpi ne, %convert_element_type3A_188, %cond3A_189 : i32
      scf.if %cond3A_190 {
        %dma_wait3A_206 = arith.constant 0 : i32
        %dma_wait3A_207 = arith.constant 0 : i32
        %dma_wait3A_208 = tpu.memref_slice %arg7[%dma_wait3A_206, %dma_wait3A_207] : memref<8192x768xf32, #tpu.memory_space<hbm>> -> memref<16x768xf32, #tpu.memory_space<hbm>>
        %dma_wait3A_209 = arith.constant 0 : i32
        %dma_wait3A_210 = arith.constant 0 : i32
        %dma_wait3A_211 = tpu.memref_slice %arg7[%dma_wait3A_209, %dma_wait3A_210] : memref<8192x768xf32, #tpu.memory_space<hbm>> -> memref<16x768xf32, #tpu.memory_space<hbm>>
        tpu.wait_dma2 semaphore(%arg21 : memref<!tpu.dma_semaphore, #tpu.memory_space<semaphore_mem>>) src(%arg14 : memref<16x768xf32, #tpu.memory_space<vmem>>) dst(%dma_wait3A_211 : memref<16x768xf32, #tpu.memory_space<hbm>>)
      } else {
      }
      %add3A_191 = arith.constant 1 : i32
      %add3A_192 = arith.addi %mul3A_59, %add3A_191 : i32
      %scan3A_193 = arith.constant 0 : i32
      %scan3A_194 = arith.constant 0 : i32
      %scan3A_195 = arith.constant 16 : i32
      %scan3A_196 = arith.addi %scan3A_194, %scan3A_195 : i32
      %scan3A_197 = arith.constant 1 : i32
      scf.for %scan3A_206 = %scan3A_194 to %scan3A_196 step %scan3A_197  : i32 {
        %get3A = arith.index_cast %scan3A_206 : i32 to index
        %get3A_207 = arith.constant 0 : index
        %get3A_208 = tpu.vector_load %arg15[%get3A, %get3A_207] {strides = array<i32>} : memref<16x768xf32, #tpu.memory_space<vmem>>, vector<1x16xf32>,
        %get3A_209 = vector.shape_cast %get3A_208 : vector<1x16xf32> to vector<16xf32>
        %get3A_210 = arith.index_cast %scan3A_206 : i32 to index
        %get3A_211 = arith.constant 0 : index
        %get3A_212 = tpu.vector_load %arg16[%get3A_210, %get3A_211] {strides = array<i32>} : memref<16x768xf32, #tpu.memory_space<vmem>>, vector<1x16xf32>,
        %get3A_213 = vector.shape_cast %get3A_212 : vector<1x16xf32> to vector<16xf32>
        %add3A_214 = arith.addf %get3A_209, %get3A_213 : vector<16xf32>
        %get3A_215 = arith.index_cast %scan3A_206 : i32 to index
        %get3A_216 = arith.constant 0 : index
        %get3A_217 = tpu.vector_load %arg17[%get3A_215, %get3A_216] {strides = array<i32>} : memref<16x768xf32, #tpu.memory_space<vmem>>, vector<1x16xf32>,
        %get3A_218 = vector.shape_cast %get3A_217 : vector<1x16xf32> to vector<16xf32>
        %add3A_219 = arith.addf %add3A_214, %get3A_218 : vector<16xf32>
        %swap3A = arith.index_cast %scan3A_206 : i32 to index
        %swap3A_220 = arith.constant 0 : index
        %swap3A_221 = tpu.vector_load %arg14[%swap3A, %swap3A_220] {strides = array<i32>} : memref<16x768xf32, #tpu.memory_space<vmem>>, vector<1x16xf32>,
        %swap3A_222 = vector.shape_cast %swap3A_221 : vector<1x16xf32> to vector<16xf32>
        %swap3A_223 = vector.shape_cast %add3A_219 : vector<16xf32> to vector<1x16xf32>
        tpu.vector_store %arg14[%swap3A, %swap3A_220], %swap3A_223 {add = true, strides = array<i32>} : memref<16x768xf32, #tpu.memory_space<vmem>>, vector<1x16xf32>,
        %get3A_224 = arith.index_cast %scan3A_206 : i32 to index
        %get3A_225 = arith.constant 16 : index
        %get3A_226 = tpu.vector_load %arg15[%get3A_224, %get3A_225] {strides = array<i32>} : memref<16x768xf32, #tpu.memory_space<vmem>>, vector<1x16xf32>,
        %get3A_227 = vector.shape_cast %get3A_226 : vector<1x16xf32> to vector<16xf32>
        %get3A_228 = arith.index_cast %scan3A_206 : i32 to index
        %get3A_229 = arith.constant 16 : index
        %get3A_230 = tpu.vector_load %arg16[%get3A_228, %get3A_229] {strides = array<i32>} : memref<16x768xf32, #tpu.memory_space<vmem>>, vector<1x16xf32>,
        %get3A_231 = vector.shape_cast %get3A_230 : vector<1x16xf32> to vector<16xf32>
        %add3A_232 = arith.addf %get3A_227, %get3A_231 : vector<16xf32>
        %get3A_233 = arith.index_cast %scan3A_206 : i32 to index
        %get3A_234 = arith.constant 16 : index
        %get3A_235 = tpu.vector_load %arg17[%get3A_233, %get3A_234] {strides = array<i32>} : memref<16x768xf32, #tpu.memory_space<vmem>>, vector<1x16xf32>,
        %get3A_236 = vector.shape_cast %get3A_235 : vector<1x16xf32> to vector<16xf32>
        %add3A_237 = arith.addf %add3A_232, %get3A_236 : vector<16xf32>
        %swap3A_238 = arith.index_cast %scan3A_206 : i32 to index
        %swap3A_239 = arith.constant 16 : index
        %swap3A_240 = tpu.vector_load %arg14[%swap3A_238, %swap3A_239] {strides = array<i32>} : memref<16x768xf32, #tpu.memory_space<vmem>>, vector<1x16xf32>,
        %swap3A_241 = vector.shape_cast %swap3A_240 : vector<1x16xf32> to vector<16xf32>
        %swap3A_242 = vector.shape_cast %add3A_237 : vector<16xf32> to vector<1x16xf32>
        tpu.vector_store %arg14[%swap3A_238, %swap3A_239], %swap3A_242 {add = true, strides = array<i32>} : memref<16x768xf32, #tpu.memory_space<vmem>>, vector<1x16xf32>,
        %get3A_243 = arith.index_cast %scan3A_206 : i32 to index
        %get3A_244 = arith.constant 32 : index
        %get3A_245 = tpu.vector_load %arg15[%get3A_243, %get3A_244] {strides = array<i32>} : memref<16x768xf32, #tpu.memory_space<vmem>>, vector<1x16xf32>,
        %get3A_246 = vector.shape_cast %get3A_245 : vector<1x16xf32> to vector<16xf32>
        %get3A_247 = arith.index_cast %scan3A_206 : i32 to index
        %get3A_248 = arith.constant 32 : index
        %get3A_249 = tpu.vector_load %arg16[%get3A_247, %get3A_248] {strides = array<i32>} : memref<16x768xf32, #tpu.memory_space<vmem>>, vector<1x16xf32>,
        %get3A_250 = vector.shape_cast %get3A_249 : vector<1x16xf32> to vector<16xf32>
        %add3A_251 = arith.addf %get3A_246, %get3A_250 : vector<16xf32>
        %get3A_252 = arith.index_cast %scan3A_206 : i32 to index
        %get3A_253 = arith.constant 32 : index
        %get3A_254 = tpu.vector_load %arg17[%get3A_252, %get3A_253] {strides = array<i32>} : memref<16x768xf32, #tpu.memory_space<vmem>>, vector<1x16xf32>,
        %get3A_255 = vector.shape_cast %get3A_254 : vector<1x16xf32> to vector<16xf32>
        %add3A_256 = arith.addf %add3A_251, %get3A_255 : vector<16xf32>
        %swap3A_257 = arith.index_cast %scan3A_206 : i32 to index
        %swap3A_258 = arith.constant 32 : index
        %swap3A_259 = tpu.vector_load %arg14[%swap3A_257, %swap3A_258] {strides = array<i32>} : memref<16x768xf32, #tpu.memory_space<vmem>>, vector<1x16xf32>,
        %swap3A_260 = vector.shape_cast %swap3A_259 : vector<1x16xf32> to vector<16xf32>
        %swap3A_261 = vector.shape_cast %add3A_256 : vector<16xf32> to vector<1x16xf32>
        tpu.vector_store %arg14[%swap3A_257, %swap3A_258], %swap3A_261 {add = true, strides = array<i32>} : memref<16x768xf32, #tpu.memory_space<vmem>>, vector<1x16xf32>,
        %get3A_262 = arith.index_cast %scan3A_206 : i32 to index
        %get3A_263 = arith.constant 48 : index
        %get3A_264 = tpu.vector_load %arg15[%get3A_262, %get3A_263] {strides = array<i32>} : memref<16x768xf32, #tpu.memory_space<vmem>>, vector<1x16xf32>,
        %get3A_265 = vector.shape_cast %get3A_264 : vector<1x16xf32> to vector<16xf32>
        %get3A_266 = arith.index_cast %scan3A_206 : i32 to index
        %get3A_267 = arith.constant 48 : index
        %get3A_268 = tpu.vector_load %arg16[%get3A_266, %get3A_267] {strides = array<i32>} : memref<16x768xf32, #tpu.memory_space<vmem>>, vector<1x16xf32>,
        %get3A_269 = vector.shape_cast %get3A_268 : vector<1x16xf32> to vector<16xf32>
        %add3A_270 = arith.addf %get3A_265, %get3A_269 : vector<16xf32>
        %get3A_271 = arith.index_cast %scan3A_206 : i32 to index
        %get3A_272 = arith.constant 48 : index
        %get3A_273 = tpu.vector_load %arg17[%get3A_271, %get3A_272] {strides = array<i32>} : memref<16x768xf32, #tpu.memory_space<vmem>>, vector<1x16xf32>,
        %get3A_274 = vector.shape_cast %get3A_273 : vector<1x16xf32> to vector<16xf32>
        %add3A_275 = arith.addf %add3A_270, %get3A_274 : vector<16xf32>
        %swap3A_276 = arith.index_cast %scan3A_206 : i32 to index
        %swap3A_277 = arith.constant 48 : index
        %swap3A_278 = tpu.vector_load %arg14[%swap3A_276, %swap3A_277] {strides = array<i32>} : memref<16x768xf32, #tpu.memory_space<vmem>>, vector<1x16xf32>,
        %swap3A_279 = vector.shape_cast %swap3A_278 : vector<1x16xf32> to vector<16xf32>
        %swap3A_280 = vector.shape_cast %add3A_275 : vector<16xf32> to vector<1x16xf32>
        tpu.vector_store %arg14[%swap3A_276, %swap3A_277], %swap3A_280 {add = true, strides = array<i32>} : memref<16x768xf32, #tpu.memory_space<vmem>>, vector<1x16xf32>,
        %get3A_281 = arith.index_cast %scan3A_206 : i32 to index
        %get3A_282 = arith.constant 64 : index
        %get3A_283 = tpu.vector_load %arg15[%get3A_281, %get3A_282] {strides = array<i32>} : memref<16x768xf32, #tpu.memory_space<vmem>>, vector<1x16xf32>,
        %get3A_284 = vector.shape_cast %get3A_283 : vector<1x16xf32> to vector<16xf32>
        %get3A_285 = arith.index_cast %scan3A_206 : i32 to index
        %get3A_286 = arith.constant 64 : index
        %get3A_287 = tpu.vector_load %arg16[%get3A_285, %get3A_286] {strides = array<i32>} : memref<16x768xf32, #tpu.memory_space<vmem>>, vector<1x16xf32>,
        %get3A_288 = vector.shape_cast %get3A_287 : vector<1x16xf32> to vector<16xf32>
        %add3A_289 = arith.addf %get3A_284, %get3A_288 : vector<16xf32>
        %get3A_290 = arith.index_cast %scan3A_206 : i32 to index
        %get3A_291 = arith.constant 64 : index
        %get3A_292 = tpu.vector_load %arg17[%get3A_290, %get3A_291] {strides = array<i32>} : memref<16x768xf32, #tpu.memory_space<vmem>>, vector<1x16xf32>,
        %get3A_293 = vector.shape_cast %get3A_292 : vector<1x16xf32> to vector<16xf32>
        %add3A_294 = arith.addf %add3A_289, %get3A_293 : vector<16xf32>
        %swap3A_295 = arith.index_cast %scan3A_206 : i32 to index
        %swap3A_296 = arith.constant 64 : index
        %swap3A_297 = tpu.vector_load %arg14[%swap3A_295, %swap3A_296] {strides = array<i32>} : memref<16x768xf32, #tpu.memory_space<vmem>>, vector<1x16xf32>,
        %swap3A_298 = vector.shape_cast %swap3A_297 : vector<1x16xf32> to vector<16xf32>
        %swap3A_299 = vector.shape_cast %add3A_294 : vector<16xf32> to vector<1x16xf32>
        tpu.vector_store %arg14[%swap3A_295, %swap3A_296], %swap3A_299 {add = true, strides = array<i32>} : memref<16x768xf32, #tpu.memory_space<vmem>>, vector<1x16xf32>,
        %get3A_300 = arith.index_cast %scan3A_206 : i32 to index
        %get3A_301 = arith.constant 80 : index
        %get3A_302 = tpu.vector_load %arg15[%get3A_300, %get3A_301] {strides = array<i32>} : memref<16x768xf32, #tpu.memory_space<vmem>>, vector<1x16xf32>,
        %get3A_303 = vector.shape_cast %get3A_302 : vector<1x16xf32> to vector<16xf32>
        %get3A_304 = arith.index_cast %scan3A_206 : i32 to index
        %get3A_305 = arith.constant 80 : index
        %get3A_306 = tpu.vector_load %arg16[%get3A_304, %get3A_305] {strides = array<i32>} : memref<16x768xf32, #tpu.memory_space<vmem>>, vector<1x16xf32>,
        %get3A_307 = vector.shape_cast %get3A_306 : vector<1x16xf32> to vector<16xf32>
        %add3A_308 = arith.addf %get3A_303, %get3A_307 : vector<16xf32>
        %get3A_309 = arith.index_cast %scan3A_206 : i32 to index
        %get3A_310 = arith.constant 80 : index
        %get3A_311 = tpu.vector_load %arg17[%get3A_309, %get3A_310] {strides = array<i32>} : memref<16x768xf32, #tpu.memory_space<vmem>>, vector<1x16xf32>,
        %get3A_312 = vector.shape_cast %get3A_311 : vector<1x16xf32> to vector<16xf32>
        %add3A_313 = arith.addf %add3A_308, %get3A_312 : vector<16xf32>
        %swap3A_314 = arith.index_cast %scan3A_206 : i32 to index
        %swap3A_315 = arith.constant 80 : index
        %swap3A_316 = tpu.vector_load %arg14[%swap3A_314, %swap3A_315] {strides = array<i32>} : memref<16x768xf32, #tpu.memory_space<vmem>>, vector<1x16xf32>,
        %swap3A_317 = vector.shape_cast %swap3A_316 : vector<1x16xf32> to vector<16xf32>
        %swap3A_318 = vector.shape_cast %add3A_313 : vector<16xf32> to vector<1x16xf32>
        tpu.vector_store %arg14[%swap3A_314, %swap3A_315], %swap3A_318 {add = true, strides = array<i32>} : memref<16x768xf32, #tpu.memory_space<vmem>>, vector<1x16xf32>,
        %get3A_319 = arith.index_cast %scan3A_206 : i32 to index
        %get3A_320 = arith.constant 96 : index
        %get3A_321 = tpu.vector_load %arg15[%get3A_319, %get3A_320] {strides = array<i32>} : memref<16x768xf32, #tpu.memory_space<vmem>>, vector<1x16xf32>,
        %get3A_322 = vector.shape_cast %get3A_321 : vector<1x16xf32> to vector<16xf32>
        %get3A_323 = arith.index_cast %scan3A_206 : i32 to index
        %get3A_324 = arith.constant 96 : index
        %get3A_325 = tpu.vector_load %arg16[%get3A_323, %get3A_324] {strides = array<i32>} : memref<16x768xf32, #tpu.memory_space<vmem>>, vector<1x16xf32>,
        %get3A_326 = vector.shape_cast %get3A_325 : vector<1x16xf32> to vector<16xf32>
        %add3A_327 = arith.addf %get3A_322, %get3A_326 : vector<16xf32>
        %get3A_328 = arith.index_cast %scan3A_206 : i32 to index
        %get3A_329 = arith.constant 96 : index
        %get3A_330 = tpu.vector_load %arg17[%get3A_328, %get3A_329] {strides = array<i32>} : memref<16x768xf32, #tpu.memory_space<vmem>>, vector<1x16xf32>,
        %get3A_331 = vector.shape_cast %get3A_330 : vector<1x16xf32> to vector<16xf32>
        %add3A_332 = arith.addf %add3A_327, %get3A_331 : vector<16xf32>
        %swap3A_333 = arith.index_cast %scan3A_206 : i32 to index
        %swap3A_334 = arith.constant 96 : index
        %swap3A_335 = tpu.vector_load %arg14[%swap3A_333, %swap3A_334] {strides = array<i32>} : memref<16x768xf32, #tpu.memory_space<vmem>>, vector<1x16xf32>,
        %swap3A_336 = vector.shape_cast %swap3A_335 : vector<1x16xf32> to vector<16xf32>
        %swap3A_337 = vector.shape_cast %add3A_332 : vector<16xf32> to vector<1x16xf32>
        tpu.vector_store %arg14[%swap3A_333, %swap3A_334], %swap3A_337 {add = true, strides = array<i32>} : memref<16x768xf32, #tpu.memory_space<vmem>>, vector<1x16xf32>,
        %get3A_338 = arith.index_cast %scan3A_206 : i32 to index
        %get3A_339 = arith.constant 112 : index
        %get3A_340 = tpu.vector_load %arg15[%get3A_338, %get3A_339] {strides = array<i32>} : memref<16x768xf32, #tpu.memory_space<vmem>>, vector<1x16xf32>,
        %get3A_341 = vector.shape_cast %get3A_340 : vector<1x16xf32> to vector<16xf32>
        %get3A_342 = arith.index_cast %scan3A_206 : i32 to index
        %get3A_343 = arith.constant 112 : index
        %get3A_344 = tpu.vector_load %arg16[%get3A_342, %get3A_343] {strides = array<i32>} : memref<16x768xf32, #tpu.memory_space<vmem>>, vector<1x16xf32>,
        %get3A_345 = vector.shape_cast %get3A_344 : vector<1x16xf32> to vector<16xf32>
        %add3A_346 = arith.addf %get3A_341, %get3A_345 : vector<16xf32>
        %get3A_347 = arith.index_cast %scan3A_206 : i32 to index
        %get3A_348 = arith.constant 112 : index
        %get3A_349 = tpu.vector_load %arg17[%get3A_347, %get3A_348] {strides = array<i32>} : memref<16x768xf32, #tpu.memory_space<vmem>>, vector<1x16xf32>,
        %get3A_350 = vector.shape_cast %get3A_349 : vector<1x16xf32> to vector<16xf32>
        %add3A_351 = arith.addf %add3A_346, %get3A_350 : vector<16xf32>
        %swap3A_352 = arith.index_cast %scan3A_206 : i32 to index
        %swap3A_353 = arith.constant 112 : index
        %swap3A_354 = tpu.vector_load %arg14[%swap3A_352, %swap3A_353] {strides = array<i32>} : memref<16x768xf32, #tpu.memory_space<vmem>>, vector<1x16xf32>,
        %swap3A_355 = vector.shape_cast %swap3A_354 : vector<1x16xf32> to vector<16xf32>
        %swap3A_356 = vector.shape_cast %add3A_351 : vector<16xf32> to vector<1x16xf32>
        tpu.vector_store %arg14[%swap3A_352, %swap3A_353], %swap3A_356 {add = true, strides = array<i32>} : memref<16x768xf32, #tpu.memory_space<vmem>>, vector<1x16xf32>,
        %get3A_357 = arith.index_cast %scan3A_206 : i32 to index
        %get3A_358 = arith.constant 128 : index
        %get3A_359 = tpu.vector_load %arg15[%get3A_357, %get3A_358] {strides = array<i32>} : memref<16x768xf32, #tpu.memory_space<vmem>>, vector<1x16xf32>,
        %get3A_360 = vector.shape_cast %get3A_359 : vector<1x16xf32> to vector<16xf32>
        %get3A_361 = arith.index_cast %scan3A_206 : i32 to index
        %get3A_362 = arith.constant 128 : index
        %get3A_363 = tpu.vector_load %arg16[%get3A_361, %get3A_362] {strides = array<i32>} : memref<16x768xf32, #tpu.memory_space<vmem>>, vector<1x16xf32>,
        %get3A_364 = vector.shape_cast %get3A_363 : vector<1x16xf32> to vector<16xf32>
        %add3A_365 = arith.addf %get3A_360, %get3A_364 : vector<16xf32>
        %get3A_366 = arith.index_cast %scan3A_206 : i32 to index
        %get3A_367 = arith.constant 128 : index
        %get3A_368 = tpu.vector_load %arg17[%get3A_366, %get3A_367] {strides = array<i32>} : memref<16x768xf32, #tpu.memory_space<vmem>>, vector<1x16xf32>,
        %get3A_369 = vector.shape_cast %get3A_368 : vector<1x16xf32> to vector<16xf32>
        %add3A_370 = arith.addf %add3A_365, %get3A_369 : vector<16xf32>
        %swap3A_371 = arith.index_cast %scan3A_206 : i32 to index
        %swap3A_372 = arith.constant 128 : index
        %swap3A_373 = tpu.vector_load %arg14[%swap3A_371, %swap3A_372] {strides = array<i32>} : memref<16x768xf32, #tpu.memory_space<vmem>>, vector<1x16xf32>,
        %swap3A_374 = vector.shape_cast %swap3A_373 : vector<1x16xf32> to vector<16xf32>
        %swap3A_375 = vector.shape_cast %add3A_370 : vector<16xf32> to vector<1x16xf32>
        tpu.vector_store %arg14[%swap3A_371, %swap3A_372], %swap3A_375 {add = true, strides = array<i32>} : memref<16x768xf32, #tpu.memory_space<vmem>>, vector<1x16xf32>,
        %get3A_376 = arith.index_cast %scan3A_206 : i32 to index
        %get3A_377 = arith.constant 144 : index
        %get3A_378 = tpu.vector_load %arg15[%get3A_376, %get3A_377] {strides = array<i32>} : memref<16x768xf32, #tpu.memory_space<vmem>>, vector<1x16xf32>,
        %get3A_379 = vector.shape_cast %get3A_378 : vector<1x16xf32> to vector<16xf32>
        %get3A_380 = arith.index_cast %scan3A_206 : i32 to index
        %get3A_381 = arith.constant 144 : index
        %get3A_382 = tpu.vector_load %arg16[%get3A_380, %get3A_381] {strides = array<i32>} : memref<16x768xf32, #tpu.memory_space<vmem>>, vector<1x16xf32>,
        %get3A_383 = vector.shape_cast %get3A_382 : vector<1x16xf32> to vector<16xf32>
        %add3A_384 = arith.addf %get3A_379, %get3A_383 : vector<16xf32>
        %get3A_385 = arith.index_cast %scan3A_206 : i32 to index
        %get3A_386 = arith.constant 144 : index
        %get3A_387 = tpu.vector_load %arg17[%get3A_385, %get3A_386] {strides = array<i32>} : memref<16x768xf32, #tpu.memory_space<vmem>>, vector<1x16xf32>,
        %get3A_388 = vector.shape_cast %get3A_387 : vector<1x16xf32> to vector<16xf32>
        %add3A_389 = arith.addf %add3A_384, %get3A_388 : vector<16xf32>
        %swap3A_390 = arith.index_cast %scan3A_206 : i32 to index
        %swap3A_391 = arith.constant 144 : index
        %swap3A_392 = tpu.vector_load %arg14[%swap3A_390, %swap3A_391] {strides = array<i32>} : memref<16x768xf32, #tpu.memory_space<vmem>>, vector<1x16xf32>,
        %swap3A_393 = vector.shape_cast %swap3A_392 : vector<1x16xf32> to vector<16xf32>
        %swap3A_394 = vector.shape_cast %add3A_389 : vector<16xf32> to vector<1x16xf32>
        tpu.vector_store %arg14[%swap3A_390, %swap3A_391], %swap3A_394 {add = true, strides = array<i32>} : memref<16x768xf32, #tpu.memory_space<vmem>>, vector<1x16xf32>,
        %get3A_395 = arith.index_cast %scan3A_206 : i32 to index
        %get3A_396 = arith.constant 160 : index
        %get3A_397 = tpu.vector_load %arg15[%get3A_395, %get3A_396] {strides = array<i32>} : memref<16x768xf32, #tpu.memory_space<vmem>>, vector<1x16xf32>,
        %get3A_398 = vector.shape_cast %get3A_397 : vector<1x16xf32> to vector<16xf32>
        %get3A_399 = arith.index_cast %scan3A_206 : i32 to index
        %get3A_400 = arith.constant 160 : index
        %get3A_401 = tpu.vector_load %arg16[%get3A_399, %get3A_400] {strides = array<i32>} : memref<16x768xf32, #tpu.memory_space<vmem>>, vector<1x16xf32>,
        %get3A_402 = vector.shape_cast %get3A_401 : vector<1x16xf32> to vector<16xf32>
        %add3A_403 = arith.addf %get3A_398, %get3A_402 : vector<16xf32>
        %get3A_404 = arith.index_cast %scan3A_206 : i32 to index
        %get3A_405 = arith.constant 160 : index
        %get3A_406 = tpu.vector_load %arg17[%get3A_404, %get3A_405] {strides = array<i32>} : memref<16x768xf32, #tpu.memory_space<vmem>>, vector<1x16xf32>,
        %get3A_407 = vector.shape_cast %get3A_406 : vector<1x16xf32> to vector<16xf32>
        %add3A_408 = arith.addf %add3A_403, %get3A_407 : vector<16xf32>
        %swap3A_409 = arith.index_cast %scan3A_206 : i32 to index
        %swap3A_410 = arith.constant 160 : index
        %swap3A_411 = tpu.vector_load %arg14[%swap3A_409, %swap3A_410] {strides = array<i32>} : memref<16x768xf32, #tpu.memory_space<vmem>>, vector<1x16xf32>,
        %swap3A_412 = vector.shape_cast %swap3A_411 : vector<1x16xf32> to vector<16xf32>
        %swap3A_413 = vector.shape_cast %add3A_408 : vector<16xf32> to vector<1x16xf32>
        tpu.vector_store %arg14[%swap3A_409, %swap3A_410], %swap3A_413 {add = true, strides = array<i32>} : memref<16x768xf32, #tpu.memory_space<vmem>>, vector<1x16xf32>,
        %get3A_414 = arith.index_cast %scan3A_206 : i32 to index
        %get3A_415 = arith.constant 176 : index
        %get3A_416 = tpu.vector_load %arg15[%get3A_414, %get3A_415] {strides = array<i32>} : memref<16x768xf32, #tpu.memory_space<vmem>>, vector<1x16xf32>,
        %get3A_417 = vector.shape_cast %get3A_416 : vector<1x16xf32> to vector<16xf32>
        %get3A_418 = arith.index_cast %scan3A_206 : i32 to index
        %get3A_419 = arith.constant 176 : index
        %get3A_420 = tpu.vector_load %arg16[%get3A_418, %get3A_419] {strides = array<i32>} : memref<16x768xf32, #tpu.memory_space<vmem>>, vector<1x16xf32>,
        %get3A_421 = vector.shape_cast %get3A_420 : vector<1x16xf32> to vector<16xf32>
        %add3A_422 = arith.addf %get3A_417, %get3A_421 : vector<16xf32>
        %get3A_423 = arith.index_cast %scan3A_206 : i32 to index
        %get3A_424 = arith.constant 176 : index
        %get3A_425 = tpu.vector_load %arg17[%get3A_423, %get3A_424] {strides = array<i32>} : memref<16x768xf32, #tpu.memory_space<vmem>>, vector<1x16xf32>,
        %get3A_426 = vector.shape_cast %get3A_425 : vector<1x16xf32> to vector<16xf32>
        %add3A_427 = arith.addf %add3A_422, %get3A_426 : vector<16xf32>
        %swap3A_428 = arith.index_cast %scan3A_206 : i32 to index
        %swap3A_429 = arith.constant 176 : index
        %swap3A_430 = tpu.vector_load %arg14[%swap3A_428, %swap3A_429] {strides = array<i32>} : memref<16x768xf32, #tpu.memory_space<vmem>>, vector<1x16xf32>,
        %swap3A_431 = vector.shape_cast %swap3A_430 : vector<1x16xf32> to vector<16xf32>
        %swap3A_432 = vector.shape_cast %add3A_427 : vector<16xf32> to vector<1x16xf32>
        tpu.vector_store %arg14[%swap3A_428, %swap3A_429], %swap3A_432 {add = true, strides = array<i32>} : memref<16x768xf32, #tpu.memory_space<vmem>>, vector<1x16xf32>,
        %get3A_433 = arith.index_cast %scan3A_206 : i32 to index
        %get3A_434 = arith.constant 192 : index
        %get3A_435 = tpu.vector_load %arg15[%get3A_433, %get3A_434] {strides = array<i32>} : memref<16x768xf32, #tpu.memory_space<vmem>>, vector<1x16xf32>,
        %get3A_436 = vector.shape_cast %get3A_435 : vector<1x16xf32> to vector<16xf32>
        %get3A_437 = arith.index_cast %scan3A_206 : i32 to index
        %get3A_438 = arith.constant 192 : index
        %get3A_439 = tpu.vector_load %arg16[%get3A_437, %get3A_438] {strides = array<i32>} : memref<16x768xf32, #tpu.memory_space<vmem>>, vector<1x16xf32>,
        %get3A_440 = vector.shape_cast %get3A_439 : vector<1x16xf32> to vector<16xf32>
        %add3A_441 = arith.addf %get3A_436, %get3A_440 : vector<16xf32>
        %get3A_442 = arith.index_cast %scan3A_206 : i32 to index
        %get3A_443 = arith.constant 192 : index
        %get3A_444 = tpu.vector_load %arg17[%get3A_442, %get3A_443] {strides = array<i32>} : memref<16x768xf32, #tpu.memory_space<vmem>>, vector<1x16xf32>,
        %get3A_445 = vector.shape_cast %get3A_444 : vector<1x16xf32> to vector<16xf32>
        %add3A_446 = arith.addf %add3A_441, %get3A_445 : vector<16xf32>
        %swap3A_447 = arith.index_cast %scan3A_206 : i32 to index
        %swap3A_448 = arith.constant 192 : index
        %swap3A_449 = tpu.vector_load %arg14[%swap3A_447, %swap3A_448] {strides = array<i32>} : memref<16x768xf32, #tpu.memory_space<vmem>>, vector<1x16xf32>,
        %swap3A_450 = vector.shape_cast %swap3A_449 : vector<1x16xf32> to vector<16xf32>
        %swap3A_451 = vector.shape_cast %add3A_446 : vector<16xf32> to vector<1x16xf32>
        tpu.vector_store %arg14[%swap3A_447, %swap3A_448], %swap3A_451 {add = true, strides = array<i32>} : memref<16x768xf32, #tpu.memory_space<vmem>>, vector<1x16xf32>,
        %get3A_452 = arith.index_cast %scan3A_206 : i32 to index
        %get3A_453 = arith.constant 208 : index
        %get3A_454 = tpu.vector_load %arg15[%get3A_452, %get3A_453] {strides = array<i32>} : memref<16x768xf32, #tpu.memory_space<vmem>>, vector<1x16xf32>,
        %get3A_455 = vector.shape_cast %get3A_454 : vector<1x16xf32> to vector<16xf32>
        %get3A_456 = arith.index_cast %scan3A_206 : i32 to index
        %get3A_457 = arith.constant 208 : index
        %get3A_458 = tpu.vector_load %arg16[%get3A_456, %get3A_457] {strides = array<i32>} : memref<16x768xf32, #tpu.memory_space<vmem>>, vector<1x16xf32>,
        %get3A_459 = vector.shape_cast %get3A_458 : vector<1x16xf32> to vector<16xf32>
        %add3A_460 = arith.addf %get3A_455, %get3A_459 : vector<16xf32>
        %get3A_461 = arith.index_cast %scan3A_206 : i32 to index
        %get3A_462 = arith.constant 208 : index
        %get3A_463 = tpu.vector_load %arg17[%get3A_461, %get3A_462] {strides = array<i32>} : memref<16x768xf32, #tpu.memory_space<vmem>>, vector<1x16xf32>,
        %get3A_464 = vector.shape_cast %get3A_463 : vector<1x16xf32> to vector<16xf32>
        %add3A_465 = arith.addf %add3A_460, %get3A_464 : vector<16xf32>
        %swap3A_466 = arith.index_cast %scan3A_206 : i32 to index
        %swap3A_467 = arith.constant 208 : index
        %swap3A_468 = tpu.vector_load %arg14[%swap3A_466, %swap3A_467] {strides = array<i32>} : memref<16x768xf32, #tpu.memory_space<vmem>>, vector<1x16xf32>,
        %swap3A_469 = vector.shape_cast %swap3A_468 : vector<1x16xf32> to vector<16xf32>
        %swap3A_470 = vector.shape_cast %add3A_465 : vector<16xf32> to vector<1x16xf32>
        tpu.vector_store %arg14[%swap3A_466, %swap3A_467], %swap3A_470 {add = true, strides = array<i32>} : memref<16x768xf32, #tpu.memory_space<vmem>>, vector<1x16xf32>,
        %get3A_471 = arith.index_cast %scan3A_206 : i32 to index
        %get3A_472 = arith.constant 224 : index
        %get3A_473 = tpu.vector_load %arg15[%get3A_471, %get3A_472] {strides = array<i32>} : memref<16x768xf32, #tpu.memory_space<vmem>>, vector<1x16xf32>,
        %get3A_474 = vector.shape_cast %get3A_473 : vector<1x16xf32> to vector<16xf32>
        %get3A_475 = arith.index_cast %scan3A_206 : i32 to index
        %get3A_476 = arith.constant 224 : index
        %get3A_477 = tpu.vector_load %arg16[%get3A_475, %get3A_476] {strides = array<i32>} : memref<16x768xf32, #tpu.memory_space<vmem>>, vector<1x16xf32>,
        %get3A_478 = vector.shape_cast %get3A_477 : vector<1x16xf32> to vector<16xf32>
        %add3A_479 = arith.addf %get3A_474, %get3A_478 : vector<16xf32>
        %get3A_480 = arith.index_cast %scan3A_206 : i32 to index
        %get3A_481 = arith.constant 224 : index
        %get3A_482 = tpu.vector_load %arg17[%get3A_480, %get3A_481] {strides = array<i32>} : memref<16x768xf32, #tpu.memory_space<vmem>>, vector<1x16xf32>,
        %get3A_483 = vector.shape_cast %get3A_482 : vector<1x16xf32> to vector<16xf32>
        %add3A_484 = arith.addf %add3A_479, %get3A_483 : vector<16xf32>
        %swap3A_485 = arith.index_cast %scan3A_206 : i32 to index
        %swap3A_486 = arith.constant 224 : index
        %swap3A_487 = tpu.vector_load %arg14[%swap3A_485, %swap3A_486] {strides = array<i32>} : memref<16x768xf32, #tpu.memory_space<vmem>>, vector<1x16xf32>,
        %swap3A_488 = vector.shape_cast %swap3A_487 : vector<1x16xf32> to vector<16xf32>
        %swap3A_489 = vector.shape_cast %add3A_484 : vector<16xf32> to vector<1x16xf32>
        tpu.vector_store %arg14[%swap3A_485, %swap3A_486], %swap3A_489 {add = true, strides = array<i32>} : memref<16x768xf32, #tpu.memory_space<vmem>>, vector<1x16xf32>,
        %get3A_490 = arith.index_cast %scan3A_206 : i32 to index
        %get3A_491 = arith.constant 240 : index
        %get3A_492 = tpu.vector_load %arg15[%get3A_490, %get3A_491] {strides = array<i32>} : memref<16x768xf32, #tpu.memory_space<vmem>>, vector<1x16xf32>,
        %get3A_493 = vector.shape_cast %get3A_492 : vector<1x16xf32> to vector<16xf32>
        %get3A_494 = arith.index_cast %scan3A_206 : i32 to index
        %get3A_495 = arith.constant 240 : index
        %get3A_496 = tpu.vector_load %arg16[%get3A_494, %get3A_495] {strides = array<i32>} : memref<16x768xf32, #tpu.memory_space<vmem>>, vector<1x16xf32>,
        %get3A_497 = vector.shape_cast %get3A_496 : vector<1x16xf32> to vector<16xf32>
        %add3A_498 = arith.addf %get3A_493, %get3A_497 : vector<16xf32>
        %get3A_499 = arith.index_cast %scan3A_206 : i32 to index
        %get3A_500 = arith.constant 240 : index
        %get3A_501 = tpu.vector_load %arg17[%get3A_499, %get3A_500] {strides = array<i32>} : memref<16x768xf32, #tpu.memory_space<vmem>>, vector<1x16xf32>,
        %get3A_502 = vector.shape_cast %get3A_501 : vector<1x16xf32> to vector<16xf32>
        %add3A_503 = arith.addf %add3A_498, %get3A_502 : vector<16xf32>
        %swap3A_504 = arith.index_cast %scan3A_206 : i32 to index
        %swap3A_505 = arith.constant 240 : index
        %swap3A_506 = tpu.vector_load %arg14[%swap3A_504, %swap3A_505] {strides = array<i32>} : memref<16x768xf32, #tpu.memory_space<vmem>>, vector<1x16xf32>,
        %swap3A_507 = vector.shape_cast %swap3A_506 : vector<1x16xf32> to vector<16xf32>
        %swap3A_508 = vector.shape_cast %add3A_503 : vector<16xf32> to vector<1x16xf32>
        tpu.vector_store %arg14[%swap3A_504, %swap3A_505], %swap3A_508 {add = true, strides = array<i32>} : memref<16x768xf32, #tpu.memory_space<vmem>>, vector<1x16xf32>,
        %get3A_509 = arith.index_cast %scan3A_206 : i32 to index
        %get3A_510 = arith.constant 256 : index
        %get3A_511 = tpu.vector_load %arg15[%get3A_509, %get3A_510] {strides = array<i32>} : memref<16x768xf32, #tpu.memory_space<vmem>>, vector<1x16xf32>,
        %get3A_512 = vector.shape_cast %get3A_511 : vector<1x16xf32> to vector<16xf32>
        %get3A_513 = arith.index_cast %scan3A_206 : i32 to index
        %get3A_514 = arith.constant 256 : index
        %get3A_515 = tpu.vector_load %arg16[%get3A_513, %get3A_514] {strides = array<i32>} : memref<16x768xf32, #tpu.memory_space<vmem>>, vector<1x16xf32>,
        %get3A_516 = vector.shape_cast %get3A_515 : vector<1x16xf32> to vector<16xf32>
        %add3A_517 = arith.addf %get3A_512, %get3A_516 : vector<16xf32>
        %get3A_518 = arith.index_cast %scan3A_206 : i32 to index
        %get3A_519 = arith.constant 256 : index
        %get3A_520 = tpu.vector_load %arg17[%get3A_518, %get3A_519] {strides = array<i32>} : memref<16x768xf32, #tpu.memory_space<vmem>>, vector<1x16xf32>,
        %get3A_521 = vector.shape_cast %get3A_520 : vector<1x16xf32> to vector<16xf32>
        %add3A_522 = arith.addf %add3A_517, %get3A_521 : vector<16xf32>
        %swap3A_523 = arith.index_cast %scan3A_206 : i32 to index
        %swap3A_524 = arith.constant 256 : index
        %swap3A_525 = tpu.vector_load %arg14[%swap3A_523, %swap3A_524] {strides = array<i32>} : memref<16x768xf32, #tpu.memory_space<vmem>>, vector<1x16xf32>,
        %swap3A_526 = vector.shape_cast %swap3A_525 : vector<1x16xf32> to vector<16xf32>
        %swap3A_527 = vector.shape_cast %add3A_522 : vector<16xf32> to vector<1x16xf32>
        tpu.vector_store %arg14[%swap3A_523, %swap3A_524], %swap3A_527 {add = true, strides = array<i32>} : memref<16x768xf32, #tpu.memory_space<vmem>>, vector<1x16xf32>,
        %get3A_528 = arith.index_cast %scan3A_206 : i32 to index
        %get3A_529 = arith.constant 272 : index
        %get3A_530 = tpu.vector_load %arg15[%get3A_528, %get3A_529] {strides = array<i32>} : memref<16x768xf32, #tpu.memory_space<vmem>>, vector<1x16xf32>,
        %get3A_531 = vector.shape_cast %get3A_530 : vector<1x16xf32> to vector<16xf32>
        %get3A_532 = arith.index_cast %scan3A_206 : i32 to index
        %get3A_533 = arith.constant 272 : index
        %get3A_534 = tpu.vector_load %arg16[%get3A_532, %get3A_533] {strides = array<i32>} : memref<16x768xf32, #tpu.memory_space<vmem>>, vector<1x16xf32>,
        %get3A_535 = vector.shape_cast %get3A_534 : vector<1x16xf32> to vector<16xf32>
        %add3A_536 = arith.addf %get3A_531, %get3A_535 : vector<16xf32>
        %get3A_537 = arith.index_cast %scan3A_206 : i32 to index
        %get3A_538 = arith.constant 272 : index
        %get3A_539 = tpu.vector_load %arg17[%get3A_537, %get3A_538] {strides = array<i32>} : memref<16x768xf32, #tpu.memory_space<vmem>>, vector<1x16xf32>,
        %get3A_540 = vector.shape_cast %get3A_539 : vector<1x16xf32> to vector<16xf32>
        %add3A_541 = arith.addf %add3A_536, %get3A_540 : vector<16xf32>
        %swap3A_542 = arith.index_cast %scan3A_206 : i32 to index
        %swap3A_543 = arith.constant 272 : index
        %swap3A_544 = tpu.vector_load %arg14[%swap3A_542, %swap3A_543] {strides = array<i32>} : memref<16x768xf32, #tpu.memory_space<vmem>>, vector<1x16xf32>,
        %swap3A_545 = vector.shape_cast %swap3A_544 : vector<1x16xf32> to vector<16xf32>
        %swap3A_546 = vector.shape_cast %add3A_541 : vector<16xf32> to vector<1x16xf32>
        tpu.vector_store %arg14[%swap3A_542, %swap3A_543], %swap3A_546 {add = true, strides = array<i32>} : memref<16x768xf32, #tpu.memory_space<vmem>>, vector<1x16xf32>,
        %get3A_547 = arith.index_cast %scan3A_206 : i32 to index
        %get3A_548 = arith.constant 288 : index
        %get3A_549 = tpu.vector_load %arg15[%get3A_547, %get3A_548] {strides = array<i32>} : memref<16x768xf32, #tpu.memory_space<vmem>>, vector<1x16xf32>,
        %get3A_550 = vector.shape_cast %get3A_549 : vector<1x16xf32> to vector<16xf32>
        %get3A_551 = arith.index_cast %scan3A_206 : i32 to index
        %get3A_552 = arith.constant 288 : index
        %get3A_553 = tpu.vector_load %arg16[%get3A_551, %get3A_552] {strides = array<i32>} : memref<16x768xf32, #tpu.memory_space<vmem>>, vector<1x16xf32>,
        %get3A_554 = vector.shape_cast %get3A_553 : vector<1x16xf32> to vector<16xf32>
        %add3A_555 = arith.addf %get3A_550, %get3A_554 : vector<16xf32>
        %get3A_556 = arith.index_cast %scan3A_206 : i32 to index
        %get3A_557 = arith.constant 288 : index
        %get3A_558 = tpu.vector_load %arg17[%get3A_556, %get3A_557] {strides = array<i32>} : memref<16x768xf32, #tpu.memory_space<vmem>>, vector<1x16xf32>,
        %get3A_559 = vector.shape_cast %get3A_558 : vector<1x16xf32> to vector<16xf32>
        %add3A_560 = arith.addf %add3A_555, %get3A_559 : vector<16xf32>
        %swap3A_561 = arith.index_cast %scan3A_206 : i32 to index
        %swap3A_562 = arith.constant 288 : index
        %swap3A_563 = tpu.vector_load %arg14[%swap3A_561, %swap3A_562] {strides = array<i32>} : memref<16x768xf32, #tpu.memory_space<vmem>>, vector<1x16xf32>,
        %swap3A_564 = vector.shape_cast %swap3A_563 : vector<1x16xf32> to vector<16xf32>
        %swap3A_565 = vector.shape_cast %add3A_560 : vector<16xf32> to vector<1x16xf32>
        tpu.vector_store %arg14[%swap3A_561, %swap3A_562], %swap3A_565 {add = true, strides = array<i32>} : memref<16x768xf32, #tpu.memory_space<vmem>>, vector<1x16xf32>,
        %get3A_566 = arith.index_cast %scan3A_206 : i32 to index
        %get3A_567 = arith.constant 304 : index
        %get3A_568 = tpu.vector_load %arg15[%get3A_566, %get3A_567] {strides = array<i32>} : memref<16x768xf32, #tpu.memory_space<vmem>>, vector<1x16xf32>,
        %get3A_569 = vector.shape_cast %get3A_568 : vector<1x16xf32> to vector<16xf32>
        %get3A_570 = arith.index_cast %scan3A_206 : i32 to index
        %get3A_571 = arith.constant 304 : index
        %get3A_572 = tpu.vector_load %arg16[%get3A_570, %get3A_571] {strides = array<i32>} : memref<16x768xf32, #tpu.memory_space<vmem>>, vector<1x16xf32>,
        %get3A_573 = vector.shape_cast %get3A_572 : vector<1x16xf32> to vector<16xf32>
        %add3A_574 = arith.addf %get3A_569, %get3A_573 : vector<16xf32>
        %get3A_575 = arith.index_cast %scan3A_206 : i32 to index
        %get3A_576 = arith.constant 304 : index
        %get3A_577 = tpu.vector_load %arg17[%get3A_575, %get3A_576] {strides = array<i32>} : memref<16x768xf32, #tpu.memory_space<vmem>>, vector<1x16xf32>,
        %get3A_578 = vector.shape_cast %get3A_577 : vector<1x16xf32> to vector<16xf32>
        %add3A_579 = arith.addf %add3A_574, %get3A_578 : vector<16xf32>
        %swap3A_580 = arith.index_cast %scan3A_206 : i32 to index
        %swap3A_581 = arith.constant 304 : index
        %swap3A_582 = tpu.vector_load %arg14[%swap3A_580, %swap3A_581] {strides = array<i32>} : memref<16x768xf32, #tpu.memory_space<vmem>>, vector<1x16xf32>,
        %swap3A_583 = vector.shape_cast %swap3A_582 : vector<1x16xf32> to vector<16xf32>
        %swap3A_584 = vector.shape_cast %add3A_579 : vector<16xf32> to vector<1x16xf32>
        tpu.vector_store %arg14[%swap3A_580, %swap3A_581], %swap3A_584 {add = true, strides = array<i32>} : memref<16x768xf32, #tpu.memory_space<vmem>>, vector<1x16xf32>,
        %get3A_585 = arith.index_cast %scan3A_206 : i32 to index
        %get3A_586 = arith.constant 320 : index
        %get3A_587 = tpu.vector_load %arg15[%get3A_585, %get3A_586] {strides = array<i32>} : memref<16x768xf32, #tpu.memory_space<vmem>>, vector<1x16xf32>,
        %get3A_588 = vector.shape_cast %get3A_587 : vector<1x16xf32> to vector<16xf32>
        %get3A_589 = arith.index_cast %scan3A_206 : i32 to index
        %get3A_590 = arith.constant 320 : index
        %get3A_591 = tpu.vector_load %arg16[%get3A_589, %get3A_590] {strides = array<i32>} : memref<16x768xf32, #tpu.memory_space<vmem>>, vector<1x16xf32>,
        %get3A_592 = vector.shape_cast %get3A_591 : vector<1x16xf32> to vector<16xf32>
        %add3A_593 = arith.addf %get3A_588, %get3A_592 : vector<16xf32>
        %get3A_594 = arith.index_cast %scan3A_206 : i32 to index
        %get3A_595 = arith.constant 320 : index
        %get3A_596 = tpu.vector_load %arg17[%get3A_594, %get3A_595] {strides = array<i32>} : memref<16x768xf32, #tpu.memory_space<vmem>>, vector<1x16xf32>,
        %get3A_597 = vector.shape_cast %get3A_596 : vector<1x16xf32> to vector<16xf32>
        %add3A_598 = arith.addf %add3A_593, %get3A_597 : vector<16xf32>
        %swap3A_599 = arith.index_cast %scan3A_206 : i32 to index
        %swap3A_600 = arith.constant 320 : index
        %swap3A_601 = tpu.vector_load %arg14[%swap3A_599, %swap3A_600] {strides = array<i32>} : memref<16x768xf32, #tpu.memory_space<vmem>>, vector<1x16xf32>,
        %swap3A_602 = vector.shape_cast %swap3A_601 : vector<1x16xf32> to vector<16xf32>
        %swap3A_603 = vector.shape_cast %add3A_598 : vector<16xf32> to vector<1x16xf32>
        tpu.vector_store %arg14[%swap3A_599, %swap3A_600], %swap3A_603 {add = true, strides = array<i32>} : memref<16x768xf32, #tpu.memory_space<vmem>>, vector<1x16xf32>,
        %get3A_604 = arith.index_cast %scan3A_206 : i32 to index
        %get3A_605 = arith.constant 336 : index
        %get3A_606 = tpu.vector_load %arg15[%get3A_604, %get3A_605] {strides = array<i32>} : memref<16x768xf32, #tpu.memory_space<vmem>>, vector<1x16xf32>,
        %get3A_607 = vector.shape_cast %get3A_606 : vector<1x16xf32> to vector<16xf32>
        %get3A_608 = arith.index_cast %scan3A_206 : i32 to index
        %get3A_609 = arith.constant 336 : index
        %get3A_610 = tpu.vector_load %arg16[%get3A_608, %get3A_609] {strides = array<i32>} : memref<16x768xf32, #tpu.memory_space<vmem>>, vector<1x16xf32>,
        %get3A_611 = vector.shape_cast %get3A_610 : vector<1x16xf32> to vector<16xf32>
        %add3A_612 = arith.addf %get3A_607, %get3A_611 : vector<16xf32>
        %get3A_613 = arith.index_cast %scan3A_206 : i32 to index
        %get3A_614 = arith.constant 336 : index
        %get3A_615 = tpu.vector_load %arg17[%get3A_613, %get3A_614] {strides = array<i32>} : memref<16x768xf32, #tpu.memory_space<vmem>>, vector<1x16xf32>,
        %get3A_616 = vector.shape_cast %get3A_615 : vector<1x16xf32> to vector<16xf32>
        %add3A_617 = arith.addf %add3A_612, %get3A_616 : vector<16xf32>
        %swap3A_618 = arith.index_cast %scan3A_206 : i32 to index
        %swap3A_619 = arith.constant 336 : index
        %swap3A_620 = tpu.vector_load %arg14[%swap3A_618, %swap3A_619] {strides = array<i32>} : memref<16x768xf32, #tpu.memory_space<vmem>>, vector<1x16xf32>,
        %swap3A_621 = vector.shape_cast %swap3A_620 : vector<1x16xf32> to vector<16xf32>
        %swap3A_622 = vector.shape_cast %add3A_617 : vector<16xf32> to vector<1x16xf32>
        tpu.vector_store %arg14[%swap3A_618, %swap3A_619], %swap3A_622 {add = true, strides = array<i32>} : memref<16x768xf32, #tpu.memory_space<vmem>>, vector<1x16xf32>,
        %get3A_623 = arith.index_cast %scan3A_206 : i32 to index
        %get3A_624 = arith.constant 352 : index
        %get3A_625 = tpu.vector_load %arg15[%get3A_623, %get3A_624] {strides = array<i32>} : memref<16x768xf32, #tpu.memory_space<vmem>>, vector<1x16xf32>,
        %get3A_626 = vector.shape_cast %get3A_625 : vector<1x16xf32> to vector<16xf32>
        %get3A_627 = arith.index_cast %scan3A_206 : i32 to index
        %get3A_628 = arith.constant 352 : index
        %get3A_629 = tpu.vector_load %arg16[%get3A_627, %get3A_628] {strides = array<i32>} : memref<16x768xf32, #tpu.memory_space<vmem>>, vector<1x16xf32>,
        %get3A_630 = vector.shape_cast %get3A_629 : vector<1x16xf32> to vector<16xf32>
        %add3A_631 = arith.addf %get3A_626, %get3A_630 : vector<16xf32>
        %get3A_632 = arith.index_cast %scan3A_206 : i32 to index
        %get3A_633 = arith.constant 352 : index
        %get3A_634 = tpu.vector_load %arg17[%get3A_632, %get3A_633] {strides = array<i32>} : memref<16x768xf32, #tpu.memory_space<vmem>>, vector<1x16xf32>,
        %get3A_635 = vector.shape_cast %get3A_634 : vector<1x16xf32> to vector<16xf32>
        %add3A_636 = arith.addf %add3A_631, %get3A_635 : vector<16xf32>
        %swap3A_637 = arith.index_cast %scan3A_206 : i32 to index
        %swap3A_638 = arith.constant 352 : index
        %swap3A_639 = tpu.vector_load %arg14[%swap3A_637, %swap3A_638] {strides = array<i32>} : memref<16x768xf32, #tpu.memory_space<vmem>>, vector<1x16xf32>,
        %swap3A_640 = vector.shape_cast %swap3A_639 : vector<1x16xf32> to vector<16xf32>
        %swap3A_641 = vector.shape_cast %add3A_636 : vector<16xf32> to vector<1x16xf32>
        tpu.vector_store %arg14[%swap3A_637, %swap3A_638], %swap3A_641 {add = true, strides = array<i32>} : memref<16x768xf32, #tpu.memory_space<vmem>>, vector<1x16xf32>,
        %get3A_642 = arith.index_cast %scan3A_206 : i32 to index
        %get3A_643 = arith.constant 368 : index
        %get3A_644 = tpu.vector_load %arg15[%get3A_642, %get3A_643] {strides = array<i32>} : memref<16x768xf32, #tpu.memory_space<vmem>>, vector<1x16xf32>,
        %get3A_645 = vector.shape_cast %get3A_644 : vector<1x16xf32> to vector<16xf32>
        %get3A_646 = arith.index_cast %scan3A_206 : i32 to index
        %get3A_647 = arith.constant 368 : index
        %get3A_648 = tpu.vector_load %arg16[%get3A_646, %get3A_647] {strides = array<i32>} : memref<16x768xf32, #tpu.memory_space<vmem>>, vector<1x16xf32>,
        %get3A_649 = vector.shape_cast %get3A_648 : vector<1x16xf32> to vector<16xf32>
        %add3A_650 = arith.addf %get3A_645, %get3A_649 : vector<16xf32>
        %get3A_651 = arith.index_cast %scan3A_206 : i32 to index
        %get3A_652 = arith.constant 368 : index
        %get3A_653 = tpu.vector_load %arg17[%get3A_651, %get3A_652] {strides = array<i32>} : memref<16x768xf32, #tpu.memory_space<vmem>>, vector<1x16xf32>,
        %get3A_654 = vector.shape_cast %get3A_653 : vector<1x16xf32> to vector<16xf32>
        %add3A_655 = arith.addf %add3A_650, %get3A_654 : vector<16xf32>
        %swap3A_656 = arith.index_cast %scan3A_206 : i32 to index
        %swap3A_657 = arith.constant 368 : index
        %swap3A_658 = tpu.vector_load %arg14[%swap3A_656, %swap3A_657] {strides = array<i32>} : memref<16x768xf32, #tpu.memory_space<vmem>>, vector<1x16xf32>,
        %swap3A_659 = vector.shape_cast %swap3A_658 : vector<1x16xf32> to vector<16xf32>
        %swap3A_660 = vector.shape_cast %add3A_655 : vector<16xf32> to vector<1x16xf32>
        tpu.vector_store %arg14[%swap3A_656, %swap3A_657], %swap3A_660 {add = true, strides = array<i32>} : memref<16x768xf32, #tpu.memory_space<vmem>>, vector<1x16xf32>,
        %get3A_661 = arith.index_cast %scan3A_206 : i32 to index
        %get3A_662 = arith.constant 384 : index
        %get3A_663 = tpu.vector_load %arg15[%get3A_661, %get3A_662] {strides = array<i32>} : memref<16x768xf32, #tpu.memory_space<vmem>>, vector<1x16xf32>,
        %get3A_664 = vector.shape_cast %get3A_663 : vector<1x16xf32> to vector<16xf32>
        %get3A_665 = arith.index_cast %scan3A_206 : i32 to index
        %get3A_666 = arith.constant 384 : index
        %get3A_667 = tpu.vector_load %arg16[%get3A_665, %get3A_666] {strides = array<i32>} : memref<16x768xf32, #tpu.memory_space<vmem>>, vector<1x16xf32>,
        %get3A_668 = vector.shape_cast %get3A_667 : vector<1x16xf32> to vector<16xf32>
        %add3A_669 = arith.addf %get3A_664, %get3A_668 : vector<16xf32>
        %get3A_670 = arith.index_cast %scan3A_206 : i32 to index
        %get3A_671 = arith.constant 384 : index
        %get3A_672 = tpu.vector_load %arg17[%get3A_670, %get3A_671] {strides = array<i32>} : memref<16x768xf32, #tpu.memory_space<vmem>>, vector<1x16xf32>,
        %get3A_673 = vector.shape_cast %get3A_672 : vector<1x16xf32> to vector<16xf32>
        %add3A_674 = arith.addf %add3A_669, %get3A_673 : vector<16xf32>
        %swap3A_675 = arith.index_cast %scan3A_206 : i32 to index
        %swap3A_676 = arith.constant 384 : index
        %swap3A_677 = tpu.vector_load %arg14[%swap3A_675, %swap3A_676] {strides = array<i32>} : memref<16x768xf32, #tpu.memory_space<vmem>>, vector<1x16xf32>,
        %swap3A_678 = vector.shape_cast %swap3A_677 : vector<1x16xf32> to vector<16xf32>
        %swap3A_679 = vector.shape_cast %add3A_674 : vector<16xf32> to vector<1x16xf32>
        tpu.vector_store %arg14[%swap3A_675, %swap3A_676], %swap3A_679 {add = true, strides = array<i32>} : memref<16x768xf32, #tpu.memory_space<vmem>>, vector<1x16xf32>,
        %get3A_680 = arith.index_cast %scan3A_206 : i32 to index
        %get3A_681 = arith.constant 400 : index
        %get3A_682 = tpu.vector_load %arg15[%get3A_680, %get3A_681] {strides = array<i32>} : memref<16x768xf32, #tpu.memory_space<vmem>>, vector<1x16xf32>,
        %get3A_683 = vector.shape_cast %get3A_682 : vector<1x16xf32> to vector<16xf32>
        %get3A_684 = arith.index_cast %scan3A_206 : i32 to index
        %get3A_685 = arith.constant 400 : index
        %get3A_686 = tpu.vector_load %arg16[%get3A_684, %get3A_685] {strides = array<i32>} : memref<16x768xf32, #tpu.memory_space<vmem>>, vector<1x16xf32>,
        %get3A_687 = vector.shape_cast %get3A_686 : vector<1x16xf32> to vector<16xf32>
        %add3A_688 = arith.addf %get3A_683, %get3A_687 : vector<16xf32>
        %get3A_689 = arith.index_cast %scan3A_206 : i32 to index
        %get3A_690 = arith.constant 400 : index
        %get3A_691 = tpu.vector_load %arg17[%get3A_689, %get3A_690] {strides = array<i32>} : memref<16x768xf32, #tpu.memory_space<vmem>>, vector<1x16xf32>,
        %get3A_692 = vector.shape_cast %get3A_691 : vector<1x16xf32> to vector<16xf32>
        %add3A_693 = arith.addf %add3A_688, %get3A_692 : vector<16xf32>
        %swap3A_694 = arith.index_cast %scan3A_206 : i32 to index
        %swap3A_695 = arith.constant 400 : index
        %swap3A_696 = tpu.vector_load %arg14[%swap3A_694, %swap3A_695] {strides = array<i32>} : memref<16x768xf32, #tpu.memory_space<vmem>>, vector<1x16xf32>,
        %swap3A_697 = vector.shape_cast %swap3A_696 : vector<1x16xf32> to vector<16xf32>
        %swap3A_698 = vector.shape_cast %add3A_693 : vector<16xf32> to vector<1x16xf32>
        tpu.vector_store %arg14[%swap3A_694, %swap3A_695], %swap3A_698 {add = true, strides = array<i32>} : memref<16x768xf32, #tpu.memory_space<vmem>>, vector<1x16xf32>,
        %get3A_699 = arith.index_cast %scan3A_206 : i32 to index
        %get3A_700 = arith.constant 416 : index
        %get3A_701 = tpu.vector_load %arg15[%get3A_699, %get3A_700] {strides = array<i32>} : memref<16x768xf32, #tpu.memory_space<vmem>>, vector<1x16xf32>,
        %get3A_702 = vector.shape_cast %get3A_701 : vector<1x16xf32> to vector<16xf32>
        %get3A_703 = arith.index_cast %scan3A_206 : i32 to index
        %get3A_704 = arith.constant 416 : index
        %get3A_705 = tpu.vector_load %arg16[%get3A_703, %get3A_704] {strides = array<i32>} : memref<16x768xf32, #tpu.memory_space<vmem>>, vector<1x16xf32>,
        %get3A_706 = vector.shape_cast %get3A_705 : vector<1x16xf32> to vector<16xf32>
        %add3A_707 = arith.addf %get3A_702, %get3A_706 : vector<16xf32>
        %get3A_708 = arith.index_cast %scan3A_206 : i32 to index
        %get3A_709 = arith.constant 416 : index
        %get3A_710 = tpu.vector_load %arg17[%get3A_708, %get3A_709] {strides = array<i32>} : memref<16x768xf32, #tpu.memory_space<vmem>>, vector<1x16xf32>,
        %get3A_711 = vector.shape_cast %get3A_710 : vector<1x16xf32> to vector<16xf32>
        %add3A_712 = arith.addf %add3A_707, %get3A_711 : vector<16xf32>
        %swap3A_713 = arith.index_cast %scan3A_206 : i32 to index
        %swap3A_714 = arith.constant 416 : index
        %swap3A_715 = tpu.vector_load %arg14[%swap3A_713, %swap3A_714] {strides = array<i32>} : memref<16x768xf32, #tpu.memory_space<vmem>>, vector<1x16xf32>,
        %swap3A_716 = vector.shape_cast %swap3A_715 : vector<1x16xf32> to vector<16xf32>
        %swap3A_717 = vector.shape_cast %add3A_712 : vector<16xf32> to vector<1x16xf32>
        tpu.vector_store %arg14[%swap3A_713, %swap3A_714], %swap3A_717 {add = true, strides = array<i32>} : memref<16x768xf32, #tpu.memory_space<vmem>>, vector<1x16xf32>,
        %get3A_718 = arith.index_cast %scan3A_206 : i32 to index
        %get3A_719 = arith.constant 432 : index
        %get3A_720 = tpu.vector_load %arg15[%get3A_718, %get3A_719] {strides = array<i32>} : memref<16x768xf32, #tpu.memory_space<vmem>>, vector<1x16xf32>,
        %get3A_721 = vector.shape_cast %get3A_720 : vector<1x16xf32> to vector<16xf32>
        %get3A_722 = arith.index_cast %scan3A_206 : i32 to index
        %get3A_723 = arith.constant 432 : index
        %get3A_724 = tpu.vector_load %arg16[%get3A_722, %get3A_723] {strides = array<i32>} : memref<16x768xf32, #tpu.memory_space<vmem>>, vector<1x16xf32>,
        %get3A_725 = vector.shape_cast %get3A_724 : vector<1x16xf32> to vector<16xf32>
        %add3A_726 = arith.addf %get3A_721, %get3A_725 : vector<16xf32>
        %get3A_727 = arith.index_cast %scan3A_206 : i32 to index
        %get3A_728 = arith.constant 432 : index
        %get3A_729 = tpu.vector_load %arg17[%get3A_727, %get3A_728] {strides = array<i32>} : memref<16x768xf32, #tpu.memory_space<vmem>>, vector<1x16xf32>,
        %get3A_730 = vector.shape_cast %get3A_729 : vector<1x16xf32> to vector<16xf32>
        %add3A_731 = arith.addf %add3A_726, %get3A_730 : vector<16xf32>
        %swap3A_732 = arith.index_cast %scan3A_206 : i32 to index
        %swap3A_733 = arith.constant 432 : index
        %swap3A_734 = tpu.vector_load %arg14[%swap3A_732, %swap3A_733] {strides = array<i32>} : memref<16x768xf32, #tpu.memory_space<vmem>>, vector<1x16xf32>,
        %swap3A_735 = vector.shape_cast %swap3A_734 : vector<1x16xf32> to vector<16xf32>
        %swap3A_736 = vector.shape_cast %add3A_731 : vector<16xf32> to vector<1x16xf32>
        tpu.vector_store %arg14[%swap3A_732, %swap3A_733], %swap3A_736 {add = true, strides = array<i32>} : memref<16x768xf32, #tpu.memory_space<vmem>>, vector<1x16xf32>,
        %get3A_737 = arith.index_cast %scan3A_206 : i32 to index
        %get3A_738 = arith.constant 448 : index
        %get3A_739 = tpu.vector_load %arg15[%get3A_737, %get3A_738] {strides = array<i32>} : memref<16x768xf32, #tpu.memory_space<vmem>>, vector<1x16xf32>,
        %get3A_740 = vector.shape_cast %get3A_739 : vector<1x16xf32> to vector<16xf32>
        %get3A_741 = arith.index_cast %scan3A_206 : i32 to index
        %get3A_742 = arith.constant 448 : index
        %get3A_743 = tpu.vector_load %arg16[%get3A_741, %get3A_742] {strides = array<i32>} : memref<16x768xf32, #tpu.memory_space<vmem>>, vector<1x16xf32>,
        %get3A_744 = vector.shape_cast %get3A_743 : vector<1x16xf32> to vector<16xf32>
        %add3A_745 = arith.addf %get3A_740, %get3A_744 : vector<16xf32>
        %get3A_746 = arith.index_cast %scan3A_206 : i32 to index
        %get3A_747 = arith.constant 448 : index
        %get3A_748 = tpu.vector_load %arg17[%get3A_746, %get3A_747] {strides = array<i32>} : memref<16x768xf32, #tpu.memory_space<vmem>>, vector<1x16xf32>,
        %get3A_749 = vector.shape_cast %get3A_748 : vector<1x16xf32> to vector<16xf32>
        %add3A_750 = arith.addf %add3A_745, %get3A_749 : vector<16xf32>
        %swap3A_751 = arith.index_cast %scan3A_206 : i32 to index
        %swap3A_752 = arith.constant 448 : index
        %swap3A_753 = tpu.vector_load %arg14[%swap3A_751, %swap3A_752] {strides = array<i32>} : memref<16x768xf32, #tpu.memory_space<vmem>>, vector<1x16xf32>,
        %swap3A_754 = vector.shape_cast %swap3A_753 : vector<1x16xf32> to vector<16xf32>
        %swap3A_755 = vector.shape_cast %add3A_750 : vector<16xf32> to vector<1x16xf32>
        tpu.vector_store %arg14[%swap3A_751, %swap3A_752], %swap3A_755 {add = true, strides = array<i32>} : memref<16x768xf32, #tpu.memory_space<vmem>>, vector<1x16xf32>,
        %get3A_756 = arith.index_cast %scan3A_206 : i32 to index
        %get3A_757 = arith.constant 464 : index
        %get3A_758 = tpu.vector_load %arg15[%get3A_756, %get3A_757] {strides = array<i32>} : memref<16x768xf32, #tpu.memory_space<vmem>>, vector<1x16xf32>,
        %get3A_759 = vector.shape_cast %get3A_758 : vector<1x16xf32> to vector<16xf32>
        %get3A_760 = arith.index_cast %scan3A_206 : i32 to index
        %get3A_761 = arith.constant 464 : index
        %get3A_762 = tpu.vector_load %arg16[%get3A_760, %get3A_761] {strides = array<i32>} : memref<16x768xf32, #tpu.memory_space<vmem>>, vector<1x16xf32>,
        %get3A_763 = vector.shape_cast %get3A_762 : vector<1x16xf32> to vector<16xf32>
        %add3A_764 = arith.addf %get3A_759, %get3A_763 : vector<16xf32>
        %get3A_765 = arith.index_cast %scan3A_206 : i32 to index
        %get3A_766 = arith.constant 464 : index
        %get3A_767 = tpu.vector_load %arg17[%get3A_765, %get3A_766] {strides = array<i32>} : memref<16x768xf32, #tpu.memory_space<vmem>>, vector<1x16xf32>,
        %get3A_768 = vector.shape_cast %get3A_767 : vector<1x16xf32> to vector<16xf32>
        %add3A_769 = arith.addf %add3A_764, %get3A_768 : vector<16xf32>
        %swap3A_770 = arith.index_cast %scan3A_206 : i32 to index
        %swap3A_771 = arith.constant 464 : index
        %swap3A_772 = tpu.vector_load %arg14[%swap3A_770, %swap3A_771] {strides = array<i32>} : memref<16x768xf32, #tpu.memory_space<vmem>>, vector<1x16xf32>,
        %swap3A_773 = vector.shape_cast %swap3A_772 : vector<1x16xf32> to vector<16xf32>
        %swap3A_774 = vector.shape_cast %add3A_769 : vector<16xf32> to vector<1x16xf32>
        tpu.vector_store %arg14[%swap3A_770, %swap3A_771], %swap3A_774 {add = true, strides = array<i32>} : memref<16x768xf32, #tpu.memory_space<vmem>>, vector<1x16xf32>,
        %get3A_775 = arith.index_cast %scan3A_206 : i32 to index
        %get3A_776 = arith.constant 480 : index
        %get3A_777 = tpu.vector_load %arg15[%get3A_775, %get3A_776] {strides = array<i32>} : memref<16x768xf32, #tpu.memory_space<vmem>>, vector<1x16xf32>,
        %get3A_778 = vector.shape_cast %get3A_777 : vector<1x16xf32> to vector<16xf32>
        %get3A_779 = arith.index_cast %scan3A_206 : i32 to index
        %get3A_780 = arith.constant 480 : index
        %get3A_781 = tpu.vector_load %arg16[%get3A_779, %get3A_780] {strides = array<i32>} : memref<16x768xf32, #tpu.memory_space<vmem>>, vector<1x16xf32>,
        %get3A_782 = vector.shape_cast %get3A_781 : vector<1x16xf32> to vector<16xf32>
        %add3A_783 = arith.addf %get3A_778, %get3A_782 : vector<16xf32>
        %get3A_784 = arith.index_cast %scan3A_206 : i32 to index
        %get3A_785 = arith.constant 480 : index
        %get3A_786 = tpu.vector_load %arg17[%get3A_784, %get3A_785] {strides = array<i32>} : memref<16x768xf32, #tpu.memory_space<vmem>>, vector<1x16xf32>,
        %get3A_787 = vector.shape_cast %get3A_786 : vector<1x16xf32> to vector<16xf32>
        %add3A_788 = arith.addf %add3A_783, %get3A_787 : vector<16xf32>
        %swap3A_789 = arith.index_cast %scan3A_206 : i32 to index
        %swap3A_790 = arith.constant 480 : index
        %swap3A_791 = tpu.vector_load %arg14[%swap3A_789, %swap3A_790] {strides = array<i32>} : memref<16x768xf32, #tpu.memory_space<vmem>>, vector<1x16xf32>,
        %swap3A_792 = vector.shape_cast %swap3A_791 : vector<1x16xf32> to vector<16xf32>
        %swap3A_793 = vector.shape_cast %add3A_788 : vector<16xf32> to vector<1x16xf32>
        tpu.vector_store %arg14[%swap3A_789, %swap3A_790], %swap3A_793 {add = true, strides = array<i32>} : memref<16x768xf32, #tpu.memory_space<vmem>>, vector<1x16xf32>,
        %get3A_794 = arith.index_cast %scan3A_206 : i32 to index
        %get3A_795 = arith.constant 496 : index
        %get3A_796 = tpu.vector_load %arg15[%get3A_794, %get3A_795] {strides = array<i32>} : memref<16x768xf32, #tpu.memory_space<vmem>>, vector<1x16xf32>,
        %get3A_797 = vector.shape_cast %get3A_796 : vector<1x16xf32> to vector<16xf32>
        %get3A_798 = arith.index_cast %scan3A_206 : i32 to index
        %get3A_799 = arith.constant 496 : index
        %get3A_800 = tpu.vector_load %arg16[%get3A_798, %get3A_799] {strides = array<i32>} : memref<16x768xf32, #tpu.memory_space<vmem>>, vector<1x16xf32>,
        %get3A_801 = vector.shape_cast %get3A_800 : vector<1x16xf32> to vector<16xf32>
        %add3A_802 = arith.addf %get3A_797, %get3A_801 : vector<16xf32>
        %get3A_803 = arith.index_cast %scan3A_206 : i32 to index
        %get3A_804 = arith.constant 496 : index
        %get3A_805 = tpu.vector_load %arg17[%get3A_803, %get3A_804] {strides = array<i32>} : memref<16x768xf32, #tpu.memory_space<vmem>>, vector<1x16xf32>,
        %get3A_806 = vector.shape_cast %get3A_805 : vector<1x16xf32> to vector<16xf32>
        %add3A_807 = arith.addf %add3A_802, %get3A_806 : vector<16xf32>
        %swap3A_808 = arith.index_cast %scan3A_206 : i32 to index
        %swap3A_809 = arith.constant 496 : index
        %swap3A_810 = tpu.vector_load %arg14[%swap3A_808, %swap3A_809] {strides = array<i32>} : memref<16x768xf32, #tpu.memory_space<vmem>>, vector<1x16xf32>,
        %swap3A_811 = vector.shape_cast %swap3A_810 : vector<1x16xf32> to vector<16xf32>
        %swap3A_812 = vector.shape_cast %add3A_807 : vector<16xf32> to vector<1x16xf32>
        tpu.vector_store %arg14[%swap3A_808, %swap3A_809], %swap3A_812 {add = true, strides = array<i32>} : memref<16x768xf32, #tpu.memory_space<vmem>>, vector<1x16xf32>,
        %get3A_813 = arith.index_cast %scan3A_206 : i32 to index
        %get3A_814 = arith.constant 512 : index
        %get3A_815 = tpu.vector_load %arg15[%get3A_813, %get3A_814] {strides = array<i32>} : memref<16x768xf32, #tpu.memory_space<vmem>>, vector<1x16xf32>,
        %get3A_816 = vector.shape_cast %get3A_815 : vector<1x16xf32> to vector<16xf32>
        %get3A_817 = arith.index_cast %scan3A_206 : i32 to index
        %get3A_818 = arith.constant 512 : index
        %get3A_819 = tpu.vector_load %arg16[%get3A_817, %get3A_818] {strides = array<i32>} : memref<16x768xf32, #tpu.memory_space<vmem>>, vector<1x16xf32>,
        %get3A_820 = vector.shape_cast %get3A_819 : vector<1x16xf32> to vector<16xf32>
        %add3A_821 = arith.addf %get3A_816, %get3A_820 : vector<16xf32>
        %get3A_822 = arith.index_cast %scan3A_206 : i32 to index
        %get3A_823 = arith.constant 512 : index
        %get3A_824 = tpu.vector_load %arg17[%get3A_822, %get3A_823] {strides = array<i32>} : memref<16x768xf32, #tpu.memory_space<vmem>>, vector<1x16xf32>,
        %get3A_825 = vector.shape_cast %get3A_824 : vector<1x16xf32> to vector<16xf32>
        %add3A_826 = arith.addf %add3A_821, %get3A_825 : vector<16xf32>
        %swap3A_827 = arith.index_cast %scan3A_206 : i32 to index
        %swap3A_828 = arith.constant 512 : index
        %swap3A_829 = tpu.vector_load %arg14[%swap3A_827, %swap3A_828] {strides = array<i32>} : memref<16x768xf32, #tpu.memory_space<vmem>>, vector<1x16xf32>,
        %swap3A_830 = vector.shape_cast %swap3A_829 : vector<1x16xf32> to vector<16xf32>
        %swap3A_831 = vector.shape_cast %add3A_826 : vector<16xf32> to vector<1x16xf32>
        tpu.vector_store %arg14[%swap3A_827, %swap3A_828], %swap3A_831 {add = true, strides = array<i32>} : memref<16x768xf32, #tpu.memory_space<vmem>>, vector<1x16xf32>,
        %get3A_832 = arith.index_cast %scan3A_206 : i32 to index
        %get3A_833 = arith.constant 528 : index
        %get3A_834 = tpu.vector_load %arg15[%get3A_832, %get3A_833] {strides = array<i32>} : memref<16x768xf32, #tpu.memory_space<vmem>>, vector<1x16xf32>,
        %get3A_835 = vector.shape_cast %get3A_834 : vector<1x16xf32> to vector<16xf32>
        %get3A_836 = arith.index_cast %scan3A_206 : i32 to index
        %get3A_837 = arith.constant 528 : index
        %get3A_838 = tpu.vector_load %arg16[%get3A_836, %get3A_837] {strides = array<i32>} : memref<16x768xf32, #tpu.memory_space<vmem>>, vector<1x16xf32>,
        %get3A_839 = vector.shape_cast %get3A_838 : vector<1x16xf32> to vector<16xf32>
        %add3A_840 = arith.addf %get3A_835, %get3A_839 : vector<16xf32>
        %get3A_841 = arith.index_cast %scan3A_206 : i32 to index
        %get3A_842 = arith.constant 528 : index
        %get3A_843 = tpu.vector_load %arg17[%get3A_841, %get3A_842] {strides = array<i32>} : memref<16x768xf32, #tpu.memory_space<vmem>>, vector<1x16xf32>,
        %get3A_844 = vector.shape_cast %get3A_843 : vector<1x16xf32> to vector<16xf32>
        %add3A_845 = arith.addf %add3A_840, %get3A_844 : vector<16xf32>
        %swap3A_846 = arith.index_cast %scan3A_206 : i32 to index
        %swap3A_847 = arith.constant 528 : index
        %swap3A_848 = tpu.vector_load %arg14[%swap3A_846, %swap3A_847] {strides = array<i32>} : memref<16x768xf32, #tpu.memory_space<vmem>>, vector<1x16xf32>,
        %swap3A_849 = vector.shape_cast %swap3A_848 : vector<1x16xf32> to vector<16xf32>
        %swap3A_850 = vector.shape_cast %add3A_845 : vector<16xf32> to vector<1x16xf32>
        tpu.vector_store %arg14[%swap3A_846, %swap3A_847], %swap3A_850 {add = true, strides = array<i32>} : memref<16x768xf32, #tpu.memory_space<vmem>>, vector<1x16xf32>,
        %get3A_851 = arith.index_cast %scan3A_206 : i32 to index
        %get3A_852 = arith.constant 544 : index
        %get3A_853 = tpu.vector_load %arg15[%get3A_851, %get3A_852] {strides = array<i32>} : memref<16x768xf32, #tpu.memory_space<vmem>>, vector<1x16xf32>,
        %get3A_854 = vector.shape_cast %get3A_853 : vector<1x16xf32> to vector<16xf32>
        %get3A_855 = arith.index_cast %scan3A_206 : i32 to index
        %get3A_856 = arith.constant 544 : index
        %get3A_857 = tpu.vector_load %arg16[%get3A_855, %get3A_856] {strides = array<i32>} : memref<16x768xf32, #tpu.memory_space<vmem>>, vector<1x16xf32>,
        %get3A_858 = vector.shape_cast %get3A_857 : vector<1x16xf32> to vector<16xf32>
        %add3A_859 = arith.addf %get3A_854, %get3A_858 : vector<16xf32>
        %get3A_860 = arith.index_cast %scan3A_206 : i32 to index
        %get3A_861 = arith.constant 544 : index
        %get3A_862 = tpu.vector_load %arg17[%get3A_860, %get3A_861] {strides = array<i32>} : memref<16x768xf32, #tpu.memory_space<vmem>>, vector<1x16xf32>,
        %get3A_863 = vector.shape_cast %get3A_862 : vector<1x16xf32> to vector<16xf32>
        %add3A_864 = arith.addf %add3A_859, %get3A_863 : vector<16xf32>
        %swap3A_865 = arith.index_cast %scan3A_206 : i32 to index
        %swap3A_866 = arith.constant 544 : index
        %swap3A_867 = tpu.vector_load %arg14[%swap3A_865, %swap3A_866] {strides = array<i32>} : memref<16x768xf32, #tpu.memory_space<vmem>>, vector<1x16xf32>,
        %swap3A_868 = vector.shape_cast %swap3A_867 : vector<1x16xf32> to vector<16xf32>
        %swap3A_869 = vector.shape_cast %add3A_864 : vector<16xf32> to vector<1x16xf32>
        tpu.vector_store %arg14[%swap3A_865, %swap3A_866], %swap3A_869 {add = true, strides = array<i32>} : memref<16x768xf32, #tpu.memory_space<vmem>>, vector<1x16xf32>,
        %get3A_870 = arith.index_cast %scan3A_206 : i32 to index
        %get3A_871 = arith.constant 560 : index
        %get3A_872 = tpu.vector_load %arg15[%get3A_870, %get3A_871] {strides = array<i32>} : memref<16x768xf32, #tpu.memory_space<vmem>>, vector<1x16xf32>,
        %get3A_873 = vector.shape_cast %get3A_872 : vector<1x16xf32> to vector<16xf32>
        %get3A_874 = arith.index_cast %scan3A_206 : i32 to index
        %get3A_875 = arith.constant 560 : index
        %get3A_876 = tpu.vector_load %arg16[%get3A_874, %get3A_875] {strides = array<i32>} : memref<16x768xf32, #tpu.memory_space<vmem>>, vector<1x16xf32>,
        %get3A_877 = vector.shape_cast %get3A_876 : vector<1x16xf32> to vector<16xf32>
        %add3A_878 = arith.addf %get3A_873, %get3A_877 : vector<16xf32>
        %get3A_879 = arith.index_cast %scan3A_206 : i32 to index
        %get3A_880 = arith.constant 560 : index
        %get3A_881 = tpu.vector_load %arg17[%get3A_879, %get3A_880] {strides = array<i32>} : memref<16x768xf32, #tpu.memory_space<vmem>>, vector<1x16xf32>,
        %get3A_882 = vector.shape_cast %get3A_881 : vector<1x16xf32> to vector<16xf32>
        %add3A_883 = arith.addf %add3A_878, %get3A_882 : vector<16xf32>
        %swap3A_884 = arith.index_cast %scan3A_206 : i32 to index
        %swap3A_885 = arith.constant 560 : index
        %swap3A_886 = tpu.vector_load %arg14[%swap3A_884, %swap3A_885] {strides = array<i32>} : memref<16x768xf32, #tpu.memory_space<vmem>>, vector<1x16xf32>,
        %swap3A_887 = vector.shape_cast %swap3A_886 : vector<1x16xf32> to vector<16xf32>
        %swap3A_888 = vector.shape_cast %add3A_883 : vector<16xf32> to vector<1x16xf32>
        tpu.vector_store %arg14[%swap3A_884, %swap3A_885], %swap3A_888 {add = true, strides = array<i32>} : memref<16x768xf32, #tpu.memory_space<vmem>>, vector<1x16xf32>,
        %get3A_889 = arith.index_cast %scan3A_206 : i32 to index
        %get3A_890 = arith.constant 576 : index
        %get3A_891 = tpu.vector_load %arg15[%get3A_889, %get3A_890] {strides = array<i32>} : memref<16x768xf32, #tpu.memory_space<vmem>>, vector<1x16xf32>,
        %get3A_892 = vector.shape_cast %get3A_891 : vector<1x16xf32> to vector<16xf32>
        %get3A_893 = arith.index_cast %scan3A_206 : i32 to index
        %get3A_894 = arith.constant 576 : index
        %get3A_895 = tpu.vector_load %arg16[%get3A_893, %get3A_894] {strides = array<i32>} : memref<16x768xf32, #tpu.memory_space<vmem>>, vector<1x16xf32>,
        %get3A_896 = vector.shape_cast %get3A_895 : vector<1x16xf32> to vector<16xf32>
        %add3A_897 = arith.addf %get3A_892, %get3A_896 : vector<16xf32>
        %get3A_898 = arith.index_cast %scan3A_206 : i32 to index
        %get3A_899 = arith.constant 576 : index
        %get3A_900 = tpu.vector_load %arg17[%get3A_898, %get3A_899] {strides = array<i32>} : memref<16x768xf32, #tpu.memory_space<vmem>>, vector<1x16xf32>,
        %get3A_901 = vector.shape_cast %get3A_900 : vector<1x16xf32> to vector<16xf32>
        %add3A_902 = arith.addf %add3A_897, %get3A_901 : vector<16xf32>
        %swap3A_903 = arith.index_cast %scan3A_206 : i32 to index
        %swap3A_904 = arith.constant 576 : index
        %swap3A_905 = tpu.vector_load %arg14[%swap3A_903, %swap3A_904] {strides = array<i32>} : memref<16x768xf32, #tpu.memory_space<vmem>>, vector<1x16xf32>,
        %swap3A_906 = vector.shape_cast %swap3A_905 : vector<1x16xf32> to vector<16xf32>
        %swap3A_907 = vector.shape_cast %add3A_902 : vector<16xf32> to vector<1x16xf32>
        tpu.vector_store %arg14[%swap3A_903, %swap3A_904], %swap3A_907 {add = true, strides = array<i32>} : memref<16x768xf32, #tpu.memory_space<vmem>>, vector<1x16xf32>,
        %get3A_908 = arith.index_cast %scan3A_206 : i32 to index
        %get3A_909 = arith.constant 592 : index
        %get3A_910 = tpu.vector_load %arg15[%get3A_908, %get3A_909] {strides = array<i32>} : memref<16x768xf32, #tpu.memory_space<vmem>>, vector<1x16xf32>,
        %get3A_911 = vector.shape_cast %get3A_910 : vector<1x16xf32> to vector<16xf32>
        %get3A_912 = arith.index_cast %scan3A_206 : i32 to index
        %get3A_913 = arith.constant 592 : index
        %get3A_914 = tpu.vector_load %arg16[%get3A_912, %get3A_913] {strides = array<i32>} : memref<16x768xf32, #tpu.memory_space<vmem>>, vector<1x16xf32>,
        %get3A_915 = vector.shape_cast %get3A_914 : vector<1x16xf32> to vector<16xf32>
        %add3A_916 = arith.addf %get3A_911, %get3A_915 : vector<16xf32>
        %get3A_917 = arith.index_cast %scan3A_206 : i32 to index
        %get3A_918 = arith.constant 592 : index
        %get3A_919 = tpu.vector_load %arg17[%get3A_917, %get3A_918] {strides = array<i32>} : memref<16x768xf32, #tpu.memory_space<vmem>>, vector<1x16xf32>,
        %get3A_920 = vector.shape_cast %get3A_919 : vector<1x16xf32> to vector<16xf32>
        %add3A_921 = arith.addf %add3A_916, %get3A_920 : vector<16xf32>
        %swap3A_922 = arith.index_cast %scan3A_206 : i32 to index
        %swap3A_923 = arith.constant 592 : index
        %swap3A_924 = tpu.vector_load %arg14[%swap3A_922, %swap3A_923] {strides = array<i32>} : memref<16x768xf32, #tpu.memory_space<vmem>>, vector<1x16xf32>,
        %swap3A_925 = vector.shape_cast %swap3A_924 : vector<1x16xf32> to vector<16xf32>
        %swap3A_926 = vector.shape_cast %add3A_921 : vector<16xf32> to vector<1x16xf32>
        tpu.vector_store %arg14[%swap3A_922, %swap3A_923], %swap3A_926 {add = true, strides = array<i32>} : memref<16x768xf32, #tpu.memory_space<vmem>>, vector<1x16xf32>,
        %get3A_927 = arith.index_cast %scan3A_206 : i32 to index
        %get3A_928 = arith.constant 608 : index
        %get3A_929 = tpu.vector_load %arg15[%get3A_927, %get3A_928] {strides = array<i32>} : memref<16x768xf32, #tpu.memory_space<vmem>>, vector<1x16xf32>,
        %get3A_930 = vector.shape_cast %get3A_929 : vector<1x16xf32> to vector<16xf32>
        %get3A_931 = arith.index_cast %scan3A_206 : i32 to index
        %get3A_932 = arith.constant 608 : index
        %get3A_933 = tpu.vector_load %arg16[%get3A_931, %get3A_932] {strides = array<i32>} : memref<16x768xf32, #tpu.memory_space<vmem>>, vector<1x16xf32>,
        %get3A_934 = vector.shape_cast %get3A_933 : vector<1x16xf32> to vector<16xf32>
        %add3A_935 = arith.addf %get3A_930, %get3A_934 : vector<16xf32>
        %get3A_936 = arith.index_cast %scan3A_206 : i32 to index
        %get3A_937 = arith.constant 608 : index
        %get3A_938 = tpu.vector_load %arg17[%get3A_936, %get3A_937] {strides = array<i32>} : memref<16x768xf32, #tpu.memory_space<vmem>>, vector<1x16xf32>,
        %get3A_939 = vector.shape_cast %get3A_938 : vector<1x16xf32> to vector<16xf32>
        %add3A_940 = arith.addf %add3A_935, %get3A_939 : vector<16xf32>
        %swap3A_941 = arith.index_cast %scan3A_206 : i32 to index
        %swap3A_942 = arith.constant 608 : index
        %swap3A_943 = tpu.vector_load %arg14[%swap3A_941, %swap3A_942] {strides = array<i32>} : memref<16x768xf32, #tpu.memory_space<vmem>>, vector<1x16xf32>,
        %swap3A_944 = vector.shape_cast %swap3A_943 : vector<1x16xf32> to vector<16xf32>
        %swap3A_945 = vector.shape_cast %add3A_940 : vector<16xf32> to vector<1x16xf32>
        tpu.vector_store %arg14[%swap3A_941, %swap3A_942], %swap3A_945 {add = true, strides = array<i32>} : memref<16x768xf32, #tpu.memory_space<vmem>>, vector<1x16xf32>,
        %get3A_946 = arith.index_cast %scan3A_206 : i32 to index
        %get3A_947 = arith.constant 624 : index
        %get3A_948 = tpu.vector_load %arg15[%get3A_946, %get3A_947] {strides = array<i32>} : memref<16x768xf32, #tpu.memory_space<vmem>>, vector<1x16xf32>,
        %get3A_949 = vector.shape_cast %get3A_948 : vector<1x16xf32> to vector<16xf32>
        %get3A_950 = arith.index_cast %scan3A_206 : i32 to index
        %get3A_951 = arith.constant 624 : index
        %get3A_952 = tpu.vector_load %arg16[%get3A_950, %get3A_951] {strides = array<i32>} : memref<16x768xf32, #tpu.memory_space<vmem>>, vector<1x16xf32>,
        %get3A_953 = vector.shape_cast %get3A_952 : vector<1x16xf32> to vector<16xf32>
        %add3A_954 = arith.addf %get3A_949, %get3A_953 : vector<16xf32>
        %get3A_955 = arith.index_cast %scan3A_206 : i32 to index
        %get3A_956 = arith.constant 624 : index
        %get3A_957 = tpu.vector_load %arg17[%get3A_955, %get3A_956] {strides = array<i32>} : memref<16x768xf32, #tpu.memory_space<vmem>>, vector<1x16xf32>,
        %get3A_958 = vector.shape_cast %get3A_957 : vector<1x16xf32> to vector<16xf32>
        %add3A_959 = arith.addf %add3A_954, %get3A_958 : vector<16xf32>
        %swap3A_960 = arith.index_cast %scan3A_206 : i32 to index
        %swap3A_961 = arith.constant 624 : index
        %swap3A_962 = tpu.vector_load %arg14[%swap3A_960, %swap3A_961] {strides = array<i32>} : memref<16x768xf32, #tpu.memory_space<vmem>>, vector<1x16xf32>,
        %swap3A_963 = vector.shape_cast %swap3A_962 : vector<1x16xf32> to vector<16xf32>
        %swap3A_964 = vector.shape_cast %add3A_959 : vector<16xf32> to vector<1x16xf32>
        tpu.vector_store %arg14[%swap3A_960, %swap3A_961], %swap3A_964 {add = true, strides = array<i32>} : memref<16x768xf32, #tpu.memory_space<vmem>>, vector<1x16xf32>,
        %get3A_965 = arith.index_cast %scan3A_206 : i32 to index
        %get3A_966 = arith.constant 640 : index
        %get3A_967 = tpu.vector_load %arg15[%get3A_965, %get3A_966] {strides = array<i32>} : memref<16x768xf32, #tpu.memory_space<vmem>>, vector<1x16xf32>,
        %get3A_968 = vector.shape_cast %get3A_967 : vector<1x16xf32> to vector<16xf32>
        %get3A_969 = arith.index_cast %scan3A_206 : i32 to index
        %get3A_970 = arith.constant 640 : index
        %get3A_971 = tpu.vector_load %arg16[%get3A_969, %get3A_970] {strides = array<i32>} : memref<16x768xf32, #tpu.memory_space<vmem>>, vector<1x16xf32>,
        %get3A_972 = vector.shape_cast %get3A_971 : vector<1x16xf32> to vector<16xf32>
        %add3A_973 = arith.addf %get3A_968, %get3A_972 : vector<16xf32>
        %get3A_974 = arith.index_cast %scan3A_206 : i32 to index
        %get3A_975 = arith.constant 640 : index
        %get3A_976 = tpu.vector_load %arg17[%get3A_974, %get3A_975] {strides = array<i32>} : memref<16x768xf32, #tpu.memory_space<vmem>>, vector<1x16xf32>,
        %get3A_977 = vector.shape_cast %get3A_976 : vector<1x16xf32> to vector<16xf32>
        %add3A_978 = arith.addf %add3A_973, %get3A_977 : vector<16xf32>
        %swap3A_979 = arith.index_cast %scan3A_206 : i32 to index
        %swap3A_980 = arith.constant 640 : index
        %swap3A_981 = tpu.vector_load %arg14[%swap3A_979, %swap3A_980] {strides = array<i32>} : memref<16x768xf32, #tpu.memory_space<vmem>>, vector<1x16xf32>,
        %swap3A_982 = vector.shape_cast %swap3A_981 : vector<1x16xf32> to vector<16xf32>
        %swap3A_983 = vector.shape_cast %add3A_978 : vector<16xf32> to vector<1x16xf32>
        tpu.vector_store %arg14[%swap3A_979, %swap3A_980], %swap3A_983 {add = true, strides = array<i32>} : memref<16x768xf32, #tpu.memory_space<vmem>>, vector<1x16xf32>,
        %get3A_984 = arith.index_cast %scan3A_206 : i32 to index
        %get3A_985 = arith.constant 656 : index
        %get3A_986 = tpu.vector_load %arg15[%get3A_984, %get3A_985] {strides = array<i32>} : memref<16x768xf32, #tpu.memory_space<vmem>>, vector<1x16xf32>,
        %get3A_987 = vector.shape_cast %get3A_986 : vector<1x16xf32> to vector<16xf32>
        %get3A_988 = arith.index_cast %scan3A_206 : i32 to index
        %get3A_989 = arith.constant 656 : index
        %get3A_990 = tpu.vector_load %arg16[%get3A_988, %get3A_989] {strides = array<i32>} : memref<16x768xf32, #tpu.memory_space<vmem>>, vector<1x16xf32>,
        %get3A_991 = vector.shape_cast %get3A_990 : vector<1x16xf32> to vector<16xf32>
        %add3A_992 = arith.addf %get3A_987, %get3A_991 : vector<16xf32>
        %get3A_993 = arith.index_cast %scan3A_206 : i32 to index
        %get3A_994 = arith.constant 656 : index
        %get3A_995 = tpu.vector_load %arg17[%get3A_993, %get3A_994] {strides = array<i32>} : memref<16x768xf32, #tpu.memory_space<vmem>>, vector<1x16xf32>,
        %get3A_996 = vector.shape_cast %get3A_995 : vector<1x16xf32> to vector<16xf32>
        %add3A_997 = arith.addf %add3A_992, %get3A_996 : vector<16xf32>
        %swap3A_998 = arith.index_cast %scan3A_206 : i32 to index
        %swap3A_999 = arith.constant 656 : index
        %swap3A_1000 = tpu.vector_load %arg14[%swap3A_998, %swap3A_999] {strides = array<i32>} : memref<16x768xf32, #tpu.memory_space<vmem>>, vector<1x16xf32>,
        %swap3A_1001 = vector.shape_cast %swap3A_1000 : vector<1x16xf32> to vector<16xf32>
        %swap3A_1002 = vector.shape_cast %add3A_997 : vector<16xf32> to vector<1x16xf32>
        tpu.vector_store %arg14[%swap3A_998, %swap3A_999], %swap3A_1002 {add = true, strides = array<i32>} : memref<16x768xf32, #tpu.memory_space<vmem>>, vector<1x16xf32>,
        %get3A_1003 = arith.index_cast %scan3A_206 : i32 to index
        %get3A_1004 = arith.constant 672 : index
        %get3A_1005 = tpu.vector_load %arg15[%get3A_1003, %get3A_1004] {strides = array<i32>} : memref<16x768xf32, #tpu.memory_space<vmem>>, vector<1x16xf32>,
        %get3A_1006 = vector.shape_cast %get3A_1005 : vector<1x16xf32> to vector<16xf32>
        %get3A_1007 = arith.index_cast %scan3A_206 : i32 to index
        %get3A_1008 = arith.constant 672 : index
        %get3A_1009 = tpu.vector_load %arg16[%get3A_1007, %get3A_1008] {strides = array<i32>} : memref<16x768xf32, #tpu.memory_space<vmem>>, vector<1x16xf32>,
        %get3A_1010 = vector.shape_cast %get3A_1009 : vector<1x16xf32> to vector<16xf32>
        %add3A_1011 = arith.addf %get3A_1006, %get3A_1010 : vector<16xf32>
        %get3A_1012 = arith.index_cast %scan3A_206 : i32 to index
        %get3A_1013 = arith.constant 672 : index
        %get3A_1014 = tpu.vector_load %arg17[%get3A_1012, %get3A_1013] {strides = array<i32>} : memref<16x768xf32, #tpu.memory_space<vmem>>, vector<1x16xf32>,
        %get3A_1015 = vector.shape_cast %get3A_1014 : vector<1x16xf32> to vector<16xf32>
        %add3A_1016 = arith.addf %add3A_1011, %get3A_1015 : vector<16xf32>
        %swap3A_1017 = arith.index_cast %scan3A_206 : i32 to index
        %swap3A_1018 = arith.constant 672 : index
        %swap3A_1019 = tpu.vector_load %arg14[%swap3A_1017, %swap3A_1018] {strides = array<i32>} : memref<16x768xf32, #tpu.memory_space<vmem>>, vector<1x16xf32>,
        %swap3A_1020 = vector.shape_cast %swap3A_1019 : vector<1x16xf32> to vector<16xf32>
        %swap3A_1021 = vector.shape_cast %add3A_1016 : vector<16xf32> to vector<1x16xf32>
        tpu.vector_store %arg14[%swap3A_1017, %swap3A_1018], %swap3A_1021 {add = true, strides = array<i32>} : memref<16x768xf32, #tpu.memory_space<vmem>>, vector<1x16xf32>,
        %get3A_1022 = arith.index_cast %scan3A_206 : i32 to index
        %get3A_1023 = arith.constant 688 : index
        %get3A_1024 = tpu.vector_load %arg15[%get3A_1022, %get3A_1023] {strides = array<i32>} : memref<16x768xf32, #tpu.memory_space<vmem>>, vector<1x16xf32>,
        %get3A_1025 = vector.shape_cast %get3A_1024 : vector<1x16xf32> to vector<16xf32>
        %get3A_1026 = arith.index_cast %scan3A_206 : i32 to index
        %get3A_1027 = arith.constant 688 : index
        %get3A_1028 = tpu.vector_load %arg16[%get3A_1026, %get3A_1027] {strides = array<i32>} : memref<16x768xf32, #tpu.memory_space<vmem>>, vector<1x16xf32>,
        %get3A_1029 = vector.shape_cast %get3A_1028 : vector<1x16xf32> to vector<16xf32>
        %add3A_1030 = arith.addf %get3A_1025, %get3A_1029 : vector<16xf32>
        %get3A_1031 = arith.index_cast %scan3A_206 : i32 to index
        %get3A_1032 = arith.constant 688 : index
        %get3A_1033 = tpu.vector_load %arg17[%get3A_1031, %get3A_1032] {strides = array<i32>} : memref<16x768xf32, #tpu.memory_space<vmem>>, vector<1x16xf32>,
        %get3A_1034 = vector.shape_cast %get3A_1033 : vector<1x16xf32> to vector<16xf32>
        %add3A_1035 = arith.addf %add3A_1030, %get3A_1034 : vector<16xf32>
        %swap3A_1036 = arith.index_cast %scan3A_206 : i32 to index
        %swap3A_1037 = arith.constant 688 : index
        %swap3A_1038 = tpu.vector_load %arg14[%swap3A_1036, %swap3A_1037] {strides = array<i32>} : memref<16x768xf32, #tpu.memory_space<vmem>>, vector<1x16xf32>,
        %swap3A_1039 = vector.shape_cast %swap3A_1038 : vector<1x16xf32> to vector<16xf32>
        %swap3A_1040 = vector.shape_cast %add3A_1035 : vector<16xf32> to vector<1x16xf32>
        tpu.vector_store %arg14[%swap3A_1036, %swap3A_1037], %swap3A_1040 {add = true, strides = array<i32>} : memref<16x768xf32, #tpu.memory_space<vmem>>, vector<1x16xf32>,
        %get3A_1041 = arith.index_cast %scan3A_206 : i32 to index
        %get3A_1042 = arith.constant 704 : index
        %get3A_1043 = tpu.vector_load %arg15[%get3A_1041, %get3A_1042] {strides = array<i32>} : memref<16x768xf32, #tpu.memory_space<vmem>>, vector<1x16xf32>,
        %get3A_1044 = vector.shape_cast %get3A_1043 : vector<1x16xf32> to vector<16xf32>
        %get3A_1045 = arith.index_cast %scan3A_206 : i32 to index
        %get3A_1046 = arith.constant 704 : index
        %get3A_1047 = tpu.vector_load %arg16[%get3A_1045, %get3A_1046] {strides = array<i32>} : memref<16x768xf32, #tpu.memory_space<vmem>>, vector<1x16xf32>,
        %get3A_1048 = vector.shape_cast %get3A_1047 : vector<1x16xf32> to vector<16xf32>
        %add3A_1049 = arith.addf %get3A_1044, %get3A_1048 : vector<16xf32>
        %get3A_1050 = arith.index_cast %scan3A_206 : i32 to index
        %get3A_1051 = arith.constant 704 : index
        %get3A_1052 = tpu.vector_load %arg17[%get3A_1050, %get3A_1051] {strides = array<i32>} : memref<16x768xf32, #tpu.memory_space<vmem>>, vector<1x16xf32>,
        %get3A_1053 = vector.shape_cast %get3A_1052 : vector<1x16xf32> to vector<16xf32>
        %add3A_1054 = arith.addf %add3A_1049, %get3A_1053 : vector<16xf32>
        %swap3A_1055 = arith.index_cast %scan3A_206 : i32 to index
        %swap3A_1056 = arith.constant 704 : index
        %swap3A_1057 = tpu.vector_load %arg14[%swap3A_1055, %swap3A_1056] {strides = array<i32>} : memref<16x768xf32, #tpu.memory_space<vmem>>, vector<1x16xf32>,
        %swap3A_1058 = vector.shape_cast %swap3A_1057 : vector<1x16xf32> to vector<16xf32>
        %swap3A_1059 = vector.shape_cast %add3A_1054 : vector<16xf32> to vector<1x16xf32>
        tpu.vector_store %arg14[%swap3A_1055, %swap3A_1056], %swap3A_1059 {add = true, strides = array<i32>} : memref<16x768xf32, #tpu.memory_space<vmem>>, vector<1x16xf32>,
        %get3A_1060 = arith.index_cast %scan3A_206 : i32 to index
        %get3A_1061 = arith.constant 720 : index
        %get3A_1062 = tpu.vector_load %arg15[%get3A_1060, %get3A_1061] {strides = array<i32>} : memref<16x768xf32, #tpu.memory_space<vmem>>, vector<1x16xf32>,
        %get3A_1063 = vector.shape_cast %get3A_1062 : vector<1x16xf32> to vector<16xf32>
        %get3A_1064 = arith.index_cast %scan3A_206 : i32 to index
        %get3A_1065 = arith.constant 720 : index
        %get3A_1066 = tpu.vector_load %arg16[%get3A_1064, %get3A_1065] {strides = array<i32>} : memref<16x768xf32, #tpu.memory_space<vmem>>, vector<1x16xf32>,
        %get3A_1067 = vector.shape_cast %get3A_1066 : vector<1x16xf32> to vector<16xf32>
        %add3A_1068 = arith.addf %get3A_1063, %get3A_1067 : vector<16xf32>
        %get3A_1069 = arith.index_cast %scan3A_206 : i32 to index
        %get3A_1070 = arith.constant 720 : index
        %get3A_1071 = tpu.vector_load %arg17[%get3A_1069, %get3A_1070] {strides = array<i32>} : memref<16x768xf32, #tpu.memory_space<vmem>>, vector<1x16xf32>,
        %get3A_1072 = vector.shape_cast %get3A_1071 : vector<1x16xf32> to vector<16xf32>
        %add3A_1073 = arith.addf %add3A_1068, %get3A_1072 : vector<16xf32>
        %swap3A_1074 = arith.index_cast %scan3A_206 : i32 to index
        %swap3A_1075 = arith.constant 720 : index
        %swap3A_1076 = tpu.vector_load %arg14[%swap3A_1074, %swap3A_1075] {strides = array<i32>} : memref<16x768xf32, #tpu.memory_space<vmem>>, vector<1x16xf32>,
        %swap3A_1077 = vector.shape_cast %swap3A_1076 : vector<1x16xf32> to vector<16xf32>
        %swap3A_1078 = vector.shape_cast %add3A_1073 : vector<16xf32> to vector<1x16xf32>
        tpu.vector_store %arg14[%swap3A_1074, %swap3A_1075], %swap3A_1078 {add = true, strides = array<i32>} : memref<16x768xf32, #tpu.memory_space<vmem>>, vector<1x16xf32>,
        %get3A_1079 = arith.index_cast %scan3A_206 : i32 to index
        %get3A_1080 = arith.constant 736 : index
        %get3A_1081 = tpu.vector_load %arg15[%get3A_1079, %get3A_1080] {strides = array<i32>} : memref<16x768xf32, #tpu.memory_space<vmem>>, vector<1x16xf32>,
        %get3A_1082 = vector.shape_cast %get3A_1081 : vector<1x16xf32> to vector<16xf32>
        %get3A_1083 = arith.index_cast %scan3A_206 : i32 to index
        %get3A_1084 = arith.constant 736 : index
        %get3A_1085 = tpu.vector_load %arg16[%get3A_1083, %get3A_1084] {strides = array<i32>} : memref<16x768xf32, #tpu.memory_space<vmem>>, vector<1x16xf32>,
        %get3A_1086 = vector.shape_cast %get3A_1085 : vector<1x16xf32> to vector<16xf32>
        %add3A_1087 = arith.addf %get3A_1082, %get3A_1086 : vector<16xf32>
        %get3A_1088 = arith.index_cast %scan3A_206 : i32 to index
        %get3A_1089 = arith.constant 736 : index
        %get3A_1090 = tpu.vector_load %arg17[%get3A_1088, %get3A_1089] {strides = array<i32>} : memref<16x768xf32, #tpu.memory_space<vmem>>, vector<1x16xf32>,
        %get3A_1091 = vector.shape_cast %get3A_1090 : vector<1x16xf32> to vector<16xf32>
        %add3A_1092 = arith.addf %add3A_1087, %get3A_1091 : vector<16xf32>
        %swap3A_1093 = arith.index_cast %scan3A_206 : i32 to index
        %swap3A_1094 = arith.constant 736 : index
        %swap3A_1095 = tpu.vector_load %arg14[%swap3A_1093, %swap3A_1094] {strides = array<i32>} : memref<16x768xf32, #tpu.memory_space<vmem>>, vector<1x16xf32>,
        %swap3A_1096 = vector.shape_cast %swap3A_1095 : vector<1x16xf32> to vector<16xf32>
        %swap3A_1097 = vector.shape_cast %add3A_1092 : vector<16xf32> to vector<1x16xf32>
        tpu.vector_store %arg14[%swap3A_1093, %swap3A_1094], %swap3A_1097 {add = true, strides = array<i32>} : memref<16x768xf32, #tpu.memory_space<vmem>>, vector<1x16xf32>,
        %get3A_1098 = arith.index_cast %scan3A_206 : i32 to index
        %get3A_1099 = arith.constant 752 : index
        %get3A_1100 = tpu.vector_load %arg15[%get3A_1098, %get3A_1099] {strides = array<i32>} : memref<16x768xf32, #tpu.memory_space<vmem>>, vector<1x16xf32>,
        %get3A_1101 = vector.shape_cast %get3A_1100 : vector<1x16xf32> to vector<16xf32>
        %get3A_1102 = arith.index_cast %scan3A_206 : i32 to index
        %get3A_1103 = arith.constant 752 : index
        %get3A_1104 = tpu.vector_load %arg16[%get3A_1102, %get3A_1103] {strides = array<i32>} : memref<16x768xf32, #tpu.memory_space<vmem>>, vector<1x16xf32>,
        %get3A_1105 = vector.shape_cast %get3A_1104 : vector<1x16xf32> to vector<16xf32>
        %add3A_1106 = arith.addf %get3A_1101, %get3A_1105 : vector<16xf32>
        %get3A_1107 = arith.index_cast %scan3A_206 : i32 to index
        %get3A_1108 = arith.constant 752 : index
        %get3A_1109 = tpu.vector_load %arg17[%get3A_1107, %get3A_1108] {strides = array<i32>} : memref<16x768xf32, #tpu.memory_space<vmem>>, vector<1x16xf32>,
        %get3A_1110 = vector.shape_cast %get3A_1109 : vector<1x16xf32> to vector<16xf32>
        %add3A_1111 = arith.addf %add3A_1106, %get3A_1110 : vector<16xf32>
        %swap3A_1112 = arith.index_cast %scan3A_206 : i32 to index
        %swap3A_1113 = arith.constant 752 : index
        %swap3A_1114 = tpu.vector_load %arg14[%swap3A_1112, %swap3A_1113] {strides = array<i32>} : memref<16x768xf32, #tpu.memory_space<vmem>>, vector<1x16xf32>,
        %swap3A_1115 = vector.shape_cast %swap3A_1114 : vector<1x16xf32> to vector<16xf32>
        %swap3A_1116 = vector.shape_cast %add3A_1111 : vector<16xf32> to vector<1x16xf32>
        tpu.vector_store %arg14[%swap3A_1112, %swap3A_1113], %swap3A_1116 {add = true, strides = array<i32>} : memref<16x768xf32, #tpu.memory_space<vmem>>, vector<1x16xf32>,
      }
      %scan3A_198 = arith.constant 16 : i32
      %mul3A_199 = arith.constant 16 : i32
      %mul3A_200 = arith.muli %add3A_192, %mul3A_199 : i32
      %add3A_201 = arith.addi %mul3A_2, %mul3A_200 : i32
      %dma_start3A_202 = arith.constant 0 : i32
      %dma_start3A_203 = tpu.memref_slice %arg7[%add3A_201, %dma_start3A_202] : memref<8192x768xf32, #tpu.memory_space<hbm>> -> memref<16x768xf32, #tpu.memory_space<hbm>>
      %dma_start3A_204 = arith.constant 0 : i32
      %dma_start3A_205 = tpu.memref_slice %arg7[%add3A_201, %dma_start3A_204] : memref<8192x768xf32, #tpu.memory_space<hbm>> -> memref<16x768xf32, #tpu.memory_space<hbm>>
      tpu.enqueue_dma source(%arg14 : memref<16x768xf32, #tpu.memory_space<vmem>>) target(%dma_start3A_205 : memref<16x768xf32, #tpu.memory_space<hbm>>) target_semaphore(%arg21 : memref<!tpu.dma_semaphore, #tpu.memory_space<semaphore_mem>>)
    }
    %scan3A_45 = arith.constant 8 : i32
    %dma_wait3A = arith.constant 0 : i32
    %dma_wait3A_46 = arith.constant 0 : i32
    %dma_wait3A_47 = tpu.memref_slice %arg7[%dma_wait3A, %dma_wait3A_46] : memref<8192x768xf32, #tpu.memory_space<hbm>> -> memref<16x768xf32, #tpu.memory_space<hbm>>
    %dma_wait3A_48 = arith.constant 0 : i32
    %dma_wait3A_49 = arith.constant 0 : i32
    %dma_wait3A_50 = tpu.memref_slice %arg7[%dma_wait3A_48, %dma_wait3A_49] : memref<8192x768xf32, #tpu.memory_space<hbm>> -> memref<16x768xf32, #tpu.memory_space<hbm>>
    tpu.wait_dma2 semaphore(%arg20 : memref<!tpu.dma_semaphore, #tpu.memory_space<semaphore_mem>>) src(%arg10 : memref<16x768xf32, #tpu.memory_space<vmem>>) dst(%dma_wait3A_50 : memref<16x768xf32, #tpu.memory_space<hbm>>)
    %dma_wait3A_51 = arith.constant 0 : i32
    %dma_wait3A_52 = arith.constant 0 : i32
    %dma_wait3A_53 = tpu.memref_slice %arg7[%dma_wait3A_51, %dma_wait3A_52] : memref<8192x768xf32, #tpu.memory_space<hbm>> -> memref<16x768xf32, #tpu.memory_space<hbm>>
    %dma_wait3A_54 = arith.constant 0 : i32
    %dma_wait3A_55 = arith.constant 0 : i32
    %dma_wait3A_56 = tpu.memref_slice %arg7[%dma_wait3A_54, %dma_wait3A_55] : memref<8192x768xf32, #tpu.memory_space<hbm>> -> memref<16x768xf32, #tpu.memory_space<hbm>>
    tpu.wait_dma2 semaphore(%arg21 : memref<!tpu.dma_semaphore, #tpu.memory_space<semaphore_mem>>) src(%arg14 : memref<16x768xf32, #tpu.memory_space<vmem>>) dst(%dma_wait3A_56 : memref<16x768xf32, #tpu.memory_space<hbm>>)
    return
  }
}

module attributes {stable_mosaic.version = 14 : i64} {
  func.func @_tc_body(%arg0: i32, %arg1: memref<1x1x2048xi32, #tpu.memory_space<vmem>>, %arg2: memref<2048x768xf32, #tpu.memory_space<vmem>>, %arg3: memref<2048x768xf32, #tpu.memory_space<vmem>>, %arg4: memref<260x768xbf16, #tpu.memory_space<vmem>>, %arg5: memref<1x768xf32, #tpu.memory_space<vmem>>, %arg6: memref<1x768xf32, #tpu.memory_space<vmem>>, %arg7: memref<2048x768xf32, #tpu.memory_space<vmem>>) attributes {dimension_semantics = [#tpu.dimension_semantics<arbitrary>], iteration_bounds = array<i64: 4>, scalar_prefetch = 0 : i64, scratch_operands = 0 : i64, tpu.core_type = #tpu.core_type<tc>, window_params = [{transform_indices = @transform_0, window_bounds = array<i64: 1, 1, 2048>}, {transform_indices = @transform_1, window_bounds = array<i64: 2048, 768>}, {pipeline_mode = #tpu.pipeline_mode<synchronous>, transform_indices = @transform_2, window_bounds = array<i64: 2048, 768>}, {pipeline_mode = #tpu.pipeline_mode<synchronous>, transform_indices = @transform_3, window_bounds = array<i64: 260, 768>}, {pipeline_mode = #tpu.pipeline_mode<synchronous>, transform_indices = @transform_4, window_bounds = array<i64: 1, 768>}, {pipeline_mode = #tpu.pipeline_mode<synchronous>, transform_indices = @transform_5, window_bounds = array<i64: 1, 768>}, {transform_indices = @transform_6, window_bounds = array<i64: 2048, 768>}]} {
    %get3A = arith.constant 0 : index
    %get3A_0 = arith.constant 0 : index
    %get3A_1 = arith.constant 0 : index
    %get3A_2 = vector.load %arg1[%get3A, %get3A_0, %get3A_1] : memref<1x1x2048xi32, #tpu.memory_space<vmem>>, vector<1x1x2048xi32>
    %get3A_3 = vector.shape_cast %get3A_2 : vector<1x1x2048xi32> to vector<2048xi32>
    %broadcast_in_dim3A = vector.shape_cast %get3A_3 : vector<2048xi32> to vector<2048x1xi32>
    %iota3A = tpu.iota {dimensions = array<i32: 1>} : vector<2048x260xi32>
    %eq3A = vector.broadcast %broadcast_in_dim3A : vector<2048x1xi32> to vector<2048x260xi32>
    %eq3A_4 = arith.cmpi eq, %eq3A, %iota3A : vector<2048x260xi32>
    %convert_element_type3A = arith.extui %eq3A_4 : vector<2048x260xi1> to vector<2048x260xi32>
    %convert_element_type3A_5 = arith.sitofp %convert_element_type3A : vector<2048x260xi32> to vector<2048x260xf32>
    %convert_element_type3A_6 = arith.truncf %convert_element_type3A_5 : vector<2048x260xf32> to vector<2048x260xbf16>
    %get3A_7 = arith.constant 0 : index
    %get3A_8 = arith.constant 0 : index
    %get3A_9 = vector.load %arg4[%get3A_7, %get3A_8] : memref<260x768xbf16, #tpu.memory_space<vmem>>, vector<260x768xbf16>
    %dot_general3A = arith.constant dense<0.000000e+00> : vector<2048x768xf32>
    %dot_general3A_10 = tpu.matmul %convert_element_type3A_6, %get3A_9, %dot_general3A {dimension_numbers = #tpu.dot_dimension_numbers<[1], [0], [0], [1], [0, 0, 1, 1], [], []>, transpose_lhs_hint = false} : vector<2048x260xbf16>, vector<260x768xbf16>, vector<2048x768xf32> -> vector<2048x768xf32>
    %rem3A = arith.constant 1 : i32
    %rem3A_11 = arith.remsi %arg0, %rem3A : i32
    %mul3A = arith.constant 2048 : i32
    %mul3A_12 = arith.muli %rem3A_11, %mul3A : i32
    %get3A_13 = arith.index_cast %mul3A_12 : i32 to index
    %get3A_14 = arith.constant 0 : index
    %get3A_15 = vector.load %arg3[%get3A_13, %get3A_14] : memref<2048x768xf32, #tpu.memory_space<vmem>>, vector<2048x768xf32>
    %add3A = arith.addf %dot_general3A_10, %get3A_15 : vector<2048x768xf32>
    %get3A_16 = arith.constant 0 : index
    %get3A_17 = arith.constant 0 : index
    %get3A_18 = vector.load %arg2[%get3A_16, %get3A_17] : memref<2048x768xf32, #tpu.memory_space<vmem>>, vector<2048x768xf32>
    %mul3A_19 = arith.constant 2.500000e-01 : f32
    %mul3A_20 = vector.broadcast %mul3A_19 : f32 to vector<2048x768xf32>
    %mul3A_21 = arith.mulf %get3A_18, %mul3A_20 : vector<2048x768xf32>
    %add3A_22 = arith.addf %add3A, %mul3A_21 : vector<2048x768xf32>
    %reduce_sum3A = arith.constant dense<0.000000e+00> : vector<2048xf32>
    %reduce_sum3A_23 = vector.multi_reduction <add>, %add3A_22, %reduce_sum3A [1] : vector<2048x768xf32> to vector<2048xf32>
    %broadcast_in_dim3A_24 = vector.shape_cast %reduce_sum3A_23 : vector<2048xf32> to vector<2048x1xf32>
    %div3A = arith.constant 7.680000e+02 : f32
    %div3A_25 = vector.broadcast %div3A : f32 to vector<2048x1xf32>
    %div3A_26 = arith.divf %broadcast_in_dim3A_24, %div3A_25 : vector<2048x1xf32>
    %sub3A = vector.broadcast %div3A_26 : vector<2048x1xf32> to vector<2048x768xf32>
    %sub3A_27 = arith.subf %add3A_22, %sub3A : vector<2048x768xf32>
    %mul3A_28 = arith.mulf %sub3A_27, %sub3A_27 : vector<2048x768xf32>
    %reduce_sum3A_29 = arith.constant dense<0.000000e+00> : vector<2048xf32>
    %reduce_sum3A_30 = vector.multi_reduction <add>, %mul3A_28, %reduce_sum3A_29 [1] : vector<2048x768xf32> to vector<2048xf32>
    %broadcast_in_dim3A_31 = vector.shape_cast %reduce_sum3A_30 : vector<2048xf32> to vector<2048x1xf32>
    %div3A_32 = arith.constant 7.680000e+02 : f32
    %div3A_33 = vector.broadcast %div3A_32 : f32 to vector<2048x1xf32>
    %div3A_34 = arith.divf %broadcast_in_dim3A_31, %div3A_33 : vector<2048x1xf32>
    %add3A_35 = arith.constant 9.99999996E-13 : f32
    %add3A_36 = vector.broadcast %add3A_35 : f32 to vector<2048x1xf32>
    %add3A_37 = arith.addf %div3A_34, %add3A_36 : vector<2048x1xf32>
    %rsqrt3A = math.rsqrt %add3A_37 : vector<2048x1xf32>
    %mul3A_38 = vector.broadcast %rsqrt3A : vector<2048x1xf32> to vector<2048x768xf32>
    %mul3A_39 = arith.mulf %sub3A_27, %mul3A_38 : vector<2048x768xf32>
    %get3A_40 = arith.constant 0 : index
    %get3A_41 = arith.constant 0 : index
    %get3A_42 = vector.load %arg5[%get3A_40, %get3A_41] : memref<1x768xf32, #tpu.memory_space<vmem>>, vector<1x768xf32>
    %mul3A_43 = vector.broadcast %get3A_42 : vector<1x768xf32> to vector<2048x768xf32>
    %mul3A_44 = arith.mulf %mul3A_39, %mul3A_43 : vector<2048x768xf32>
    %get3A_45 = arith.constant 0 : index
    %get3A_46 = arith.constant 0 : index
    %get3A_47 = vector.load %arg6[%get3A_45, %get3A_46] : memref<1x768xf32, #tpu.memory_space<vmem>>, vector<1x768xf32>
    %add3A_48 = vector.broadcast %get3A_47 : vector<1x768xf32> to vector<2048x768xf32>
    %add3A_49 = arith.addf %mul3A_44, %add3A_48 : vector<2048x768xf32>
    %swap3A = arith.constant 0 : index
    %swap3A_50 = arith.constant 0 : index
    %swap3A_51 = vector.load %arg7[%swap3A, %swap3A_50] : memref<2048x768xf32, #tpu.memory_space<vmem>>, vector<2048x768xf32>
    tpu.vector_store %arg7[%swap3A, %swap3A_50], %add3A_49 {strides = array<i32>} : memref<2048x768xf32, #tpu.memory_space<vmem>>, vector<2048x768xf32>,
    return
  }
  func.func @transform_0(%arg0: i32) -> (i32, i32, i32) {
    %c0_i32 = arith.constant 0 : i32
    %c0_i32_0 = arith.constant 0 : i32
    %c0_i32_1 = arith.constant 0 : i32
    return %arg0, %c0_i32, %c0_i32_0 : i32, i32, i32
  }
  func.func @transform_1(%arg0: i32) -> (i32, i32) {
    %c0_i32 = arith.constant 0 : i32
    %c0_i32_0 = arith.constant 0 : i32
    return %arg0, %c0_i32 : i32, i32
  }
  func.func @transform_2(%arg0: i32) -> (i32, i32) {
    %c0_i32 = arith.constant 0 : i32
    %c0_i32_0 = arith.constant 0 : i32
    %c0_i32_1 = arith.constant 0 : i32
    return %c0_i32, %c0_i32_0 : i32, i32
  }
  func.func @transform_3(%arg0: i32) -> (i32, i32) {
    %c0_i32 = arith.constant 0 : i32
    %c0_i32_0 = arith.constant 0 : i32
    %c0_i32_1 = arith.constant 0 : i32
    return %c0_i32, %c0_i32_0 : i32, i32
  }
  func.func @transform_4(%arg0: i32) -> (i32, i32) {
    %c0_i32 = arith.constant 0 : i32
    %c0_i32_0 = arith.constant 0 : i32
    %c0_i32_1 = arith.constant 0 : i32
    return %c0_i32, %c0_i32_0 : i32, i32
  }
  func.func @transform_5(%arg0: i32) -> (i32, i32) {
    %c0_i32 = arith.constant 0 : i32
    %c0_i32_0 = arith.constant 0 : i32
    %c0_i32_1 = arith.constant 0 : i32
    return %c0_i32, %c0_i32_0 : i32, i32
  }
  func.func @transform_6(%arg0: i32) -> (i32, i32) {
    %c0_i32 = arith.constant 0 : i32
    %c0_i32_0 = arith.constant 0 : i32
    return %arg0, %c0_i32 : i32, i32
  }
}

</mosaic_0001>

<sc_bundles>
// kernel: kernel.4.cloned.1.call-start
scs
__scs_entry_jumppad:
0x0: {  	(pc) =	sbr.rel $0x88, $3  }
0x1: {  	(tag) =	ssettag $0x0;
	lr =	simm.s32 $0x1  }
0x2: {  	[smem:$0x3F98] =	sst lr;
	_ =	strace $0xD0000000  }
0x3: {  	_ = 	snop  }
0x4: {  	_ = 	snop  }
0x5: {  	_ = 	snop  }
0x6: {  	_ = 	snop  }
0x7: {  	_ = 	snop  }
__scs_overlays_trampoline_lowered:
0x8: {  	[smem:$0x3FA7] =	sst s0  }
0x9: {  	[smem:$0x3FA8] =	sst s1  }
0xa: {  	[smem:$0x3FA9] =	sst s2  }
0xb: {  	[smem:$0x3FAA] =	sst s3  }
0xc: {  	[smem:$0x3FAB] =	sst s4  }
0xd: {  	[smem:$0x3FAC] =	sst s5  }
0xe: {  	[smem:$0x3FAD] =	sst s6  }
0xf: {  	[smem:$0x3FAE] =	sst s7  }
0x10: {  	[smem:$0x3FAF] =	sst s8  }
0x11: {  	[smem:$0x3FB0] =	sst s9;
	s0 =	simm.s32 @!p0 $0x0  }
0x12: {  	s1 =	sld [smem:$0x3F96];
	s0 =	simm.s32 @p0 $0x1  }
0x13: {  	[smem:$0x3FB1] =	sst s0;
	s0 =	simm.s32 @!p1 $0x0  }
0x14: {  	s2 =	sld [smem:$0x3F95];
	s0 =	simm.s32 @p1 $0x1  }
0x15: {  	[smem:$0x3FB2] =	sst s0;
	s0 =	simm.s32 @!p2 $0x0  }
0x16: {  	s3 =	sld [smem:$0x3FDB];
	s0 =	simm.s32 @p2 $0x1  }
0x17: {  	s4 =	simm.s32 $0x1BF5;
	[smem:$0x3FB4] =	sst s0  }
0x18: {  	s0 =	sld [smem:$0x3F97];
	_ =	swait.ge [sflag:s4], $0x0  }
0x19: {  	s7 =	sld [smem:$0x3F98]  }
0x1a: {  	s8 =	sadd.s32 $0xFFFFE003, lr  }
0x1b: {  	s9 =	sadd.s32 $0xFFFFFEF7, lr;
	s5 =	simm.s32 $0xFFFFFFFF;
	p2 =	slt.u32 s8, $0xFFFFF086  }
0x1c: {  	p1 =	slt.u32 s9, $0xF7A;
	s5 =	simm.s32 @!p2 $0x0  }
0x1d: {  	s5 =	simm.s32 @p1 $0x1;
	p0 =	seq.s32 s7, s2  }
0x1e: {  	s7 =	smul.u32 @!p0 $0xF7A, s2;
	p2 =	seq.s32 @!p0 s5, $0x0  }
0x1f: {  	s9 =	smul.u32 $0xF7A, s1;
	s8 =	simm.s32 @!p0 $0x1BF5;
	p2 =	por !p2, p0  }
0x20: {  	[sflag:s8] =	ssyncset.s32 @!p0 $0xFFFFF086;
	s6 =	sadd.s32 @!p0 s3, s7;
	s7 =	simm.s32 @!p0 $0x108  }
0x21: {  	s3 =	sadd.s32 s3, s9;
	s6 =	sadd.s32 @!p0 $0x88, s6;
	s7 =	simm.s32 @p2 $0x1082  }
0x22: {  	[simem:s7], [sflag:s8] =	dma.local @!p0 [hbm:s6], $0xF7A  }
0x23: {  	s9 =	sor.u32 $0xD0000000, s2;
	s6 =	simm.s32 $0x108;
	_ =	swait.ge @!p0 [sflag:s8], $0x0  }
0x24: {  	s3 =	sadd.s32 $0x88, s3;
	s6 =	simm.s32 @!p1 $0x1082;
	[sflag:s4] =	ssyncset.s32 $0xFFFFF086  }
0x25: {  	[simem:s6], [sflag:s4] =	dma.local [hbm:s3], $0xF7A  }
0x26: {  	[smem:$0x3F98] =	sst s1;
	(tag) =	ssettag s2;
	_ =	strace s9  }
0x27: {  	s1 =	sld [smem:$0x3FA8]  }
0x28: {  	s2 =	sld [smem:$0x3FA9]  }
0x29: {  	s4 =	sld [smem:$0x3FAB]  }
0x2a: {  	p0 =	seq.s32 s5, $0x0;
	s5 =	sld [smem:$0x3FAC]  }
0x2b: {  	s6 =	sld [smem:$0x3FAD]  }
0x2c: {  	s7 =	sld [smem:$0x3FAE]  }
0x2d: {  	s3 =	simm.s32 $0x108;
	s8 =	sld [smem:$0x3FAF]  }
0x2e: {  	s3 =	simm.s32 @!p0 $0x1082;
	s9 =	sld [smem:$0x3FB0]  }
0x2f: {  	lr =	sadd.s32 s0, s3;
	s0 =	sld [smem:$0x3FA7]  }
0x30: {  	s3 =	sld [smem:$0x3FAA]  }
0x31: {  	[smem:$0x3FB3] =	sst s10  }
0x32: {  	s10 =	sld [smem:$0x3FB1];
	_ =	sdelay $0x3  }
0x33: {  	p0 =	seq.s32 s10, $0x1;
	s10 =	sld [smem:$0x3FB3];
	_ =	sdelay $0x3  }
0x34: {  	[smem:$0x3FB3] =	sst s10  }
0x35: {  	s10 =	sld [smem:$0x3FB2];
	_ =	sdelay $0x3  }
0x36: {  	p1 =	seq.s32 s10, $0x1;
	s10 =	sld [smem:$0x3FB3];
	_ =	sdelay $0x3  }
0x37: {  	[smem:$0x3FB3] =	sst s10  }
0x38: {  	s10 =	sld [smem:$0x3FB4]  }
0x39: {  	_ = 	snop;
	(pc) =	sbr.ind lr, $3  }
0x3a: {  	_ = 	snop  }
0x3b: {  	_ = 	snop  }
0x3c: {  	p2 =	seq.s32 s10, $0x1;
	s10 =	sld [smem:$0x3FB3]  }
0x3d: {  	_ =	shalt  }
0x3e: {  	_ =	shalt  }
0x3f: {  	_ =	shalt  }
0x40: {  	_ =	shalt  }
0x41: {  	_ =	shalt  }
0x42: {  	_ =	shalt  }
0x43: {  	_ =	shalt  }
0x44: {  	_ =	shalt  }
0x45: {  	_ =	shalt  }
0x46: {  	_ =	shalt  }
0x47: {  	_ =	shalt  }
0x48: {  	_ =	shalt  }
0x49: {  	_ =	shalt  }
0x4a: {  	_ =	shalt  }
0x4b: {  	_ =	shalt  }
0x4c: {  	_ =	shalt  }
0x4d: {  	_ =	shalt  }
0x4e: {  	_ =	shalt  }
0x4f: {  	_ =	shalt  }
0x50: {  	_ =	shalt  }
0x51: {  	_ =	shalt  }
0x52: {  	_ =	shalt  }
0x53: {  	_ =	shalt  }
0x54: {  	_ =	shalt  }
0x55: {  	_ =	shalt  }
0x56: {  	_ =	shalt  }
0x57: {  	_ =	shalt  }
0x58: {  	_ =	shalt  }
0x59: {  	_ =	shalt  }
0x5a: {  	_ =	shalt  }
0x5b: {  	_ =	shalt  }
0x5c: {  	_ =	shalt  }
0x5d: {  	_ =	shalt  }
0x5e: {  	_ =	shalt  }
0x5f: {  	_ =	shalt  }
0x60: {  	_ =	shalt  }
0x61: {  	_ =	shalt  }
0x62: {  	_ =	shalt  }
0x63: {  	_ =	shalt  }
0x64: {  	_ =	shalt  }
0x65: {  	_ =	shalt  }
0x66: {  	_ =	shalt  }
0x67: {  	_ =	shalt  }
0x68: {  	_ =	shalt  }
0x69: {  	_ =	shalt  }
0x6a: {  	_ =	shalt  }
0x6b: {  	_ =	shalt  }
0x6c: {  	_ =	shalt  }
0x6d: {  	_ =	shalt  }
0x6e: {  	_ =	shalt  }
0x6f: {  	_ =	shalt  }
0x70: {  	_ =	shalt  }
0x71: {  	_ =	shalt  }
0x72: {  	_ =	shalt  }
0x73: {  	_ =	shalt  }
0x74: {  	_ =	shalt  }
0x75: {  	_ =	shalt  }
0x76: {  	_ =	shalt  }
0x77: {  	_ =	shalt  }
0x78: {  	_ =	shalt  }
0x79: {  	_ =	shalt  }
0x7a: {  	_ =	shalt  }
0x7b: {  	_ =	shalt  }
0x7c: {  	_ =	shalt  }
0x7d: {  	_ =	shalt  }
0x7e: {  	_ =	shalt  }
0x7f: {  	_ =	shalt  }
0x80: {  	_ =	shalt  }
0x81: {  	_ =	shalt  }
0x82: {  	_ =	shalt  }
0x83: {  	_ =	shalt  }
0x84: {  	_ =	shalt  }
0x85: {  	_ =	shalt  }
0x86: {  	_ =	shalt  }
0x87: {  	_ =	shalt  }
.Lfunc_end0:
.L_simem_size_0:
called_computation_lowered:
.L_overlay_start_0:
0x88: {  	s2 =	sld [smem:$0x3FD9]  }
0x89: {  	s3 =	sld [smem:$0x3FFE];
	_ =	sdelay $0x1  }
0x8a: {  	s1 =	srdreg.scid  }
0x8b: {  	s0 =	sand.u32 $0x1, s1  }
0x8c: {  	s17 =	sshll.u32 s0, $0xA;
	s2 =	sadd.s32 s3, s2  }
0x8d: {  	s2 =	sadd.s32 s2, s17  }
0x8e: {  	[smem:$0x3FBF] =	sst s2  }
0x8f: {  	_ = 	snop  }
0x90: {  	s2 =	sld [smem:$0x3FC6]  }
0x91: {  	s18 =	sld [smem:$0x3FC5]  }
0x92: {  	s4 =	sld [smem:$0x3FC4]  }
0x93: {  	s5 =	sld [smem:$0x3FC3]  }
0x94: {  	s6 =	sld [smem:$0x3FD0];
	(tm) =	ssettm $0x1  }
0x95: {  	s7 =	sld [smem:$0x3FFB];
	_ =	sdelay $0x3  }
0x96: {  	_ =	strace s7  }
0x97: {  	s7 =	sld [smem:$0x3FFC];
	_ =	sdelay $0x3  }
0x98: {  	_ =	strace s7  }
0x99: {  	s7 =	sld [smem:$0x3FFD];
	_ =	sdelay $0x3  }
0x9a: {  	_ =	strace s7  }
0x9b: {  	_ =	strace $0x8FFFFFFF  }
0x9c: {  	s19 =	sld [smem:$0x3FDB];
	_ =	sdelay $0x1  }
0x9d: {  	s8 =	simm.s32 $_scs_section_size  }
0x9e: {  	s9 =	simm.s32 $_size__tile_overlayer_lowered;
	s10 =	simm.s32 $_tile_overlayer_lowered  }
0x9f: {  	s22 =	simm.s32 $0x1BFF;
	s21 =	sshll.u32 s10, $0x1;
	s7 =	sadd.s32 s8, s19  }
0xa0: {  	s11 =	simm.s32 $0x0;
	s20 =	sshll.u32 s9, $0x1;
	s9 =	sadd.s32 s21, s7  }
0xa1: {  	[timem:s11], [sflag:s22] =	dma.local [hbm:s9], s20  }
0xa2: {  	_ =	swait.ge [sflag:s22], s20  }
0xa3: {  	s8 =	ssub.s32 $0x0, s20;
	[sflag:s22] =	ssyncset.done $0x0  }
0xa4: {  	[sflag:s22] =	ssyncadd.s32 s8;
	_ =	sdelay $0x1  }
0xa5: {  	s23 =	simm.s32 $0x1B8B  }
0xa6: {  	_ =	swait.ge [sflag:s23], $0x1  }
0xa7: {  	[sflag:s23] =	ssyncset.done $0x0  }
0xa8: {  	s25 =	simm.s32 $0x1B8E;
	s24 =	sld [smem:$0x3FFE];
	[sflag:s23] =	ssyncadd.s32 $0xFFFFFFFF  }
0xa9: {  	s26 =	simm.s32 $execute0_lowered;
	[smem:$0x3FD2] =	sst s25  }
0xaa: {  	s9 =	sshll.u32 s26, $0x1;
	_ =	strace $0x80000046;
	[dreg:$0x1] =	wrdreg $0xFFFFFFFF  }
0xab: {  	s28 =	simm.s32 $_size_execute0_lowered;
	s7 =	sadd.s32 s7, s9;
	[dreg:$0x0] =	wrdreg $0x0  }
0xac: {  	s9 =	sshll.u32 s28, $0x1;
	[dreg:$0x2] =	wrdreg s7  }
0xad: {  	[dreg:$0x3] =	wrdreg s9  }
0xae: {  	[dreg:$0x4] =	wrdreg $0xC0  }
0xaf: {  	_ =	task [dreg:s11], $0x5FFFF  }
0xb0: {  	[dreg:$0x1] =	wrdreg $0xFFFFFFFF  }
0xb1: {  	[dreg:$0x0] =	wrdreg $0x60  }
0xb2: {  	[dreg:$0x2] =	wrdreg s6  }
0xb3: {  	[dreg:$0x3] =	wrdreg s2  }
0xb4: {  	[dreg:$0x4] =	wrdreg s18  }
0xb5: {  	[dreg:$0x5] =	wrdreg s4  }
0xb6: {  	[dreg:$0x6] =	wrdreg s5  }
0xb7: {  	[dreg:$0x7] =	wrdreg s24  }
0xb8: {  	[dreg:$0x8] =	wrdreg $0x9  }
0xb9: {  	_ =	task.clear_ibuf [dreg:s11], $0x9FFFF;
	_ =	strace $0x90000046  }
0xba: {  	s29 =	simm.s32 $0x9;
	_ =	strace $0x80000048  }
0xbb: {  	_ =	swait.ge [sflag:s29], $0x1  }
0xbc: {  	[sflag:s29] =	ssyncadd.s32 $0xFFFFFFFF  }
0xbd: {  	_ =	strace $0x90000048  }
0xbe: {  	_ =	sfence  }
0xbf: {  	s30 =	sld [smem:$0x0];
	_ =	sdelay $0x2  }
0xc0: {  	s31 =	sshll.u32 s1, $0xD;
	s1 =	sshrl.u32 s1, $0x2  }
0xc1: {  	s3 =	sand.u32 $0x4000, s31;
	s1 =	sadd.s32 s1, s30  }
0xc2: {  	s0 =	sor.u32 s3, s0;
	s1 =	sshll.u32 s1, $0x11  }
0xc3: {  	s0 =	sor.u32 s1, s0  }
0xc4: {  	s0 =	sadd.s32 $0x8F2B, s0  }
0xc5: {  	[sflag:s0] =	ssyncadd.remote.s32 $0x1  }
0xc6: {  	_ =	sfence.sel $0xFFFF  }
0xc7: {  	[dreg:$0x0] =	wrdreg $0xFFFFFFFF;
	(pc) =	sbr.abs _section_cstart, $3  }
0xc8: {  	[dreg:$0x1] =	wrdreg $0xFFFFFFFF  }
0xc9: {  	_ =	task.clear_ibuf [dreg:s11], $0x2FFFF;
	_ =	strace $0x9FFFFFFF  }
0xca: {  	(tm) =	ssettm $0x7FFFFFFF  }
0xcb: {  	_ =	shalt  }
tec
execute0_lowered:
.L_overlay_start_1:
0x0: {  	(tag) =	ssettag $0x1  }
0x1: {  	s0 =	rddreg [dreg:$0x0]  }
0x2: {  	s5 =	rddreg [dreg:$0x1]  }
0x3: {  	s6 =	rddreg [dreg:$0x2]  }
0x4: {  	s7 =	rddreg [dreg:$0x3]  }
0x5: {  	s8 =	rddreg [dreg:$0x4]  }
0x6: {  	s1 =	rddreg [dreg:$0x5];
	s9 =	simm.s32 $0x0  }
0x7: {  	[smem:$0x7FF] =	sst s9;
	s1 =	sadd.s32 $0xE00, s1  }
0x8: {  	s22 =	sadd.s32 $0x100, s5;
	_ =	strace $0x80000047;
	[dreg:$0x8] =	wrdreg s1  }
0x9: {  	s23 =	sadd.s32 $0x200, s5;
	[dreg:$0xc] =	wrdreg s22  }
0xa: {  	s24 =	sadd.s32 $0x100, s6;
	[dreg:$0xd] =	wrdreg s23  }
0xb: {  	s2 =	srdreg.scid;
	s25 =	sadd.s32 $0x200, s6;
	[dreg:$0xe] =	wrdreg s24  }
0xc: {  	s3 =	stileid.u32;
	v0 =	vimm.s32 $0xECA86420;
	s26 =	sadd.s32 $0x100, s7;
	[dreg:$0xf] =	wrdreg s25  }
0xd: {  	s2 =	sand.u32 $0x1, s2;
	s28 =	sadd.s32 $0x200, s7;
	v0 =	vunpack.c.l.s4.s8 v0;
	[dreg:$0x10] =	wrdreg s26  }
0xe: {  	v1 =	vlaneseq.u32;
	s3 =	sshll.u32 s3, $0x9;
	s29 =	sadd.s32 $0x100, s8;
	[dreg:$0x11] =	wrdreg s28  }
0xf: {  	s30 =	sadd.s32 $0x200, s8;
	s4 =	sshll.u32 s2, $0x8;
	[dreg:$0x12] =	wrdreg s29;
	v60 =	vunpack.c.0.s8.s32 v0;
	v0 =	vand.u32 $0x7, v1  }
0x10: {  	s18 =	ssub.s32 $0x2, s2;
	[dreg:$0x13] =	wrdreg s30;
	s10 =	sor.u32 s4, s3;
	[tilespmem:$0x1FFC0] =	vst v0;
	v0 =	vshrl.u32 v1, $0x3  }
0x11: {  	s20 =	sshrl.u32 s18, $0x1;
	s3 =	smax.u32 s10, $0x10;
	s4 =	sshrl.u32 s10, $0x3;
	v0 =	vmul.u32 $0x8, v0  }
0x12: {  	vm0 =	vcmask $0xB08;
	vm1 =	vcmask $0x1310;
	vm2 =	vcmask $0x1B18;
	s1 =	ssub.s32 s18, s20;
	s11 =	sand.u32 $0x700, s10;
	[dreg:$0x7] =	wrdreg s10  }
0x13: {  	vm3 =	vcmask $0x300;
	vm4 =	vcmask $0x2320;
	s19 =	sadd.s32 $0xFFFFFFF0, s3;
	s21 =	sadd.s32 s0, s4;
	[dreg:$0xb] =	wrdreg s11;
	[tilespmem:$0x1FFD0] =	vst v0;
	v0 =	vor.u32 $0x8, v1  }
0x14: {  	vm5 =	vcmask $0x2B28;
	vm9 =	vmmov $0xffff;
	s31 =	smax.u32 s1, $0x1;
	s2 =	sshrl.u32 s19, $0x3;
	[dreg:$0x9] =	wrdreg s21;
	[tilespmem:$0x1FFE0] =	vst v0;
	v0 =	vimm.s32 $0x0  }
0x15: {  	vm6 =	vcmask $0x3330;
	vm7 =	vcmask $0x3B38;
	[dreg:$0x14] =	wrdreg s31;
	s0 =	sadd.s32 s0, s2;
	v0 =	vsel vm9, $0xFFFFFFFF, v0  }
0x16: {  	vm8 =	vmmov $0xff;
	vm10 =	vcmask $0x704;
	v2 =	vmul.u32 $0x2, v1;
	p0 =	seq.s32 s10, $0x0;
	s2 =	simm.s32 $0x0;
	[dreg:$0xa] =	wrdreg s0;
	[tilespmem:$0x1FFF0] =	vst v0  }
.LBB2_1:
0x17: {  	[dreg:$0x15] =	wrdreg s2  }
0x18: {  	s0 =	rddreg [dreg:$0x9];
	s1 =	simm.s32 $0x10;
	s31 =	simm.s32 $0x5  }
0x19: {  	[tilespmem:s1], [sflag:$0x5] =	stream.linear.gather [hbm4b:s0+s9], $0x100, $0x38;
	[tilespmem:$0x18580] =	vst v63  }
0x1a: {  	_ =	swait.ge [sflag:s31], $0x100  }
0x1b: {  	[sflag:s31] =	ssyncset.done $0x0  }
0x1c: {  	s0 =	simm.s32 @!p0 $0x0;
	s1 =	rddreg [dreg:$0xa];
	[sflag:s31] =	ssyncadd.s32 $0xFFFFFF00  }
0x1d: {  	[tilespmem:s0], [sflag:$0x5] =	stream.linear.gather @!p0 [hbm4b:s1+s0], $0x10, $0x38;
	[tilespmem:$0x18580] =	vst v63  }
0x1e: {  	s0 =	simm.s32 @!p0 $0x5  }
0x1f: {  	_ =	swait.ge @!p0 [sflag:s0], $0x10  }
0x20: {  	vm11 =	vcmask $0xF0C;
	vm12 =	vcmask $0x1714;
	vm13 =	vcmask $0x1F1C;
	[sflag:s0] =	ssyncset.done @!p0 $0x0  }
0x21: {  	p1 =	por $0x1, $0x1;
	vm14 =	vcmask $0x2724;
	vm15 =	vcmask $0x2F2C;
	vm9 =	vcmask $0x3734;
	[sflag:s0] =	ssyncadd.s32 @!p0 $0xFFFFFFF0;
	s0 =	simm.s32 $0x0  }
.LBB2_2:
0x22: {  	v6 =	vld [tilespmem:s0+$0x10]  }
0x23: {  	v11 =	vld [tilespmem:s0+$0xF];
	_ =	sdelay $0x2  }
0x24: {  	v10 =	vld [tilespmem:s0+$0xE];
	_ =	sdelay $0x1  }
0x25: {  	v0 =	vmul.u32 $0x10201, v6;
	v3 =	vmul.u32 $0x101, v11;
	_ =	sdelay $0x1  }
0x26: {  	v0 =	vadd.s32 v0, v3  }
0x27: {  	v8 =	vadd.s32 v10, v0  }
0x28: {  	(v2sf) =	vpush v8, $0xD;
	_ =	sdelay $0x1  }
0x29: {  	(v2sf) =	vpush v8, $0xC;
	_ =	sdelay $0x1  }
0x2a: {  	(v2sf) =	vpush v8, $0xE;
	_ =	sdelay $0x1  }
0x2b: {  	(v2sf) =	vpush v8, $0xF  }
0x2c: {  	(v2sf) =	vpush v8, $0x9;
	_ =	sdelay $0x1  }
0x2d: {  	(v2sf) =	vpush v8, $0x8;
	_ =	sdelay $0x1  }
0x2e: {  	(v2sf) =	vpush v8, $0xA;
	_ =	sdelay $0x1  }
0x2f: {  	(v2sf) =	vpush v8, $0xB;
	_ =	sdelay $0x1  }
0x30: {  	s8 =	spop (v2sf)  }
0x31: {  	s1 =	smov.u32 s0;
	s18 =	smulhi.u32 $0x14F8B589, s8;
	s0 =	sshra.s32 s8, $0x1F  }
0x32: {  	(v2sf) =	vpush v8, $0x0;
	s9 =	spop (v2sf);
	s12 =	smul.u32 $0x14F8B589, s0  }
0x33: {  	s19 =	smulhi.u32 $0x14F8B589, s9;
	s0 =	sshra.s32 s9, $0x1F  }
0x34: {  	s10 =	spop (v2sf);
	s13 =	smul.u32 $0x14F8B589, s0  }
0x35: {  	(v2sf) =	vpush v8, $0x1;
	s23 =	smulhi.u32 $0x14F8B589, s10;
	s0 =	sshra.s32 s10, $0x1F  }
0x36: {  	(v2sf) =	vpush v8, $0x2;
	s11 =	spop (v2sf);
	s3 =	smul.u32 $0x14F8B589, s0  }
0x37: {  	(v2sf) =	vpush v8, $0x3;
	s24 =	smulhi.u32 $0x14F8B589, s11;
	s0 =	sshra.s32 s11, $0x1F;
	s14 =	spop (v2sf)  }
0x38: {  	s2 =	smul.u32 $0x14F8B589, s0;
	s0 =	sshra.s32 s14, $0x1F  }
0x39: {  	s18 =	sadd.s32 s12, s18;
	s15 =	spop (v2sf);
	s5 =	smul.u32 $0x14F8B589, s0  }
0x3a: {  	(v2sf) =	vpush v8, $0x4;
	[smem:$0x7D4] =	sst s18;
	s26 =	smulhi.u32 $0x14F8B589, s15;
	s0 =	sshra.s32 s15, $0x1F  }
0x3b: {  	v12 =	vld [tilespmem:s1+$0xD];
	(v2sf) =	vpush v8, $0x5;
	s18 =	sadd.s32 s13, s19;
	s16 =	spop (v2sf);
	s8 =	smul.u32 $0x14F8B589, s0  }
0x3c: {  	v3 =	vmul.u32 $0x10201, v11;
	v0 =	vmul.u32 $0x12361, v6;
	[smem:$0x7D5] =	sst s18;
	s3 =	sadd.s32 s3, s23;
	s28 =	smulhi.u32 $0x14F8B589, s16  }
0x3d: {  	v4 =	vmul.u32 $0x101, v10;
	(v2sf) =	vpush v8, $0x6;
	s0 =	sshra.s32 s16, $0x1F;
	s17 =	spop (v2sf);
	[smem:$0x7D6] =	sst s3  }
0x3e: {  	v0 =	vadd.s32 v0, v3;
	s2 =	sadd.s32 s2, s24;
	s29 =	smul.u32 $0x14F8B589, s0;
	s0 =	sshra.s32 s17, $0x1F  }
0x3f: {  	v0 =	vadd.s32 v4, v0;
	[smem:$0x7D7] =	sst s2;
	s0 =	smul.u32 $0x14F8B589, s0;
	s24 =	sadd.s32 s8, s26  }
0x40: {  	v7 =	vadd.s32 v12, v0;
	s25 =	smulhi.u32 $0x14F8B589, s14;
	(v2sf) =	vpush v8, $0x7;
	[smem:$0x7D9] =	sst s24  }
0x41: {  	s26 =	sadd.s32 s29, s28;
	[smem:$0x7A4] =	sst s0;
	s20 =	spop (v2sf);
	(v2sf) =	vpush v7, $0xD  }
0x42: {  	s30 =	smulhi.u32 $0x14F8B589, s17;
	[smem:$0x7DA] =	sst s26  }
0x43: {  	s29 =	sld [smem:$0x7A4];
	s31 =	smulhi.u32 $0x14F8B589, s20;
	s0 =	sshra.s32 s20, $0x1F  }
0x44: {  	s21 =	spop (v2sf);
	(v2sf) =	vpush v7, $0xC;
	s20 =	smul.u32 $0x14F8B589, s0  }
0x45: {  	s22 =	smulhi.u32 $0x14F8B589, s21;
	s6 =	spop (v2sf)  }
0x46: {  	s0 =	sshra.s32 s21, $0x1F;
	s7 =	smulhi.u32 $0x14F8B589, s6;
	s9 =	spop (v2sf)  }
0x47: {  	s3 =	sadd.s32 s29, s30;
	(v2sf) =	vpush v7, $0xE;
	[smem:$0x7A5] =	sst s22;
	s22 =	smul.u32 $0x14F8B589, s0  }
0x48: {  	[smem:$0x7DB] =	sst s3;
	s0 =	sshra.s32 s6, $0x1F;
	s10 =	smulhi.u32 $0x14F8B589, s9  }
0x49: {  	s11 =	spop (v2sf);
	s21 =	smul.u32 $0x14F8B589, s0  }
0x4a: {  	(v2sf) =	vpush v7, $0xF;
	s0 =	sshra.s32 s9, $0x1F;
	s14 =	smulhi.u32 $0x14F8B589, s11;
	s15 =	spop (v2sf)  }
0x4b: {  	s4 =	smov.u32 s1;
	[smem:$0x7A7] =	sst s10;
	s10 =	smul.u32 $0x14F8B589, s0  }
0x4c: {  	s6 =	smulhi.u32 $0x14F8B589, s15;
	s1 =	sshra.s32 s15, $0x1F;
	s16 =	spop (v2sf)  }
0x4d: {  	(v2sf) =	vpush v7, $0x9;
	[smem:$0x7A8] =	sst s14;
	s14 =	smul.u32 $0x14F8B589, s1  }
0x4e: {  	[smem:$0x7A6] =	sst s7;
	s17 =	smulhi.u32 $0x14F8B589, s16;
	s1 =	sshra.s32 s16, $0x1F  }
0x4f: {  	(v2sf) =	vpush v7, $0x8;
	s0 =	sshra.s32 s11, $0x1F;
	s7 =	spop (v2sf);
	s16 =	smul.u32 $0x14F8B589, s1  }
0x50: {  	s9 =	smulhi.u32 $0x14F8B589, s7;
	s1 =	sshra.s32 s7, $0x1F;
	s11 =	spop (v2sf)  }
0x51: {  	(v2sf) =	vpush v7, $0xA;
	[smem:$0x7AA] =	sst s17;
	s15 =	smul.u32 $0x14F8B589, s1;
	s1 =	sshra.s32 s11, $0x1F  }
0x52: {  	[smem:$0x7AB] =	sst s9;
	s1 =	smul.u32 $0x14F8B589, s1  }
0x53: {  	(v2sf) =	vpush v7, $0xB;
	s17 =	smulhi.u32 $0x14F8B589, s11;
	s7 =	spop (v2sf)  }
0x54: {  	s9 =	smulhi.u32 $0x14F8B589, s7;
	[smem:$0x7AD] =	sst s1;
	s1 =	sshra.s32 s7, $0x1F  }
0x55: {  	s8 =	sld [smem:$0x7A5];
	s1 =	smul.u32 $0x14F8B589, s1  }
0x56: {  	(v2sf) =	vpush v7, $0x0;
	s11 =	spop (v2sf);
	[smem:$0x7AC] =	sst s17  }
0x57: {  	s17 =	smulhi.u32 $0x14F8B589, s11;
	[smem:$0x7AF] =	sst s1;
	s1 =	sshra.s32 s11, $0x1F  }
0x58: {  	[smem:$0x7A9] =	sst s6;
	(v2sf) =	vpush v7, $0x1;
	s1 =	smul.u32 $0x14F8B589, s1  }
0x59: {  	[smem:$0x7AE] =	sst s9;
	s7 =	spop (v2sf)  }
0x5a: {  	s9 =	smulhi.u32 $0x14F8B589, s7;
	[smem:$0x7B1] =	sst s1;
	s1 =	sshra.s32 s7, $0x1F  }
0x5b: {  	[smem:$0x7B0] =	sst s17;
	s1 =	smul.u32 $0x14F8B589, s1  }
0x5c: {  	(v2sf) =	vpush v7, $0x2;
	[smem:$0x7B2] =	sst s9;
	s11 =	spop (v2sf)  }
0x5d: {  	s17 =	smulhi.u32 $0x14F8B589, s11;
	[smem:$0x7B3] =	sst s1;
	s1 =	sshra.s32 s11, $0x1F  }
0x5e: {  	(v2sf) =	vpush v7, $0x3;
	s6 =	spop (v2sf);
	s1 =	smul.u32 $0x14F8B589, s1  }
0x5f: {  	[smem:$0x7B4] =	sst s17;
	s7 =	smulhi.u32 $0x14F8B589, s6  }
0x60: {  	s9 =	spop (v2sf);
	[smem:$0x7B5] =	sst s1;
	s1 =	sshra.s32 s6, $0x1F  }
0x61: {  	[smem:$0x7B6] =	sst s7;
	s1 =	smul.u32 $0x14F8B589, s1  }
0x62: {  	(v2sf) =	vpush v7, $0x4;
	s11 =	smulhi.u32 $0x14F8B589, s9;
	s6 =	spop (v2sf)  }
0x63: {  	s7 =	smulhi.u32 $0x14F8B589, s6;
	[smem:$0x7B7] =	sst s1;
	s1 =	sshra.s32 s9, $0x1F  }
0x64: {  	[smem:$0x7B8] =	sst s11;
	s1 =	smul.u32 $0x14F8B589, s1  }
0x65: {  	[smem:$0x7BA] =	sst s7;
	s9 =	spop (v2sf)  }
0x66: {  	(v2sf) =	vpush v7, $0x5;
	s11 =	smulhi.u32 $0x14F8B589, s9;
	[smem:$0x7B9] =	sst s1;
	s1 =	sshra.s32 s6, $0x1F  }
0x67: {  	s6 =	spop (v2sf);
	s1 =	smul.u32 $0x14F8B589, s1  }
0x68: {  	v32 =	vmul.u32 $0x12361, v11;
	v3 =	vmul.u32 $0x11301, v6;
	v0 =	vld [tilespmem:s4+$0xC];
	(v2sf) =	vpush v7, $0x6;
	[smem:$0x7BC] =	sst s11;
	s7 =	smulhi.u32 $0x14F8B589, s6  }
0x69: {  	v5 =	vmul.u32 $0x10201, v10;
	[smem:$0x7BB] =	sst s1  }
0x6a: {  	v33 =	vmul.u32 $0x101, v12;
	v3 =	vadd.s32 v3, v32;
	(v2sf) =	vpush v7, $0x7;
	s1 =	sshra.s32 s9, $0x1F;
	[smem:$0x7BD] =	sst s7  }
0x6b: {  	v3 =	vadd.s32 v5, v3;
	s17 =	smov.u32 s4;
	s9 =	spop (v2sf);
	s11 =	smul.u32 $0x14F8B589, s1  }
0x6c: {  	v3 =	vadd.s32 v33, v3;
	s1 =	sshra.s32 s6, $0x1F;
	s4 =	smulhi.u32 $0x14F8B589, s9;
	s6 =	sshra.s32 s9, $0x1F  }
0x6d: {  	v9 =	vadd.s32 v0, v3;
	s7 =	spop (v2sf);
	s9 =	smul.u32 $0x14F8B589, s6  }
0x6e: {  	(v2sf) =	vpush v9, $0xD;
	s6 =	sshra.s32 s7, $0x1F;
	[smem:$0x7BF] =	sst s4;
	s4 =	smulhi.u32 $0x14F8B589, s7  }
0x6f: {  	s30 =	sld [smem:$0x7AA];
	s7 =	smul.u32 $0x14F8B589, s6  }
0x70: {  	s22 =	sadd.s32 s22, s8;
	s8 =	sld [smem:$0x7AC];
	(v2sf) =	vpush v9, $0xC  }
0x71: {  	[smem:$0x7C1] =	sst s7;
	s7 =	spop (v2sf)  }
0x72: {  	[smem:$0x7C0] =	sst s4;
	s4 =	smulhi.u32 $0x14F8B589, s7  }
0x73: {  	[dreg:$0x1b] =	wrdreg s17  }
0x74: {  	s1 =	smul.u32 $0x14F8B589, s1;
	s7 =	sshra.s32 s7, $0x1F;
	[smem:$0x7C2] =	sst s4  }
0x75: {  	(v2sf) =	vpush v9, $0xE;
	s4 =	smul.u32 $0x14F8B589, s7;
	s7 =	spop (v2sf)  }
0x76: {  	[smem:$0x7BE] =	sst s1;
	s6 =	smulhi.u32 $0x14F8B589, s7;
	s7 =	sshra.s32 s7, $0x1F  }
0x77: {  	s1 =	smul.u32 $0x14F8B589, s7;
	s7 =	spop (v2sf)  }
0x78: {  	[smem:$0x7C3] =	sst s6;
	s6 =	smulhi.u32 $0x14F8B589, s7;
	s7 =	sshra.s32 s7, $0x1F  }
0x79: {  	(v2sf) =	vpush v9, $0xF;
	s12 =	spop (v2sf);
	s7 =	smul.u32 $0x14F8B589, s7  }
0x7a: {  	s19 =	smulhi.u32 $0x14F8B589, s12;
	[smem:$0x7C4] =	sst s6  }
0x7b: {  	[smem:$0x7C5] =	sst s7  }
0x7c: {  	[smem:$0x7C6] =	sst s19;
	s7 =	sshra.s32 s12, $0x1F  }
0x7d: {  	s12 =	spop (v2sf);
	s19 =	sadd.s32 s5, s25;
	s7 =	smul.u32 $0x14F8B589, s7  }
0x7e: {  	(v2sf) =	vpush v9, $0x9;
	s13 =	smulhi.u32 $0x14F8B589, s12;
	[smem:$0x7D8] =	sst s19  }
0x7f: {  	s23 =	spop (v2sf);
	s19 =	sld [smem:$0x7A7]  }
0x80: {  	(v2sf) =	vpush v9, $0x8;
	s25 =	smulhi.u32 $0x14F8B589, s23;
	s2 =	sshra.s32 s23, $0x1F;
	s23 =	sld [smem:$0x7A8]  }
0x81: {  	[smem:$0x7C7] =	sst s7  }
0x82: {  	[smem:$0x7C8] =	sst s13  }
0x83: {  	s13 =	sld [smem:$0x7A6]  }
0x84: {  	s20 =	sadd.s32 s20, s31;
	s28 =	spop (v2sf);
	[smem:$0x7C9] =	sst s25  }
0x85: {  	s2 =	smul.u32 $0x14F8B589, s2;
	s31 =	sadd.s32 s10, s19;
	s10 =	sld [smem:$0x7AD]  }
0x86: {  	s6 =	smulhi.u32 $0x14F8B589, s28;
	s19 =	sld [smem:$0x7B3]  }
0x87: {  	s0 =	smul.u32 $0x14F8B589, s0;
	[smem:$0x7CA] =	sst s2  }
0x88: {  	s18 =	sshra.s32 s12, $0x1F;
	s7 =	spop (v2sf);
	[smem:$0x7CB] =	sst s6  }
0x89: {  	s12 =	smulhi.u32 $0x14F8B589, s7;
	s2 =	sshra.s32 s28, $0x1F;
	s28 =	sld [smem:$0x7A9]  }
0x8a: {  	s6 =	sld [smem:$0x7AB]  }
0x8b: {  	s5 =	smul.u32 $0x14F8B589, s18;
	s0 =	sadd.s32 s0, s23;
	[smem:$0x7CD] =	sst s12  }
0x8c: {  	s2 =	smul.u32 $0x14F8B589, s2;
	[smem:$0x7DC] =	sst s0  }
0x8d: {  	(v2sf) =	vpush v9, $0xA;
	s25 =	sadd.s32 s21, s13;
	s18 =	spop (v2sf);
	s13 =	sld [smem:$0x7AE]  }
0x8e: {  	s21 =	smulhi.u32 $0x14F8B589, s18;
	[smem:$0x7CC] =	sst s2;
	s2 =	sshra.s32 s7, $0x1F  }
0x8f: {  	s2 =	smul.u32 $0x14F8B589, s2;
	s26 =	spop (v2sf)  }
0x90: {  	(v2sf) =	vpush v9, $0xB;
	[smem:$0x7CF] =	sst s21;
	s29 =	smulhi.u32 $0x14F8B589, s26  }
0x91: {  	s0 =	sshra.s32 s26, $0x1F;
	s26 =	sadd.s32 s15, s6;
	s15 =	sld [smem:$0x7B0]  }
0x92: {  	[smem:$0x7CE] =	sst s2  }
0x93: {  	s2 =	sshra.s32 s18, $0x1F;
	s18 =	sld [smem:$0x7B2]  }
0x94: {  	(v2sf) =	vpush v9, $0x0;
	[smem:$0x7D1] =	sst s29  }
0x95: {  	s24 =	smul.u32 $0x14F8B589, s2;
	s2 =	sadd.s32 s14, s28;
	s14 =	sld [smem:$0x7AF]  }
0x96: {  	s29 =	sadd.s32 s16, s30;
	s16 =	sld [smem:$0x7B1]  }
0x97: {  	(v2sf) =	vpush v9, $0x1;
	s28 =	sld [smem:$0x7B4]  }
0x98: {  	s0 =	smul.u32 $0x14F8B589, s0;
	s30 =	sld [smem:$0x7B5]  }
0x99: {  	(v2sf) =	vpush v9, $0x2;
	[smem:$0x7DD] =	sst s2  }
0x9a: {  	[smem:$0x7D2] =	sst s0  }
0x9b: {  	s2 =	sadd.s32 s10, s8;
	s8 =	sld [smem:$0x7B7]  }
0x9c: {  	s3 =	spop (v2sf);
	s10 =	sld [smem:$0x7B8]  }
0x9d: {  	s7 =	smulhi.u32 $0x14F8B589, s3;
	s0 =	sshra.s32 s3, $0x1F;
	s3 =	sld [smem:$0x7C2]  }
0x9e: {  	[smem:$0x7D0] =	sst s24  }
0x9f: {  	s12 =	spop (v2sf);
	[smem:$0x7D3] =	sst s7  }
0xa0: {  	s23 =	smulhi.u32 $0x14F8B589, s12;
	[smem:$0x7DE] =	sst s2  }
0xa1: {  	s24 =	smul.u32 $0x14F8B589, s0;
	s0 =	sshra.s32 s12, $0x1F;
	s7 =	sld [smem:$0x7B6]  }
0xa2: {  	(v2sf) =	vpush v9, $0x3;
	s12 =	sld [smem:$0x7B9];
	s21 =	smul.u32 $0x14F8B589, s0  }
0xa3: {  	v35 =	vld [tilespmem:s17+$0xB];
	s2 =	sadd.s32 s14, s13;
	s17 =	spop (v2sf);
	s14 =	sld [smem:$0x7BA]  }
0xa4: {  	[smem:$0x7DF] =	sst s2;
	s2 =	sadd.s32 s16, s15;
	s0 =	sshra.s32 s17, $0x1F  }
0xa5: {  	[smem:$0x7E0] =	sst s2;
	s2 =	sadd.s32 s19, s18;
	s19 =	smulhi.u32 $0x14F8B589, s17  }
0xa6: {  	s6 =	spop (v2sf);
	s17 =	smul.u32 $0x14F8B589, s0  }
0xa7: {  	s16 =	sld [smem:$0x7BB];
	s18 =	smulhi.u32 $0x14F8B589, s6  }
0xa8: {  	s0 =	sshra.s32 s6, $0x1F;
	s13 =	spop (v2sf);
	[smem:$0x7E1] =	sst s2  }
0xa9: {  	s21 =	sadd.s32 s21, s23;
	s2 =	sadd.s32 s30, s28;
	s28 =	sld [smem:$0x7BC]  }
0xaa: {  	s15 =	smul.u32 $0x14F8B589, s0;
	s6 =	sshra.s32 s13, $0x1F;
	[smem:$0x7F4] =	sst s21  }
0xab: {  	(v2sf) =	vpush v9, $0x4;
	[smem:$0x7E2] =	sst s2;
	s0 =	sadd.s32 s16, s14;
	s16 =	smulhi.u32 $0x14F8B589, s13  }
0xac: {  	s13 =	smul.u32 $0x14F8B589, s6;
	s6 =	sld [smem:$0x7BD]  }
0xad: {  	s2 =	sadd.s32 s8, s7;
	s7 =	sld [smem:$0x7BE]  }
0xae: {  	s8 =	sld [smem:$0x7BF]  }
0xaf: {  	(v2sf) =	vpush v9, $0x5;
	[smem:$0x7E3] =	sst s2  }
0xb0: {  	[smem:$0x7E5] =	sst s0  }
0xb1: {  	s30 =	spop (v2sf);
	s2 =	sadd.s32 s12, s10;
	s12 =	sld [smem:$0x7C0]  }
0xb2: {  	(v2sf) =	vpush v9, $0x6;
	s14 =	smulhi.u32 $0x14F8B589, s30;
	s0 =	sshra.s32 s30, $0x1F;
	s30 =	sld [smem:$0x7C1]  }
0xb3: {  	[smem:$0x7E4] =	sst s2  }
0xb4: {  	s2 =	sadd.s32 s7, s6;
	s6 =	sld [smem:$0x7C3]  }
0xb5: {  	(v2sf) =	vpush v9, $0x7;
	s7 =	sld [smem:$0x7C4]  }
0xb6: {  	s28 =	sadd.s32 s11, s28;
	s11 =	smul.u32 $0x14F8B589, s0;
	[smem:$0x7E7] =	sst s2  }
0xb7: {  	s2 =	sadd.s32 s9, s8;
	s8 =	sld [smem:$0x7C5]  }
0xb8: {  	s11 =	sadd.s32 s11, s14;
	[smem:$0x7E8] =	sst s2  }
0xb9: {  	s2 =	sadd.s32 s30, s12;
	[smem:$0x7F5] =	sst s11  }
0xba: {  	s10 =	spop (v2sf);
	[smem:$0x7E9] =	sst s2  }
0xbb: {  	s0 =	sshra.s32 s10, $0x1F;
	s2 =	sadd.s32 s4, s3;
	s3 =	sld [smem:$0x7C6]  }
0xbc: {  	s9 =	smul.u32 $0x14F8B589, s0;
	s1 =	sadd.s32 s1, s6;
	s6 =	sld [smem:$0x7C8]  }
0xbd: {  	v34 =	vmul.u32 $0x11301, v11;
	v3 =	vmul.u32 $0x16B81, v6;
	s12 =	smulhi.u32 $0x14F8B589, s10;
	[smem:$0x7EA] =	sst s2  }
0xbe: {  	v10 =	vmul.u32 $0x12361, v10;
	s4 =	spop (v2sf);
	[smem:$0x7EB] =	sst s1  }
0xbf: {  	v36 =	vmul.u32 $0x10201, v12;
	v3 =	vadd.s32 v3, v34;
	s10 =	smulhi.u32 $0x14F8B589, s4;
	s0 =	sshra.s32 s4, $0x1F;
	s4 =	sld [smem:$0x7C7]  }
0xc0: {  	v0 =	vmul.u32 $0x101, v0;
	v3 =	vadd.s32 v10, v3;
	s1 =	sadd.s32 s8, s7;
	s2 =	sld [smem:$0x7C9]  }
0xc1: {  	v3 =	vadd.s32 v36, v3;
	s30 =	spop (v2sf);
	s9 =	sadd.s32 s9, s12;
	s12 =	sld [smem:$0x7D5]  }
0xc2: {  	v0 =	vadd.s32 v0, v3;
	[smem:$0x7EC] =	sst s1;
	s7 =	smul.u32 $0x14F8B589, s0  }
0xc3: {  	v37 =	vadd.s32 v35, v0;
	s8 =	smulhi.u32 $0x14F8B589, s30;
	s1 =	sadd.s32 s4, s3;
	s3 =	sld [smem:$0x7CA]  }
0xc4: {  	(v2sf) =	vpush v37, $0xD;
	s0 =	sshra.s32 s30, $0x1F;
	s30 =	spop (v2sf);
	s4 =	sld [smem:$0x7CB]  }
0xc5: {  	[smem:$0x7E6] =	sst s1;
	s1 =	sadd.s32 s5, s6;
	s6 =	smul.u32 $0x14F8B589, s0  }
0xc6: {  	s5 =	smulhi.u32 $0x14F8B589, s30;
	s0 =	sshra.s32 s30, $0x1F;
	s30 =	sld [smem:$0x7CC]  }
0xc7: {  	(v2sf) =	vpush v37, $0xC;
	[smem:$0x7ED] =	sst s1  }
0xc8: {  	s1 =	sadd.s32 s3, s2;
	s3 =	sld [smem:$0x7CD]  }
0xc9: {  	(v2sf) =	vpush v37, $0xE;
	[smem:$0x7EE] =	sst s1  }
0xca: {  	s1 =	sadd.s32 s30, s4;
	s30 =	sld [smem:$0x7CE]  }
0xcb: {  	(v2sf) =	vpush v37, $0xF;
	s2 =	sld [smem:$0x7CF]  }
0xcc: {  	[smem:$0x7EF] =	sst s1  }
0xcd: {  	(v2sf) =	vpush v37, $0x9;
	s1 =	sadd.s32 s30, s3;
	s30 =	sld [smem:$0x7D0]  }
0xce: {  	[smem:$0x7F6] =	sst s9  }
0xcf: {  	(v2sf) =	vpush v37, $0x8;
	[smem:$0x7F0] =	sst s1  }
0xd0: {  	s1 =	sadd.s32 s30, s2;
	s30 =	sld [smem:$0x7D2]  }
0xd1: {  	[smem:$0x7F1] =	sst s1  }
0xd2: {  	s17 =	sadd.s32 s17, s19;
	s1 =	sld [smem:$0x7D1]  }
0xd3: {  	s7 =	sadd.s32 s7, s10;
	s4 =	smul.u32 $0x14F8B589, s0;
	s0 =	spop (v2sf)  }
0xd4: {  	s15 =	sadd.s32 s15, s18;
	[smem:$0x7F7] =	sst s7;
	s3 =	smulhi.u32 $0x14F8B589, s0  }
0xd5: {  	s0 =	sshra.s32 s0, $0x1F;
	s1 =	sadd.s32 s30, s1;
	s30 =	sld [smem:$0x7D3]  }
0xd6: {  	s19 =	sadd.s32 s13, s16;
	s2 =	smul.u32 $0x14F8B589, s0;
	s0 =	spop (v2sf)  }
0xd7: {  	[smem:$0x7F2] =	sst s1;
	s1 =	smulhi.u32 $0x14F8B589, s0;
	s0 =	sshra.s32 s0, $0x1F  }
0xd8: {  	s0 =	smul.u32 $0x14F8B589, s0;
	s24 =	sadd.s32 s24, s30;
	s30 =	spop (v2sf)  }
0xd9: {  	[smem:$0x7F3] =	sst s24;
	s21 =	smulhi.u32 $0x14F8B589, s30;
	s30 =	sshra.s32 s30, $0x1F  }
0xda: {  	s6 =	sadd.s32 s6, s8;
	s24 =	spop (v2sf);
	s23 =	smul.u32 $0x14F8B589, s30  }
0xdb: {  	[smem:$0x7F8] =	sst s6;
	s18 =	smulhi.u32 $0x14F8B589, s24;
	s30 =	sshra.s32 s24, $0x1F  }
0xdc: {  	s2 =	sadd.s32 s2, s3;
	s24 =	spop (v2sf);
	s13 =	smul.u32 $0x14F8B589, s30  }
0xdd: {  	[smem:$0x7FA] =	sst s2;
	s11 =	smulhi.u32 $0x14F8B589, s24;
	s30 =	sshra.s32 s24, $0x1F  }
0xde: {  	s0 =	sadd.s32 s0, s1;
	s14 =	spop (v2sf);
	s9 =	smul.u32 $0x14F8B589, s30  }
0xdf: {  	[smem:$0x7F9] =	sst s0;
	s16 =	smulhi.u32 $0x14F8B589, s14  }
0xe0: {  	s24 =	sshra.s32 s14, $0x1F;
	s30 =	sadd.s32 s4, s5;
	s14 =	sld [smem:$0x7D6]  }
0xe1: {  	s6 =	sadd.s32 s23, s21;
	s4 =	sshra.s32 s12, $0xD;
	s21 =	sld [smem:$0x7D8]  }
0xe2: {  	s23 =	sshrl.u32 s20, $0x1F;
	s5 =	smul.u32 $0x14F8B589, s24;
	[smem:$0x7FB] =	sst s6  }
0xe3: {  	s8 =	sadd.s32 s13, s18;
	s13 =	sshrl.u32 s12, $0x1F;
	s18 =	sshra.s32 s26, $0x1F  }
0xe4: {  	s24 =	sshra.s32 s20, $0xD;
	s12 =	sshra.s32 s20, $0x1F;
	[smem:$0x7FC] =	sst s8  }
0xe5: {  	s20 =	sshra.s32 s22, $0x1F;
	s9 =	sadd.s32 s9, s11;
	s11 =	sld [smem:$0x7D4]  }
0xe6: {  	v38 =	vmov s23;
	s23 =	sshrl.u32 s31, $0x1F;
	v0 =	vmov s18;
	v3 =	vmov s13;
	s13 =	sld [smem:$0x7D9];
	s18 =	sshra.s32 s22, $0xD  }
0xe7: {  	[dreg:$0x1f] =	wrdreg s9;
	s10 =	sadd.s32 s5, s16;
	s5 =	sshrl.u32 s14, $0x1F  }
0xe8: {  	s3 =	sshra.s32 s14, $0xD;
	s16 =	sld [smem:$0x7D7];
	s7 =	sshrl.u32 s21, $0x1F  }
0xe9: {  	v0 =	vsel vm3, s24, v0;
	s1 =	sshra.s32 s21, $0xD;
	s21 =	sld [smem:$0x7DA];
	s24 =	sshra.s32 s25, $0xD  }
0xea: {  	[smem:$0x7FD] =	sst s10;
	v0 =	vsel vm10, s12, v0;
	s12 =	sshra.s32 s25, $0x1F;
	s10 =	sshrl.u32 s26, $0x1F  }
0xeb: {  	s0 =	sshrl.u32 s11, $0x1F;
	s9 =	sshra.s32 s11, $0xD;
	s14 =	sshrl.u32 s13, $0x1F  }
0xec: {  	s11 =	sld [smem:$0x7E3];
	s6 =	sshrl.u32 s16, $0x1F;
	s2 =	sshra.s32 s16, $0xD  }
0xed: {  	v0 =	vsel vm0, s18, v0;
	v3 =	vsel vm0, s0, v3;
	s0 =	sshra.s32 s13, $0xD;
	s16 =	sshrl.u32 s22, $0x1F;
	s13 =	sld [smem:$0x7DB]  }
0xee: {  	v4 =	vnsel vm3, $0x0, v38;
	s8 =	sshrl.u32 s21, $0x1F;
	s22 =	sshrl.u32 s25, $0x1F;
	v0 =	vsel vm11, s20, v0;
	s20 =	sld [smem:$0x7DD];
	v3 =	vsel vm1, s5, v3  }
0xef: {  	v4 =	vsel vm0, s16, v4;
	v0 =	vsel vm1, s24, v0;
	s16 =	sld [smem:$0x7DC];
	s24 =	sshrl.u32 s29, $0x1F;
	v42 =	vmov s0;
	s0 =	sshra.s32 s26, $0xD  }
0xf0: {  	v40 =	vmov s14;
	s26 =	sld [smem:$0x7E1];
	v39 =	vsel vm2, s6, v3;
	v3 =	vsel vm1, s22, v4;
	s6 =	sshra.s32 s21, $0xD;
	s22 =	sshra.s32 s31, $0xD  }
0xf1: {  	v4 =	vsel vm0, s7, v40;
	v0 =	vsel vm12, s12, v0;
	s14 =	sshrl.u32 s13, $0x1F;
	s7 =	sshra.s32 s13, $0xD;
	s21 =	sshrl.u32 s20, $0x1F  }
0xf2: {  	v3 =	vsel vm2, s23, v3;
	v4 =	vsel vm1, s8, v4;
	v0 =	vsel vm2, s22, v0;
	s23 =	sshra.s32 s31, $0x1F;
	s13 =	sshra.s32 s20, $0xD;
	s22 =	sld [smem:$0x7DF]  }
0xf3: {  	s18 =	sshrl.u32 s16, $0x1F;
	v13 =	vsel vm2, s14, v4;
	s14 =	sshra.s32 s20, $0x1F;
	s20 =	sld [smem:$0x7DE]  }
0xf4: {  	s25 =	sshra.s32 s16, $0xD;
	v0 =	vsel vm13, s23, v0;
	s31 =	sshra.s32 s16, $0x1F;
	v4 =	vsel vm0, s1, v42;
	s1 =	sld [smem:$0x7E8];
	v3 =	vsel vm4, s18, v3  }
0xf5: {  	s16 =	sshra.s32 s29, $0xD;
	v0 =	vsel vm4, s25, v0;
	s18 =	sshra.s32 s29, $0x1F;
	s29 =	sld [smem:$0x7E2];
	v3 =	vsel vm5, s21, v3  }
0xf6: {  	v0 =	vsel vm14, s31, v0;
	s23 =	sshrl.u32 s22, $0x1F;
	v3 =	vsel vm6, s24, v3;
	s21 =	sshrl.u32 s20, $0x1F;
	s24 =	sld [smem:$0x7E0]  }
0xf7: {  	s5 =	sshra.s32 s20, $0xD;
	v0 =	vsel vm5, s13, v0;
	s13 =	sshra.s32 s11, $0xD;
	s20 =	sld [smem:$0x7E5]  }
0xf8: {  	(v2sf) =	vpush v37, $0xA;
	s8 =	sshrl.u32 s1, $0x1F;
	s12 =	sshra.s32 s1, $0xD;
	v41 =	vsel vm7, s10, v3;
	v3 =	vmov s4;
	s4 =	sshra.s32 s22, $0xD  }
0xf9: {  	(v2sf) =	vpush v37, $0xB;
	v0 =	vsel vm15, s14, v0;
	s31 =	sshrl.u32 s29, $0x1F;
	s14 =	sshrl.u32 s11, $0x1F;
	s22 =	sld [smem:$0x7E6]  }
0xfa: {  	s10 =	sshra.s32 s1, $0x1F;
	v46 =	vmov s13;
	v3 =	vsel vm0, s9, v3;
	v0 =	vsel vm6, s16, v0;
	s9 =	sshra.s32 s29, $0xD;
	s16 =	sld [smem:$0x7E4]  }
0xfb: {  	v43 =	vmov s14;
	v3 =	vsel vm1, s3, v3;
	s25 =	sshrl.u32 s24, $0x1F;
	s3 =	sshra.s32 s24, $0xD;
	v0 =	vsel vm9, s18, v0;
	s11 =	sshra.s32 s20, $0xD  }
0xfc: {  	s24 =	sshrl.u32 s28, $0x1F;
	v5 =	vsel vm0, s9, v46;
	v14 =	vsel vm2, s2, v3;
	v3 =	vsel vm1, s6, v4;
	s6 =	sshrl.u32 s26, $0x1F;
	s2 =	sshra.s32 s26, $0xD  }
0xfd: {  	v16 =	vsel vm7, s0, v0;
	v15 =	vsel vm2, s7, v3;
	v3 =	vmov s23;
	s18 =	sshrl.u32 s16, $0x1F;
	s16 =	sshra.s32 s16, $0xD;
	s23 =	sshra.s32 s22, $0x1F  }
0xfe: {  	s26 =	sshra.s32 s28, $0x1F;
	v3 =	vsel vm0, s21, v3;
	s21 =	sshrl.u32 s20, $0x1F;
	v44 =	vmov s23;
	s20 =	sld [smem:$0x7E9];
	v5 =	vsel vm1, s16, v5  }
0xff: {  	s0 =	sshrl.u32 s22, $0x1F;
	v0 =	vsel vm1, s25, v3;
	v3 =	vsel vm0, s31, v43;
	s25 =	sshra.s32 s28, $0xD;
	s28 =	sld [smem:$0x7E7];
	v5 =	vsel vm2, s11, v5  }
0x100: {  	s22 =	sshra.s32 s22, $0xD;
	s16 =	sshra.s32 s17, $0x1F;
	s11 =	sshra.s32 s15, $0xD;
	v3 =	vsel vm1, s18, v3;
	v17 =	vsel vm2, s6, v0;
	v0 =	vsel vm3, s25, v44  }
0x101: {  	v18 =	vsel vm2, s21, v3;
	v3 =	vmov s24;
	v0 =	vsel vm10, s26, v0;
	s21 =	sshrl.u32 s20, $0x1F;
	s23 =	sshra.s32 s20, $0xD;
	s26 =	sld [smem:$0x7EA]  }
0x102: {  	s24 =	sld [smem:$0x7EC];
	s29 =	sshrl.u32 s28, $0x1F;
	s31 =	sshra.s32 s28, $0xD;
	v3 =	vnsel vm3, $0x0, v3  }
0x103: {  	s14 =	sshra.s32 s20, $0x1F;
	s7 =	sshra.s32 s28, $0x1F;
	v0 =	vsel vm0, s31, v0;
	v3 =	vsel vm0, s29, v3;
	s29 =	sld [smem:$0x7EB]  }
0x104: {  	(v2sf) =	vpush v37, $0x0;
	v0 =	vsel vm11, s7, v0;
	s28 =	sshrl.u32 s26, $0x1F;
	s7 =	sshra.s32 s26, $0xD;
	s18 =	sshra.s32 s26, $0x1F;
	v3 =	vsel vm1, s8, v3  }
0x105: {  	s25 =	sshrl.u32 s24, $0x1F;
	s26 =	sld [smem:$0x7ED];
	v3 =	vsel vm2, s21, v3;
	s21 =	sshra.s32 s24, $0x1F  }
0x106: {  	v0 =	vsel vm1, s12, v0;
	s31 =	sshrl.u32 s29, $0x1F;
	s8 =	sshra.s32 s29, $0xD;
	v3 =	vsel vm4, s28, v3;
	s28 =	sld [smem:$0x7EE]  }
0x107: {  	(v2sf) =	vpush v37, $0x1;
	s20 =	sshra.s32 s29, $0x1F;
	v0 =	vsel vm12, s10, v0;
	s10 =	sshra.s32 s24, $0xD;
	s29 =	sld [smem:$0x7EF]  }
0x108: {  	(v2sf) =	vpush v37, $0x2;
	v0 =	vsel vm2, s23, v0;
	s23 =	sshrl.u32 s26, $0x1F;
	v3 =	vsel vm5, s31, v3;
	s1 =	sshra.s32 s26, $0xD;
	s31 =	sld [smem:$0x7F0]  }
0x109: {  	s26 =	sld [smem:$0x7F1];
	v0 =	vsel vm13, s14, v0;
	s24 =	sshrl.u32 s28, $0x1F;
	s14 =	sshra.s32 s28, $0xD  }
0x10a: {  	(v2sf) =	vpush v37, $0x3;
	v3 =	vsel vm6, s25, v3;
	v45 =	vsel vm4, s7, v0;
	s7 =	sshrl.u32 s29, $0x1F;
	s6 =	sshra.s32 s29, $0xD;
	s28 =	sld [smem:$0x7F2]  }
0x10b: {  	v0 =	vsel vm7, s0, v3;
	v3 =	vmov s4;
	s29 =	sld [smem:$0x7F3];
	s25 =	sshrl.u32 s31, $0x1F;
	s4 =	sshra.s32 s31, $0xD  }
0x10c: {  	(v2sf) =	vpush v37, $0x4;
	v4 =	vsel vm14, s18, v45;
	s18 =	sshrl.u32 s26, $0x1F;
	s12 =	sshra.s32 s26, $0xD;
	s31 =	sld [smem:$0x7F4]  }
0x10d: {  	v3 =	vsel vm0, s5, v3;
	s5 =	sshrl.u32 s17, $0x1F;
	v20 =	vmov s24;
	s24 =	sshrl.u32 s19, $0x1F;
	s26 =	spop (v2sf)  }
0x10e: {  	v4 =	vsel vm5, s8, v4;
	v19 =	vmov s5;
	v20 =	vsel vm0, s23, v20;
	s5 =	smulhi.u32 $0x14F8B589, s26;
	s23 =	sshra.s32 s30, $0x1F;
	s8 =	sshrl.u32 s28, $0x1F  }
0x10f: {  	(v2sf) =	vpush v37, $0x5;
	s0 =	sshra.s32 s28, $0xD;
	s13 =	sshrl.u32 s29, $0x1F;
	s9 =	sshra.s32 s29, $0xD  }
0x110: {  	(v2sf) =	vpush v37, $0x6;
	v4 =	vsel vm15, s20, v4;
	s28 =	sshra.s32 s26, $0x1F;
	s29 =	spop (v2sf);
	v22 =	vmov s23;
	s23 =	sld [smem:$0x7F7]  }
0x111: {  	v23 =	vmov s14;
	v3 =	vsel vm1, s3, v3;
	s20 =	sshrl.u32 s31, $0x1F;
	s3 =	sshra.s32 s31, $0xD;
	v4 =	vsel vm6, s10, v4;
	s10 =	sshra.s32 s17, $0xD  }
0x112: {  	(v2sf) =	vpush v37, $0x7;
	v23 =	vsel vm0, s1, v23;
	s17 =	sshrl.u32 s15, $0x1F;
	s15 =	sshra.s32 s15, $0x1F;
	v21 =	vmov s8;
	s8 =	smul.u32 $0x14F8B589, s28  }
0x113: {  	v3 =	vsel vm2, s2, v3;
	v19 =	vnsel vm3, $0x0, v19;
	v20 =	vsel vm1, s7, v20;
	s31 =	sld [smem:$0x7F5];
	s7 =	spop (v2sf);
	s2 =	sshra.s32 s29, $0x1F  }
0x114: {  	v23 =	vsel vm1, s6, v23;
	s28 =	sshrl.u32 s30, $0x1F;
	v4 =	vsel vm9, s21, v4;
	s21 =	sshra.s32 s19, $0xD;
	v22 =	vsel vm3, s10, v22;
	s6 =	smulhi.u32 $0x14F8B589, s7  }
0x115: {  	v21 =	vsel vm0, s18, v21;
	s7 =	sshra.s32 s7, $0x1F;
	v4 =	vsel vm7, s22, v4;
	s22 =	sld [smem:$0x7F6];
	v22 =	vsel vm10, s16, v22;
	s16 =	smul.u32 $0x14F8B589, s2  }
0x116: {  	v19 =	vsel vm0, s17, v19;
	s19 =	sshra.s32 s19, $0x1F;
	v21 =	vsel vm1, s13, v21;
	s13 =	spop (v2sf);
	s7 =	smul.u32 $0x14F8B589, s7  }
0x117: {  	v20 =	vsel vm2, s25, v20;
	v24 =	vmov s0;
	v19 =	vsel vm1, s24, v19;
	s25 =	sshrl.u32 s23, $0x1F;
	s24 =	sld [smem:$0x7FA];
	s10 =	spop (v2sf)  }
0x118: {  	v24 =	vsel vm0, s12, v24;
	s17 =	sshrl.u32 s31, $0x1F;
	v21 =	vsel vm2, s20, v21;
	s20 =	sld [smem:$0x7F8];
	s12 =	smulhi.u32 $0x14F8B589, s13  }
0x119: {  	s5 =	sadd.s32 s8, s5;
	v19 =	vsel vm2, s17, v19;
	s14 =	spop (v2sf);
	s17 =	rddreg [dreg:$0x1f]  }
0x11a: {  	v22 =	vsel vm0, s11, v22;
	s8 =	smulhi.u32 $0x14F8B589, s10;
	s10 =	sshra.s32 s10, $0x1F;
	s6 =	sadd.s32 s7, s6  }
0x11b: {  	v11 =	vcombine.low v13, v39;
	v14 =	vcombine.low v15, v14;
	v22 =	vsel vm11, s15, v22;
	s18 =	sshrl.u32 s22, $0x1F;
	s2 =	spop (v2sf);
	s10 =	smul.u32 $0x14F8B589, s10  }
0x11c: {  	v23 =	vsel vm2, s4, v23;
	v22 =	vsel vm1, s21, v22;
	s4 =	sshra.s32 s22, $0xD;
	s21 =	sshrl.u32 s24, $0x1F;
	s7 =	smulhi.u32 $0x14F8B589, s14;
	v19 =	vsel vm4, s18, v19  }
0x11d: {  	v11 =	vperm.xlane v11, v60;
	v12 =	vperm.xlane v41, v2;
	s18 =	smulhi.u32 $0x14F8B589, s29;
	s26 =	sshrl.u32 s20, $0x1F;
	v19 =	vsel vm5, s25, v19;
	s25 =	sld [smem:$0x7F9]  }
0x11e: {  	v16 =	vperm.xlane v16, v2;
	v14 =	vperm.xlane v14, v60;
	s29 =	sshra.s32 s31, $0xD;
	s31 =	sshra.s32 s31, $0x1F;
	s1 =	spop (v2sf)  }
0x11f: {  	v11 =	vsel vm8, v12, v11;
	v24 =	vsel vm1, s9, v24;
	v22 =	vsel vm12, s19, v22;
	s19 =	smov.u32 s22;
	s22 =	sshra.s32 s13, $0x1F;
	s13 =	sshrl.u32 s5, $0x1F  }
0x120: {  	v50 =	vcombine.low v18, v17;
	v14 =	vsel vm8, v16, v14;
	v24 =	vsel vm2, s3, v24;
	s3 =	smul.u32 $0x14F8B589, s22;
	s22 =	sld [smem:$0x7FD];
	s15 =	sshrl.u32 s25, $0x1F  }
0x121: {  	v11 =	vadd.s32 v11, v14;
	s5 =	sshra.s32 s5, $0xD;
	s0 =	spop (v2sf);
	v22 =	vsel vm2, s29, v22;
	v25 =	vmov s15;
	s15 =	sld [smem:$0x7FB]  }
0x122: {  	v3 =	vcombine.low v5, v3;
	s29 =	sshrl.u32 s17, $0x1F;
	s8 =	sadd.s32 s10, s8;
	v22 =	vsel vm13, s31, v22;
	v25 =	vsel vm0, s21, v25;
	s21 =	sld [smem:$0x7FC]  }
0x123: {  	v12 =	vperm.xlane v50, v60;
	v11 =	vmul.u32 $0x186A0, v11;
	v47 =	vsel vm4, s4, v22;
	s4 =	sadd.s32 s16, s18;
	s16 =	sshra.s32 s14, $0x1F;
	s18 =	spop (v2sf)  }
0x124: {  	v0 =	vperm.xlane v0, v2;
	v3 =	vperm.xlane v3, v60;
	v19 =	vsel vm6, s26, v19;
	s9 =	smul.u32 $0x14F8B589, s16;
	s11 =	sshra.s32 s18, $0x1F;
	s26 =	sshrl.u32 s15, $0x1F  }
0x125: {  	v4 =	vperm.xlane v4, v2;
	v19 =	vsel vm7, s28, v19;
	s31 =	sshrl.u32 s22, $0x1F;
	s11 =	smul.u32 $0x14F8B589, s11;
	s28 =	sshrl.u32 s21, $0x1F;
	v25 =	vsel vm1, s26, v25  }
0x126: {  	v52 =	vcombine.low v21, v20;
	s12 =	sadd.s32 s3, s12;
	v49 =	vmov s31;
	s31 =	sshrl.u32 s4, $0x1F;
	v48 =	vsel vm2, s28, v25;
	s28 =	smulhi.u32 $0x14F8B589, s18  }
0x127: {  	v8 =	vsub.s32 v8, v11;
	v0 =	vsel vm8, v0, v12;
	s4 =	sshra.s32 s4, $0xD;
	v15 =	vsel vm0, s29, v49;
	s29 =	sshra.s32 s24, $0xD;
	s7 =	sadd.s32 s9, s7  }
0x128: {  	v3 =	vsel vm8, v4, v3;
	v12 =	vperm.xlane v52, v60;
	v55 =	vperm.xlane v19, v2;
	s9 =	sshra.s32 s23, $0xD;
	s24 =	sshrl.u32 s8, $0x1F;
	s3 =	sadd.s32 s11, s28  }
0x129: {  	v58 =	vcombine.low v24, v23;
	v0 =	vadd.s32 v0, v3;
	v15 =	vsel vm1, s13, v15;
	s13 =	sshra.s32 s23, $0x1F;
	s23 =	sshra.s32 s12, $0xD;
	s16 =	sshra.s32 s3, $0x1F  }
0x12a: {  	v0 =	vmul.u32 $0x186A0, v0;
	v56 =	vsel vm8, v55, v12;
	s26 =	sshra.s32 s25, $0xD;
	s11 =	sshra.s32 s19, $0x1F;
	s19 =	sshra.s32 s6, $0xD;
	v54 =	vmov s16  }
0x12b: {  	v12 =	vperm.xlane v58, v60;
	s15 =	sshra.s32 s15, $0xD;
	s14 =	sshra.s32 s21, $0xD;
	s21 =	sshra.s32 s6, $0x1F;
	v51 =	vmov s26;
	v4 =	vsel vm3, s19, v54  }
0x12c: {  	v15 =	vsel vm2, s31, v15;
	s31 =	sshra.s32 s7, $0xD;
	s25 =	smulhi.u32 $0x14F8B589, s2;
	s2 =	sshra.s32 s2, $0x1F;
	v5 =	vsel vm0, s29, v51;
	v4 =	vsel vm10, s21, v4  }
0x12d: {  	v59 =	vcombine.low v15, v48;
	v5 =	vsel vm1, s15, v5;
	s15 =	sshra.s32 s22, $0xD;
	s22 =	sshrl.u32 s12, $0x1F;
	s12 =	sshra.s32 s12, $0x1F;
	v3 =	vsel vm0, s23, v4  }
0x12e: {  	s26 =	sshra.s32 s8, $0xD;
	s2 =	smul.u32 $0x14F8B589, s2;
	s6 =	sshrl.u32 s6, $0x1F;
	v5 =	vsel vm2, s14, v5;
	v53 =	vmov s15;
	v3 =	vsel vm11, s12, v3  }
0x12f: {  	s18 =	sshra.s32 s17, $0xD;
	s8 =	sshra.s32 s8, $0x1F;
	s17 =	smulhi.u32 $0x14F8B589, s0;
	v61 =	vmov s6;
	v13 =	vsel vm14, s11, v47;
	v3 =	vsel vm1, s26, v3  }
0x130: {  	s0 =	sshra.s32 s0, $0x1F;
	s29 =	smulhi.u32 $0x14F8B589, s1;
	s1 =	sshra.s32 s1, $0x1F;
	v14 =	vsel vm0, s18, v53;
	v11 =	vnsel vm3, $0x0, v61;
	v3 =	vsel vm12, s8, v3  }
0x131: {  	s2 =	sadd.s32 s2, s25;
	s1 =	smul.u32 $0x14F8B589, s1;
	s15 =	sshra.s32 s7, $0x1F;
	v13 =	vsel vm5, s9, v13;
	v14 =	vsel vm1, s5, v14;
	v3 =	vsel vm2, s31, v3  }
0x132: {  	s0 =	smul.u32 $0x14F8B589, s0;
	s28 =	sshrl.u32 s7, $0x1F;
	s18 =	sshra.s32 s2, $0xD;
	v11 =	vsel vm0, s22, v11;
	v13 =	vsel vm15, s13, v13;
	v3 =	vsel vm13, s15, v3  }
0x133: {  	s14 =	sshra.s32 s20, $0xD;
	s1 =	sadd.s32 s1, s29;
	s19 =	sshra.s32 s2, $0x1F;
	v57 =	vsel vm2, s4, v14;
	v11 =	vsel vm1, s24, v11;
	v3 =	vsel vm4, s18, v3  }
0x134: {  	s0 =	sadd.s32 s0, s17;
	s2 =	sshrl.u32 s2, $0x1F;
	s22 =	sshra.s32 s1, $0xD;
	v13 =	vsel vm6, s14, v13;
	v14 =	vperm.xlane v59, v60;
	v3 =	vsel vm14, s19, v3  }
0x135: {  	s21 =	sshra.s32 s20, $0x1F;
	v5 =	vcombine.low v57, v5;
	v11 =	vsel vm2, s28, v11;
	s23 =	sshrl.u32 s1, $0x1F;
	s1 =	sshra.s32 s1, $0x1F;
	v3 =	vsel vm5, s22, v3  }
0x136: {  	s24 =	sshra.s32 s30, $0xD;
	v13 =	vsel vm9, s21, v13;
	v11 =	vsel vm4, s2, v11;
	s26 =	sshra.s32 s0, $0xD;
	v3 =	vsel vm15, s1, v3  }
0x137: {  	s25 =	sshrl.u32 s0, $0x1F;
	v13 =	vsel vm7, s24, v13;
	v11 =	vsel vm5, s23, v11;
	s0 =	sshra.s32 s0, $0x1F;
	v3 =	vsel vm6, s26, v3  }
0x138: {  	s29 =	sshra.s32 s3, $0xD;
	s28 =	sshrl.u32 s3, $0x1F;
	v13 =	vperm.xlane v13, v2;
	v11 =	vsel vm6, s25, v11;
	v3 =	vsel vm9, s0, v3  }
0x139: {  	s16 =	rddreg [dreg:$0xb];
	v5 =	vperm.xlane v5, v60;
	v11 =	vsel vm7, s28, v11;
	v3 =	vsel vm7, s29, v3  }
0x13a: {  	s30 =	rddreg [dreg:$0x1b];
	v12 =	vsel vm8, v13, v12;
	v11 =	vperm.xlane v11, v2;
	v3 =	vperm.xlane v3, v2  }
0x13b: {  	v0 =	vsub.s32 v7, v0;
	s31 =	sor.u32 s16, s30;
	v4 =	vadd.s32 v56, v12  }
0x13c: {  	v62 =	vor.u32 s31, v1;
	v11 =	vsel vm8, v11, v14;
	v3 =	vsel vm8, v3, v5  }
0x13d: {  	p2 =	por p1, p1;
	vm10 =	vlt.u32 v62, $0x2;
	v4 =	vmul.u32 $0x186A0, v4;
	v3 =	vadd.s32 v11, v3  }
.Ltmp0:
0x13e: {  	v63 =	vsel vm10, v6, v8;
	vm10 =	vlt.u32 v62, $0x3;
	v3 =	vmul.u32 $0x186A0, v3;
	(pc) =	sbr.rel @p2 .LBB2_2-.Ltmp0, $4  }
0x13f: {  	[tilespmem:s30+$0x180] =	vst v63;
	v0 =	vsel vm10, v6, v0;
	vm10 =	vlt.u32 v62, $0x4;
	v4 =	vsub.s32 v9, v4  }
0x140: {  	[tilespmem:s30+$0x200] =	vst v0;
	v0 =	vsel vm10, v6, v4;
	vm10 =	vlt.u32 v62, $0x5;
	v3 =	vsub.s32 v37, v3  }
0x141: {  	[tilespmem:s30+$0x280] =	vst v0;
	v3 =	vsel vm10, v6, v3  }
0x142: {  	p1 =	por $0x0, $0x0;
	s0 =	simm.s32 $0x10;
	vm10 =	vcmask $0x704;
	[tilespmem:s30+$0x300] =	vst v3  }
0x143: {  	v0 =	vld [tilespmem:$0x180];
	_ =	sdelay $0x3  }
0x144: {  	v4 =	vld [tilespmem:$0x1FFC0]  }
0x145: {  	v3 =	vshrl.u32 v0, $0x3  }
0x146: {  	v5 =	vld [tilespmem:$0x1FFD0];
	v3 =	vmul.u32 $0x30, v3  }
0x147: {  	v0 =	vand.u32 $0x7, v0  }
0x148: {  	v0 =	vor.u32 v0, v3  }
0x149: {  	v6 =	vld [tilespmem:$0x1FFE0];
	v3 =	vperm.xlane v0, v4  }
0x14a: {  	v7 =	vld [tilespmem:$0x1FFF0]  }
0x14b: {  	v3 =	vadd.s32 v5, v3;
	_ =	sdelay $0x3  }
0x14c: {  	s4 =	simm.s32 $0x0;
	s0 =	rddreg [dreg:$0x1];
	s1 =	simm.s32 $0x580;
	vm9 =	vnez.u8 v7;
	v0 =	vperm.xlane v0, v6  }
0x14d: {  	[tilespmem:s1], [sflag:$0x1] =	stream.indirect_vreg.gather [hbm4b:s0+s4], $0x80, v3, vm9, $0xb8;
	[tilespmem:$0x18580] =	vst v63  }
0x14e: {  	s25 =	rddreg [dreg:$0xc];
	s2 =	simm.s32 $0xD80;
	v0 =	vadd.s32 v5, v0  }
0x14f: {  	[tilespmem:s2], [sflag:$0x1] =	stream.indirect_vreg.gather [hbm4b:s25+s4], $0x80, v3, vm9, $0xb8;
	[tilespmem:$0x18580] =	vst v63  }
0x150: {  	s26 =	rddreg [dreg:$0xd];
	s3 =	simm.s32 $0x1580  }
0x151: {  	[tilespmem:s3], [sflag:$0x1] =	stream.indirect_vreg.gather [hbm4b:s26+s4], $0x80, v3, vm9, $0xb8;
	[tilespmem:$0x18580] =	vst v63  }
0x152: {  	s28 =	simm.s32 $0x1D80  }
0x153: {  	[tilespmem:s28], [sflag:$0x1] =	stream.indirect_vreg.gather [hbm4b:s0+s4], $0x80, v0, vm9, $0xb8;
	[tilespmem:$0x18580] =	vst v63  }
0x154: {  	s29 =	simm.s32 $0x2580  }
0x155: {  	[tilespmem:s29], [sflag:$0x1] =	stream.indirect_vreg.gather [hbm4b:s25+s4], $0x80, v0, vm9, $0xb8;
	[tilespmem:$0x18580] =	vst v63  }
0x156: {  	s30 =	simm.s32 $0x2D80  }
0x157: {  	[tilespmem:s30], [sflag:$0x1] =	stream.indirect_vreg.gather [hbm4b:s26+s4], $0x80, v0, vm9, $0xb8;
	[tilespmem:$0x18580] =	vst v63  }
0x158: {  	v0 =	vld [tilespmem:$0x200];
	_ =	sdelay $0x4  }
0x159: {  	v3 =	vshrl.u32 v0, $0x3  }
0x15a: {  	v3 =	vmul.u32 $0x30, v3  }
0x15b: {  	v0 =	vand.u32 $0x7, v0  }
0x15c: {  	v0 =	vor.u32 v0, v3  }
0x15d: {  	v3 =	vperm.xlane v0, v4;
	_ =	sdelay $0x1  }
0x15e: {  	v3 =	vadd.s32 v5, v3;
	_ =	sdelay $0x3  }
0x15f: {  	s31 =	rddreg [dreg:$0x2];
	s5 =	simm.s32 $0x3580;
	v0 =	vperm.xlane v0, v6  }
0x160: {  	[tilespmem:s5], [sflag:$0x1] =	stream.indirect_vreg.gather [hbm4b:s31+s4], $0x80, v3, vm9, $0xb8;
	[tilespmem:$0x18580] =	vst v63  }
0x161: {  	s6 =	rddreg [dreg:$0xe];
	s7 =	simm.s32 $0x3D80;
	v0 =	vadd.s32 v5, v0  }
0x162: {  	[tilespmem:s7], [sflag:$0x1] =	stream.indirect_vreg.gather [hbm4b:s6+s4], $0x80, v3, vm9, $0xb8;
	[tilespmem:$0x18580] =	vst v63  }
0x163: {  	s8 =	rddreg [dreg:$0xf];
	s9 =	simm.s32 $0x4580  }
0x164: {  	[tilespmem:s9], [sflag:$0x1] =	stream.indirect_vreg.gather [hbm4b:s8+s4], $0x80, v3, vm9, $0xb8;
	[tilespmem:$0x18580] =	vst v63  }
0x165: {  	s10 =	simm.s32 $0x4D80  }
0x166: {  	[tilespmem:s10], [sflag:$0x1] =	stream.indirect_vreg.gather [hbm4b:s31+s4], $0x80, v0, vm9, $0xb8;
	[tilespmem:$0x18580] =	vst v63  }
0x167: {  	s11 =	simm.s32 $0x5580  }
0x168: {  	[tilespmem:s11], [sflag:$0x1] =	stream.indirect_vreg.gather [hbm4b:s6+s4], $0x80, v0, vm9, $0xb8;
	[tilespmem:$0x18580] =	vst v63  }
0x169: {  	s12 =	simm.s32 $0x5D80  }
0x16a: {  	[tilespmem:s12], [sflag:$0x1] =	stream.indirect_vreg.gather [hbm4b:s8+s4], $0x80, v0, vm9, $0xb8;
	[tilespmem:$0x18580] =	vst v63  }
0x16b: {  	v0 =	vld [tilespmem:$0x280];
	_ =	sdelay $0x4  }
0x16c: {  	v3 =	vshrl.u32 v0, $0x3  }
0x16d: {  	v3 =	vmul.u32 $0x30, v3  }
0x16e: {  	v0 =	vand.u32 $0x7, v0  }
0x16f: {  	v0 =	vor.u32 v0, v3  }
0x170: {  	v3 =	vperm.xlane v0, v4;
	_ =	sdelay $0x1  }
0x171: {  	v3 =	vadd.s32 v5, v3;
	_ =	sdelay $0x3  }
0x172: {  	s13 =	rddreg [dreg:$0x3];
	s14 =	simm.s32 $0x6580;
	v0 =	vperm.xlane v0, v6  }
0x173: {  	[tilespmem:s14], [sflag:$0x1] =	stream.indirect_vreg.gather [hbm4b:s13+s4], $0x80, v3, vm9, $0xb8;
	[tilespmem:$0x18580] =	vst v63  }
0x174: {  	s15 =	rddreg [dreg:$0x10];
	s16 =	simm.s32 $0x6D80;
	v0 =	vadd.s32 v5, v0  }
0x175: {  	[tilespmem:s16], [sflag:$0x1] =	stream.indirect_vreg.gather [hbm4b:s15+s4], $0x80, v3, vm9, $0xb8;
	[tilespmem:$0x18580] =	vst v63  }
0x176: {  	s17 =	rddreg [dreg:$0x11];
	s18 =	simm.s32 $0x7580  }
0x177: {  	[tilespmem:s18], [sflag:$0x1] =	stream.indirect_vreg.gather [hbm4b:s17+s4], $0x80, v3, vm9, $0xb8;
	[tilespmem:$0x18580] =	vst v63  }
0x178: {  	s19 =	simm.s32 $0x7D80  }
0x179: {  	[tilespmem:s19], [sflag:$0x1] =	stream.indirect_vreg.gather [hbm4b:s13+s4], $0x80, v0, vm9, $0xb8;
	[tilespmem:$0x18580] =	vst v63  }
0x17a: {  	s20 =	simm.s32 $0x8580  }
0x17b: {  	[tilespmem:s20], [sflag:$0x1] =	stream.indirect_vreg.gather [hbm4b:s15+s4], $0x80, v0, vm9, $0xb8;
	[tilespmem:$0x18580] =	vst v63  }
0x17c: {  	s21 =	simm.s32 $0x8D80  }
0x17d: {  	[tilespmem:s21], [sflag:$0x1] =	stream.indirect_vreg.gather [hbm4b:s17+s4], $0x80, v0, vm9, $0xb8;
	[tilespmem:$0x18580] =	vst v63  }
0x17e: {  	v0 =	vld [tilespmem:$0x300];
	_ =	sdelay $0x4  }
0x17f: {  	v3 =	vshrl.u32 v0, $0x3  }
0x180: {  	v3 =	vmul.u32 $0x30, v3  }
0x181: {  	v0 =	vand.u32 $0x7, v0  }
0x182: {  	v0 =	vor.u32 v0, v3  }
0x183: {  	v3 =	vperm.xlane v0, v4;
	_ =	sdelay $0x1  }
0x184: {  	v3 =	vadd.s32 v5, v3;
	_ =	sdelay $0x3  }
0x185: {  	s22 =	rddreg [dreg:$0x4];
	s23 =	simm.s32 $0x9580;
	v0 =	vperm.xlane v0, v6  }
0x186: {  	[tilespmem:s23], [sflag:$0x1] =	stream.indirect_vreg.gather [hbm4b:s22+s4], $0x80, v3, vm9, $0xb8;
	[tilespmem:$0x18580] =	vst v63  }
0x187: {  	s24 =	rddreg [dreg:$0x12];
	s25 =	simm.s32 $0x9D80;
	v0 =	vadd.s32 v5, v0  }
0x188: {  	[tilespmem:s25], [sflag:$0x1] =	stream.indirect_vreg.gather [hbm4b:s24+s4], $0x80, v3, vm9, $0xb8;
	[tilespmem:$0x18580] =	vst v63  }
0x189: {  	s28 =	simm.s32 $0xA580;
	s26 =	rddreg [dreg:$0x13]  }
0x18a: {  	[tilespmem:s28], [sflag:$0x1] =	stream.indirect_vreg.gather [hbm4b:s26+s4], $0x80, v3, vm9, $0xb8;
	[tilespmem:$0x18580] =	vst v63  }
0x18b: {  	s29 =	simm.s32 $0xAD80  }
0x18c: {  	[tilespmem:s29], [sflag:$0x1] =	stream.indirect_vreg.gather [hbm4b:s22+s4], $0x80, v0, vm9, $0xb8;
	[tilespmem:$0x18580] =	vst v63  }
0x18d: {  	s30 =	simm.s32 $0xB580  }
0x18e: {  	[tilespmem:s30], [sflag:$0x1] =	stream.indirect_vreg.gather [hbm4b:s24+s4], $0x80, v0, vm9, $0xb8;
	[tilespmem:$0x18580] =	vst v63  }
0x18f: {  	s3 =	simm.s32 $0xC580;
	s31 =	simm.s32 $0xBD80;
	s8 =	simm.s32 $0x0  }
0x190: {  	[tilespmem:s31], [sflag:$0x1] =	stream.indirect_vreg.gather [hbm4b:s26+s4], $0x80, v0, vm9, $0xb8;
	[tilespmem:$0x18580] =	vst v63  }
.LBB2_4:
0x191: {  	s0 =	sshll.u32 s8, $0x5  }
0x192: {  	[dreg:$0x18] =	wrdreg s0;
	s7 =	sor.u32 $0x10, s0;
	s0 =	sshll.u32 s8, $0x7  }
0x193: {  	s1 =	sand.u32 $0x70, s7;
	s2 =	sand.u32 $0x200, s0  }
0x194: {  	s1 =	sor.u32 s1, s2  }
0x195: {  	v0 =	vld [tilespmem:s1+$0x180];
	_ =	sdelay $0x3  }
0x196: {  	v4 =	vld [tilespmem:$0x1FFC0]  }
0x197: {  	v3 =	vshrl.u32 v0, $0x3  }
0x198: {  	v5 =	vld [tilespmem:$0x1FFD0];
	v3 =	vmul.u32 $0x30, v3  }
0x199: {  	v0 =	vand.u32 $0x7, v0  }
0x19a: {  	v0 =	vor.u32 v0, v3  }
0x19b: {  	v6 =	vld [tilespmem:$0x1FFE0];
	v3 =	vperm.xlane v0, v4  }
0x19c: {  	v7 =	vld [tilespmem:$0x1FFF0]  }
0x19d: {  	v3 =	vadd.s32 v5, v3;
	_ =	sdelay $0x3  }
0x19e: {  	s20 =	rddreg [dreg:$0x1];
	s6 =	simm.s32 $0x0;
	vm9 =	vnez.u8 v7;
	v0 =	vperm.xlane v0, v6  }
0x19f: {  	[tilespmem:s3], [sflag:$0x2] =	stream.indirect_vreg.gather [hbm4b:s20+s6], $0x80, v3, vm9, $0xb8;
	[tilespmem:$0x18580] =	vst v63  }
0x1a0: {  	s21 =	rddreg [dreg:$0xc];
	s4 =	simm.s32 $0xCD80;
	v0 =	vadd.s32 v5, v0  }
0x1a1: {  	[tilespmem:s4], [sflag:$0x2] =	stream.indirect_vreg.gather [hbm4b:s21+s6], $0x80, v3, vm9, $0xb8;
	[tilespmem:$0x18580] =	vst v63  }
0x1a2: {  	s22 =	rddreg [dreg:$0xd];
	s5 =	simm.s32 $0xD580  }
0x1a3: {  	[tilespmem:s5], [sflag:$0x2] =	stream.indirect_vreg.gather [hbm4b:s22+s6], $0x80, v3, vm9, $0xb8;
	[tilespmem:$0x18580] =	vst v63  }
0x1a4: {  	s23 =	simm.s32 $0xDD80  }
0x1a5: {  	[tilespmem:s23], [sflag:$0x2] =	stream.indirect_vreg.gather [hbm4b:s20+s6], $0x80, v0, vm9, $0xb8;
	[tilespmem:$0x18580] =	vst v63  }
0x1a6: {  	s24 =	simm.s32 $0xE580  }
0x1a7: {  	[tilespmem:s24], [sflag:$0x2] =	stream.indirect_vreg.gather [hbm4b:s21+s6], $0x80, v0, vm9, $0xb8;
	[tilespmem:$0x18580] =	vst v63  }
0x1a8: {  	s25 =	simm.s32 $0xED80  }
0x1a9: {  	[tilespmem:s25], [sflag:$0x2] =	stream.indirect_vreg.gather [hbm4b:s22+s6], $0x80, v0, vm9, $0xb8;
	[tilespmem:$0x18580] =	vst v63  }
0x1aa: {  	v0 =	vld [tilespmem:s1+$0x200];
	_ =	sdelay $0x4  }
0x1ab: {  	v3 =	vshrl.u32 v0, $0x3  }
0x1ac: {  	v3 =	vmul.u32 $0x30, v3  }
0x1ad: {  	v0 =	vand.u32 $0x7, v0  }
0x1ae: {  	v0 =	vor.u32 v0, v3  }
0x1af: {  	v3 =	vperm.xlane v0, v4;
	_ =	sdelay $0x1  }
0x1b0: {  	v3 =	vadd.s32 v5, v3;
	_ =	sdelay $0x3  }
0x1b1: {  	s26 =	rddreg [dreg:$0x2];
	s28 =	simm.s32 $0xF580;
	v0 =	vperm.xlane v0, v6  }
0x1b2: {  	[tilespmem:s28], [sflag:$0x2] =	stream.indirect_vreg.gather [hbm4b:s26+s6], $0x80, v3, vm9, $0xb8;
	[tilespmem:$0x18580] =	vst v63  }
0x1b3: {  	s29 =	rddreg [dreg:$0xe];
	s30 =	simm.s32 $0xFD80;
	v0 =	vadd.s32 v5, v0  }
0x1b4: {  	[tilespmem:s30], [sflag:$0x2] =	stream.indirect_vreg.gather [hbm4b:s29+s6], $0x80, v3, vm9, $0xb8;
	[tilespmem:$0x18580] =	vst v63  }
0x1b5: {  	s31 =	rddreg [dreg:$0xf];
	s9 =	simm.s32 $0x10580  }
0x1b6: {  	[tilespmem:s9], [sflag:$0x2] =	stream.indirect_vreg.gather [hbm4b:s31+s6], $0x80, v3, vm9, $0xb8;
	[tilespmem:$0x18580] =	vst v63  }
0x1b7: {  	s10 =	simm.s32 $0x10D80  }
0x1b8: {  	[tilespmem:s10], [sflag:$0x2] =	stream.indirect_vreg.gather [hbm4b:s26+s6], $0x80, v0, vm9, $0xb8;
	[tilespmem:$0x18580] =	vst v63  }
0x1b9: {  	s11 =	simm.s32 $0x11580  }
0x1ba: {  	[tilespmem:s11], [sflag:$0x2] =	stream.indirect_vreg.gather [hbm4b:s29+s6], $0x80, v0, vm9, $0xb8;
	[tilespmem:$0x18580] =	vst v63  }
0x1bb: {  	s12 =	simm.s32 $0x11D80  }
0x1bc: {  	[tilespmem:s12], [sflag:$0x2] =	stream.indirect_vreg.gather [hbm4b:s31+s6], $0x80, v0, vm9, $0xb8;
	[tilespmem:$0x18580] =	vst v63  }
0x1bd: {  	v0 =	vld [tilespmem:s1+$0x280];
	_ =	sdelay $0x4  }
0x1be: {  	v3 =	vshrl.u32 v0, $0x3  }
0x1bf: {  	v3 =	vmul.u32 $0x30, v3  }
0x1c0: {  	v0 =	vand.u32 $0x7, v0  }
0x1c1: {  	v0 =	vor.u32 v0, v3  }
0x1c2: {  	v3 =	vperm.xlane v0, v4;
	_ =	sdelay $0x1  }
0x1c3: {  	v3 =	vadd.s32 v5, v3;
	_ =	sdelay $0x3  }
0x1c4: {  	s13 =	rddreg [dreg:$0x3];
	s14 =	simm.s32 $0x12580;
	v0 =	vperm.xlane v0, v6  }
0x1c5: {  	[tilespmem:s14], [sflag:$0x2] =	stream.indirect_vreg.gather [hbm4b:s13+s6], $0x80, v3, vm9, $0xb8;
	[tilespmem:$0x18580] =	vst v63  }
0x1c6: {  	s15 =	rddreg [dreg:$0x10];
	s16 =	simm.s32 $0x12D80;
	v0 =	vadd.s32 v5, v0  }
0x1c7: {  	[tilespmem:s16], [sflag:$0x2] =	stream.indirect_vreg.gather [hbm4b:s15+s6], $0x80, v3, vm9, $0xb8;
	[tilespmem:$0x18580] =	vst v63  }
0x1c8: {  	s17 =	rddreg [dreg:$0x11];
	s18 =	simm.s32 $0x13580  }
0x1c9: {  	[tilespmem:s18], [sflag:$0x2] =	stream.indirect_vreg.gather [hbm4b:s17+s6], $0x80, v3, vm9, $0xb8;
	[tilespmem:$0x18580] =	vst v63  }
0x1ca: {  	s19 =	simm.s32 $0x13D80  }
0x1cb: {  	[tilespmem:s19], [sflag:$0x2] =	stream.indirect_vreg.gather [hbm4b:s13+s6], $0x80, v0, vm9, $0xb8;
	[tilespmem:$0x18580] =	vst v63  }
0x1cc: {  	s0 =	sor.u32 s7, s0;
	s20 =	simm.s32 $0x14580  }
0x1cd: {  	[tilespmem:s20], [sflag:$0x2] =	stream.indirect_vreg.gather [hbm4b:s15+s6], $0x80, v0, vm9, $0xb8;
	[tilespmem:$0x18580] =	vst v63  }
0x1ce: {  	s0 =	sor.u32 $0x180, s0;
	s21 =	simm.s32 $0x14D80  }
0x1cf: {  	[tilespmem:s21], [sflag:$0x2] =	stream.indirect_vreg.gather [hbm4b:s17+s6], $0x80, v0, vm9, $0xb8;
	[tilespmem:$0x18580] =	vst v63  }
0x1d0: {  	v0 =	vld [tilespmem:s0+$0x180];
	_ =	sdelay $0x4  }
0x1d1: {  	v3 =	vshrl.u32 v0, $0x3  }
0x1d2: {  	v3 =	vmul.u32 $0x30, v3  }
0x1d3: {  	v0 =	vand.u32 $0x7, v0  }
0x1d4: {  	v0 =	vor.u32 v0, v3  }
0x1d5: {  	v3 =	vperm.xlane v0, v4;
	_ =	sdelay $0x1  }
0x1d6: {  	v3 =	vadd.s32 v5, v3;
	_ =	sdelay $0x3  }
0x1d7: {  	s23 =	simm.s32 $0x15580;
	s22 =	rddreg [dreg:$0x4];
	v0 =	vperm.xlane v0, v6  }
0x1d8: {  	[tilespmem:s23], [sflag:$0x2] =	stream.indirect_vreg.gather [hbm4b:s22+s6], $0x80, v3, vm9, $0xb8;
	[tilespmem:$0x18580] =	vst v63  }
0x1d9: {  	s24 =	rddreg [dreg:$0x12];
	s25 =	simm.s32 $0x15D80;
	v0 =	vadd.s32 v5, v0  }
0x1da: {  	[tilespmem:s25], [sflag:$0x2] =	stream.indirect_vreg.gather [hbm4b:s24+s6], $0x80, v3, vm9, $0xb8;
	[tilespmem:$0x18580] =	vst v63  }
0x1db: {  	s28 =	simm.s32 $0x16580;
	s26 =	rddreg [dreg:$0x13]  }
0x1dc: {  	[tilespmem:s28], [sflag:$0x2] =	stream.indirect_vreg.gather [hbm4b:s26+s6], $0x80, v3, vm9, $0xb8;
	[tilespmem:$0x18580] =	vst v63  }
0x1dd: {  	p1 =	sne.s32 s8, $0x0;
	s29 =	simm.s32 $0x16D80  }
0x1de: {  	[tilespmem:s29], [sflag:$0x2] =	stream.indirect_vreg.gather [hbm4b:s22+s6], $0x80, v0, vm9, $0xb8;
	[tilespmem:$0x18580] =	vst v63  }
.Ltmp1:
0x1df: {  	_ = 	snop;
	(pc) =	sbr.rel @p1 .LBB2_7-.Ltmp1, $4  }
0x1e0: {  	[dreg:$0x16] =	wrdreg s8;
	s30 =	simm.s32 $0x17580  }
0x1e1: {  	[tilespmem:s30], [sflag:$0x2] =	stream.indirect_vreg.gather [hbm4b:s24+s6], $0x80, v0, vm9, $0xb8;
	[tilespmem:$0x18580] =	vst v63  }
0x1e2: {  	vm11 =	vcmask $0xF0C;
	vm12 =	vcmask $0x1714;
	vm13 =	vcmask $0x1F1C;
	[dreg:$0x17] =	wrdreg s7;
	s31 =	simm.s32 $0x17D80  }
0x1e3: {  	vm14 =	vcmask $0x2724;
	vm15 =	vcmask $0x2F2C;
	[tilespmem:s31], [sflag:$0x2] =	stream.indirect_vreg.gather [hbm4b:s26+s6], $0x80, v0, vm9, $0xb8;
	vm9 =	vcmask $0x3734;
	[tilespmem:$0x18580] =	vst v63  }
0x1e4: {  	s2 =	simm.s32 $0x20;
	s0 =	simm.s32 $0x0  }
.LBB2_6:
0x1e5: {  	s1 =	sshra.s32 s0, $0x2  }
0x1e6: {  	v6 =	vld [tilespmem:s1+$0x30]  }
0x1e7: {  	v11 =	vld [tilespmem:s1+$0x2F];
	_ =	sdelay $0x2  }
0x1e8: {  	v10 =	vld [tilespmem:s1+$0x2E];
	_ =	sdelay $0x1  }
0x1e9: {  	v0 =	vmul.u32 $0x10201, v6;
	v3 =	vmul.u32 $0x101, v11;
	_ =	sdelay $0x1  }
0x1ea: {  	v0 =	vadd.s32 v0, v3  }
0x1eb: {  	v8 =	vadd.s32 v10, v0  }
0x1ec: {  	(v2sf) =	vpush v8, $0xD;
	_ =	sdelay $0x1  }
0x1ed: {  	(v2sf) =	vpush v8, $0xC;
	_ =	sdelay $0x1  }
0x1ee: {  	(v2sf) =	vpush v8, $0xE;
	_ =	sdelay $0x1  }
0x1ef: {  	(v2sf) =	vpush v8, $0xF;
	_ =	sdelay $0x1  }
0x1f0: {  	(v2sf) =	vpush v8, $0x9;
	_ =	sdelay $0x1  }
0x1f1: {  	(v2sf) =	vpush v8, $0x8;
	_ =	sdelay $0x1  }
0x1f2: {  	(v2sf) =	vpush v8, $0xA  }
0x1f3: {  	(v2sf) =	vpush v8, $0xB;
	_ =	sdelay $0x1  }
0x1f4: {  	[dreg:$0x1a] =	wrdreg s0;
	s30 =	spop (v2sf)  }
0x1f5: {  	[dreg:$0x19] =	wrdreg s2;
	s31 =	smulhi.u32 $0x14F8B589, s30;
	s0 =	sshra.s32 s30, $0x1F  }
0x1f6: {  	(v2sf) =	vpush v8, $0x0;
	s3 =	spop (v2sf);
	s2 =	smul.u32 $0x14F8B589, s0  }
0x1f7: {  	(v2sf) =	vpush v8, $0x1;
	s18 =	smulhi.u32 $0x14F8B589, s3;
	s0 =	sshra.s32 s3, $0x1F  }
0x1f8: {  	s4 =	spop (v2sf);
	s16 =	smul.u32 $0x14F8B589, s0  }
0x1f9: {  	(v2sf) =	vpush v8, $0x2;
	s19 =	smulhi.u32 $0x14F8B589, s4;
	s0 =	sshra.s32 s4, $0x1F  }
0x1fa: {  	s5 =	spop (v2sf);
	(v2sf) =	vpush v8, $0x3;
	s7 =	smul.u32 $0x14F8B589, s0  }
0x1fb: {  	s20 =	smulhi.u32 $0x14F8B589, s5;
	s0 =	sshra.s32 s5, $0x1F  }
0x1fc: {  	s6 =	spop (v2sf);
	(v2sf) =	vpush v8, $0x4;
	s9 =	smul.u32 $0x14F8B589, s0  }
0x1fd: {  	s21 =	smulhi.u32 $0x14F8B589, s6;
	s0 =	sshra.s32 s6, $0x1F  }
0x1fe: {  	s8 =	spop (v2sf);
	(v2sf) =	vpush v8, $0x5;
	s14 =	smul.u32 $0x14F8B589, s0  }
0x1ff: {  	v12 =	vld [tilespmem:s1+$0x2D];
	[smem:$0x74C] =	sst s31;
	s18 =	sadd.s32 s16, s18;
	s22 =	smulhi.u32 $0x14F8B589, s8  }
0x200: {  	v3 =	vmul.u32 $0x10201, v11;
	v0 =	vmul.u32 $0x12361, v6;
	s0 =	sshra.s32 s8, $0x1F;
	s10 =	spop (v2sf);
	(v2sf) =	vpush v8, $0x6;
	[smem:$0x77D] =	sst s18  }
0x201: {  	v4 =	vmul.u32 $0x101, v10;
	s6 =	smul.u32 $0x14F8B589, s0;
	s11 =	spop (v2sf);
	(v2sf) =	vpush v8, $0x7  }
0x202: {  	v0 =	vadd.s32 v0, v3;
	s7 =	sadd.s32 s7, s19;
	s23 =	smulhi.u32 $0x14F8B589, s10;
	s0 =	sshra.s32 s10, $0x1F  }
0x203: {  	v0 =	vadd.s32 v4, v0;
	[smem:$0x77E] =	sst s7;
	s18 =	sadd.s32 s9, s20;
	s24 =	smul.u32 $0x14F8B589, s0  }
0x204: {  	v7 =	vadd.s32 v12, v0;
	s25 =	smulhi.u32 $0x14F8B589, s11;
	s0 =	sshra.s32 s11, $0x1F;
	[smem:$0x77F] =	sst s18  }
0x205: {  	s29 =	smul.u32 $0x14F8B589, s0;
	s12 =	spop (v2sf);
	(v2sf) =	vpush v7, $0xD  }
0x206: {  	s20 =	sadd.s32 s14, s21;
	s28 =	smulhi.u32 $0x14F8B589, s12;
	s3 =	spop (v2sf)  }
0x207: {  	[smem:$0x780] =	sst s20;
	(v2sf) =	vpush v7, $0xC;
	s31 =	smulhi.u32 $0x14F8B589, s3;
	s3 =	sshra.s32 s3, $0x1F  }
0x208: {  	s13 =	spop (v2sf);
	s11 =	smul.u32 $0x14F8B589, s3  }
0x209: {  	s4 =	smulhi.u32 $0x14F8B589, s13;
	s10 =	spop (v2sf)  }
0x20a: {  	s6 =	sadd.s32 s6, s22;
	(v2sf) =	vpush v7, $0xE;
	s15 =	smulhi.u32 $0x14F8B589, s10;
	s10 =	sshra.s32 s10, $0x1F  }
0x20b: {  	s0 =	sshra.s32 s12, $0x1F;
	(v2sf) =	vpush v7, $0xF;
	s17 =	spop (v2sf);
	s12 =	smul.u32 $0x14F8B589, s10  }
0x20c: {  	[smem:$0x781] =	sst s6;
	s26 =	smulhi.u32 $0x14F8B589, s17;
	s10 =	sshra.s32 s17, $0x1F  }
0x20d: {  	s3 =	sshra.s32 s13, $0x1F;
	s30 =	spop (v2sf);
	s13 =	smul.u32 $0x14F8B589, s10  }
0x20e: {  	[smem:$0x74E] =	sst s15;
	s5 =	smulhi.u32 $0x14F8B589, s30;
	s10 =	sshra.s32 s30, $0x1F  }
0x20f: {  	(v2sf) =	vpush v7, $0x9;
	s8 =	spop (v2sf);
	s30 =	smul.u32 $0x14F8B589, s10  }
0x210: {  	s15 =	smulhi.u32 $0x14F8B589, s8;
	s17 =	spop (v2sf)  }
0x211: {  	(v2sf) =	vpush v7, $0x8;
	[smem:$0x74F] =	sst s26;
	s10 =	sshra.s32 s8, $0x1F;
	s26 =	smulhi.u32 $0x14F8B589, s17  }
0x212: {  	[smem:$0x751] =	sst s15;
	s15 =	smul.u32 $0x14F8B589, s10;
	s10 =	sshra.s32 s17, $0x1F  }
0x213: {  	(v2sf) =	vpush v7, $0xA;
	[smem:$0x750] =	sst s5;
	s5 =	smul.u32 $0x14F8B589, s10  }
0x214: {  	[smem:$0x752] =	sst s26;
	s8 =	spop (v2sf)  }
0x215: {  	[smem:$0x753] =	sst s5;
	s17 =	smulhi.u32 $0x14F8B589, s8;
	s10 =	sshra.s32 s8, $0x1F  }
0x216: {  	s5 =	spop (v2sf);
	s26 =	smul.u32 $0x14F8B589, s10  }
0x217: {  	(v2sf) =	vpush v7, $0xB;
	s8 =	smulhi.u32 $0x14F8B589, s5;
	s10 =	sshra.s32 s5, $0x1F;
	[smem:$0x754] =	sst s17  }
0x218: {  	s10 =	smul.u32 $0x14F8B589, s10;
	[smem:$0x755] =	sst s26  }
0x219: {  	(v2sf) =	vpush v7, $0x0;
	s17 =	spop (v2sf);
	[smem:$0x756] =	sst s8  }
0x21a: {  	s24 =	sadd.s32 s24, s23;
	s26 =	smulhi.u32 $0x14F8B589, s17;
	s8 =	spop (v2sf)  }
0x21b: {  	(v2sf) =	vpush v7, $0x1;
	[smem:$0x757] =	sst s10;
	s10 =	sshra.s32 s17, $0x1F;
	s17 =	smulhi.u32 $0x14F8B589, s8  }
0x21c: {  	[smem:$0x782] =	sst s24;
	s5 =	smul.u32 $0x14F8B589, s10;
	s10 =	sshra.s32 s8, $0x1F  }
0x21d: {  	(v2sf) =	vpush v7, $0x2;
	[smem:$0x758] =	sst s26;
	s26 =	smul.u32 $0x14F8B589, s10  }
0x21e: {  	[smem:$0x759] =	sst s5;
	s5 =	spop (v2sf)  }
0x21f: {  	[smem:$0x75A] =	sst s17;
	s8 =	smulhi.u32 $0x14F8B589, s5;
	s10 =	sshra.s32 s5, $0x1F  }
0x220: {  	(v2sf) =	vpush v7, $0x3;
	s17 =	spop (v2sf);
	s10 =	smul.u32 $0x14F8B589, s10  }
0x221: {  	[smem:$0x75B] =	sst s26;
	s26 =	smulhi.u32 $0x14F8B589, s17  }
0x222: {  	[smem:$0x75C] =	sst s8;
	s8 =	spop (v2sf)  }
0x223: {  	[smem:$0x75D] =	sst s10;
	s10 =	sshra.s32 s17, $0x1F;
	s17 =	smulhi.u32 $0x14F8B589, s8  }
0x224: {  	(v2sf) =	vpush v7, $0x4;
	[smem:$0x75E] =	sst s26;
	s5 =	smul.u32 $0x14F8B589, s10;
	s10 =	sshra.s32 s8, $0x1F  }
0x225: {  	[smem:$0x760] =	sst s17;
	s26 =	smul.u32 $0x14F8B589, s10  }
0x226: {  	(v2sf) =	vpush v7, $0x5;
	[smem:$0x75F] =	sst s5;
	s5 =	spop (v2sf)  }
0x227: {  	[smem:$0x761] =	sst s26;
	s8 =	smulhi.u32 $0x14F8B589, s5;
	s10 =	sshra.s32 s5, $0x1F  }
0x228: {  	s17 =	spop (v2sf);
	s10 =	smul.u32 $0x14F8B589, s10  }
0x229: {  	s26 =	smulhi.u32 $0x14F8B589, s17;
	[smem:$0x762] =	sst s8  }
0x22a: {  	(v2sf) =	vpush v7, $0x6;
	s5 =	spop (v2sf);
	[smem:$0x763] =	sst s10  }
0x22b: {  	s8 =	smulhi.u32 $0x14F8B589, s5;
	[smem:$0x764] =	sst s26;
	s10 =	sshra.s32 s17, $0x1F  }
0x22c: {  	v27 =	vmul.u32 $0x12361, v11;
	s9 =	sadd.s32 s29, s25;
	s17 =	spop (v2sf);
	s26 =	smul.u32 $0x14F8B589, s10  }
0x22d: {  	v3 =	vmul.u32 $0x11301, v6;
	v0 =	vld [tilespmem:s1+$0x2C];
	[smem:$0x783] =	sst s9;
	s10 =	sshra.s32 s5, $0x1F;
	s5 =	smulhi.u32 $0x14F8B589, s17  }
0x22e: {  	v5 =	vmul.u32 $0x10201, v10;
	[smem:$0x765] =	sst s8;
	s8 =	smul.u32 $0x14F8B589, s10;
	s10 =	sshra.s32 s17, $0x1F  }
0x22f: {  	v28 =	vmul.u32 $0x101, v12;
	v3 =	vadd.s32 v3, v27;
	s17 =	spop (v2sf);
	s10 =	smul.u32 $0x14F8B589, s10  }
0x230: {  	v3 =	vadd.s32 v5, v3;
	[smem:$0x766] =	sst s5;
	s5 =	smulhi.u32 $0x14F8B589, s17  }
0x231: {  	v3 =	vadd.s32 v28, v3;
	(v2sf) =	vpush v7, $0x7;
	[smem:$0x767] =	sst s10  }
0x232: {  	v9 =	vadd.s32 v0, v3;
	[smem:$0x768] =	sst s5;
	s10 =	sshra.s32 s17, $0x1F  }
0x233: {  	(v2sf) =	vpush v9, $0xD;
	s5 =	smul.u32 $0x14F8B589, s10;
	s10 =	spop (v2sf)  }
0x234: {  	[smem:$0x74D] =	sst s4;
	s17 =	smulhi.u32 $0x14F8B589, s10;
	s10 =	sshra.s32 s10, $0x1F  }
0x235: {  	(v2sf) =	vpush v9, $0xC;
	s4 =	smul.u32 $0x14F8B589, s10;
	s10 =	spop (v2sf)  }
0x236: {  	[smem:$0x769] =	sst s17;
	s17 =	smulhi.u32 $0x14F8B589, s10;
	s10 =	sshra.s32 s10, $0x1F  }
0x237: {  	s18 =	sld [smem:$0x74D];
	(v2sf) =	vpush v9, $0xE;
	s10 =	smul.u32 $0x14F8B589, s10  }
0x238: {  	s29 =	sld [smem:$0x750];
	(v2sf) =	vpush v9, $0xF  }
0x239: {  	[smem:$0x76B] =	sst s10;
	s10 =	spop (v2sf)  }
0x23a: {  	[smem:$0x76A] =	sst s17;
	s17 =	smulhi.u32 $0x14F8B589, s10  }
0x23b: {  	s24 =	sld [smem:$0x74F];
	(v2sf) =	vpush v9, $0x9  }
0x23c: {  	[smem:$0x76C] =	sst s17  }
0x23d: {  	v30 =	vld [tilespmem:s1+$0x2B];
	s1 =	sadd.s32 s30, s29;
	s17 =	sld [smem:$0x74C]  }
0x23e: {  	s0 =	smul.u32 $0x14F8B589, s0;
	[smem:$0x785] =	sst s1  }
0x23f: {  	s3 =	smul.u32 $0x14F8B589, s3;
	s9 =	sld [smem:$0x753];
	s10 =	sshra.s32 s10, $0x1F  }
0x240: {  	(v2sf) =	vpush v9, $0x8;
	s10 =	smul.u32 $0x14F8B589, s10;
	s2 =	sadd.s32 s2, s17;
	s17 =	spop (v2sf)  }
0x241: {  	[smem:$0x77C] =	sst s2;
	s16 =	smulhi.u32 $0x14F8B589, s17;
	s2 =	sshra.s32 s17, $0x1F  }
0x242: {  	s17 =	spop (v2sf);
	s2 =	smul.u32 $0x14F8B589, s2  }
0x243: {  	[smem:$0x76D] =	sst s10;
	s19 =	smulhi.u32 $0x14F8B589, s17  }
0x244: {  	s21 =	spop (v2sf);
	[smem:$0x76E] =	sst s16  }
0x245: {  	s22 =	smulhi.u32 $0x14F8B589, s21;
	[smem:$0x76F] =	sst s2  }
0x246: {  	(v2sf) =	vpush v9, $0xA;
	s7 =	spop (v2sf);
	[smem:$0x770] =	sst s19  }
0x247: {  	s2 =	sshra.s32 s17, $0x1F;
	s10 =	smulhi.u32 $0x14F8B589, s7;
	s16 =	spop (v2sf)  }
0x248: {  	s20 =	sadd.s32 s0, s28;
	s2 =	smul.u32 $0x14F8B589, s2;
	[smem:$0x772] =	sst s22  }
0x249: {  	s22 =	sadd.s32 s11, s31;
	s17 =	smulhi.u32 $0x14F8B589, s16;
	s11 =	sld [smem:$0x754]  }
0x24a: {  	s0 =	sshra.s32 s16, $0x1F;
	s19 =	spop (v2sf);
	s16 =	sld [smem:$0x758]  }
0x24b: {  	s25 =	sadd.s32 s3, s18;
	[smem:$0x774] =	sst s10;
	s3 =	smul.u32 $0x14F8B589, s0  }
0x24c: {  	s23 =	smulhi.u32 $0x14F8B589, s19;
	s0 =	sshra.s32 s19, $0x1F;
	s19 =	sld [smem:$0x75A]  }
0x24d: {  	[smem:$0x771] =	sst s2  }
0x24e: {  	[smem:$0x776] =	sst s17  }
0x24f: {  	s28 =	spop (v2sf);
	s2 =	sshra.s32 s21, $0x1F;
	s21 =	sld [smem:$0x74E]  }
0x250: {  	s0 =	smul.u32 $0x14F8B589, s0;
	s17 =	sld [smem:$0x759]  }
0x251: {  	s30 =	smulhi.u32 $0x14F8B589, s28;
	[smem:$0x777] =	sst s23  }
0x252: {  	[smem:$0x778] =	sst s0  }
0x253: {  	s2 =	smul.u32 $0x14F8B589, s2;
	[smem:$0x779] =	sst s30  }
0x254: {  	(v2sf) =	vpush v9, $0xB;
	s30 =	sld [smem:$0x75B]  }
0x255: {  	s0 =	sshra.s32 s28, $0x1F;
	s6 =	spop (v2sf);
	[smem:$0x773] =	sst s2  }
0x256: {  	(v2sf) =	vpush v9, $0x0;
	s2 =	sshra.s32 s7, $0x1F;
	s31 =	sadd.s32 s12, s21;
	s7 =	sld [smem:$0x752]  }
0x257: {  	s12 =	sld [smem:$0x755];
	s14 =	smul.u32 $0x14F8B589, s2;
	s2 =	sadd.s32 s13, s24  }
0x258: {  	s0 =	smul.u32 $0x14F8B589, s0;
	[smem:$0x784] =	sst s2  }
0x259: {  	s10 =	smulhi.u32 $0x14F8B589, s6;
	s2 =	sld [smem:$0x751]  }
0x25a: {  	(v2sf) =	vpush v9, $0x1;
	[smem:$0x77A] =	sst s0  }
0x25b: {  	[smem:$0x77B] =	sst s10  }
0x25c: {  	(v2sf) =	vpush v9, $0x2;
	s0 =	sshra.s32 s6, $0x1F;
	s6 =	sld [smem:$0x75D]  }
0x25d: {  	s10 =	sld [smem:$0x75F]  }
0x25e: {  	[smem:$0x775] =	sst s14  }
0x25f: {  	s14 =	sld [smem:$0x756]  }
0x260: {  	s28 =	sadd.s32 s9, s7;
	s9 =	sld [smem:$0x75E]  }
0x261: {  	(v2sf) =	vpush v9, $0x3;
	s1 =	sadd.s32 s12, s11;
	s12 =	sld [smem:$0x760]  }
0x262: {  	s24 =	smul.u32 $0x14F8B589, s0;
	s29 =	sadd.s32 s15, s2;
	s15 =	sld [smem:$0x757]  }
0x263: {  	[smem:$0x786] =	sst s1;
	s13 =	spop (v2sf)  }
0x264: {  	s2 =	sld [smem:$0x75C];
	s23 =	smulhi.u32 $0x14F8B589, s13;
	s0 =	sshra.s32 s13, $0x1F  }
0x265: {  	s18 =	spop (v2sf);
	s13 =	sld [smem:$0x761];
	s1 =	sadd.s32 s15, s14  }
0x266: {  	s21 =	smul.u32 $0x14F8B589, s0;
	[smem:$0x787] =	sst s1  }
0x267: {  	s0 =	sshra.s32 s18, $0x1F;
	s1 =	sadd.s32 s17, s16;
	s16 =	sld [smem:$0x762]  }
0x268: {  	(v2sf) =	vpush v9, $0x4;
	s17 =	smul.u32 $0x14F8B589, s0;
	s0 =	sadd.s32 s10, s9;
	s9 =	sld [smem:$0x767]  }
0x269: {  	s7 =	spop (v2sf);
	[smem:$0x788] =	sst s1  }
0x26a: {  	s11 =	sshra.s32 s7, $0x1F;
	[smem:$0x78B] =	sst s0  }
0x26b: {  	s14 =	spop (v2sf);
	s1 =	sadd.s32 s30, s19;
	s30 =	sld [smem:$0x763]  }
0x26c: {  	s15 =	smul.u32 $0x14F8B589, s11;
	s0 =	sadd.s32 s13, s12;
	[smem:$0x789] =	sst s1  }
0x26d: {  	(v2sf) =	vpush v9, $0x5;
	s11 =	sshra.s32 s14, $0x1F;
	s19 =	smulhi.u32 $0x14F8B589, s18;
	[smem:$0x78C] =	sst s0  }
0x26e: {  	s18 =	smulhi.u32 $0x14F8B589, s7;
	s1 =	sadd.s32 s6, s2;
	s6 =	sld [smem:$0x765]  }
0x26f: {  	s13 =	smul.u32 $0x14F8B589, s11;
	[smem:$0x78A] =	sst s1  }
0x270: {  	(v2sf) =	vpush v9, $0x6;
	s2 =	spop (v2sf);
	s1 =	sld [smem:$0x764]  }
0x271: {  	s0 =	sadd.s32 s30, s16;
	s16 =	smulhi.u32 $0x14F8B589, s14;
	s30 =	sld [smem:$0x768]  }
0x272: {  	s7 =	sshra.s32 s2, $0x1F;
	s14 =	smulhi.u32 $0x14F8B589, s2;
	s2 =	sld [smem:$0x769]  }
0x273: {  	s11 =	smul.u32 $0x14F8B589, s7;
	s7 =	sld [smem:$0x76C]  }
0x274: {  	[smem:$0x78D] =	sst s0  }
0x275: {  	s0 =	sadd.s32 s8, s6;
	s8 =	sld [smem:$0x766]  }
0x276: {  	s6 =	sld [smem:$0x76B]  }
0x277: {  	v29 =	vmul.u32 $0x11301, v11;
	v3 =	vmul.u32 $0x16B81, v6;
	(v2sf) =	vpush v9, $0x7;
	s10 =	spop (v2sf);
	[smem:$0x78F] =	sst s0  }
0x278: {  	v10 =	vmul.u32 $0x12361, v10;
	s26 =	sadd.s32 s26, s1;
	s1 =	sadd.s32 s9, s8;
	s8 =	sld [smem:$0x76D]  }
0x279: {  	v31 =	vmul.u32 $0x10201, v12;
	v3 =	vadd.s32 v3, v29;
	s12 =	smulhi.u32 $0x14F8B589, s10;
	[smem:$0x790] =	sst s1  }
0x27a: {  	v0 =	vmul.u32 $0x101, v0;
	v3 =	vadd.s32 v10, v3;
	s0 =	sshra.s32 s10, $0x1F;
	s1 =	sadd.s32 s5, s30;
	s5 =	sld [smem:$0x76A]  }
0x27b: {  	v3 =	vadd.s32 v31, v3;
	s9 =	smul.u32 $0x14F8B589, s0;
	[smem:$0x791] =	sst s1;
	s1 =	sadd.s32 s4, s2  }
0x27c: {  	v0 =	vadd.s32 v0, v3;
	s4 =	spop (v2sf);
	[smem:$0x792] =	sst s1  }
0x27d: {  	v32 =	vadd.s32 v30, v0;
	s10 =	smulhi.u32 $0x14F8B589, s4;
	s0 =	sshra.s32 s4, $0x1F;
	s4 =	sld [smem:$0x76E]  }
0x27e: {  	(v2sf) =	vpush v32, $0xD;
	s1 =	sadd.s32 s6, s5;
	s5 =	sld [smem:$0x76F]  }
0x27f: {  	s30 =	spop (v2sf);
	s6 =	sld [smem:$0x770]  }
0x280: {  	[smem:$0x793] =	sst s1;
	s1 =	sadd.s32 s8, s7;
	s7 =	smul.u32 $0x14F8B589, s0  }
0x281: {  	s8 =	smulhi.u32 $0x14F8B589, s30;
	s0 =	sshra.s32 s30, $0x1F;
	s30 =	sld [smem:$0x771]  }
0x282: {  	[smem:$0x794] =	sst s1  }
0x283: {  	s1 =	sadd.s32 s5, s4;
	s5 =	sld [smem:$0x772]  }
0x284: {  	[smem:$0x78E] =	sst s1  }
0x285: {  	s21 =	sadd.s32 s21, s23;
	s1 =	sadd.s32 s30, s6;
	s30 =	sld [smem:$0x773]  }
0x286: {  	[smem:$0x79C] =	sst s21;
	s4 =	spop (v2sf)  }
0x287: {  	s6 =	smul.u32 $0x14F8B589, s0;
	s0 =	sshra.s32 s4, $0x1F;
	[smem:$0x795] =	sst s1  }
0x288: {  	s1 =	sadd.s32 s30, s5;
	s5 =	smulhi.u32 $0x14F8B589, s4;
	s4 =	sld [smem:$0x774]  }
0x289: {  	s9 =	sadd.s32 s9, s12;
	s30 =	sld [smem:$0x775]  }
0x28a: {  	(v2sf) =	vpush v32, $0xC;
	[smem:$0x79D] =	sst s9  }
0x28b: {  	[smem:$0x796] =	sst s1  }
0x28c: {  	(v2sf) =	vpush v32, $0xE;
	s7 =	sadd.s32 s7, s10;
	s1 =	sadd.s32 s30, s4;
	s30 =	sld [smem:$0x776]  }
0x28d: {  	s2 =	spop (v2sf);
	[smem:$0x79F] =	sst s7  }
0x28e: {  	(v2sf) =	vpush v32, $0xF;
	s4 =	smul.u32 $0x14F8B589, s0;
	s0 =	sshra.s32 s2, $0x1F;
	[smem:$0x797] =	sst s1  }
0x28f: {  	(v2sf) =	vpush v32, $0x9;
	s1 =	sadd.s32 s3, s30;
	s3 =	smulhi.u32 $0x14F8B589, s2;
	s2 =	sld [smem:$0x777]  }
0x290: {  	s6 =	sadd.s32 s6, s8;
	s30 =	sld [smem:$0x778]  }
0x291: {  	[smem:$0x7A0] =	sst s6  }
0x292: {  	(v2sf) =	vpush v32, $0x8;
	[smem:$0x798] =	sst s1  }
0x293: {  	s1 =	sadd.s32 s30, s2;
	s30 =	sld [smem:$0x77A]  }
0x294: {  	s17 =	sadd.s32 s17, s19;
	[smem:$0x799] =	sst s1  }
0x295: {  	s18 =	sadd.s32 s15, s18;
	s13 =	sadd.s32 s13, s16;
	s1 =	sld [smem:$0x779]  }
0x296: {  	s4 =	sadd.s32 s4, s5;
	s5 =	sld [smem:$0x77C];
	s2 =	smul.u32 $0x14F8B589, s0  }
0x297: {  	s12 =	sshra.s32 s20, $0xD;
	s10 =	sshrl.u32 s20, $0x1F;
	[smem:$0x79E] =	sst s4  }
0x298: {  	s2 =	sadd.s32 s2, s3;
	s1 =	sadd.s32 s30, s1;
	s30 =	sld [smem:$0x77B]  }
0x299: {  	s6 =	sshrl.u32 s5, $0x1F;
	s0 =	spop (v2sf);
	[smem:$0x7A1] =	sst s2  }
0x29a: {  	[smem:$0x79A] =	sst s1;
	s1 =	smulhi.u32 $0x14F8B589, s0;
	s0 =	sshra.s32 s0, $0x1F  }
0x29b: {  	s0 =	smul.u32 $0x14F8B589, s0;
	s24 =	sadd.s32 s24, s30;
	s30 =	spop (v2sf)  }
0x29c: {  	[smem:$0x79B] =	sst s24;
	s21 =	smulhi.u32 $0x14F8B589, s30;
	s24 =	sshra.s32 s30, $0x1F  }
0x29d: {  	s30 =	spop (v2sf);
	s0 =	sadd.s32 s0, s1;
	s19 =	smul.u32 $0x14F8B589, s24  }
0x29e: {  	s15 =	smulhi.u32 $0x14F8B589, s30;
	s23 =	sshra.s32 s30, $0x1F;
	s24 =	spop (v2sf)  }
0x29f: {  	s30 =	sadd.s32 s11, s14;
	[smem:$0x7A2] =	sst s0;
	s16 =	smul.u32 $0x14F8B589, s23  }
0x2a0: {  	s11 =	smulhi.u32 $0x14F8B589, s24;
	s1 =	sadd.s32 s19, s21;
	s21 =	sld [smem:$0x77F]  }
0x2a1: {  	s23 =	sshra.s32 s24, $0x1F;
	s24 =	spop (v2sf);
	[smem:$0x7A3] =	sst s1  }
0x2a2: {  	s9 =	smul.u32 $0x14F8B589, s23;
	s2 =	sadd.s32 s16, s15;
	s16 =	sld [smem:$0x77E]  }
0x2a3: {  	s14 =	smulhi.u32 $0x14F8B589, s24;
	s23 =	sshra.s32 s24, $0x1F;
	[dreg:$0x1e] =	wrdreg s2  }
0x2a4: {  	s24 =	smul.u32 $0x14F8B589, s23;
	s3 =	sadd.s32 s9, s11;
	s9 =	sld [smem:$0x782]  }
0x2a5: {  	s0 =	sshra.s32 s5, $0xD;
	s23 =	sshra.s32 s28, $0x1F;
	[dreg:$0x1c] =	wrdreg s3  }
0x2a6: {  	v0 =	vmov s23;
	s23 =	sshra.s32 s22, $0xD;
	s4 =	sadd.s32 s24, s14;
	s14 =	sld [smem:$0x77D]  }
0x2a7: {  	v33 =	vmov s10;
	s7 =	sshrl.u32 s21, $0x1F;
	s1 =	sshra.s32 s21, $0xD;
	s24 =	sld [smem:$0x780]  }
0x2a8: {  	v4 =	vnsel vm3, $0x0, v33;
	s21 =	sshrl.u32 s22, $0x1F;
	[dreg:$0x1d] =	wrdreg s4;
	s19 =	sshrl.u32 s16, $0x1F  }
0x2a9: {  	s3 =	sshra.s32 s16, $0xD;
	v4 =	vsel vm0, s21, v4;
	s21 =	sshra.s32 s25, $0xD;
	s15 =	sshrl.u32 s14, $0x1F  }
0x2aa: {  	v0 =	vsel vm3, s12, v0;
	s5 =	sshra.s32 s14, $0xD;
	s8 =	sshrl.u32 s24, $0x1F;
	s14 =	sshra.s32 s20, $0x1F  }
0x2ab: {  	s4 =	sshra.s32 s24, $0xD;
	s24 =	sshra.s32 s22, $0x1F;
	v3 =	vmov s15;
	s15 =	sld [smem:$0x781];
	v0 =	vsel vm10, s14, v0  }
0x2ac: {  	s20 =	sshrl.u32 s31, $0x1F;
	s22 =	sshra.s32 s25, $0x1F;
	v3 =	vsel vm0, s6, v3;
	v0 =	vsel vm0, s23, v0;
	s23 =	sld [smem:$0x783]  }
0x2ad: {  	s14 =	sshrl.u32 s9, $0x1F;
	s6 =	sshra.s32 s9, $0xD;
	s9 =	sld [smem:$0x78B];
	v3 =	vsel vm1, s19, v3  }
0x2ae: {  	s19 =	sshrl.u32 s25, $0x1F;
	v0 =	vsel vm11, s24, v0;
	s25 =	sld [smem:$0x784];
	s16 =	sshrl.u32 s15, $0x1F;
	v34 =	vsel vm2, s7, v3  }
0x2af: {  	s2 =	sshra.s32 s15, $0xD;
	v3 =	vsel vm1, s19, v4;
	v0 =	vsel vm1, s21, v0;
	s21 =	sshra.s32 s31, $0x1F;
	v35 =	vmov s16;
	s16 =	sld [smem:$0x785]  }
0x2b0: {  	v3 =	vsel vm2, s20, v3;
	s24 =	sshrl.u32 s23, $0x1F;
	v0 =	vsel vm12, s22, v0;
	s7 =	sshra.s32 s23, $0xD;
	s20 =	sshra.s32 s31, $0xD  }
0x2b1: {  	s22 =	sshrl.u32 s29, $0x1F;
	s15 =	sshrl.u32 s25, $0x1F;
	v4 =	vsel vm0, s8, v35;
	v0 =	vsel vm2, s20, v0;
	s23 =	sshra.s32 s25, $0xD  }
0x2b2: {  	v3 =	vsel vm4, s15, v3;
	v4 =	vsel vm1, s14, v4;
	v0 =	vsel vm13, s21, v0;
	s15 =	sshra.s32 s29, $0xD;
	s21 =	sld [smem:$0x787];
	s19 =	sshrl.u32 s16, $0x1F  }
0x2b3: {  	v13 =	vsel vm2, s24, v4;
	s24 =	sshra.s32 s25, $0x1F;
	s31 =	sshra.s32 s16, $0xD;
	v0 =	vsel vm4, s23, v0;
	s23 =	sld [smem:$0x788]  }
0x2b4: {  	s14 =	sshra.s32 s16, $0x1F;
	s16 =	sshra.s32 s29, $0x1F;
	s29 =	sld [smem:$0x78A]  }
0x2b5: {  	s12 =	sshra.s32 s28, $0xD;
	v3 =	vsel vm5, s19, v3;
	v0 =	vsel vm14, s24, v0;
	s19 =	sld [smem:$0x786]  }
0x2b6: {  	v37 =	vmov s2;
	s25 =	sshrl.u32 s28, $0x1F;
	v3 =	vsel vm6, s22, v3;
	v0 =	vsel vm5, s31, v0;
	s22 =	sshrl.u32 s21, $0x1F;
	s24 =	sshrl.u32 s23, $0x1F  }
0x2b7: {  	v36 =	vsel vm7, s25, v3;
	v3 =	vmov s5;
	v0 =	vsel vm15, s14, v0;
	s2 =	sshra.s32 s23, $0xD;
	s25 =	sld [smem:$0x789];
	s31 =	sshrl.u32 s29, $0x1F  }
0x2b8: {  	s8 =	sshra.s32 s29, $0xD;
	v3 =	vsel vm0, s0, v3;
	s20 =	sshrl.u32 s19, $0x1F;
	s0 =	sshra.s32 s19, $0xD;
	v0 =	vsel vm6, s15, v0  }
0x2b9: {  	v4 =	vsel vm0, s4, v37;
	s15 =	sshrl.u32 s9, $0x1F;
	v3 =	vsel vm1, s3, v3;
	s3 =	sshra.s32 s21, $0xD;
	v0 =	vsel vm9, s16, v0;
	s16 =	sld [smem:$0x78C]  }
0x2ba: {  	v38 =	vmov s15;
	s15 =	sshra.s32 s9, $0xD;
	v16 =	vsel vm2, s1, v3;
	v3 =	vsel vm1, s6, v4;
	s28 =	sshrl.u32 s25, $0x1F;
	s6 =	sld [smem:$0x790]  }
0x2bb: {  	s1 =	sshra.s32 s25, $0xD;
	s25 =	sshra.s32 s26, $0xD;
	v17 =	vsel vm2, s7, v3;
	v3 =	vmov s22;
	s22 =	sld [smem:$0x78E]  }
0x2bc: {  	(v2sf) =	vpush v32, $0xA;
	v3 =	vsel vm0, s20, v3;
	s19 =	sshrl.u32 s16, $0x1F;
	s14 =	sshra.s32 s16, $0xD;
	s20 =	sld [smem:$0x78D]  }
0x2bd: {  	v18 =	vsel vm7, s12, v0;
	v41 =	vmov s15;
	v0 =	vsel vm1, s24, v3;
	s24 =	sshrl.u32 s26, $0x1F;
	s26 =	sshra.s32 s26, $0x1F;
	s9 =	sshrl.u32 s6, $0x1F  }
0x2be: {  	v5 =	vsel vm0, s8, v41;
	v3 =	vsel vm0, s31, v38;
	s12 =	sshra.s32 s6, $0xD;
	s23 =	sshra.s32 s22, $0x1F;
	v14 =	vsel vm2, s28, v0;
	s28 =	sld [smem:$0x78F]  }
0x2bf: {  	v5 =	vsel vm1, s14, v5;
	v3 =	vsel vm1, s19, v3;
	s21 =	sshrl.u32 s20, $0x1F;
	s10 =	sshra.s32 s20, $0xD;
	v39 =	vmov s23;
	s20 =	sld [smem:$0x791]  }
0x2c0: {  	s11 =	sshra.s32 s6, $0x1F;
	s14 =	sshra.s32 s17, $0x1F;
	v15 =	vsel vm2, s21, v3;
	v0 =	vsel vm3, s25, v39;
	v3 =	vmov s24;
	s24 =	sld [smem:$0x794]  }
0x2c1: {  	s29 =	sshrl.u32 s28, $0x1F;
	s31 =	sshra.s32 s28, $0xD;
	v0 =	vsel vm10, s26, v0;
	s26 =	sld [smem:$0x792]  }
0x2c2: {  	s7 =	sshra.s32 s28, $0x1F;
	v3 =	vnsel vm3, $0x0, v3;
	s21 =	sshrl.u32 s20, $0x1F;
	s23 =	sshra.s32 s20, $0xD  }
0x2c3: {  	(v2sf) =	vpush v32, $0xB;
	v0 =	vsel vm0, s31, v0;
	s16 =	sshra.s32 s20, $0x1F;
	v3 =	vsel vm0, s29, v3;
	s29 =	sld [smem:$0x793];
	s25 =	sshrl.u32 s24, $0x1F  }
0x2c4: {  	(v2sf) =	vpush v32, $0x0;
	v0 =	vsel vm11, s7, v0;
	v3 =	vsel vm1, s9, v3;
	s28 =	sshrl.u32 s26, $0x1F;
	s7 =	sshra.s32 s26, $0xD;
	s19 =	sshra.s32 s26, $0x1F  }
0x2c5: {  	v0 =	vsel vm1, s12, v0;
	v3 =	vsel vm2, s21, v3;
	s21 =	sshra.s32 s24, $0x1F;
	s12 =	sshrl.u32 s22, $0x1F;
	s26 =	sld [smem:$0x795]  }
0x2c6: {  	(v2sf) =	vpush v32, $0x1;
	s22 =	sshra.s32 s22, $0xD;
	s31 =	sshrl.u32 s29, $0x1F;
	v3 =	vsel vm4, s28, v3;
	s28 =	sld [smem:$0x796]  }
0x2c7: {  	(v2sf) =	vpush v32, $0x2;
	s9 =	sshra.s32 s29, $0xD;
	s20 =	sshra.s32 s29, $0x1F;
	v0 =	vsel vm12, s11, v0;
	s29 =	sld [smem:$0x797]  }
0x2c8: {  	(v2sf) =	vpush v32, $0x3;
	s11 =	sshra.s32 s24, $0xD;
	v0 =	vsel vm2, s23, v0;
	v3 =	vsel vm5, s31, v3;
	s31 =	sld [smem:$0x798];
	s23 =	sshrl.u32 s26, $0x1F  }
0x2c9: {  	(v2sf) =	vpush v32, $0x4;
	v0 =	vsel vm13, s16, v0;
	s4 =	sshra.s32 s26, $0xD;
	s26 =	sld [smem:$0x799];
	s16 =	sshrl.u32 s28, $0x1F  }
0x2ca: {  	(v2sf) =	vpush v32, $0x5;
	s6 =	sshra.s32 s28, $0xD;
	s24 =	sshrl.u32 s29, $0x1F;
	s28 =	sld [smem:$0x79A]  }
0x2cb: {  	(v2sf) =	vpush v32, $0x6;
	v3 =	vsel vm6, s25, v3;
	s5 =	sshra.s32 s29, $0xD;
	s29 =	sld [smem:$0x79B];
	s25 =	sshrl.u32 s31, $0x1F  }
0x2cc: {  	v40 =	vsel vm4, s7, v0;
	v0 =	vsel vm7, s12, v3;
	v3 =	vmov s3;
	s3 =	sshra.s32 s31, $0xD;
	s31 =	sld [smem:$0x79C];
	s12 =	sshrl.u32 s26, $0x1F  }
0x2cd: {  	(v2sf) =	vpush v32, $0x7;
	v4 =	vsel vm14, s19, v40;
	s7 =	sshra.s32 s26, $0xD;
	s26 =	spop (v2sf);
	s15 =	sshrl.u32 s28, $0x1F  }
0x2ce: {  	v3 =	vsel vm0, s0, v3;
	v20 =	vmov s16;
	v4 =	vsel vm5, s9, v4;
	s0 =	sshra.s32 s28, $0xD;
	s19 =	sshrl.u32 s29, $0x1F;
	s8 =	sshra.s32 s29, $0xD  }
0x2cf: {  	v23 =	vmov s6;
	v20 =	vsel vm0, s23, v20;
	v4 =	vsel vm15, s20, v4;
	s20 =	sshrl.u32 s17, $0x1F;
	s28 =	sshrl.u32 s13, $0x1F;
	s29 =	sshra.s32 s26, $0x1F  }
0x2d0: {  	v3 =	vsel vm1, s2, v3;
	v23 =	vsel vm0, s4, v23;
	v20 =	vsel vm1, s24, v20;
	s24 =	sld [smem:$0x79D];
	s2 =	sshrl.u32 s31, $0x1F;
	s9 =	sshra.s32 s31, $0xD  }
0x2d1: {  	v23 =	vsel vm1, s5, v23;
	v4 =	vsel vm6, s11, v4;
	s11 =	sshra.s32 s17, $0xD;
	v19 =	vmov s20;
	s17 =	sshra.s32 s18, $0xD;
	s20 =	sshra.s32 s13, $0xD  }
0x2d2: {  	s13 =	sshra.s32 s13, $0x1F;
	v21 =	vmov s15;
	s31 =	spop (v2sf);
	v4 =	vsel vm9, s21, v4;
	s21 =	sshrl.u32 s18, $0x1F;
	v19 =	vnsel vm3, $0x0, v19  }
0x2d3: {  	s15 =	smul.u32 $0x14F8B589, s29;
	v23 =	vsel vm2, s3, v23;
	s3 =	sshra.s32 s30, $0x1F;
	v21 =	vsel vm0, s12, v21;
	s12 =	spop (v2sf);
	v19 =	vsel vm0, s21, v19  }
0x2d4: {  	v5 =	vsel vm2, s10, v5;
	s10 =	smulhi.u32 $0x14F8B589, s31;
	v4 =	vsel vm7, s22, v4;
	s22 =	sshrl.u32 s30, $0x1F;
	v19 =	vsel vm1, s28, v19;
	s28 =	sld [smem:$0x79E]  }
0x2d5: {  	s21 =	smulhi.u32 $0x14F8B589, s26;
	s23 =	sshrl.u32 s24, $0x1F;
	v19 =	vsel vm2, s22, v19;
	s22 =	sld [smem:$0x7A0]  }
0x2d6: {  	v11 =	vcombine.low v13, v34;
	v24 =	vmov s0;
	s18 =	sshra.s32 s18, $0x1F;
	s26 =	spop (v2sf);
	v19 =	vsel vm4, s23, v19;
	s23 =	sld [smem:$0x79F]  }
0x2d7: {  	v3 =	vsel vm2, s1, v3;
	v20 =	vsel vm2, s25, v20;
	s1 =	sshra.s32 s31, $0x1F;
	v24 =	vsel vm0, s7, v24;
	s7 =	smulhi.u32 $0x14F8B589, s26;
	s25 =	sshra.s32 s28, $0x1F  }
0x2d8: {  	s4 =	sadd.s32 s15, s21;
	s21 =	sld [smem:$0x7A3];
	v22 =	vmov s25;
	s31 =	sshrl.u32 s22, $0x1F  }
0x2d9: {  	v11 =	vperm.xlane v11, v60;
	v12 =	vperm.xlane v36, v2;
	s25 =	sld [smem:$0x7A1];
	s29 =	sshrl.u32 s23, $0x1F;
	v22 =	vsel vm3, s11, v22;
	s11 =	spop (v2sf)  }
0x2da: {  	v21 =	vsel vm1, s19, v21;
	v19 =	vsel vm5, s29, v19;
	v22 =	vsel vm10, s14, v22;
	s14 =	smul.u32 $0x14F8B589, s1;
	s19 =	spop (v2sf);
	s29 =	sshra.s32 s26, $0x1F  }
0x2db: {  	v16 =	vcombine.low v17, v16;
	v24 =	vsel vm1, s8, v24;
	s6 =	sshrl.u32 s28, $0x1F;
	s26 =	sld [smem:$0x7A2];
	v19 =	vsel vm6, s31, v19;
	s8 =	smul.u32 $0x14F8B589, s29  }
0x2dc: {  	v21 =	vsel vm2, s2, v21;
	v22 =	vsel vm0, s17, v22;
	s17 =	sshra.s32 s12, $0x1F;
	s2 =	spop (v2sf);
	v19 =	vsel vm7, s6, v19;
	s6 =	smulhi.u32 $0x14F8B589, s12  }
0x2dd: {  	v18 =	vperm.xlane v18, v2;
	v16 =	vperm.xlane v16, v60;
	s16 =	sshrl.u32 s21, $0x1F;
	s5 =	smul.u32 $0x14F8B589, s17;
	s1 =	spop (v2sf)  }
0x2de: {  	v22 =	vsel vm11, s18, v22;
	s18 =	sshra.s32 s30, $0xD;
	s30 =	sshrl.u32 s25, $0x1F;
	s17 =	rddreg [dreg:$0x1c]  }
0x2df: {  	v11 =	vsel vm8, v12, v11;
	v45 =	vsel vm8, v18, v16;
	v14 =	vcombine.low v15, v14;
	s10 =	sadd.s32 s14, s10;
	s0 =	spop (v2sf);
	s31 =	sshrl.u32 s26, $0x1F  }
0x2e0: {  	v11 =	vadd.s32 v11, v45;
	v22 =	vsel vm1, s20, v22;
	s12 =	sshrl.u32 s17, $0x1F;
	s20 =	rddreg [dreg:$0x1d];
	s26 =	sshra.s32 s26, $0xD  }
0x2e1: {  	v50 =	vperm.xlane v14, v60;
	v3 =	vcombine.low v5, v3;
	s7 =	sadd.s32 s8, s7;
	v22 =	vsel vm12, s13, v22;
	s13 =	smulhi.u32 $0x14F8B589, s11;
	s11 =	sshra.s32 s11, $0x1F  }
0x2e2: {  	v0 =	vperm.xlane v0, v2;
	v43 =	vmov s31;
	s29 =	sshrl.u32 s20, $0x1F;
	s31 =	sshrl.u32 s4, $0x1F;
	v22 =	vsel vm2, s18, v22;
	s11 =	smul.u32 $0x14F8B589, s11  }
0x2e3: {  	v3 =	vperm.xlane v3, v60;
	s14 =	spop (v2sf);
	v17 =	vsel vm0, s30, v43;
	s30 =	sshra.s32 s19, $0x1F;
	v22 =	vsel vm13, s3, v22;
	s3 =	smulhi.u32 $0x14F8B589, s19  }
0x2e4: {  	v42 =	vsel vm2, s9, v24;
	v4 =	vperm.xlane v4, v2;
	s6 =	sadd.s32 s5, s6;
	s4 =	sshra.s32 s4, $0xD;
	v44 =	vmov s29;
	s9 =	smul.u32 $0x14F8B589, s30  }
0x2e5: {  	v11 =	vmul.u32 $0x186A0, v11;
	s18 =	rddreg [dreg:$0x1e];
	v24 =	vsel vm0, s12, v44;
	s19 =	smulhi.u32 $0x14F8B589, s14;
	s12 =	sshra.s32 s14, $0x1F  }
0x2e6: {  	v0 =	vsel vm8, v0, v50;
	v52 =	vcombine.low v21, v20;
	v3 =	vsel vm8, v4, v3;
	s29 =	sshrl.u32 s10, $0x1F;
	s10 =	sshra.s32 s10, $0xD;
	s12 =	smul.u32 $0x14F8B589, s12  }
0x2e7: {  	v0 =	vadd.s32 v0, v3;
	v3 =	vcombine.low v42, v23;
	s15 =	sshrl.u32 s18, $0x1F;
	s30 =	sshra.s32 s25, $0xD;
	s14 =	sshra.s32 s18, $0xD  }
0x2e8: {  	v49 =	vsub.s32 v8, v11;
	v55 =	vperm.xlane v52, v60;
	v0 =	vmul.u32 $0x186A0, v0;
	s18 =	sshra.s32 s17, $0xD;
	s5 =	sadd.s32 s9, s3;
	s3 =	sadd.s32 s12, s19  }
0x2e9: {  	v3 =	vperm.xlane v3, v60;
	v48 =	vmov s26;
	v17 =	vsel vm1, s16, v17;
	s25 =	smulhi.u32 $0x14F8B589, s2;
	s2 =	sshra.s32 s2, $0x1F;
	s16 =	sshra.s32 s3, $0x1F  }
0x2ea: {  	v47 =	vsel vm1, s31, v24;
	s31 =	sadd.s32 s11, s13;
	v15 =	vsel vm0, s30, v48;
	s13 =	sshra.s32 s21, $0xD;
	s19 =	sshra.s32 s6, $0xD;
	v54 =	vmov s16  }
0x2eb: {  	v46 =	vsel vm2, s15, v17;
	s15 =	sshra.s32 s20, $0xD;
	s11 =	sshra.s32 s23, $0xD;
	s20 =	sshra.s32 s6, $0x1F;
	v51 =	vsel vm1, s13, v15;
	v4 =	vsel vm3, s19, v54  }
0x2ec: {  	v57 =	vperm.xlane v19, v2;
	s2 =	smul.u32 $0x14F8B589, s2;
	v11 =	vsel vm2, s14, v51;
	s14 =	sshra.s32 s23, $0x1F;
	s23 =	sshra.s32 s7, $0xD;
	v4 =	vsel vm10, s20, v4  }
0x2ed: {  	s21 =	sshrl.u32 s7, $0x1F;
	s30 =	smulhi.u32 $0x14F8B589, s1;
	v12 =	vsel vm2, s29, v47;
	v53 =	vmov s15;
	s7 =	sshra.s32 s7, $0x1F;
	v4 =	vsel vm0, s23, v4  }
0x2ee: {  	s1 =	sshra.s32 s1, $0x1F;
	s9 =	sshra.s32 s24, $0xD;
	s26 =	sshra.s32 s31, $0xD;
	v56 =	vsel vm0, s18, v53;
	v12 =	vcombine.low v12, v46;
	v4 =	vsel vm11, s7, v4  }
0x2ef: {  	s13 =	sshra.s32 s24, $0x1F;
	s8 =	sshra.s32 s31, $0x1F;
	s6 =	sshrl.u32 s6, $0x1F;
	v61 =	vsel vm4, s9, v22;
	v14 =	vsel vm1, s4, v56;
	v4 =	vsel vm1, s26, v4  }
0x2f0: {  	s24 =	sshrl.u32 s31, $0x1F;
	s1 =	smul.u32 $0x14F8B589, s1;
	s31 =	sshra.s32 s5, $0xD;
	v59 =	vmov s6;
	v58 =	vsel vm2, s10, v14;
	v4 =	vsel vm12, s8, v4  }
0x2f1: {  	s29 =	sshrl.u32 s5, $0x1F;
	s2 =	sadd.s32 s2, s25;
	s5 =	sshra.s32 s5, $0x1F;
	v13 =	vnsel vm3, $0x0, v59;
	v14 =	vsel vm14, s13, v61;
	v4 =	vsel vm2, s31, v4  }
0x2f2: {  	s10 =	smulhi.u32 $0x14F8B589, s0;
	s0 =	sshra.s32 s0, $0x1F;
	s13 =	sshra.s32 s2, $0xD;
	v12 =	vperm.xlane v12, v60;
	v11 =	vcombine.low v58, v11;
	v4 =	vsel vm13, s5, v4  }
0x2f3: {  	s1 =	sadd.s32 s1, s30;
	s17 =	sshra.s32 s2, $0x1F;
	v13 =	vsel vm0, s21, v13;
	v14 =	vsel vm5, s11, v14;
	s0 =	smul.u32 $0x14F8B589, s0;
	v4 =	vsel vm4, s13, v4  }
0x2f4: {  	s15 =	sshra.s32 s22, $0xD;
	s2 =	sshrl.u32 s2, $0x1F;
	s19 =	sshra.s32 s1, $0xD;
	v13 =	vsel vm1, s24, v13;
	v14 =	vsel vm15, s14, v14;
	v4 =	vsel vm14, s17, v4  }
0x2f5: {  	s20 =	sshrl.u32 s1, $0x1F;
	s1 =	sshra.s32 s1, $0x1F;
	v13 =	vsel vm2, s29, v13;
	v14 =	vsel vm6, s15, v14;
	s0 =	sadd.s32 s0, s10;
	v4 =	vsel vm5, s19, v4  }
0x2f6: {  	s18 =	sshra.s32 s22, $0x1F;
	v11 =	vperm.xlane v11, v60;
	v13 =	vsel vm4, s2, v13;
	s23 =	sshra.s32 s0, $0xD;
	v4 =	vsel vm15, s1, v4  }
0x2f7: {  	s21 =	sshra.s32 s28, $0xD;
	v14 =	vsel vm9, s18, v14;
	s22 =	sshrl.u32 s0, $0x1F;
	s0 =	sshra.s32 s0, $0x1F;
	v13 =	vsel vm5, s20, v13;
	v4 =	vsel vm6, s23, v4  }
0x2f8: {  	s25 =	rddreg [dreg:$0x19];
	s24 =	sshrl.u32 s3, $0x1F;
	v14 =	vsel vm7, s21, v14;
	s26 =	sshra.s32 s3, $0xD;
	v13 =	vsel vm6, s22, v13;
	v4 =	vsel vm9, s0, v4  }
0x2f9: {  	s16 =	rddreg [dreg:$0xb];
	v14 =	vperm.xlane v14, v2;
	v13 =	vsel vm7, s24, v13;
	v4 =	vsel vm7, s26, v4  }
0x2fa: {  	v0 =	vsub.s32 v7, v0;
	s28 =	sadd.s32 s25, s16;
	v13 =	vperm.xlane v13, v2;
	v4 =	vperm.xlane v4, v2  }
0x2fb: {  	v8 =	vsel vm8, v57, v55;
	v63 =	vor.u32 s28, v1;
	s29 =	rddreg [dreg:$0x1a];
	v3 =	vsel vm8, v14, v3  }
0x2fc: {  	v3 =	vadd.s32 v8, v3;
	v62 =	vsel vm8, v13, v12;
	s0 =	sadd.s32 $0x80, s29;
	v4 =	vsel vm8, v4, v11  }
0x2fd: {  	s30 =	sand.u32 $0x70, s25;
	p1 =	sne.s32 s25, $0xF0;
	vm10 =	vlt.u32 v63, $0x2;
	v3 =	vmul.u32 $0x186A0, v3;
	s0 =	sand.u32 $0x200, s0;
	v4 =	vadd.s32 v62, v4  }
.Ltmp2:
0x2fe: {  	v5 =	vsel vm10, v6, v49;
	vm10 =	vlt.u32 v63, $0x3;
	s0 =	sor.u32 s30, s0;
	v4 =	vmul.u32 $0x186A0, v4;
	(pc) =	sbr.rel @p1 .LBB2_6-.Ltmp2, $4  }
0x2ff: {  	v0 =	vsel vm10, v6, v0;
	vm10 =	vlt.u32 v63, $0x4;
	v3 =	vsub.s32 v9, v3;
	[tilespmem:s0+$0x180] =	vst v5  }
0x300: {  	[tilespmem:s0+$0x200] =	vst v0;
	v0 =	vsel vm10, v6, v3;
	vm10 =	vlt.u32 v63, $0x5;
	v3 =	vsub.s32 v32, v4  }
0x301: {  	s31 =	rddreg [dreg:$0x1a];
	[tilespmem:s0+$0x280] =	vst v0;
	v3 =	vsel vm10, v6, v3  }
0x302: {  	s2 =	sadd.s32 $0x10, s25;
	vm10 =	vcmask $0x704;
	[tilespmem:s0+$0x300] =	vst v3;
	s0 =	sadd.s32 $0x40, s31  }
.LBB2_7:
0x303: {  	s0 =	simm.s32 $0x1  }
0x304: {  	_ =	swait.ge [sflag:s0], $0x3000  }
0x305: {  	[sflag:s0] =	ssyncset.done $0x0  }
0x306: {  	[sflag:s0] =	ssyncadd.s32 $0xFFFFD000  }
0x307: {  	_ =	swait.ge [sflag:s0], $0x3000  }
0x308: {  	[sflag:s0] =	ssyncset.done $0x0  }
0x309: {  	[sflag:s0] =	ssyncadd.s32 $0xFFFFD000  }
0x30a: {  	_ =	swait.ge [sflag:s0], $0x3000  }
0x30b: {  	[sflag:s0] =	ssyncset.done $0x0  }
0x30c: {  	[sflag:s0] =	ssyncadd.s32 $0xFFFFD000  }
0x30d: {  	_ =	swait.ge [sflag:s0], $0x3000  }
0x30e: {  	s8 =	rddreg [dreg:$0x16]  }
0x30f: {  	[sflag:s0] =	ssyncset.done $0x0;
	p1 =	seq.s32 s8, $0x0  }
0x310: {  	s1 =	simm.s32 $0x0;
	[sflag:s0] =	ssyncadd.s32 $0xFFFFD000;
	s0 =	simm.s32 @!p1 $0x3  }
0x311: {  	s2 =	simm.s32 $0x0;
	s1 =	smul.u32 $0x1800, s1;
	_ =	swait.ge @!p1 [sflag:s0], $0x3000  }
0x312: {  	s2 =	sand.u32 $0x380, s2;
	[sflag:s0] =	ssyncset.done @!p1 $0x0  }
0x313: {  	s22 =	sor.u32 s2, s1;
	[sflag:s0] =	ssyncadd.s32 @!p1 $0xFFFFD000  }
0x314: {  	v0 =	vld [tilespmem:s22+$0x49F0]  }
0x315: {  	v3 =	vld [tilespmem:s22+$0x79F0];
	_ =	sdelay $0x1  }
0x316: {  	v5 =	vld [tilespmem:s22+$0xA9F0];
	_ =	sdelay $0x2  }
0x317: {  	v0 =	vadd.f32 v3, v0;
	_ =	sdelay $0x1  }
0x318: {  	v0 =	vadd.f32 v5, v0;
	_ =	sdelay $0x1  }
0x319: {  	[tilespmem:s22+$0x19F0] =	vst.add.f32.msk $0xffff, v0  }
0x31a: {  	v0 =	vld [tilespmem:s22+$0x3990];
	_ =	sdelay $0x4  }
0x31b: {  	[tilespmem:$0x1FB10] =	vst v0;
	v0 =	vld [tilespmem:s22+$0x39A0];
	_ =	sdelay $0x4  }
0x31c: {  	[tilespmem:$0x1FB20] =	vst v0;
	v0 =	vld [tilespmem:s22+$0x69A0];
	_ =	sdelay $0x4  }
0x31d: {  	[tilespmem:$0x1FB30] =	vst v0;
	v0 =	vld [tilespmem:s22+$0x39B0];
	_ =	sdelay $0x4  }
0x31e: {  	[tilespmem:$0x1FB40] =	vst v0;
	v0 =	vld [tilespmem:s22+$0x69B0];
	_ =	sdelay $0x4  }
0x31f: {  	[tilespmem:$0x1FB50] =	vst v0;
	v0 =	vld [tilespmem:s22+$0x39C0];
	_ =	sdelay $0x4  }
0x320: {  	[tilespmem:$0x1FB60] =	vst v0;
	v0 =	vld [tilespmem:s22+$0x69C0];
	_ =	sdelay $0x4  }
0x321: {  	[tilespmem:$0x1FB70] =	vst v0;
	v0 =	vld [tilespmem:s22+$0x39D0];
	_ =	sdelay $0x4  }
0x322: {  	[tilespmem:$0x1FB80] =	vst v0;
	v0 =	vld [tilespmem:s22+$0x69D0];
	_ =	sdelay $0x4  }
0x323: {  	[tilespmem:$0x1FB90] =	vst v0;
	v0 =	vld [tilespmem:s22+$0x39E0];
	_ =	sdelay $0x4  }
0x324: {  	[tilespmem:$0x1FBA0] =	vst v0;
	v0 =	vld [tilespmem:s22+$0x69E0];
	_ =	sdelay $0x4  }
0x325: {  	[tilespmem:$0x1FBB0] =	vst v0;
	v0 =	vld [tilespmem:s22+$0x39F0];
	_ =	sdelay $0x4  }
0x326: {  	[tilespmem:$0x1FBC0] =	vst v0;
	v0 =	vld [tilespmem:s22+$0x69F0];
	_ =	sdelay $0x4  }
0x327: {  	[tilespmem:$0x1FBD0] =	vst v0;
	v0 =	vld [tilespmem:s22+$0x3D80];
	_ =	sdelay $0x4  }
0x328: {  	[tilespmem:$0x1FBE0] =	vst v0;
	v0 =	vld [tilespmem:s22+$0x6D80];
	_ =	sdelay $0x4  }
0x329: {  	[tilespmem:$0x1FBF0] =	vst v0;
	v0 =	vld [tilespmem:s22+$0x3D90];
	_ =	sdelay $0x4  }
0x32a: {  	[tilespmem:$0x1FC00] =	vst v0;
	v0 =	vld [tilespmem:s22+$0x6D90];
	_ =	sdelay $0x4  }
0x32b: {  	[tilespmem:$0x1FC10] =	vst v0;
	v0 =	vld [tilespmem:s22+$0x3DA0];
	_ =	sdelay $0x4  }
0x32c: {  	[tilespmem:$0x1FC20] =	vst v0;
	v0 =	vld [tilespmem:s22+$0x6DA0];
	_ =	sdelay $0x4  }
0x32d: {  	[tilespmem:$0x1FC30] =	vst v0;
	v0 =	vld [tilespmem:s22+$0x3DB0];
	_ =	sdelay $0x4  }
0x32e: {  	[tilespmem:$0x1FC40] =	vst v0;
	v0 =	vld [tilespmem:s22+$0x6DB0];
	_ =	sdelay $0x4  }
0x32f: {  	[tilespmem:$0x1FC50] =	vst v0;
	v0 =	vld [tilespmem:s22+$0x3DC0];
	_ =	sdelay $0x4  }
0x330: {  	[tilespmem:$0x1FC60] =	vst v0;
	v0 =	vld [tilespmem:s22+$0x6DC0];
	_ =	sdelay $0x4  }
0x331: {  	[tilespmem:$0x1FC70] =	vst v0;
	v0 =	vld [tilespmem:s22+$0x3DD0];
	_ =	sdelay $0x4  }
0x332: {  	[tilespmem:$0x1FC80] =	vst v0;
	v0 =	vld [tilespmem:s22+$0x6DD0];
	_ =	sdelay $0x4  }
0x333: {  	[tilespmem:$0x1FC90] =	vst v0;
	v0 =	vld [tilespmem:s22+$0x3DE0];
	_ =	sdelay $0x4  }
0x334: {  	[tilespmem:$0x1FCA0] =	vst v0;
	v0 =	vld [tilespmem:s22+$0x6DE0];
	_ =	sdelay $0x4  }
0x335: {  	[tilespmem:$0x1FCB0] =	vst v0;
	v0 =	vld [tilespmem:s22+$0x3DF0];
	_ =	sdelay $0x4  }
0x336: {  	[tilespmem:$0x1FCC0] =	vst v0;
	v0 =	vld [tilespmem:s22+$0x6DF0];
	_ =	sdelay $0x4  }
0x337: {  	[tilespmem:$0x1FCD0] =	vst v0;
	v0 =	vld [tilespmem:s22+$0x4180];
	_ =	sdelay $0x4  }
0x338: {  	[tilespmem:$0x1FCE0] =	vst v0;
	v0 =	vld [tilespmem:s22+$0x7180];
	_ =	sdelay $0x4  }
0x339: {  	[tilespmem:$0x1FCF0] =	vst v0;
	v0 =	vld [tilespmem:s22+$0x4190];
	_ =	sdelay $0x4  }
0x33a: {  	[tilespmem:$0x1FD00] =	vst v0;
	v0 =	vld [tilespmem:s22+$0x7190];
	_ =	sdelay $0x4  }
0x33b: {  	[tilespmem:$0x1FD10] =	vst v0;
	v0 =	vld [tilespmem:s22+$0x41A0];
	_ =	sdelay $0x4  }
0x33c: {  	[tilespmem:$0x1FD20] =	vst v0;
	v0 =	vld [tilespmem:s22+$0x71A0];
	_ =	sdelay $0x4  }
0x33d: {  	[tilespmem:$0x1FD30] =	vst v0;
	v0 =	vld [tilespmem:s22+$0x41B0];
	_ =	sdelay $0x4  }
0x33e: {  	[tilespmem:$0x1FD40] =	vst v0;
	v0 =	vld [tilespmem:s22+$0x71B0];
	_ =	sdelay $0x4  }
0x33f: {  	[tilespmem:$0x1FD50] =	vst v0;
	v0 =	vld [tilespmem:s22+$0x41C0];
	_ =	sdelay $0x4  }
0x340: {  	[tilespmem:$0x1FD60] =	vst v0;
	v0 =	vld [tilespmem:s22+$0x71C0];
	_ =	sdelay $0x4  }
0x341: {  	[tilespmem:$0x1FD70] =	vst v0;
	v0 =	vld [tilespmem:s22+$0x41D0];
	_ =	sdelay $0x4  }
0x342: {  	[tilespmem:$0x1FD80] =	vst v0;
	v0 =	vld [tilespmem:s22+$0x71D0];
	_ =	sdelay $0x4  }
0x343: {  	[tilespmem:$0x1FD90] =	vst v0;
	v0 =	vld [tilespmem:s22+$0x41E0];
	_ =	sdelay $0x4  }
0x344: {  	[tilespmem:$0x1FDA0] =	vst v0;
	v0 =	vld [tilespmem:s22+$0x71E0];
	_ =	sdelay $0x4  }
0x345: {  	[tilespmem:$0x1FDB0] =	vst v0;
	v0 =	vld [tilespmem:s22+$0x41F0];
	_ =	sdelay $0x4  }
0x346: {  	[tilespmem:$0x1FDC0] =	vst v0;
	v0 =	vld [tilespmem:s22+$0x71F0];
	_ =	sdelay $0x4  }
0x347: {  	[tilespmem:$0x1FDD0] =	vst v0;
	v0 =	vld [tilespmem:s22+$0x4580];
	_ =	sdelay $0x4  }
0x348: {  	[tilespmem:$0x1FDE0] =	vst v0;
	v0 =	vld [tilespmem:s22+$0x7580];
	_ =	sdelay $0x4  }
0x349: {  	[tilespmem:$0x1FDF0] =	vst v0;
	v0 =	vld [tilespmem:s22+$0x4590];
	_ =	sdelay $0x4  }
0x34a: {  	[tilespmem:$0x1FE00] =	vst v0;
	v0 =	vld [tilespmem:s22+$0x7590];
	_ =	sdelay $0x4  }
0x34b: {  	[tilespmem:$0x1FE10] =	vst v0;
	v0 =	vld [tilespmem:s22+$0x45A0];
	_ =	sdelay $0x4  }
0x34c: {  	[tilespmem:$0x1FE20] =	vst v0;
	v0 =	vld [tilespmem:s22+$0x75A0];
	_ =	sdelay $0x4  }
0x34d: {  	[tilespmem:$0x1FE30] =	vst v0;
	v0 =	vld [tilespmem:s22+$0x45B0];
	_ =	sdelay $0x4  }
0x34e: {  	[tilespmem:$0x1FE40] =	vst v0;
	v0 =	vld [tilespmem:s22+$0x75B0];
	_ =	sdelay $0x4  }
0x34f: {  	[tilespmem:$0x1FE50] =	vst v0;
	v0 =	vld [tilespmem:s22+$0x45C0];
	_ =	sdelay $0x4  }
0x350: {  	[tilespmem:$0x1FE60] =	vst v0;
	v0 =	vld [tilespmem:s22+$0x75C0];
	_ =	sdelay $0x4  }
0x351: {  	[tilespmem:$0x1FE70] =	vst v0;
	v0 =	vld [tilespmem:s22+$0x45D0];
	_ =	sdelay $0x4  }
0x352: {  	[tilespmem:$0x1FE80] =	vst v0;
	v0 =	vld [tilespmem:s22+$0x75D0];
	_ =	sdelay $0x4  }
0x353: {  	[tilespmem:$0x1FE90] =	vst v0;
	v0 =	vld [tilespmem:s22+$0x45E0];
	_ =	sdelay $0x4  }
0x354: {  	[tilespmem:$0x1FEA0] =	vst v0;
	v0 =	vld [tilespmem:s22+$0x75E0];
	_ =	sdelay $0x4  }
0x355: {  	[tilespmem:$0x1FEB0] =	vst v0;
	v0 =	vld [tilespmem:s22+$0x45F0];
	_ =	sdelay $0x4  }
0x356: {  	[tilespmem:$0x1FEC0] =	vst v0;
	v0 =	vld [tilespmem:s22+$0x75F0];
	_ =	sdelay $0x4  }
0x357: {  	[tilespmem:$0x1FED0] =	vst v0;
	v0 =	vld [tilespmem:s22+$0x4980];
	_ =	sdelay $0x4  }
0x358: {  	[tilespmem:$0x1FEE0] =	vst v0;
	v0 =	vld [tilespmem:s22+$0x7980];
	_ =	sdelay $0x4  }
0x359: {  	[tilespmem:$0x1FEF0] =	vst v0;
	v0 =	vld [tilespmem:s22+$0x4990];
	_ =	sdelay $0x4  }
0x35a: {  	[tilespmem:$0x1FF00] =	vst v0;
	v0 =	vld [tilespmem:s22+$0x7990];
	_ =	sdelay $0x4  }
0x35b: {  	[tilespmem:$0x1FF10] =	vst v0;
	v0 =	vld [tilespmem:s22+$0x49A0];
	_ =	sdelay $0x4  }
0x35c: {  	[tilespmem:$0x1FF20] =	vst v0;
	v0 =	vld [tilespmem:s22+$0x79A0];
	_ =	sdelay $0x4  }
0x35d: {  	[tilespmem:$0x1FF30] =	vst v0;
	v0 =	vld [tilespmem:s22+$0x49B0];
	_ =	sdelay $0x4  }
0x35e: {  	[tilespmem:$0x1FF40] =	vst v0;
	v0 =	vld [tilespmem:s22+$0x79B0];
	_ =	sdelay $0x1  }
0x35f: {  	v59 =	vld [tilespmem:s22+$0x3580]  }
0x360: {  	v50 =	vld [tilespmem:s22+$0x6580]  }
0x361: {  	v54 =	vld [tilespmem:s22+$0x3590]  }
0x362: {  	[tilespmem:$0x1FF50] =	vst v0;
	v0 =	vld [tilespmem:s22+$0x49C0]  }
0x363: {  	v51 =	vld [tilespmem:s22+$0x6590]  }
0x364: {  	v52 =	vld [tilespmem:s22+$0x35A0]  }
0x365: {  	v46 =	vld [tilespmem:s22+$0x65A0]  }
0x366: {  	v53 =	vld [tilespmem:s22+$0x35B0]  }
0x367: {  	[tilespmem:$0x1FF60] =	vst v0;
	v0 =	vld [tilespmem:s22+$0x79C0]  }
0x368: {  	v45 =	vld [tilespmem:s22+$0x65B0]  }
0x369: {  	v48 =	vld [tilespmem:s22+$0x35C0]  }
0x36a: {  	v47 =	vld [tilespmem:s22+$0x65C0]  }
0x36b: {  	v55 =	vld [tilespmem:s22+$0x35D0]  }
0x36c: {  	[tilespmem:$0x1FF70] =	vst v0;
	v0 =	vld [tilespmem:s22+$0x49D0]  }
0x36d: {  	v49 =	vld [tilespmem:s22+$0x65D0]  }
0x36e: {  	v57 =	vld [tilespmem:s22+$0x35E0]  }
0x36f: {  	v62 =	vld [tilespmem:s22+$0x35F0]  }
0x370: {  	v5 =	vld [tilespmem:s22+$0x95B0]  }
0x371: {  	[tilespmem:$0x1FF80] =	vst v0;
	v0 =	vld [tilespmem:s22+$0x79D0]  }
0x372: {  	v58 =	vld [tilespmem:s22+$0x65F0]  }
0x373: {  	v1 =	vld [tilespmem:s22+$0x3980]  }
0x374: {  	v61 =	vld [tilespmem:s22+$0x6980];
	v45 =	vadd.f32 v45, v53  }
0x375: {  	v4 =	vld [tilespmem:s22+$0x95A0]  }
0x376: {  	v5 =	vadd.f32 v5, v45;
	[tilespmem:$0x1FF90] =	vst v0;
	v0 =	vld [tilespmem:s22+$0x49E0]  }
0x377: {  	v63 =	vld [tilespmem:s22+$0x6990]  }
0x378: {  	[tilespmem:s22+$0x5B0] =	vst.add.f32.msk $0xffff, v5  }
0x379: {  	v46 =	vadd.f32 v46, v52;
	v5 =	vadd.f32 v61, v1;
	v1 =	vld [tilespmem:$0x1FB10]  }
0x37a: {  	v7 =	vld [tilespmem:s22+$0x95D0]  }
0x37b: {  	v4 =	vadd.f32 v4, v46;
	[tilespmem:$0x1FFA0] =	vst v0;
	v0 =	vld [tilespmem:s22+$0x79E0]  }
0x37c: {  	v3 =	vld [tilespmem:s22+$0x9590]  }
0x37d: {  	[tilespmem:s22+$0x5A0] =	vst.add.f32.msk $0xffff, v4  }
0x37e: {  	v61 =	vadd.f32 v63, v1;
	v1 =	vld [tilespmem:$0x1FB20]  }
0x37f: {  	v4 =	vadd.f32 v58, v62;
	v62 =	vld [tilespmem:$0x1FB30]  }
0x380: {  	v55 =	vadd.f32 v49, v55;
	[tilespmem:$0x1FFB0] =	vst v0;
	v0 =	vld [tilespmem:s22+$0x9580]  }
0x381: {  	v56 =	vld [tilespmem:s22+$0x65E0]  }
0x382: {  	v9 =	vld [tilespmem:s22+$0x95F0];
	v7 =	vadd.f32 v7, v55  }
0x383: {  	v8 =	vld [tilespmem:s22+$0x95E0];
	v59 =	vadd.f32 v50, v59;
	v54 =	vadd.f32 v51, v54  }
0x384: {  	[tilespmem:s22+$0x5D0] =	vst.add.f32.msk $0xffff, v7;
	v7 =	vadd.f32 v62, v1  }
0x385: {  	v1 =	vld [tilespmem:$0x1FB40];
	v52 =	vadd.f32 v0, v59;
	v59 =	vadd.f32 v3, v54  }
0x386: {  	v63 =	vld [tilespmem:$0x1FB50]  }
0x387: {  	v4 =	vadd.f32 v9, v4;
	[tilespmem:s22+$0x590] =	vst.add.f32.msk $0xffff, v59;
	v59 =	vadd.f32 v56, v57  }
0x388: {  	v10 =	vld [tilespmem:s22+$0x9980]  }
0x389: {  	[tilespmem:s22+$0x5F0] =	vst.add.f32.msk $0xffff, v4;
	v8 =	vadd.f32 v8, v59  }
0x38a: {  	v4 =	vld [tilespmem:$0x1FB70]  }
0x38b: {  	[tilespmem:s22+$0x5E0] =	vst.add.f32.msk $0xffff, v8  }
0x38c: {  	v8 =	vadd.f32 v63, v1;
	v1 =	vld [tilespmem:$0x1FB60]  }
0x38d: {  	v6 =	vld [tilespmem:s22+$0x95C0];
	v5 =	vadd.f32 v10, v5  }
0x38e: {  	v13 =	vld [tilespmem:s22+$0x99B0]  }
0x38f: {  	[tilespmem:s22+$0x980] =	vst.add.f32.msk $0xffff, v5  }
0x390: {  	v5 =	vld [tilespmem:$0x1FB90]  }
0x391: {  	v4 =	vadd.f32 v4, v1;
	v1 =	vld [tilespmem:$0x1FB80]  }
0x392: {  	v11 =	vld [tilespmem:s22+$0x9990]  }
0x393: {  	v12 =	vld [tilespmem:s22+$0x99A0];
	v47 =	vadd.f32 v47, v48  }
0x394: {  	v14 =	vld [tilespmem:s22+$0x99C0]  }
0x395: {  	v6 =	vadd.f32 v6, v47;
	v8 =	vadd.f32 v13, v8;
	v13 =	vld [tilespmem:$0x1FBB0]  }
0x396: {  	v5 =	vadd.f32 v5, v1;
	v1 =	vld [tilespmem:$0x1FBA0]  }
0x397: {  	[tilespmem:s22+$0x5C0] =	vst.add.f32.msk $0xffff, v6;
	v6 =	vadd.f32 v11, v61  }
0x398: {  	v15 =	vld [tilespmem:s22+$0x99D0]  }
0x399: {  	[tilespmem:s22+$0x990] =	vst.add.f32.msk $0xffff, v6  }
0x39a: {  	v4 =	vadd.f32 v14, v4;
	v14 =	vld [tilespmem:$0x1FBD0]  }
0x39b: {  	v6 =	vadd.f32 v13, v1;
	v1 =	vld [tilespmem:$0x1FBC0]  }
0x39c: {  	v7 =	vadd.f32 v12, v7;
	_ =	sdelay $0x1  }
0x39d: {  	[tilespmem:s22+$0x9A0] =	vst.add.f32.msk $0xffff, v7  }
0x39e: {  	v5 =	vadd.f32 v15, v5;
	v15 =	vld [tilespmem:$0x1FBF0]  }
0x39f: {  	v7 =	vadd.f32 v14, v1;
	v1 =	vld [tilespmem:$0x1FBE0];
	_ =	sdelay $0x1  }
0x3a0: {  	[tilespmem:s22+$0x9B0] =	vst.add.f32.msk $0xffff, v8  }
0x3a1: {  	[tilespmem:s22+$0x9C0] =	vst.add.f32.msk $0xffff, v4  }
0x3a2: {  	v4 =	vld [tilespmem:$0x1FC10]  }
0x3a3: {  	v8 =	vadd.f32 v15, v1;
	v1 =	vld [tilespmem:$0x1FC00];
	_ =	sdelay $0x1  }
0x3a4: {  	v18 =	vld [tilespmem:s22+$0x9D80]  }
0x3a5: {  	[tilespmem:s22+$0x9D0] =	vst.add.f32.msk $0xffff, v5  }
0x3a6: {  	v5 =	vld [tilespmem:$0x1FC30]  }
0x3a7: {  	v4 =	vadd.f32 v4, v1;
	v1 =	vld [tilespmem:$0x1FC20]  }
0x3a8: {  	v16 =	vld [tilespmem:s22+$0x99E0];
	_ =	sdelay $0x1  }
0x3a9: {  	v19 =	vld [tilespmem:s22+$0x9D90]  }
0x3aa: {  	v8 =	vadd.f32 v18, v8;
	v18 =	vld [tilespmem:$0x1FC50]  }
0x3ab: {  	v5 =	vadd.f32 v5, v1;
	v1 =	vld [tilespmem:$0x1FC40]  }
0x3ac: {  	v6 =	vadd.f32 v16, v6  }
0x3ad: {  	v17 =	vld [tilespmem:s22+$0x99F0]  }
0x3ae: {  	[tilespmem:s22+$0x9E0] =	vst.add.f32.msk $0xffff, v6  }
0x3af: {  	v4 =	vadd.f32 v19, v4;
	v19 =	vld [tilespmem:$0x1FC70]  }
0x3b0: {  	v6 =	vadd.f32 v18, v1;
	v1 =	vld [tilespmem:$0x1FC60];
	_ =	sdelay $0x1  }
0x3b1: {  	v7 =	vadd.f32 v17, v7  }
0x3b2: {  	v45 =	vld [tilespmem:$0x1FC90]  }
0x3b3: {  	[tilespmem:s22+$0x9F0] =	vst.add.f32.msk $0xffff, v7  }
0x3b4: {  	v7 =	vadd.f32 v19, v1;
	v1 =	vld [tilespmem:$0x1FC80]  }
0x3b5: {  	v20 =	vld [tilespmem:s22+$0x9DA0]  }
0x3b6: {  	[tilespmem:s22+$0xD80] =	vst.add.f32.msk $0xffff, v8  }
0x3b7: {  	[tilespmem:s22+$0xD90] =	vst.add.f32.msk $0xffff, v4  }
0x3b8: {  	v4 =	vld [tilespmem:$0x1FCB0]  }
0x3b9: {  	v8 =	vadd.f32 v45, v1;
	v1 =	vld [tilespmem:$0x1FCA0]  }
0x3ba: {  	v5 =	vadd.f32 v20, v5;
	_ =	sdelay $0x1  }
0x3bb: {  	[tilespmem:s22+$0xDA0] =	vst.add.f32.msk $0xffff, v5  }
0x3bc: {  	v5 =	vld [tilespmem:$0x1FCD0]  }
0x3bd: {  	v4 =	vadd.f32 v4, v1;
	v1 =	vld [tilespmem:$0x1FCC0];
	_ =	sdelay $0x1  }
0x3be: {  	v21 =	vld [tilespmem:s22+$0x9DB0];
	_ =	sdelay $0x1  }
0x3bf: {  	v46 =	vld [tilespmem:$0x1FCF0]  }
0x3c0: {  	v5 =	vadd.f32 v5, v1;
	v1 =	vld [tilespmem:$0x1FCE0]  }
0x3c1: {  	v22 =	vld [tilespmem:s22+$0x9DC0]  }
0x3c2: {  	v23 =	vld [tilespmem:s22+$0x9DD0];
	v6 =	vadd.f32 v21, v6  }
0x3c3: {  	v47 =	vld [tilespmem:$0x1FD10]  }
0x3c4: {  	[tilespmem:s22+$0xDB0] =	vst.add.f32.msk $0xffff, v6  }
0x3c5: {  	v6 =	vadd.f32 v46, v1;
	v1 =	vld [tilespmem:$0x1FD00]  }
0x3c6: {  	v24 =	vld [tilespmem:s22+$0x9DE0]  }
0x3c7: {  	v7 =	vadd.f32 v22, v7  }
0x3c8: {  	v48 =	vld [tilespmem:$0x1FD30]  }
0x3c9: {  	[tilespmem:s22+$0xDC0] =	vst.add.f32.msk $0xffff, v7  }
0x3ca: {  	v8 =	vadd.f32 v23, v8;
	v7 =	vadd.f32 v47, v1;
	v1 =	vld [tilespmem:$0x1FD20]  }
0x3cb: {  	v25 =	vld [tilespmem:s22+$0x9DF0];
	v4 =	vadd.f32 v24, v4  }
0x3cc: {  	[tilespmem:s22+$0xDD0] =	vst.add.f32.msk $0xffff, v8  }
0x3cd: {  	[tilespmem:s22+$0xDE0] =	vst.add.f32.msk $0xffff, v4  }
0x3ce: {  	v4 =	vld [tilespmem:$0x1FD50]  }
0x3cf: {  	v8 =	vadd.f32 v48, v1;
	v1 =	vld [tilespmem:$0x1FD40]  }
0x3d0: {  	v5 =	vadd.f32 v25, v5;
	_ =	sdelay $0x1  }
0x3d1: {  	[tilespmem:s22+$0xDF0] =	vst.add.f32.msk $0xffff, v5  }
0x3d2: {  	v5 =	vld [tilespmem:$0x1FD70]  }
0x3d3: {  	v4 =	vadd.f32 v4, v1;
	v1 =	vld [tilespmem:$0x1FD60];
	_ =	sdelay $0x1  }
0x3d4: {  	v26 =	vld [tilespmem:s22+$0xA180]  }
0x3d5: {  	v27 =	vld [tilespmem:s22+$0xA190]  }
0x3d6: {  	v49 =	vld [tilespmem:$0x1FD90]  }
0x3d7: {  	v5 =	vadd.f32 v5, v1;
	v1 =	vld [tilespmem:$0x1FD80]  }
0x3d8: {  	v28 =	vld [tilespmem:s22+$0xA1A0]  }
0x3d9: {  	[tilespmem:s22+$0x580] =	vst.add.f32.msk $0xffff, v52;
	v6 =	vadd.f32 v26, v6  }
0x3da: {  	v52 =	vld [tilespmem:$0x1FDB0]  }
0x3db: {  	[tilespmem:s22+$0x1180] =	vst.add.f32.msk $0xffff, v6  }
0x3dc: {  	v6 =	vadd.f32 v49, v1;
	v1 =	vld [tilespmem:$0x1FDA0]  }
0x3dd: {  	v29 =	vld [tilespmem:s22+$0xA1B0]  }
0x3de: {  	v7 =	vadd.f32 v27, v7  }
0x3df: {  	v53 =	vld [tilespmem:$0x1FDD0]  }
0x3e0: {  	[tilespmem:s22+$0x1190] =	vst.add.f32.msk $0xffff, v7  }
0x3e1: {  	v8 =	vadd.f32 v28, v8;
	v7 =	vadd.f32 v52, v1;
	v1 =	vld [tilespmem:$0x1FDC0]  }
0x3e2: {  	v30 =	vld [tilespmem:s22+$0xA1C0];
	v4 =	vadd.f32 v29, v4  }
0x3e3: {  	[tilespmem:s22+$0x11A0] =	vst.add.f32.msk $0xffff, v8  }
0x3e4: {  	[tilespmem:s22+$0x11B0] =	vst.add.f32.msk $0xffff, v4  }
0x3e5: {  	v4 =	vld [tilespmem:$0x1FDF0]  }
0x3e6: {  	v8 =	vadd.f32 v53, v1;
	v1 =	vld [tilespmem:$0x1FDE0]  }
0x3e7: {  	v5 =	vadd.f32 v30, v5;
	_ =	sdelay $0x1  }
0x3e8: {  	[tilespmem:s22+$0x11C0] =	vst.add.f32.msk $0xffff, v5  }
0x3e9: {  	v5 =	vld [tilespmem:$0x1FE10]  }
0x3ea: {  	v4 =	vadd.f32 v4, v1;
	v1 =	vld [tilespmem:$0x1FE00];
	_ =	sdelay $0x1  }
0x3eb: {  	v31 =	vld [tilespmem:s22+$0xA1D0];
	_ =	sdelay $0x1  }
0x3ec: {  	v54 =	vld [tilespmem:$0x1FE30]  }
0x3ed: {  	v5 =	vadd.f32 v5, v1;
	v1 =	vld [tilespmem:$0x1FE20]  }
0x3ee: {  	v32 =	vld [tilespmem:s22+$0xA1E0]  }
0x3ef: {  	v33 =	vld [tilespmem:s22+$0xA1F0];
	v6 =	vadd.f32 v31, v6  }
0x3f0: {  	v55 =	vld [tilespmem:$0x1FE50]  }
0x3f1: {  	[tilespmem:s22+$0x11D0] =	vst.add.f32.msk $0xffff, v6  }
0x3f2: {  	v6 =	vadd.f32 v54, v1;
	v1 =	vld [tilespmem:$0x1FE40]  }
0x3f3: {  	v34 =	vld [tilespmem:s22+$0xA580]  }
0x3f4: {  	v7 =	vadd.f32 v32, v7  }
0x3f5: {  	v56 =	vld [tilespmem:$0x1FE70]  }
0x3f6: {  	[tilespmem:s22+$0x11E0] =	vst.add.f32.msk $0xffff, v7  }
0x3f7: {  	v8 =	vadd.f32 v33, v8;
	v7 =	vadd.f32 v55, v1;
	v1 =	vld [tilespmem:$0x1FE60]  }
0x3f8: {  	v35 =	vld [tilespmem:s22+$0xA590];
	v4 =	vadd.f32 v34, v4  }
0x3f9: {  	[tilespmem:s22+$0x11F0] =	vst.add.f32.msk $0xffff, v8  }
0x3fa: {  	[tilespmem:s22+$0x1580] =	vst.add.f32.msk $0xffff, v4  }
0x3fb: {  	v4 =	vld [tilespmem:$0x1FE90]  }
0x3fc: {  	v8 =	vadd.f32 v56, v1;
	v1 =	vld [tilespmem:$0x1FE80]  }
0x3fd: {  	v5 =	vadd.f32 v35, v5;
	_ =	sdelay $0x1  }
0x3fe: {  	[tilespmem:s22+$0x1590] =	vst.add.f32.msk $0xffff, v5  }
0x3ff: {  	v5 =	vld [tilespmem:$0x1FEB0]  }
0x400: {  	v4 =	vadd.f32 v4, v1;
	v1 =	vld [tilespmem:$0x1FEA0];
	_ =	sdelay $0x1  }
0x401: {  	v36 =	vld [tilespmem:s22+$0xA5A0];
	_ =	sdelay $0x1  }
0x402: {  	v57 =	vld [tilespmem:$0x1FED0]  }
0x403: {  	v5 =	vadd.f32 v5, v1;
	v1 =	vld [tilespmem:$0x1FEC0]  }
0x404: {  	v37 =	vld [tilespmem:s22+$0xA5B0]  }
0x405: {  	v38 =	vld [tilespmem:s22+$0xA5C0];
	v6 =	vadd.f32 v36, v6  }
0x406: {  	v58 =	vld [tilespmem:$0x1FEF0]  }
0x407: {  	[tilespmem:s22+$0x15A0] =	vst.add.f32.msk $0xffff, v6  }
0x408: {  	v6 =	vadd.f32 v57, v1;
	v1 =	vld [tilespmem:$0x1FEE0]  }
0x409: {  	v39 =	vld [tilespmem:s22+$0xA5D0]  }
0x40a: {  	v7 =	vadd.f32 v37, v7  }
0x40b: {  	v59 =	vld [tilespmem:$0x1FF10]  }
0x40c: {  	[tilespmem:s22+$0x15B0] =	vst.add.f32.msk $0xffff, v7  }
0x40d: {  	v8 =	vadd.f32 v38, v8;
	v7 =	vadd.f32 v58, v1;
	v1 =	vld [tilespmem:$0x1FF00]  }
0x40e: {  	v40 =	vld [tilespmem:s22+$0xA5E0];
	v4 =	vadd.f32 v39, v4  }
0x40f: {  	[tilespmem:s22+$0x15C0] =	vst.add.f32.msk $0xffff, v8  }
0x410: {  	[tilespmem:s22+$0x15D0] =	vst.add.f32.msk $0xffff, v4  }
0x411: {  	v4 =	vld [tilespmem:$0x1FF30]  }
0x412: {  	v8 =	vadd.f32 v59, v1;
	v1 =	vld [tilespmem:$0x1FF20]  }
0x413: {  	v5 =	vadd.f32 v40, v5;
	_ =	sdelay $0x1  }
0x414: {  	[tilespmem:s22+$0x15E0] =	vst.add.f32.msk $0xffff, v5  }
0x415: {  	v5 =	vld [tilespmem:$0x1FF50]  }
0x416: {  	v4 =	vadd.f32 v4, v1;
	v1 =	vld [tilespmem:$0x1FF40];
	_ =	sdelay $0x1  }
0x417: {  	v41 =	vld [tilespmem:s22+$0xA5F0]  }
0x418: {  	v42 =	vld [tilespmem:s22+$0xA980]  }
0x419: {  	v61 =	vld [tilespmem:$0x1FF70]  }
0x41a: {  	v5 =	vadd.f32 v5, v1;
	v1 =	vld [tilespmem:$0x1FF60]  }
0x41b: {  	v43 =	vld [tilespmem:s22+$0xA990]  }
0x41c: {  	v44 =	vld [tilespmem:s22+$0xA9A0];
	v6 =	vadd.f32 v41, v6  }
0x41d: {  	v62 =	vld [tilespmem:$0x1FF90]  }
0x41e: {  	[tilespmem:s22+$0x15F0] =	vst.add.f32.msk $0xffff, v6  }
0x41f: {  	v6 =	vadd.f32 v61, v1;
	v1 =	vld [tilespmem:$0x1FF80]  }
0x420: {  	v50 =	vld [tilespmem:s22+$0xA9B0]  }
0x421: {  	v51 =	vld [tilespmem:s22+$0xA9C0];
	v7 =	vadd.f32 v42, v7  }
0x422: {  	v63 =	vld [tilespmem:$0x1FFB0]  }
0x423: {  	[tilespmem:s22+$0x1980] =	vst.add.f32.msk $0xffff, v7  }
0x424: {  	v7 =	vadd.f32 v62, v1;
	v1 =	vld [tilespmem:$0x1FFA0]  }
0x425: {  	v0 =	vld [tilespmem:s22+$0xA9D0]  }
0x426: {  	v3 =	vld [tilespmem:s22+$0xA9E0];
	v8 =	vadd.f32 v43, v8  }
0x427: {  	v4 =	vadd.f32 v44, v4  }
0x428: {  	[tilespmem:s22+$0x1990] =	vst.add.f32.msk $0xffff, v8;
	v5 =	vadd.f32 v50, v5  }
0x429: {  	[tilespmem:s22+$0x19A0] =	vst.add.f32.msk $0xffff, v4;
	v6 =	vadd.f32 v51, v6;
	v8 =	vadd.f32 v63, v1  }
0x42a: {  	s31 =	simm.s32 $0x0;
	[tilespmem:s22+$0x19B0] =	vst.add.f32.msk $0xffff, v5;
	v0 =	vadd.f32 v0, v7  }
0x42b: {  	s24 =	simm.s32 $0x2;
	s25 =	simm.s32 $0x80;
	s0 =	smul.u32 $0x1800, s31;
	[tilespmem:s22+$0x19C0] =	vst.add.f32.msk $0xffff, v6;
	v3 =	vadd.f32 v3, v8  }
.LBB2_8:
0x42c: {  	p2 =	sne.s32 s24, $0xF;
	s1 =	sand.u32 $0x380, s25;
	[tilespmem:s22+$0x19D0] =	vst.add.f32.msk $0xffff, v0  }
0x42d: {  	[tilespmem:s22+$0x19E0] =	vst.add.f32.msk $0xffff, v3;
	s22 =	sor.u32 s1, s0  }
0x42e: {  	v0 =	vld [tilespmem:s22+$0x49F0]  }
0x42f: {  	v3 =	vld [tilespmem:s22+$0x79F0]  }
0x430: {  	v4 =	vld [tilespmem:s22+$0x3580]  }
0x431: {  	v5 =	vld [tilespmem:s22+$0xA9F0]  }
0x432: {  	v6 =	vld [tilespmem:s22+$0x6580]  }
0x433: {  	v7 =	vld [tilespmem:s22+$0x3590]  }
0x434: {  	v8 =	vld [tilespmem:s22+$0x6590];
	v0 =	vadd.f32 v3, v0  }
0x435: {  	v3 =	vld [tilespmem:s22+$0x35A0]  }
0x436: {  	v9 =	vld [tilespmem:s22+$0x65A0];
	v0 =	vadd.f32 v5, v0  }
0x437: {  	v6 =	vadd.f32 v6, v4;
	v4 =	vld [tilespmem:s22+$0x35B0]  }
0x438: {  	[tilespmem:s22+$0x19F0] =	vst.add.f32.msk $0xffff, v0  }
0x439: {  	v7 =	vadd.f32 v8, v7;
	v0 =	vld [tilespmem:s22+$0x65B0]  }
0x43a: {  	v5 =	vld [tilespmem:s22+$0x35C0]  }
0x43b: {  	v8 =	vadd.f32 v9, v3;
	v3 =	vld [tilespmem:s22+$0x65C0]  }
0x43c: {  	v11 =	vld [tilespmem:s22+$0x35D0]  }
0x43d: {  	v12 =	vld [tilespmem:s22+$0x65D0]  }
0x43e: {  	v9 =	vadd.f32 v0, v4;
	v0 =	vld [tilespmem:s22+$0x35E0]  }
0x43f: {  	v4 =	vld [tilespmem:s22+$0x65E0]  }
0x440: {  	v10 =	vadd.f32 v3, v5;
	v3 =	vld [tilespmem:s22+$0x35F0]  }
0x441: {  	v5 =	vld [tilespmem:s22+$0x65F0]  }
0x442: {  	v11 =	vadd.f32 v12, v11;
	v14 =	vld [tilespmem:s22+$0x3980]  }
0x443: {  	v15 =	vld [tilespmem:s22+$0x6980]  }
0x444: {  	v12 =	vadd.f32 v4, v0;
	v0 =	vld [tilespmem:s22+$0x3990]  }
0x445: {  	v4 =	vld [tilespmem:s22+$0x6990]  }
0x446: {  	v13 =	vadd.f32 v5, v3;
	v3 =	vld [tilespmem:s22+$0x39A0]  }
0x447: {  	v5 =	vld [tilespmem:s22+$0x69A0]  }
0x448: {  	v14 =	vadd.f32 v15, v14;
	v17 =	vld [tilespmem:s22+$0x39B0]  }
0x449: {  	v18 =	vld [tilespmem:s22+$0x69B0]  }
0x44a: {  	v15 =	vadd.f32 v4, v0;
	v0 =	vld [tilespmem:s22+$0x39C0]  }
0x44b: {  	v4 =	vld [tilespmem:s22+$0x69C0]  }
0x44c: {  	v16 =	vadd.f32 v5, v3;
	v3 =	vld [tilespmem:s22+$0x39D0]  }
0x44d: {  	v5 =	vld [tilespmem:s22+$0x69D0]  }
0x44e: {  	v17 =	vadd.f32 v18, v17;
	v20 =	vld [tilespmem:s22+$0x39E0]  }
0x44f: {  	v21 =	vld [tilespmem:s22+$0x69E0]  }
0x450: {  	v18 =	vadd.f32 v4, v0;
	v0 =	vld [tilespmem:s22+$0x39F0]  }
0x451: {  	v4 =	vld [tilespmem:s22+$0x69F0]  }
0x452: {  	v19 =	vadd.f32 v5, v3;
	v3 =	vld [tilespmem:s22+$0x3D80]  }
0x453: {  	v5 =	vld [tilespmem:s22+$0x6D80]  }
0x454: {  	v20 =	vadd.f32 v21, v20;
	v23 =	vld [tilespmem:s22+$0x3D90]  }
0x455: {  	v24 =	vld [tilespmem:s22+$0x6D90]  }
0x456: {  	v21 =	vadd.f32 v4, v0;
	v0 =	vld [tilespmem:s22+$0x3DA0]  }
0x457: {  	v4 =	vld [tilespmem:s22+$0x6DA0]  }
0x458: {  	v22 =	vadd.f32 v5, v3;
	v3 =	vld [tilespmem:s22+$0x3DB0]  }
0x459: {  	v5 =	vld [tilespmem:s22+$0x6DB0]  }
0x45a: {  	v23 =	vadd.f32 v24, v23;
	v26 =	vld [tilespmem:s22+$0x3DC0]  }
0x45b: {  	v27 =	vld [tilespmem:s22+$0x6DC0]  }
0x45c: {  	v24 =	vadd.f32 v4, v0;
	v0 =	vld [tilespmem:s22+$0x3DD0]  }
0x45d: {  	v4 =	vld [tilespmem:s22+$0x6DD0]  }
0x45e: {  	v25 =	vadd.f32 v5, v3;
	v3 =	vld [tilespmem:s22+$0x3DE0]  }
0x45f: {  	v5 =	vld [tilespmem:s22+$0x6DE0]  }
0x460: {  	v26 =	vadd.f32 v27, v26;
	v29 =	vld [tilespmem:s22+$0x3DF0]  }
0x461: {  	v30 =	vld [tilespmem:s22+$0x6DF0]  }
0x462: {  	v27 =	vadd.f32 v4, v0;
	v0 =	vld [tilespmem:s22+$0x4180]  }
0x463: {  	v4 =	vld [tilespmem:s22+$0x7180]  }
0x464: {  	v28 =	vadd.f32 v5, v3;
	v3 =	vld [tilespmem:s22+$0x4190]  }
0x465: {  	v5 =	vld [tilespmem:s22+$0x7190]  }
0x466: {  	v29 =	vadd.f32 v30, v29;
	v32 =	vld [tilespmem:s22+$0x41A0]  }
0x467: {  	v33 =	vld [tilespmem:s22+$0x71A0]  }
0x468: {  	v30 =	vadd.f32 v4, v0;
	v0 =	vld [tilespmem:s22+$0x41B0]  }
0x469: {  	v4 =	vld [tilespmem:s22+$0x71B0]  }
0x46a: {  	v31 =	vadd.f32 v5, v3;
	v3 =	vld [tilespmem:s22+$0x41C0]  }
0x46b: {  	v5 =	vld [tilespmem:s22+$0x71C0]  }
0x46c: {  	v32 =	vadd.f32 v33, v32;
	v35 =	vld [tilespmem:s22+$0x41D0]  }
0x46d: {  	v36 =	vld [tilespmem:s22+$0x71D0]  }
0x46e: {  	v33 =	vadd.f32 v4, v0;
	v0 =	vld [tilespmem:s22+$0x41E0]  }
0x46f: {  	v4 =	vld [tilespmem:s22+$0x71E0]  }
0x470: {  	v34 =	vadd.f32 v5, v3;
	v3 =	vld [tilespmem:s22+$0x41F0]  }
0x471: {  	v5 =	vld [tilespmem:s22+$0x71F0]  }
0x472: {  	v35 =	vadd.f32 v36, v35;
	v38 =	vld [tilespmem:s22+$0x4580]  }
0x473: {  	v39 =	vld [tilespmem:s22+$0x7580]  }
0x474: {  	v36 =	vadd.f32 v4, v0;
	v0 =	vld [tilespmem:s22+$0x4590]  }
0x475: {  	v4 =	vld [tilespmem:s22+$0x7590]  }
0x476: {  	v37 =	vadd.f32 v5, v3;
	v3 =	vld [tilespmem:s22+$0x45A0]  }
0x477: {  	v5 =	vld [tilespmem:s22+$0x75A0]  }
0x478: {  	v38 =	vadd.f32 v39, v38;
	v41 =	vld [tilespmem:s22+$0x45B0]  }
0x479: {  	v42 =	vld [tilespmem:s22+$0x75B0]  }
0x47a: {  	v39 =	vadd.f32 v4, v0;
	v0 =	vld [tilespmem:s22+$0x45C0]  }
0x47b: {  	v4 =	vld [tilespmem:s22+$0x75C0]  }
0x47c: {  	v40 =	vadd.f32 v5, v3;
	v3 =	vld [tilespmem:s22+$0x45D0]  }
0x47d: {  	v5 =	vld [tilespmem:s22+$0x75D0]  }
0x47e: {  	v41 =	vadd.f32 v42, v41;
	v44 =	vld [tilespmem:s22+$0x45E0]  }
0x47f: {  	v45 =	vld [tilespmem:s22+$0x75E0]  }
0x480: {  	v42 =	vadd.f32 v4, v0;
	v0 =	vld [tilespmem:s22+$0x45F0]  }
0x481: {  	v4 =	vld [tilespmem:s22+$0x75F0]  }
0x482: {  	v43 =	vadd.f32 v5, v3;
	v3 =	vld [tilespmem:s22+$0x4980]  }
0x483: {  	v5 =	vld [tilespmem:s22+$0x7980]  }
0x484: {  	v44 =	vadd.f32 v45, v44;
	v47 =	vld [tilespmem:s22+$0x4990]  }
0x485: {  	v48 =	vld [tilespmem:s22+$0x7990]  }
0x486: {  	v45 =	vadd.f32 v4, v0;
	v0 =	vld [tilespmem:s22+$0x49A0]  }
0x487: {  	v4 =	vld [tilespmem:s22+$0x79A0]  }
0x488: {  	v46 =	vadd.f32 v5, v3;
	v5 =	vld [tilespmem:s22+$0x49B0]  }
0x489: {  	v49 =	vld [tilespmem:s22+$0x79B0]  }
0x48a: {  	v3 =	vadd.f32 v48, v47;
	v47 =	vld [tilespmem:s22+$0x49C0]  }
0x48b: {  	v48 =	vld [tilespmem:s22+$0x79C0]  }
0x48c: {  	v0 =	vadd.f32 v4, v0;
	v50 =	vld [tilespmem:s22+$0x49D0]  }
0x48d: {  	v51 =	vld [tilespmem:s22+$0x79D0]  }
0x48e: {  	v4 =	vadd.f32 v49, v5;
	v49 =	vld [tilespmem:s22+$0x49E0]  }
0x48f: {  	v52 =	vld [tilespmem:s22+$0x79E0]  }
0x490: {  	v53 =	vld [tilespmem:s22+$0x9580];
	v5 =	vadd.f32 v48, v47  }
0x491: {  	v54 =	vld [tilespmem:s22+$0x9590]  }
0x492: {  	v55 =	vld [tilespmem:s22+$0x95A0];
	v47 =	vadd.f32 v51, v50  }
0x493: {  	v50 =	vld [tilespmem:s22+$0x95B0]  }
0x494: {  	v51 =	vld [tilespmem:s22+$0x95C0];
	v48 =	vadd.f32 v52, v49  }
0x495: {  	v6 =	vadd.f32 v53, v6;
	v49 =	vld [tilespmem:s22+$0x95D0]  }
0x496: {  	v7 =	vadd.f32 v54, v7;
	v52 =	vld [tilespmem:s22+$0x95E0]  }
0x497: {  	v8 =	vadd.f32 v55, v8;
	v53 =	vld [tilespmem:s22+$0x95F0]  }
0x498: {  	v9 =	vadd.f32 v50, v9;
	v50 =	vld [tilespmem:s22+$0x9980]  }
0x499: {  	v10 =	vadd.f32 v51, v10;
	v51 =	vld [tilespmem:s22+$0x9990]  }
0x49a: {  	v11 =	vadd.f32 v49, v11;
	v49 =	vld [tilespmem:s22+$0x99A0]  }
0x49b: {  	v12 =	vadd.f32 v52, v12;
	v52 =	vld [tilespmem:s22+$0x99B0]  }
0x49c: {  	v13 =	vadd.f32 v53, v13;
	v53 =	vld [tilespmem:s22+$0x99C0]  }
0x49d: {  	v14 =	vadd.f32 v50, v14;
	v50 =	vld [tilespmem:s22+$0x99D0]  }
0x49e: {  	v15 =	vadd.f32 v51, v15;
	v51 =	vld [tilespmem:s22+$0x99E0]  }
0x49f: {  	v16 =	vadd.f32 v49, v16;
	v49 =	vld [tilespmem:s22+$0x99F0]  }
0x4a0: {  	v17 =	vadd.f32 v52, v17;
	v52 =	vld [tilespmem:s22+$0x9D80]  }
0x4a1: {  	v18 =	vadd.f32 v53, v18;
	v53 =	vld [tilespmem:s22+$0x9D90]  }
0x4a2: {  	v19 =	vadd.f32 v50, v19;
	v50 =	vld [tilespmem:s22+$0x9DA0]  }
0x4a3: {  	v20 =	vadd.f32 v51, v20;
	v51 =	vld [tilespmem:s22+$0x9DB0]  }
0x4a4: {  	v21 =	vadd.f32 v49, v21;
	v49 =	vld [tilespmem:s22+$0x9DC0]  }
0x4a5: {  	v22 =	vadd.f32 v52, v22;
	v52 =	vld [tilespmem:s22+$0x9DD0]  }
0x4a6: {  	v23 =	vadd.f32 v53, v23;
	v53 =	vld [tilespmem:s22+$0x9DE0]  }
0x4a7: {  	v24 =	vadd.f32 v50, v24;
	v50 =	vld [tilespmem:s22+$0x9DF0]  }
0x4a8: {  	v25 =	vadd.f32 v51, v25;
	v51 =	vld [tilespmem:s22+$0xA180]  }
0x4a9: {  	v26 =	vadd.f32 v49, v26;
	v49 =	vld [tilespmem:s22+$0xA190]  }
0x4aa: {  	v27 =	vadd.f32 v52, v27;
	v52 =	vld [tilespmem:s22+$0xA1A0]  }
0x4ab: {  	v28 =	vadd.f32 v53, v28;
	v53 =	vld [tilespmem:s22+$0xA1B0]  }
0x4ac: {  	v29 =	vadd.f32 v50, v29;
	v50 =	vld [tilespmem:s22+$0xA1C0]  }
0x4ad: {  	v30 =	vadd.f32 v51, v30;
	v51 =	vld [tilespmem:s22+$0xA1D0]  }
0x4ae: {  	v31 =	vadd.f32 v49, v31;
	v49 =	vld [tilespmem:s22+$0xA1E0]  }
0x4af: {  	v32 =	vadd.f32 v52, v32;
	v52 =	vld [tilespmem:s22+$0xA1F0]  }
0x4b0: {  	v33 =	vadd.f32 v53, v33;
	v53 =	vld [tilespmem:s22+$0xA580]  }
0x4b1: {  	v34 =	vadd.f32 v50, v34;
	v50 =	vld [tilespmem:s22+$0xA590]  }
0x4b2: {  	v35 =	vadd.f32 v51, v35;
	v51 =	vld [tilespmem:s22+$0xA5A0]  }
0x4b3: {  	v36 =	vadd.f32 v49, v36;
	v49 =	vld [tilespmem:s22+$0xA5B0]  }
0x4b4: {  	v37 =	vadd.f32 v52, v37;
	v52 =	vld [tilespmem:s22+$0xA5C0]  }
0x4b5: {  	v38 =	vadd.f32 v53, v38;
	v53 =	vld [tilespmem:s22+$0xA5D0]  }
0x4b6: {  	v39 =	vadd.f32 v50, v39;
	v50 =	vld [tilespmem:s22+$0xA5E0]  }
0x4b7: {  	v40 =	vadd.f32 v51, v40;
	v51 =	vld [tilespmem:s22+$0xA5F0]  }
0x4b8: {  	v41 =	vadd.f32 v49, v41;
	v49 =	vld [tilespmem:s22+$0xA980]  }
0x4b9: {  	v42 =	vadd.f32 v52, v42;
	v52 =	vld [tilespmem:s22+$0xA990]  }
0x4ba: {  	v43 =	vadd.f32 v53, v43;
	v53 =	vld [tilespmem:s22+$0xA9A0]  }
0x4bb: {  	v44 =	vadd.f32 v50, v44;
	v50 =	vld [tilespmem:s22+$0xA9B0]  }
0x4bc: {  	v45 =	vadd.f32 v51, v45;
	v51 =	vld [tilespmem:s22+$0xA9C0]  }
0x4bd: {  	v46 =	vadd.f32 v49, v46;
	v49 =	vld [tilespmem:s22+$0xA9D0]  }
0x4be: {  	v52 =	vadd.f32 v52, v3;
	v3 =	vld [tilespmem:s22+$0xA9E0]  }
0x4bf: {  	[tilespmem:s22+$0x580] =	vst.add.f32.msk $0xffff, v6;
	v6 =	vadd.f32 v53, v0  }
0x4c0: {  	[tilespmem:s22+$0x590] =	vst.add.f32.msk $0xffff, v7;
	v4 =	vadd.f32 v50, v4  }
0x4c1: {  	[tilespmem:s22+$0x5A0] =	vst.add.f32.msk $0xffff, v8;
	v5 =	vadd.f32 v51, v5  }
0x4c2: {  	[tilespmem:s22+$0x5B0] =	vst.add.f32.msk $0xffff, v9;
	v0 =	vadd.f32 v49, v47  }
0x4c3: {  	[tilespmem:s22+$0x5C0] =	vst.add.f32.msk $0xffff, v10;
	v3 =	vadd.f32 v3, v48  }
0x4c4: {  	[tilespmem:s22+$0x5D0] =	vst.add.f32.msk $0xffff, v11  }
0x4c5: {  	[tilespmem:s22+$0x5E0] =	vst.add.f32.msk $0xffff, v12  }
0x4c6: {  	[tilespmem:s22+$0x5F0] =	vst.add.f32.msk $0xffff, v13  }
0x4c7: {  	[tilespmem:s22+$0x980] =	vst.add.f32.msk $0xffff, v14  }
0x4c8: {  	[tilespmem:s22+$0x990] =	vst.add.f32.msk $0xffff, v15  }
0x4c9: {  	[tilespmem:s22+$0x9A0] =	vst.add.f32.msk $0xffff, v16  }
0x4ca: {  	[tilespmem:s22+$0x9B0] =	vst.add.f32.msk $0xffff, v17  }
0x4cb: {  	[tilespmem:s22+$0x9C0] =	vst.add.f32.msk $0xffff, v18  }
0x4cc: {  	[tilespmem:s22+$0x9D0] =	vst.add.f32.msk $0xffff, v19  }
0x4cd: {  	[tilespmem:s22+$0x9E0] =	vst.add.f32.msk $0xffff, v20  }
0x4ce: {  	[tilespmem:s22+$0x9F0] =	vst.add.f32.msk $0xffff, v21  }
0x4cf: {  	[tilespmem:s22+$0xD80] =	vst.add.f32.msk $0xffff, v22  }
0x4d0: {  	[tilespmem:s22+$0xD90] =	vst.add.f32.msk $0xffff, v23  }
0x4d1: {  	[tilespmem:s22+$0xDA0] =	vst.add.f32.msk $0xffff, v24  }
0x4d2: {  	[tilespmem:s22+$0xDB0] =	vst.add.f32.msk $0xffff, v25  }
0x4d3: {  	[tilespmem:s22+$0xDC0] =	vst.add.f32.msk $0xffff, v26  }
0x4d4: {  	[tilespmem:s22+$0xDD0] =	vst.add.f32.msk $0xffff, v27  }
0x4d5: {  	[tilespmem:s22+$0xDE0] =	vst.add.f32.msk $0xffff, v28  }
0x4d6: {  	[tilespmem:s22+$0xDF0] =	vst.add.f32.msk $0xffff, v29  }
0x4d7: {  	[tilespmem:s22+$0x1180] =	vst.add.f32.msk $0xffff, v30  }
0x4d8: {  	[tilespmem:s22+$0x1190] =	vst.add.f32.msk $0xffff, v31  }
0x4d9: {  	[tilespmem:s22+$0x11A0] =	vst.add.f32.msk $0xffff, v32  }
0x4da: {  	[tilespmem:s22+$0x11B0] =	vst.add.f32.msk $0xffff, v33  }
0x4db: {  	[tilespmem:s22+$0x11C0] =	vst.add.f32.msk $0xffff, v34  }
0x4dc: {  	[tilespmem:s22+$0x11D0] =	vst.add.f32.msk $0xffff, v35  }
0x4dd: {  	[tilespmem:s22+$0x11E0] =	vst.add.f32.msk $0xffff, v36  }
0x4de: {  	[tilespmem:s22+$0x11F0] =	vst.add.f32.msk $0xffff, v37  }
0x4df: {  	[tilespmem:s22+$0x1580] =	vst.add.f32.msk $0xffff, v38  }
0x4e0: {  	[tilespmem:s22+$0x1590] =	vst.add.f32.msk $0xffff, v39  }
0x4e1: {  	[tilespmem:s22+$0x15A0] =	vst.add.f32.msk $0xffff, v40  }
0x4e2: {  	[tilespmem:s22+$0x15B0] =	vst.add.f32.msk $0xffff, v41  }
0x4e3: {  	[tilespmem:s22+$0x15C0] =	vst.add.f32.msk $0xffff, v42  }
0x4e4: {  	[tilespmem:s22+$0x15D0] =	vst.add.f32.msk $0xffff, v43  }
0x4e5: {  	[tilespmem:s22+$0x15E0] =	vst.add.f32.msk $0xffff, v44  }
0x4e6: {  	[tilespmem:s22+$0x15F0] =	vst.add.f32.msk $0xffff, v45  }
.Ltmp3:
0x4e7: {  	[tilespmem:s22+$0x1980] =	vst.add.f32.msk $0xffff, v46;
	(pc) =	sbr.rel @p2 .LBB2_8-.Ltmp3, $4  }
0x4e8: {  	[tilespmem:s22+$0x1990] =	vst.add.f32.msk $0xffff, v52  }
0x4e9: {  	[tilespmem:s22+$0x19A0] =	vst.add.f32.msk $0xffff, v6  }
0x4ea: {  	s0 =	sshrl.u32 s24, $0x3;
	[tilespmem:s22+$0x19B0] =	vst.add.f32.msk $0xffff, v4  }
0x4eb: {  	s25 =	sadd.s32 $0x80, s25;
	s24 =	sadd.s32 $0x1, s24;
	s0 =	smul.u32 $0x1800, s0;
	[tilespmem:s22+$0x19C0] =	vst.add.f32.msk $0xffff, v5  }
0x4ec: {  	s1 =	sand.u32 $0x380, s25;
	[tilespmem:s22+$0x19D0] =	vst.add.f32.msk $0xffff, v0  }
0x4ed: {  	[tilespmem:s22+$0x19E0] =	vst.add.f32.msk $0xffff, v3;
	s1 =	sor.u32 s1, s0  }
0x4ee: {  	v0 =	vld [tilespmem:s1+$0x49F0]  }
0x4ef: {  	v3 =	vld [tilespmem:s1+$0x79F0]  }
0x4f0: {  	v10 =	vld [tilespmem:s1+$0x3580]  }
0x4f1: {  	v4 =	vld [tilespmem:s1+$0xA9F0]  }
0x4f2: {  	v13 =	vld [tilespmem:s1+$0x6580]  }
0x4f3: {  	v16 =	vld [tilespmem:s1+$0x3590]  }
0x4f4: {  	v17 =	vld [tilespmem:s1+$0x6590]  }
0x4f5: {  	v18 =	vld [tilespmem:s1+$0x35A0]  }
0x4f6: {  	v19 =	vld [tilespmem:s1+$0x65A0]  }
0x4f7: {  	v24 =	vld [tilespmem:s1+$0x35B0]  }
0x4f8: {  	v26 =	vld [tilespmem:s1+$0x65B0]  }
0x4f9: {  	v27 =	vld [tilespmem:s1+$0x35C0]  }
0x4fa: {  	v28 =	vld [tilespmem:s1+$0x65C0]  }
0x4fb: {  	v31 =	vld [tilespmem:s1+$0x35D0]  }
0x4fc: {  	v33 =	vld [tilespmem:s1+$0x65D0]  }
0x4fd: {  	v34 =	vld [tilespmem:s1+$0x35E0]  }
0x4fe: {  	v35 =	vld [tilespmem:s1+$0x65E0]  }
0x4ff: {  	v36 =	vld [tilespmem:s1+$0x35F0]  }
0x500: {  	v38 =	vld [tilespmem:s1+$0x65F0]  }
0x501: {  	v39 =	vld [tilespmem:s1+$0x3980]  }
0x502: {  	v42 =	vld [tilespmem:s1+$0x6980]  }
0x503: {  	v44 =	vld [tilespmem:s1+$0x3990]  }
0x504: {  	v45 =	vld [tilespmem:s1+$0x6990]  }
0x505: {  	v46 =	vld [tilespmem:s1+$0x39A0]  }
0x506: {  	v47 =	vld [tilespmem:s1+$0x69A0]  }
0x507: {  	v52 =	vld [tilespmem:s1+$0x39B0]  }
0x508: {  	v53 =	vld [tilespmem:s1+$0x69B0]  }
0x509: {  	v54 =	vld [tilespmem:s1+$0x39C0]  }
0x50a: {  	v55 =	vld [tilespmem:s1+$0x69C0]  }
0x50b: {  	v56 =	vld [tilespmem:s1+$0x39D0]  }
0x50c: {  	v57 =	vld [tilespmem:s1+$0x69D0]  }
0x50d: {  	v58 =	vld [tilespmem:s1+$0x39E0]  }
0x50e: {  	v59 =	vld [tilespmem:s1+$0x69E0]  }
0x50f: {  	v61 =	vld [tilespmem:s1+$0x69F0]  }
0x510: {  	v63 =	vld [tilespmem:s1+$0x6D80]  }
0x511: {  	v49 =	vld [tilespmem:s1+$0x3D90]  }
0x512: {  	v51 =	vld [tilespmem:s1+$0x6D90]  }
0x513: {  	v48 =	vld [tilespmem:s1+$0x3DA0]  }
0x514: {  	v50 =	vld [tilespmem:s1+$0x6DA0]  }
0x515: {  	v40 =	vld [tilespmem:s1+$0x3DB0]  }
0x516: {  	v43 =	vld [tilespmem:s1+$0x6DB0]  }
0x517: {  	v37 =	vld [tilespmem:s1+$0x3DC0]  }
0x518: {  	v41 =	vld [tilespmem:s1+$0x6DC0]  }
0x519: {  	v29 =	vld [tilespmem:s1+$0x3DD0]  }
0x51a: {  	v32 =	vld [tilespmem:s1+$0x6DD0]  }
0x51b: {  	v5 =	vld [tilespmem:s1+$0x3DE0]  }
0x51c: {  	v30 =	vld [tilespmem:s1+$0x6DE0]  }
0x51d: {  	v7 =	vld [tilespmem:s1+$0x3DF0]  }
0x51e: {  	v6 =	vld [tilespmem:s1+$0x6DF0]  }
0x51f: {  	v25 =	vld [tilespmem:s1+$0x4180]  }
0x520: {  	v8 =	vld [tilespmem:s1+$0x7180]  }
0x521: {  	v22 =	vld [tilespmem:s1+$0x4190]  }
0x522: {  	v23 =	vld [tilespmem:s1+$0x7190]  }
0x523: {  	v20 =	vld [tilespmem:s1+$0x41A0]  }
0x524: {  	v21 =	vld [tilespmem:s1+$0x71A0]  }
0x525: {  	v11 =	vld [tilespmem:s1+$0x71B0]  }
0x526: {  	v12 =	vld [tilespmem:s1+$0x71C0]  }
0x527: {  	v14 =	vld [tilespmem:s1+$0x71D0]  }
0x528: {  	v9 =	vld [tilespmem:s1+$0x41E0]  }
0x529: {  	v15 =	vld [tilespmem:s1+$0x71E0]  }
0x52a: {  	v0 =	vadd.f32 v3, v0;
	v3 =	vld [tilespmem:s1+$0x39F0]  }
0x52b: {  	v1 =	vadd.f32 v13, v10;
	v10 =	vld [tilespmem:s1+$0x41F0]  }
0x52c: {  	v13 =	vld [tilespmem:s1+$0x71F0]  }
0x52d: {  	v62 =	vadd.f32 v17, v16;
	v16 =	vld [tilespmem:s1+$0x4580]  }
0x52e: {  	v17 =	vld [tilespmem:s1+$0x7580]  }
0x52f: {  	v18 =	vadd.f32 v19, v18;
	v19 =	vld [tilespmem:s1+$0x7590]  }
0x530: {  	v27 =	vadd.f32 v28, v27;
	v28 =	vld [tilespmem:s1+$0x75B0]  }
0x531: {  	v34 =	vadd.f32 v35, v34;
	v35 =	vld [tilespmem:s1+$0x75D0]  }
0x532: {  	v39 =	vadd.f32 v42, v39;
	v42 =	vld [tilespmem:s1+$0x75F0];
	v0 =	vadd.f32 v4, v0  }
0x533: {  	v46 =	vadd.f32 v47, v46;
	v47 =	vld [tilespmem:s1+$0x7990]  }
0x534: {  	[tilespmem:s1+$0x19F0] =	vst.add.f32.msk $0xffff, v0  }
0x535: {  	v0 =	vld [tilespmem:s1+$0x41B0]  }
0x536: {  	v55 =	vadd.f32 v55, v54;
	v54 =	vld [tilespmem:s1+$0x49B0]  }
0x537: {  	v58 =	vadd.f32 v59, v58;
	v59 =	vld [tilespmem:s1+$0x79D0]  }
0x538: {  	v48 =	vadd.f32 v50, v48;
	v50 =	vld [tilespmem:s1+$0xA180]  }
0x539: {  	v40 =	vadd.f32 v43, v40;
	v43 =	vld [tilespmem:s1+$0xA1B0]  }
0x53a: {  	[tilespmem:$0x1FAE0] =	vst v0;
	v0 =	vld [tilespmem:s1+$0x41C0]  }
0x53b: {  	v4 =	vld [tilespmem:s1+$0x3D80]  }
0x53c: {  	v37 =	vadd.f32 v41, v37;
	v41 =	vld [tilespmem:s1+$0xA1E0]  }
0x53d: {  	v29 =	vadd.f32 v32, v29;
	v32 =	vld [tilespmem:s1+$0xA590]  }
0x53e: {  	v5 =	vadd.f32 v30, v5;
	v30 =	vld [tilespmem:s1+$0xA5B0]  }
0x53f: {  	[tilespmem:$0x1FAF0] =	vst v0;
	v0 =	vld [tilespmem:s1+$0x41D0]  }
0x540: {  	v4 =	vadd.f32 v63, v4;
	v63 =	vld [tilespmem:s1+$0x9DA0]  }
0x541: {  	v6 =	vadd.f32 v6, v7;
	v7 =	vld [tilespmem:s1+$0xA5D0]  }
0x542: {  	v8 =	vadd.f32 v8, v25;
	v20 =	vadd.f32 v21, v20;
	v21 =	vld [tilespmem:s1+$0xA9B0]  }
0x543: {  	v25 =	vld [tilespmem:s1+$0xA9D0]  }
0x544: {  	v8 =	vadd.f32 v50, v8;
	[tilespmem:$0x1FB00] =	vst v0;
	v0 =	vld [tilespmem:s1+$0x9580]  }
0x545: {  	v3 =	vadd.f32 v61, v3;
	v61 =	vld [tilespmem:s1+$0x79E0];
	v48 =	vadd.f32 v63, v48  }
0x546: {  	[tilespmem:s1+$0x1180] =	vst.add.f32.msk $0xffff, v8  }
0x547: {  	[tilespmem:s1+$0xDA0] =	vst.add.f32.msk $0xffff, v48  }
0x548: {  	v48 =	vld [tilespmem:s1+$0xA1A0]  }
0x549: {  	v8 =	vld [tilespmem:s1+$0xA980];
	v0 =	vadd.f32 v0, v1  }
0x54a: {  	v50 =	vld [tilespmem:$0x1FAF0]  }
0x54b: {  	v9 =	vadd.f32 v15, v9;
	[tilespmem:s1+$0x580] =	vst.add.f32.msk $0xffff, v0  }
0x54c: {  	v0 =	vld [tilespmem:s1+$0x95A0]  }
0x54d: {  	v9 =	vadd.f32 v41, v9;
	v20 =	vadd.f32 v48, v20;
	v48 =	vld [tilespmem:$0x1FAE0]  }
0x54e: {  	v63 =	vld [tilespmem:s1+$0xA1C0]  }
0x54f: {  	[tilespmem:s1+$0x11E0] =	vst.add.f32.msk $0xffff, v9  }
0x550: {  	[tilespmem:s1+$0x11A0] =	vst.add.f32.msk $0xffff, v20  }
0x551: {  	v12 =	vadd.f32 v12, v50;
	v20 =	vld [tilespmem:s1+$0xA9A0];
	v0 =	vadd.f32 v0, v18  }
0x552: {  	v1 =	vld [tilespmem:s1+$0x9590];
	v11 =	vadd.f32 v11, v48  }
0x553: {  	v12 =	vadd.f32 v63, v12;
	[tilespmem:s1+$0x5A0] =	vst.add.f32.msk $0xffff, v0  }
0x554: {  	v11 =	vadd.f32 v43, v11;
	v0 =	vld [tilespmem:s1+$0x95C0]  }
0x555: {  	[tilespmem:s1+$0x11C0] =	vst.add.f32.msk $0xffff, v12  }
0x556: {  	[tilespmem:s1+$0x11B0] =	vst.add.f32.msk $0xffff, v11  }
0x557: {  	v62 =	vadd.f32 v1, v62;
	v1 =	vld [tilespmem:s1+$0x4590]  }
0x558: {  	v18 =	vld [tilespmem:s1+$0x95B0]  }
0x559: {  	[tilespmem:s1+$0x590] =	vst.add.f32.msk $0xffff, v62;
	v0 =	vadd.f32 v0, v27  }
0x55a: {  	v62 =	vadd.f32 v26, v24;
	v24 =	vld [tilespmem:s1+$0x45A0]  }
0x55b: {  	[tilespmem:s1+$0x5C0] =	vst.add.f32.msk $0xffff, v0  }
0x55c: {  	v0 =	vld [tilespmem:s1+$0x95E0]  }
0x55d: {  	v26 =	vld [tilespmem:s1+$0x75A0];
	v62 =	vadd.f32 v18, v62  }
0x55e: {  	v18 =	vld [tilespmem:s1+$0x45B0]  }
0x55f: {  	[tilespmem:s1+$0x5B0] =	vst.add.f32.msk $0xffff, v62  }
0x560: {  	v1 =	vadd.f32 v19, v1;
	v27 =	vld [tilespmem:s1+$0x95D0]  }
0x561: {  	v62 =	vadd.f32 v33, v31;
	v31 =	vld [tilespmem:s1+$0x45C0];
	v0 =	vadd.f32 v0, v34  }
0x562: {  	v33 =	vld [tilespmem:s1+$0x75C0]  }
0x563: {  	v1 =	vadd.f32 v32, v1;
	[tilespmem:s1+$0x5E0] =	vst.add.f32.msk $0xffff, v0  }
0x564: {  	v0 =	vld [tilespmem:s1+$0x9980]  }
0x565: {  	[tilespmem:s1+$0x1590] =	vst.add.f32.msk $0xffff, v1;
	v62 =	vadd.f32 v27, v62  }
0x566: {  	v27 =	vld [tilespmem:s1+$0x45D0]  }
0x567: {  	[tilespmem:s1+$0x5D0] =	vst.add.f32.msk $0xffff, v62  }
0x568: {  	v34 =	vld [tilespmem:s1+$0x95F0]  }
0x569: {  	v62 =	vadd.f32 v38, v36;
	v36 =	vld [tilespmem:s1+$0x45E0];
	v0 =	vadd.f32 v0, v39  }
0x56a: {  	v48 =	vadd.f32 v28, v18;
	v39 =	vld [tilespmem:s1+$0x9990]  }
0x56b: {  	[tilespmem:s1+$0x980] =	vst.add.f32.msk $0xffff, v0  }
0x56c: {  	v9 =	vadd.f32 v30, v48;
	v0 =	vld [tilespmem:s1+$0x99A0]  }
0x56d: {  	v38 =	vld [tilespmem:s1+$0x75E0];
	v62 =	vadd.f32 v34, v62  }
0x56e: {  	[tilespmem:s1+$0x15B0] =	vst.add.f32.msk $0xffff, v9  }
0x56f: {  	[tilespmem:s1+$0x5F0] =	vst.add.f32.msk $0xffff, v62;
	v62 =	vadd.f32 v45, v44  }
0x570: {  	v34 =	vld [tilespmem:s1+$0x45F0]  }
0x571: {  	v62 =	vadd.f32 v39, v62;
	v0 =	vadd.f32 v0, v46;
	v46 =	vld [tilespmem:s1+$0x99B0]  }
0x572: {  	v44 =	vld [tilespmem:s1+$0x4980]  }
0x573: {  	[tilespmem:s1+$0x990] =	vst.add.f32.msk $0xffff, v62  }
0x574: {  	v62 =	vadd.f32 v53, v52;
	[tilespmem:s1+$0x9A0] =	vst.add.f32.msk $0xffff, v0  }
0x575: {  	v0 =	vld [tilespmem:s1+$0x99C0]  }
0x576: {  	v45 =	vld [tilespmem:s1+$0x7980];
	v46 =	vadd.f32 v46, v62  }
0x577: {  	v39 =	vld [tilespmem:s1+$0x4990]  }
0x578: {  	[tilespmem:s1+$0x9B0] =	vst.add.f32.msk $0xffff, v46  }
0x579: {  	v46 =	vld [tilespmem:s1+$0x99D0]  }
0x57a: {  	v52 =	vld [tilespmem:s1+$0x49A0];
	v0 =	vadd.f32 v0, v55  }
0x57b: {  	v53 =	vld [tilespmem:s1+$0x79A0]  }
0x57c: {  	v55 =	vadd.f32 v57, v56;
	[tilespmem:s1+$0x9C0] =	vst.add.f32.msk $0xffff, v0  }
0x57d: {  	v0 =	vld [tilespmem:s1+$0x99E0]  }
0x57e: {  	v62 =	vld [tilespmem:s1+$0x79B0];
	v46 =	vadd.f32 v46, v55  }
0x57f: {  	v56 =	vld [tilespmem:s1+$0x49C0]  }
0x580: {  	[tilespmem:s1+$0x9D0] =	vst.add.f32.msk $0xffff, v46  }
0x581: {  	v46 =	vld [tilespmem:s1+$0x99F0]  }
0x582: {  	v57 =	vld [tilespmem:s1+$0x79C0];
	v0 =	vadd.f32 v0, v58  }
0x583: {  	v55 =	vld [tilespmem:s1+$0x49D0]  }
0x584: {  	[tilespmem:s1+$0x9E0] =	vst.add.f32.msk $0xffff, v0  }
0x585: {  	v0 =	vld [tilespmem:s1+$0x9D80]  }
0x586: {  	v58 =	vld [tilespmem:s1+$0x49E0];
	v3 =	vadd.f32 v46, v3  }
0x587: {  	v46 =	vld [tilespmem:s1+$0x9D90]  }
0x588: {  	[tilespmem:s1+$0x9F0] =	vst.add.f32.msk $0xffff, v3  }
0x589: {  	v3 =	vld [tilespmem:s1+$0x9DB0]  }
0x58a: {  	v0 =	vadd.f32 v0, v4;
	v4 =	vadd.f32 v51, v49;
	v49 =	vld [tilespmem:s1+$0x9DD0]  }
0x58b: {  	v51 =	vld [tilespmem:s1+$0x9DE0]  }
0x58c: {  	[tilespmem:s1+$0xD80] =	vst.add.f32.msk $0xffff, v0  }
0x58d: {  	v0 =	vld [tilespmem:s1+$0x9DC0];
	v4 =	vadd.f32 v46, v4  }
0x58e: {  	v46 =	vld [tilespmem:s1+$0x9DF0]  }
0x58f: {  	[tilespmem:s1+$0xD90] =	vst.add.f32.msk $0xffff, v4  }
0x590: {  	v4 =	vld [tilespmem:s1+$0xA190]  }
0x591: {  	v3 =	vadd.f32 v3, v40;
	v40 =	vld [tilespmem:s1+$0xA1D0]  }
0x592: {  	v29 =	vadd.f32 v49, v29;
	v49 =	vld [tilespmem:s1+$0xA5C0]  }
0x593: {  	v5 =	vadd.f32 v51, v5;
	v51 =	vld [tilespmem:$0x1FB00]  }
0x594: {  	[tilespmem:s1+$0xDB0] =	vst.add.f32.msk $0xffff, v3  }
0x595: {  	v3 =	vld [tilespmem:s1+$0xA1F0]  }
0x596: {  	v0 =	vadd.f32 v0, v37;
	v37 =	vld [tilespmem:s1+$0xA5A0]  }
0x597: {  	[tilespmem:s1+$0xDD0] =	vst.add.f32.msk $0xffff, v29  }
0x598: {  	[tilespmem:s1+$0xDE0] =	vst.add.f32.msk $0xffff, v5  }
0x599: {  	v5 =	vld [tilespmem:s1+$0xA5E0]  }
0x59a: {  	v29 =	vld [tilespmem:s1+$0xA9E0]  }
0x59b: {  	v6 =	vadd.f32 v46, v6;
	[tilespmem:s1+$0xDC0] =	vst.add.f32.msk $0xffff, v0  }
0x59c: {  	v22 =	vadd.f32 v23, v22;
	v0 =	vld [tilespmem:s1+$0xA580]  }
0x59d: {  	[tilespmem:s1+$0xDF0] =	vst.add.f32.msk $0xffff, v6  }
0x59e: {  	v6 =	vld [tilespmem:s1+$0xA5F0];
	v4 =	vadd.f32 v4, v22;
	v14 =	vadd.f32 v14, v51  }
0x59f: {  	v10 =	vadd.f32 v13, v10;
	v22 =	vld [tilespmem:s1+$0xA9C0]  }
0x5a0: {  	v1 =	vadd.f32 v38, v36;
	[tilespmem:s1+$0x1190] =	vst.add.f32.msk $0xffff, v4;
	v40 =	vadd.f32 v40, v14  }
0x5a1: {  	v43 =	vadd.f32 v17, v16;
	v4 =	vld [tilespmem:s1+$0xA990];
	v3 =	vadd.f32 v3, v10  }
0x5a2: {  	v46 =	vadd.f32 v26, v24;
	v1 =	vadd.f32 v5, v1;
	[tilespmem:s1+$0x11D0] =	vst.add.f32.msk $0xffff, v40  }
0x5a3: {  	v0 =	vadd.f32 v0, v43;
	[tilespmem:s1+$0x11F0] =	vst.add.f32.msk $0xffff, v3;
	v3 =	vadd.f32 v33, v31  }
0x5a4: {  	v10 =	vadd.f32 v37, v46;
	[tilespmem:s1+$0x15E0] =	vst.add.f32.msk $0xffff, v1;
	v1 =	vadd.f32 v62, v54  }
0x5a5: {  	[tilespmem:s1+$0x1580] =	vst.add.f32.msk $0xffff, v0;
	v0 =	vadd.f32 v35, v27;
	v3 =	vadd.f32 v49, v3  }
0x5a6: {  	[tilespmem:s1+$0x15A0] =	vst.add.f32.msk $0xffff, v10;
	v49 =	vadd.f32 v42, v34;
	v1 =	vadd.f32 v21, v1  }
0x5a7: {  	v50 =	vadd.f32 v45, v44;
	v0 =	vadd.f32 v7, v0;
	[tilespmem:s1+$0x15C0] =	vst.add.f32.msk $0xffff, v3  }
0x5a8: {  	v3 =	vadd.f32 v47, v39;
	v51 =	vadd.f32 v6, v49;
	[tilespmem:s1+$0x19B0] =	vst.add.f32.msk $0xffff, v1  }
0x5a9: {  	[tilespmem:s1+$0x15D0] =	vst.add.f32.msk $0xffff, v0;
	v0 =	vadd.f32 v53, v52;
	v53 =	vadd.f32 v8, v50  }
0x5aa: {  	s29 =	rddreg [dreg:$0x7];
	v62 =	vadd.f32 v57, v56;
	v3 =	vadd.f32 v4, v3;
	[tilespmem:s1+$0x15F0] =	vst.add.f32.msk $0xffff, v51  }
0x5ab: {  	s2 =	rddreg [dreg:$0x18];
	v63 =	vadd.f32 v59, v55;
	v0 =	vadd.f32 v20, v0;
	[tilespmem:s1+$0x1980] =	vst.add.f32.msk $0xffff, v53  }
0x5ac: {  	p2 =	seq.s32 s8, $0x7;
	s0 =	sor.u32 s29, s2;
	v4 =	vadd.f32 v22, v62;
	[tilespmem:s1+$0x1990] =	vst.add.f32.msk $0xffff, v3;
	v3 =	vadd.f32 v61, v58  }
.Ltmp4:
0x5ad: {  	s0 =	sshrl.u32 s0, $0x3;
	[tilespmem:s1+$0x19A0] =	vst.add.f32.msk $0xffff, v0;
	v0 =	vadd.f32 v25, v63;
	(pc) =	sbr.rel @p2 .LBB2_11-.Ltmp4, $4  }
0x5ae: {  	s0 =	smul.u32 $0x300, s0;
	[tilespmem:s1+$0x19C0] =	vst.add.f32.msk $0xffff, v4;
	v1 =	vadd.f32 v29, v3  }
0x5af: {  	s30 =	rddreg [dreg:$0x8];
	[tilespmem:s1+$0x19D0] =	vst.add.f32.msk $0xffff, v0  }
0x5b0: {  	s4 =	simm.s32 $0x0;
	s31 =	simm.s32 $0x580;
	s0 =	sadd.s32 s30, s0;
	[tilespmem:s1+$0x19E0] =	vst.add.f32.msk $0xffff, v1  }
0x5b1: {  	[hbm4b:s0+s4] =	stream.linear.scatter [tilespmem:s31], [sflag:$0x3], $0x3000, $0x38;
	[tilespmem:$0x18580] =	vst v63  }
0x5b2: {  	s0 =	sadd.s32 $0x20, s2  }
0x5b3: {  	s1 =	sshll.u32 s0, $0x2  }
0x5b4: {  	s2 =	sand.u32 $0x60, s0;
	s3 =	sand.u32 $0x600, s1  }
0x5b5: {  	s2 =	sor.u32 s2, s3  }
0x5b6: {  	v0 =	vld [tilespmem:s2+$0x180];
	_ =	sdelay $0x3  }
0x5b7: {  	v3 =	vld [tilespmem:$0x1FFC0]  }
0x5b8: {  	v1 =	vshrl.u32 v0, $0x3  }
0x5b9: {  	v4 =	vld [tilespmem:$0x1FFD0];
	v1 =	vmul.u32 $0x30, v1  }
0x5ba: {  	v0 =	vand.u32 $0x7, v0  }
0x5bb: {  	v0 =	vor.u32 v0, v1  }
0x5bc: {  	v5 =	vld [tilespmem:$0x1FFE0];
	v1 =	vperm.xlane v0, v3  }
0x5bd: {  	v6 =	vld [tilespmem:$0x1FFF0]  }
0x5be: {  	v1 =	vadd.s32 v4, v1;
	_ =	sdelay $0x3  }
0x5bf: {  	s20 =	rddreg [dreg:$0x1];
	s5 =	simm.s32 $0x580;
	vm9 =	vnez.u8 v6;
	v0 =	vperm.xlane v0, v5  }
0x5c0: {  	[tilespmem:s5], [sflag:$0x1] =	stream.indirect_vreg.gather [hbm4b:s20+s4], $0x80, v1, vm9, $0xb8;
	[tilespmem:$0x18580] =	vst v63  }
0x5c1: {  	s21 =	rddreg [dreg:$0xc];
	s6 =	simm.s32 $0xD80;
	v0 =	vadd.s32 v4, v0  }
0x5c2: {  	[tilespmem:s6], [sflag:$0x1] =	stream.indirect_vreg.gather [hbm4b:s21+s4], $0x80, v1, vm9, $0xb8;
	[tilespmem:$0x18580] =	vst v63  }
0x5c3: {  	s22 =	rddreg [dreg:$0xd];
	s7 =	simm.s32 $0x1580  }
0x5c4: {  	[tilespmem:s7], [sflag:$0x1] =	stream.indirect_vreg.gather [hbm4b:s22+s4], $0x80, v1, vm9, $0xb8;
	[tilespmem:$0x18580] =	vst v63  }
0x5c5: {  	s23 =	simm.s32 $0x1D80  }
0x5c6: {  	[tilespmem:s23], [sflag:$0x1] =	stream.indirect_vreg.gather [hbm4b:s20+s4], $0x80, v0, vm9, $0xb8;
	[tilespmem:$0x18580] =	vst v63  }
0x5c7: {  	s24 =	simm.s32 $0x2580  }
0x5c8: {  	[tilespmem:s24], [sflag:$0x1] =	stream.indirect_vreg.gather [hbm4b:s21+s4], $0x80, v0, vm9, $0xb8;
	[tilespmem:$0x18580] =	vst v63  }
0x5c9: {  	s25 =	simm.s32 $0x2D80  }
0x5ca: {  	[tilespmem:s25], [sflag:$0x1] =	stream.indirect_vreg.gather [hbm4b:s22+s4], $0x80, v0, vm9, $0xb8;
	[tilespmem:$0x18580] =	vst v63  }
0x5cb: {  	v0 =	vld [tilespmem:s2+$0x200];
	_ =	sdelay $0x4  }
0x5cc: {  	v1 =	vshrl.u32 v0, $0x3  }
0x5cd: {  	v1 =	vmul.u32 $0x30, v1  }
0x5ce: {  	v0 =	vand.u32 $0x7, v0  }
0x5cf: {  	v0 =	vor.u32 v0, v1  }
0x5d0: {  	v1 =	vperm.xlane v0, v3;
	_ =	sdelay $0x1  }
0x5d1: {  	v1 =	vadd.s32 v4, v1;
	_ =	sdelay $0x3  }
0x5d2: {  	s26 =	rddreg [dreg:$0x2];
	s28 =	simm.s32 $0x3580;
	v0 =	vperm.xlane v0, v5  }
0x5d3: {  	[tilespmem:s28], [sflag:$0x1] =	stream.indirect_vreg.gather [hbm4b:s26+s4], $0x80, v1, vm9, $0xb8;
	[tilespmem:$0x18580] =	vst v63  }
0x5d4: {  	s29 =	rddreg [dreg:$0xe];
	s30 =	simm.s32 $0x3D80;
	v0 =	vadd.s32 v4, v0  }
0x5d5: {  	[tilespmem:s30], [sflag:$0x1] =	stream.indirect_vreg.gather [hbm4b:s29+s4], $0x80, v1, vm9, $0xb8;
	[tilespmem:$0x18580] =	vst v63  }
0x5d6: {  	s31 =	rddreg [dreg:$0xf];
	s9 =	simm.s32 $0x4580  }
0x5d7: {  	[tilespmem:s9], [sflag:$0x1] =	stream.indirect_vreg.gather [hbm4b:s31+s4], $0x80, v1, vm9, $0xb8;
	[tilespmem:$0x18580] =	vst v63  }
0x5d8: {  	s10 =	simm.s32 $0x4D80  }
0x5d9: {  	[tilespmem:s10], [sflag:$0x1] =	stream.indirect_vreg.gather [hbm4b:s26+s4], $0x80, v0, vm9, $0xb8;
	[tilespmem:$0x18580] =	vst v63  }
0x5da: {  	s11 =	simm.s32 $0x5580  }
0x5db: {  	[tilespmem:s11], [sflag:$0x1] =	stream.indirect_vreg.gather [hbm4b:s29+s4], $0x80, v0, vm9, $0xb8;
	[tilespmem:$0x18580] =	vst v63  }
0x5dc: {  	s12 =	simm.s32 $0x5D80  }
0x5dd: {  	[tilespmem:s12], [sflag:$0x1] =	stream.indirect_vreg.gather [hbm4b:s31+s4], $0x80, v0, vm9, $0xb8;
	[tilespmem:$0x18580] =	vst v63  }
0x5de: {  	v0 =	vld [tilespmem:s2+$0x280];
	_ =	sdelay $0x4  }
0x5df: {  	v1 =	vshrl.u32 v0, $0x3  }
0x5e0: {  	v1 =	vmul.u32 $0x30, v1  }
0x5e1: {  	v0 =	vand.u32 $0x7, v0  }
0x5e2: {  	v0 =	vor.u32 v0, v1  }
0x5e3: {  	v1 =	vperm.xlane v0, v3;
	_ =	sdelay $0x1  }
0x5e4: {  	v1 =	vadd.s32 v4, v1;
	_ =	sdelay $0x3  }
0x5e5: {  	s13 =	rddreg [dreg:$0x3];
	s14 =	simm.s32 $0x6580;
	v0 =	vperm.xlane v0, v5  }
0x5e6: {  	[tilespmem:s14], [sflag:$0x1] =	stream.indirect_vreg.gather [hbm4b:s13+s4], $0x80, v1, vm9, $0xb8;
	[tilespmem:$0x18580] =	vst v63  }
0x5e7: {  	s15 =	rddreg [dreg:$0x10];
	s16 =	simm.s32 $0x6D80;
	v0 =	vadd.s32 v4, v0  }
0x5e8: {  	[tilespmem:s16], [sflag:$0x1] =	stream.indirect_vreg.gather [hbm4b:s15+s4], $0x80, v1, vm9, $0xb8;
	[tilespmem:$0x18580] =	vst v63  }
0x5e9: {  	s17 =	rddreg [dreg:$0x11];
	s18 =	simm.s32 $0x7580  }
0x5ea: {  	[tilespmem:s18], [sflag:$0x1] =	stream.indirect_vreg.gather [hbm4b:s17+s4], $0x80, v1, vm9, $0xb8;
	[tilespmem:$0x18580] =	vst v63  }
0x5eb: {  	s19 =	simm.s32 $0x7D80  }
0x5ec: {  	[tilespmem:s19], [sflag:$0x1] =	stream.indirect_vreg.gather [hbm4b:s13+s4], $0x80, v0, vm9, $0xb8;
	[tilespmem:$0x18580] =	vst v63  }
0x5ed: {  	s0 =	sor.u32 s1, s0;
	s20 =	simm.s32 $0x8580  }
0x5ee: {  	[tilespmem:s20], [sflag:$0x1] =	stream.indirect_vreg.gather [hbm4b:s15+s4], $0x80, v0, vm9, $0xb8;
	[tilespmem:$0x18580] =	vst v63  }
0x5ef: {  	s0 =	sor.u32 $0x180, s0;
	s21 =	simm.s32 $0x8D80  }
0x5f0: {  	[tilespmem:s21], [sflag:$0x1] =	stream.indirect_vreg.gather [hbm4b:s17+s4], $0x80, v0, vm9, $0xb8;
	[tilespmem:$0x18580] =	vst v63  }
0x5f1: {  	v0 =	vld [tilespmem:s0+$0x180];
	_ =	sdelay $0x4  }
0x5f2: {  	v1 =	vshrl.u32 v0, $0x3  }
0x5f3: {  	v1 =	vmul.u32 $0x30, v1  }
0x5f4: {  	v0 =	vand.u32 $0x7, v0  }
0x5f5: {  	v0 =	vor.u32 v0, v1  }
0x5f6: {  	v1 =	vperm.xlane v0, v3;
	_ =	sdelay $0x1  }
0x5f7: {  	v1 =	vadd.s32 v4, v1;
	_ =	sdelay $0x3  }
0x5f8: {  	s23 =	simm.s32 $0x9580;
	s22 =	rddreg [dreg:$0x4];
	v0 =	vperm.xlane v0, v5  }
0x5f9: {  	[tilespmem:s23], [sflag:$0x1] =	stream.indirect_vreg.gather [hbm4b:s22+s4], $0x80, v1, vm9, $0xb8;
	[tilespmem:$0x18580] =	vst v63  }
0x5fa: {  	s24 =	rddreg [dreg:$0x12];
	s25 =	simm.s32 $0x9D80;
	v0 =	vadd.s32 v4, v0  }
0x5fb: {  	[tilespmem:s25], [sflag:$0x1] =	stream.indirect_vreg.gather [hbm4b:s24+s4], $0x80, v1, vm9, $0xb8;
	[tilespmem:$0x18580] =	vst v63  }
0x5fc: {  	s28 =	simm.s32 $0xA580;
	s26 =	rddreg [dreg:$0x13]  }
0x5fd: {  	[tilespmem:s28], [sflag:$0x1] =	stream.indirect_vreg.gather [hbm4b:s26+s4], $0x80, v1, vm9, $0xb8;
	[tilespmem:$0x18580] =	vst v63  }
0x5fe: {  	s29 =	simm.s32 $0xAD80  }
0x5ff: {  	[tilespmem:s29], [sflag:$0x1] =	stream.indirect_vreg.gather [hbm4b:s22+s4], $0x80, v0, vm9, $0xb8;
	[tilespmem:$0x18580] =	vst v63  }
0x600: {  	s30 =	simm.s32 $0xB580  }
0x601: {  	[tilespmem:s30], [sflag:$0x1] =	stream.indirect_vreg.gather [hbm4b:s24+s4], $0x80, v0, vm9, $0xb8;
	[tilespmem:$0x18580] =	vst v63  }
0x602: {  	s31 =	simm.s32 $0xBD80  }
0x603: {  	[tilespmem:s31], [sflag:$0x1] =	stream.indirect_vreg.gather [hbm4b:s26+s4], $0x80, v0, vm9, $0xb8;
	[tilespmem:$0x18580] =	vst v63  }
.LBB2_11:
0x604: {  	s0 =	simm.s32 $0x2  }
0x605: {  	_ =	swait.ge [sflag:s0], $0x3000  }
0x606: {  	[sflag:s0] =	ssyncset.done $0x0  }
0x607: {  	[sflag:s0] =	ssyncadd.s32 $0xFFFFD000  }
0x608: {  	_ =	swait.ge [sflag:s0], $0x3000  }
0x609: {  	[sflag:s0] =	ssyncset.done $0x0  }
0x60a: {  	[sflag:s0] =	ssyncadd.s32 $0xFFFFD000  }
0x60b: {  	_ =	swait.ge [sflag:s0], $0x3000  }
0x60c: {  	[sflag:s0] =	ssyncset.done $0x0  }
0x60d: {  	[sflag:s0] =	ssyncadd.s32 $0xFFFFD000  }
0x60e: {  	_ =	swait.ge [sflag:s0], $0x3000  }
0x60f: {  	[sflag:s0] =	ssyncset.done $0x0  }
0x610: {  	[sflag:s0] =	ssyncadd.s32 $0xFFFFD000;
	s0 =	simm.s32 @!p1 $0x4  }
0x611: {  	_ =	swait.ge @!p1 [sflag:s0], $0x3000  }
0x612: {  	[sflag:s0] =	ssyncset.done @!p1 $0x0  }
0x613: {  	s1 =	simm.s32 $0x0;
	s2 =	simm.s32 $0x0;
	[sflag:s0] =	ssyncadd.s32 @!p1 $0xFFFFD000  }
.LBB2_12:
0x614: {  	s0 =	sshrl.u32 s2, $0x3  }
0x615: {  	s0 =	smul.u32 $0x1800, s0  }
0x616: {  	s3 =	sand.u32 $0x380, s1  }
0x617: {  	s3 =	sor.u32 s3, s0  }
0x618: {  	v0 =	vld [tilespmem:s3+$0xF580]  }
0x619: {  	v1 =	vld [tilespmem:s3+$0x12580]  }
0x61a: {  	v3 =	vld [tilespmem:s3+$0x15580]  }
0x61b: {  	v4 =	vld [tilespmem:s3+$0xF590]  }
0x61c: {  	v5 =	vld [tilespmem:s3+$0x12590]  }
0x61d: {  	v6 =	vld [tilespmem:s3+$0xF5A0]  }
0x61e: {  	v7 =	vld [tilespmem:s3+$0x125A0]  }
0x61f: {  	v8 =	vld [tilespmem:s3+$0x15590]  }
0x620: {  	v9 =	vld [tilespmem:s3+$0x155A0]  }
0x621: {  	v56 =	vld [tilespmem:s3+$0xF5C0]  }
0x622: {  	v57 =	vld [tilespmem:s3+$0x125C0]  }
0x623: {  	v58 =	vld [tilespmem:s3+$0x155C0]  }
0x624: {  	v59 =	vld [tilespmem:s3+$0xF5D0]  }
0x625: {  	v61 =	vld [tilespmem:s3+$0x125D0]  }
0x626: {  	v62 =	vld [tilespmem:s3+$0x155D0]  }
0x627: {  	v10 =	vld [tilespmem:s3+$0xF5E0]  }
0x628: {  	v11 =	vld [tilespmem:s3+$0x125E0]  }
0x629: {  	v12 =	vld [tilespmem:s3+$0x155E0]  }
0x62a: {  	v13 =	vld [tilespmem:s3+$0xF5F0]  }
0x62b: {  	v14 =	vld [tilespmem:s3+$0x125F0]  }
0x62c: {  	v15 =	vld [tilespmem:s3+$0x155F0]  }
0x62d: {  	v16 =	vld [tilespmem:s3+$0xF980]  }
0x62e: {  	v17 =	vld [tilespmem:s3+$0x12980]  }
0x62f: {  	v63 =	vld [tilespmem:s3+$0x12990]  }
0x630: {  	v18 =	vld [tilespmem:s3+$0x15980]  }
0x631: {  	v20 =	vld [tilespmem:s3+$0x15990]  }
0x632: {  	v23 =	vld [tilespmem:s3+$0xF9B0]  }
0x633: {  	v24 =	vld [tilespmem:s3+$0x129B0]  }
0x634: {  	v25 =	vld [tilespmem:s3+$0x159B0]  }
0x635: {  	v26 =	vld [tilespmem:s3+$0xF9C0]  }
0x636: {  	v27 =	vld [tilespmem:s3+$0x129C0]  }
0x637: {  	v28 =	vld [tilespmem:s3+$0x159C0]  }
0x638: {  	v29 =	vld [tilespmem:s3+$0xF9D0]  }
0x639: {  	v30 =	vld [tilespmem:s3+$0x129D0]  }
0x63a: {  	v31 =	vld [tilespmem:s3+$0x159D0]  }
0x63b: {  	v32 =	vld [tilespmem:s3+$0xF9E0]  }
0x63c: {  	v33 =	vld [tilespmem:s3+$0x129E0]  }
0x63d: {  	v34 =	vld [tilespmem:s3+$0x159E0]  }
0x63e: {  	v35 =	vld [tilespmem:s3+$0xF9F0]  }
0x63f: {  	v36 =	vld [tilespmem:s3+$0x129F0]  }
0x640: {  	v37 =	vld [tilespmem:s3+$0x12D80];
	v0 =	vadd.f32 v1, v0  }
0x641: {  	v38 =	vld [tilespmem:s3+$0x159F0];
	v1 =	vadd.f32 v5, v4  }
0x642: {  	v40 =	vld [tilespmem:s3+$0x15D80];
	v0 =	vadd.f32 v3, v0  }
0x643: {  	v43 =	vld [tilespmem:s3+$0xFDA0];
	v3 =	vadd.f32 v7, v6;
	v1 =	vadd.f32 v8, v1  }
0x644: {  	[tilespmem:s3+$0xC580] =	vst.add.f32.msk $0xffff, v0  }
0x645: {  	v0 =	vadd.f32 v9, v3;
	[tilespmem:s3+$0xC590] =	vst.add.f32.msk $0xffff, v1  }
0x646: {  	v1 =	vld [tilespmem:s3+$0x125B0]  }
0x647: {  	[tilespmem:s3+$0xC5A0] =	vst.add.f32.msk $0xffff, v0  }
0x648: {  	v0 =	vld [tilespmem:s3+$0xF5B0]  }
0x649: {  	v44 =	vld [tilespmem:s3+$0x12DA0]  }
0x64a: {  	v3 =	vld [tilespmem:s3+$0x155B0]  }
0x64b: {  	v45 =	vld [tilespmem:s3+$0x15DA0]  }
0x64c: {  	v46 =	vld [tilespmem:s3+$0xFDB0]  }
0x64d: {  	v47 =	vld [tilespmem:s3+$0x12DB0];
	v0 =	vadd.f32 v1, v0  }
0x64e: {  	v1 =	vld [tilespmem:s3+$0xF990]  }
0x64f: {  	v48 =	vld [tilespmem:s3+$0x15DB0];
	v0 =	vadd.f32 v3, v0;
	v3 =	vadd.f32 v61, v59  }
0x650: {  	v49 =	vld [tilespmem:s3+$0xFDC0]  }
0x651: {  	[tilespmem:s3+$0xC5B0] =	vst.add.f32.msk $0xffff, v0;
	v0 =	vadd.f32 v62, v3;
	v3 =	vadd.f32 v14, v13  }
0x652: {  	v50 =	vld [tilespmem:s3+$0x12DC0]  }
0x653: {  	v1 =	vadd.f32 v63, v1;
	[tilespmem:s3+$0xC5D0] =	vst.add.f32.msk $0xffff, v0;
	v0 =	vadd.f32 v15, v3  }
0x654: {  	v51 =	vld [tilespmem:s3+$0x15DC0]  }
0x655: {  	v22 =	vadd.f32 v17, v16;
	[tilespmem:s3+$0xC5F0] =	vst.add.f32.msk $0xffff, v0;
	v0 =	vadd.f32 v20, v1  }
0x656: {  	v1 =	vld [tilespmem:s3+$0x129A0]  }
0x657: {  	v3 =	vadd.f32 v18, v22;
	[tilespmem:s3+$0xC990] =	vst.add.f32.msk $0xffff, v0  }
0x658: {  	v0 =	vld [tilespmem:s3+$0xF9A0]  }
0x659: {  	[tilespmem:s3+$0xC980] =	vst.add.f32.msk $0xffff, v3  }
0x65a: {  	v3 =	vld [tilespmem:s3+$0x159A0]  }
0x65b: {  	v52 =	vld [tilespmem:s3+$0xFDD0]  }
0x65c: {  	v53 =	vld [tilespmem:s3+$0x12DD0]  }
0x65d: {  	v54 =	vld [tilespmem:s3+$0x15DD0];
	v0 =	vadd.f32 v1, v0  }
0x65e: {  	v1 =	vld [tilespmem:s3+$0xFD80]  }
0x65f: {  	v55 =	vld [tilespmem:s3+$0xFDE0];
	v0 =	vadd.f32 v3, v0;
	v3 =	vadd.f32 v27, v26  }
0x660: {  	v4 =	vadd.f32 v57, v56;
	v56 =	vld [tilespmem:s3+$0x12DE0]  }
0x661: {  	[tilespmem:s3+$0xC9A0] =	vst.add.f32.msk $0xffff, v0;
	v0 =	vadd.f32 v28, v3;
	v3 =	vadd.f32 v33, v32  }
0x662: {  	v57 =	vld [tilespmem:s3+$0x12DF0];
	v4 =	vadd.f32 v58, v4  }
0x663: {  	v1 =	vadd.f32 v37, v1;
	[tilespmem:s3+$0xC9C0] =	vst.add.f32.msk $0xffff, v0;
	v0 =	vadd.f32 v34, v3  }
0x664: {  	[tilespmem:s3+$0xC5C0] =	vst.add.f32.msk $0xffff, v4  }
0x665: {  	v42 =	vadd.f32 v36, v35;
	[tilespmem:s3+$0xC9E0] =	vst.add.f32.msk $0xffff, v0;
	v0 =	vadd.f32 v40, v1  }
0x666: {  	v1 =	vld [tilespmem:s3+$0x12D90]  }
0x667: {  	v3 =	vadd.f32 v38, v42;
	[tilespmem:s3+$0xCD80] =	vst.add.f32.msk $0xffff, v0  }
0x668: {  	v19 =	vadd.f32 v11, v10;
	v0 =	vld [tilespmem:s3+$0xFD90]  }
0x669: {  	v39 =	vadd.f32 v30, v29;
	[tilespmem:s3+$0xC9F0] =	vst.add.f32.msk $0xffff, v3  }
0x66a: {  	v21 =	vadd.f32 v12, v19;
	v4 =	vadd.f32 v24, v23;
	v3 =	vld [tilespmem:s3+$0x15D90]  }
0x66b: {  	v41 =	vadd.f32 v31, v39;
	v58 =	vld [tilespmem:s3+$0x15DE0]  }
0x66c: {  	[tilespmem:s3+$0xC5E0] =	vst.add.f32.msk $0xffff, v21;
	v4 =	vadd.f32 v25, v4  }
0x66d: {  	[tilespmem:s3+$0xC9D0] =	vst.add.f32.msk $0xffff, v41;
	v0 =	vadd.f32 v1, v0  }
0x66e: {  	[tilespmem:s3+$0xC9B0] =	vst.add.f32.msk $0xffff, v4;
	v4 =	vadd.f32 v44, v43  }
0x66f: {  	v1 =	vld [tilespmem:s3+$0xFDF0];
	v0 =	vadd.f32 v3, v0;
	v3 =	vadd.f32 v47, v46  }
0x670: {  	v4 =	vadd.f32 v45, v4;
	v59 =	vadd.f32 v50, v49;
	v61 =	vld [tilespmem:s3+$0x15DF0]  }
0x671: {  	[tilespmem:s3+$0xCD90] =	vst.add.f32.msk $0xffff, v0;
	v0 =	vadd.f32 v48, v3;
	v3 =	vadd.f32 v53, v52  }
0x672: {  	[tilespmem:s3+$0xCDA0] =	vst.add.f32.msk $0xffff, v4;
	v62 =	vadd.f32 v51, v59;
	v63 =	vadd.f32 v56, v55  }
0x673: {  	[tilespmem:s3+$0xCDB0] =	vst.add.f32.msk $0xffff, v0;
	v0 =	vadd.f32 v54, v3  }
0x674: {  	[tilespmem:s3+$0xCDC0] =	vst.add.f32.msk $0xffff, v62;
	v1 =	vadd.f32 v57, v1;
	v3 =	vadd.f32 v58, v63  }
0x675: {  	[tilespmem:s3+$0xCDD0] =	vst.add.f32.msk $0xffff, v0  }
0x676: {  	v0 =	vadd.f32 v61, v1;
	[tilespmem:s3+$0xCDE0] =	vst.add.f32.msk $0xffff, v3  }
0x677: {  	v1 =	vld [tilespmem:s3+$0x13180]  }
0x678: {  	s0 =	sadd.s32 $0xC00, s3;
	[tilespmem:s3+$0xCDF0] =	vst.add.f32.msk $0xffff, v0  }
0x679: {  	v0 =	vld [tilespmem:s0+$0xF580];
	_ =	sdelay $0x1  }
0x67a: {  	v3 =	vld [tilespmem:s3+$0x16180];
	_ =	sdelay $0x2  }
0x67b: {  	v0 =	vadd.f32 v1, v0;
	_ =	sdelay $0x1  }
0x67c: {  	v0 =	vadd.f32 v3, v0  }
0x67d: {  	v1 =	vld [tilespmem:s3+$0x13190]  }
0x67e: {  	[tilespmem:s3+$0xD180] =	vst.add.f32.msk $0xffff, v0  }
0x67f: {  	v0 =	vld [tilespmem:s0+$0xF590];
	_ =	sdelay $0x1  }
0x680: {  	v3 =	vld [tilespmem:s3+$0x16190];
	_ =	sdelay $0x2  }
0x681: {  	v0 =	vadd.f32 v1, v0;
	_ =	sdelay $0x1  }
0x682: {  	v0 =	vadd.f32 v3, v0  }
0x683: {  	v1 =	vld [tilespmem:s3+$0x131A0]  }
0x684: {  	[tilespmem:s3+$0xD190] =	vst.add.f32.msk $0xffff, v0  }
0x685: {  	v0 =	vld [tilespmem:s0+$0xF5A0];
	_ =	sdelay $0x1  }
0x686: {  	v3 =	vld [tilespmem:s3+$0x161A0];
	_ =	sdelay $0x2  }
0x687: {  	v0 =	vadd.f32 v1, v0;
	_ =	sdelay $0x1  }
0x688: {  	v0 =	vadd.f32 v3, v0  }
0x689: {  	v1 =	vld [tilespmem:s3+$0x131B0]  }
0x68a: {  	[tilespmem:s3+$0xD1A0] =	vst.add.f32.msk $0xffff, v0  }
0x68b: {  	v0 =	vld [tilespmem:s0+$0xF5B0];
	_ =	sdelay $0x1  }
0x68c: {  	v3 =	vld [tilespmem:s3+$0x161B0];
	_ =	sdelay $0x2  }
0x68d: {  	v0 =	vadd.f32 v1, v0;
	_ =	sdelay $0x1  }
0x68e: {  	v0 =	vadd.f32 v3, v0  }
0x68f: {  	v1 =	vld [tilespmem:s3+$0x131C0]  }
0x690: {  	[tilespmem:s3+$0xD1B0] =	vst.add.f32.msk $0xffff, v0  }
0x691: {  	v0 =	vld [tilespmem:s0+$0xF5C0];
	_ =	sdelay $0x1  }
0x692: {  	v3 =	vld [tilespmem:s3+$0x161C0];
	_ =	sdelay $0x2  }
0x693: {  	v0 =	vadd.f32 v1, v0;
	_ =	sdelay $0x1  }
0x694: {  	v0 =	vadd.f32 v3, v0  }
0x695: {  	v1 =	vld [tilespmem:s3+$0x131D0]  }
0x696: {  	[tilespmem:s3+$0xD1C0] =	vst.add.f32.msk $0xffff, v0  }
0x697: {  	v0 =	vld [tilespmem:s0+$0xF5D0];
	_ =	sdelay $0x1  }
0x698: {  	v3 =	vld [tilespmem:s3+$0x161D0];
	_ =	sdelay $0x2  }
0x699: {  	v0 =	vadd.f32 v1, v0;
	_ =	sdelay $0x1  }
0x69a: {  	v0 =	vadd.f32 v3, v0  }
0x69b: {  	v1 =	vld [tilespmem:s3+$0x131E0]  }
0x69c: {  	[tilespmem:s3+$0xD1D0] =	vst.add.f32.msk $0xffff, v0  }
0x69d: {  	v0 =	vld [tilespmem:s0+$0xF5E0];
	_ =	sdelay $0x1  }
0x69e: {  	v3 =	vld [tilespmem:s3+$0x161E0];
	_ =	sdelay $0x2  }
0x69f: {  	v0 =	vadd.f32 v1, v0;
	_ =	sdelay $0x1  }
0x6a0: {  	v0 =	vadd.f32 v3, v0  }
0x6a1: {  	v1 =	vld [tilespmem:s3+$0x131F0]  }
0x6a2: {  	[tilespmem:s3+$0xD1E0] =	vst.add.f32.msk $0xffff, v0  }
0x6a3: {  	v0 =	vld [tilespmem:s0+$0xF5F0];
	_ =	sdelay $0x1  }
0x6a4: {  	v3 =	vld [tilespmem:s3+$0x161F0];
	_ =	sdelay $0x2  }
0x6a5: {  	v0 =	vadd.f32 v1, v0;
	_ =	sdelay $0x1  }
0x6a6: {  	v0 =	vadd.f32 v3, v0  }
0x6a7: {  	v1 =	vld [tilespmem:s3+$0x13580]  }
0x6a8: {  	s30 =	sadd.s32 $0x1000, s3;
	[tilespmem:s3+$0xD1F0] =	vst.add.f32.msk $0xffff, v0  }
0x6a9: {  	v0 =	vld [tilespmem:s30+$0xF580];
	_ =	sdelay $0x1  }
0x6aa: {  	v3 =	vld [tilespmem:s3+$0x16580];
	_ =	sdelay $0x2  }
0x6ab: {  	v0 =	vadd.f32 v1, v0;
	_ =	sdelay $0x1  }
0x6ac: {  	v0 =	vadd.f32 v3, v0  }
0x6ad: {  	v1 =	vld [tilespmem:s3+$0x13590]  }
0x6ae: {  	[tilespmem:s3+$0xD580] =	vst.add.f32.msk $0xffff, v0  }
0x6af: {  	v0 =	vld [tilespmem:s30+$0xF590];
	_ =	sdelay $0x1  }
0x6b0: {  	v3 =	vld [tilespmem:s3+$0x16590];
	_ =	sdelay $0x2  }
0x6b1: {  	v0 =	vadd.f32 v1, v0;
	_ =	sdelay $0x1  }
0x6b2: {  	v0 =	vadd.f32 v3, v0  }
0x6b3: {  	v1 =	vld [tilespmem:s3+$0x135A0]  }
0x6b4: {  	[tilespmem:s3+$0xD590] =	vst.add.f32.msk $0xffff, v0  }
0x6b5: {  	v0 =	vld [tilespmem:s30+$0xF5A0];
	_ =	sdelay $0x1  }
0x6b6: {  	v3 =	vld [tilespmem:s3+$0x165A0];
	_ =	sdelay $0x2  }
0x6b7: {  	v0 =	vadd.f32 v1, v0;
	_ =	sdelay $0x1  }
0x6b8: {  	v0 =	vadd.f32 v3, v0  }
0x6b9: {  	v1 =	vld [tilespmem:s3+$0x135B0]  }
0x6ba: {  	[tilespmem:s3+$0xD5A0] =	vst.add.f32.msk $0xffff, v0  }
0x6bb: {  	v0 =	vld [tilespmem:s30+$0xF5B0];
	_ =	sdelay $0x1  }
0x6bc: {  	v3 =	vld [tilespmem:s3+$0x165B0];
	_ =	sdelay $0x2  }
0x6bd: {  	v0 =	vadd.f32 v1, v0;
	_ =	sdelay $0x1  }
0x6be: {  	v0 =	vadd.f32 v3, v0  }
0x6bf: {  	v1 =	vld [tilespmem:s3+$0x135C0]  }
0x6c0: {  	[tilespmem:s3+$0xD5B0] =	vst.add.f32.msk $0xffff, v0  }
0x6c1: {  	v0 =	vld [tilespmem:s30+$0xF5C0];
	_ =	sdelay $0x1  }
0x6c2: {  	v3 =	vld [tilespmem:s3+$0x165C0];
	_ =	sdelay $0x2  }
0x6c3: {  	v0 =	vadd.f32 v1, v0;
	_ =	sdelay $0x1  }
0x6c4: {  	v0 =	vadd.f32 v3, v0  }
0x6c5: {  	v1 =	vld [tilespmem:s3+$0x135D0]  }
0x6c6: {  	[tilespmem:s3+$0xD5C0] =	vst.add.f32.msk $0xffff, v0  }
0x6c7: {  	v0 =	vld [tilespmem:s30+$0xF5D0];
	_ =	sdelay $0x1  }
0x6c8: {  	v3 =	vld [tilespmem:s3+$0x165D0];
	_ =	sdelay $0x2  }
0x6c9: {  	v0 =	vadd.f32 v1, v0;
	_ =	sdelay $0x1  }
0x6ca: {  	v0 =	vadd.f32 v3, v0  }
0x6cb: {  	v1 =	vld [tilespmem:s3+$0x135E0]  }
0x6cc: {  	[tilespmem:s3+$0xD5D0] =	vst.add.f32.msk $0xffff, v0  }
0x6cd: {  	v0 =	vld [tilespmem:s30+$0xF5E0];
	_ =	sdelay $0x1  }
0x6ce: {  	v3 =	vld [tilespmem:s3+$0x165E0];
	_ =	sdelay $0x2  }
0x6cf: {  	v0 =	vadd.f32 v1, v0;
	_ =	sdelay $0x1  }
0x6d0: {  	v0 =	vadd.f32 v3, v0  }
0x6d1: {  	v1 =	vld [tilespmem:s3+$0x135F0]  }
0x6d2: {  	[tilespmem:s3+$0xD5E0] =	vst.add.f32.msk $0xffff, v0  }
0x6d3: {  	v0 =	vld [tilespmem:s30+$0xF5F0];
	_ =	sdelay $0x1  }
0x6d4: {  	v3 =	vld [tilespmem:s3+$0x165F0];
	_ =	sdelay $0x2  }
0x6d5: {  	v0 =	vadd.f32 v1, v0;
	_ =	sdelay $0x1  }
0x6d6: {  	v0 =	vadd.f32 v3, v0  }
0x6d7: {  	v1 =	vld [tilespmem:s3+$0x13980]  }
0x6d8: {  	s31 =	sadd.s32 $0x1400, s3;
	[tilespmem:s3+$0xD5F0] =	vst.add.f32.msk $0xffff, v0  }
0x6d9: {  	v0 =	vld [tilespmem:s31+$0xF580];
	_ =	sdelay $0x1  }
0x6da: {  	v3 =	vld [tilespmem:s3+$0x16980];
	_ =	sdelay $0x2  }
0x6db: {  	v0 =	vadd.f32 v1, v0;
	_ =	sdelay $0x1  }
0x6dc: {  	v0 =	vadd.f32 v3, v0  }
0x6dd: {  	v1 =	vld [tilespmem:s3+$0x13990]  }
0x6de: {  	[tilespmem:s3+$0xD980] =	vst.add.f32.msk $0xffff, v0  }
0x6df: {  	v0 =	vld [tilespmem:s31+$0xF590];
	_ =	sdelay $0x1  }
0x6e0: {  	v3 =	vld [tilespmem:s3+$0x16990];
	_ =	sdelay $0x2  }
0x6e1: {  	v0 =	vadd.f32 v1, v0;
	_ =	sdelay $0x1  }
0x6e2: {  	v0 =	vadd.f32 v3, v0  }
0x6e3: {  	v1 =	vld [tilespmem:s3+$0x139A0]  }
0x6e4: {  	[tilespmem:s3+$0xD990] =	vst.add.f32.msk $0xffff, v0  }
0x6e5: {  	v0 =	vld [tilespmem:s31+$0xF5A0];
	_ =	sdelay $0x1  }
0x6e6: {  	v3 =	vld [tilespmem:s3+$0x169A0];
	_ =	sdelay $0x2  }
0x6e7: {  	v0 =	vadd.f32 v1, v0;
	_ =	sdelay $0x1  }
0x6e8: {  	v0 =	vadd.f32 v3, v0  }
0x6e9: {  	v1 =	vld [tilespmem:s3+$0x139B0]  }
0x6ea: {  	[tilespmem:s3+$0xD9A0] =	vst.add.f32.msk $0xffff, v0  }
0x6eb: {  	v0 =	vld [tilespmem:s31+$0xF5B0];
	_ =	sdelay $0x1  }
0x6ec: {  	v3 =	vld [tilespmem:s3+$0x169B0];
	_ =	sdelay $0x2  }
0x6ed: {  	v0 =	vadd.f32 v1, v0;
	_ =	sdelay $0x1  }
0x6ee: {  	v0 =	vadd.f32 v3, v0  }
0x6ef: {  	v1 =	vld [tilespmem:s3+$0x139C0]  }
0x6f0: {  	[tilespmem:s3+$0xD9B0] =	vst.add.f32.msk $0xffff, v0  }
0x6f1: {  	v0 =	vld [tilespmem:s31+$0xF5C0];
	_ =	sdelay $0x1  }
0x6f2: {  	v3 =	vld [tilespmem:s3+$0x169C0];
	_ =	sdelay $0x2  }
0x6f3: {  	v0 =	vadd.f32 v1, v0;
	_ =	sdelay $0x1  }
0x6f4: {  	v0 =	vadd.f32 v3, v0  }
0x6f5: {  	v1 =	vld [tilespmem:s3+$0x139D0]  }
0x6f6: {  	[tilespmem:s3+$0xD9C0] =	vst.add.f32.msk $0xffff, v0  }
0x6f7: {  	v0 =	vld [tilespmem:s31+$0xF5D0];
	_ =	sdelay $0x1  }
0x6f8: {  	v3 =	vld [tilespmem:s3+$0x169D0];
	_ =	sdelay $0x2  }
0x6f9: {  	v0 =	vadd.f32 v1, v0;
	_ =	sdelay $0x1  }
0x6fa: {  	v0 =	vadd.f32 v3, v0  }
0x6fb: {  	v1 =	vld [tilespmem:s3+$0x139E0]  }
0x6fc: {  	[tilespmem:s3+$0xD9D0] =	vst.add.f32.msk $0xffff, v0  }
0x6fd: {  	v0 =	vld [tilespmem:s31+$0xF5E0];
	_ =	sdelay $0x1  }
0x6fe: {  	v3 =	vld [tilespmem:s3+$0x169E0];
	_ =	sdelay $0x2  }
0x6ff: {  	v0 =	vadd.f32 v1, v0;
	_ =	sdelay $0x1  }
0x700: {  	v0 =	vadd.f32 v3, v0  }
0x701: {  	v1 =	vld [tilespmem:s3+$0x139F0]  }
0x702: {  	[tilespmem:s3+$0xD9E0] =	vst.add.f32.msk $0xffff, v0  }
0x703: {  	v0 =	vld [tilespmem:s31+$0xF5F0];
	_ =	sdelay $0x1  }
0x704: {  	v3 =	vld [tilespmem:s3+$0x169F0];
	_ =	sdelay $0x1  }
0x705: {  	p1 =	sne.s32 s2, $0xF  }
.Ltmp5:
0x706: {  	v0 =	vadd.f32 v1, v0;
	(pc) =	sbr.rel @p1 .LBB2_12-.Ltmp5, $3  }
0x707: {  	_ = 	snop  }
0x708: {  	v0 =	vadd.f32 v3, v0;
	_ =	sdelay $0x1  }
0x709: {  	s1 =	sadd.s32 $0x80, s1;
	s2 =	sadd.s32 $0x1, s2;
	[tilespmem:s3+$0xD9F0] =	vst.add.f32.msk $0xffff, v0  }
0x70a: {  	s0 =	rddreg [dreg:$0x7]  }
0x70b: {  	s1 =	rddreg [dreg:$0x17];
	s8 =	sadd.s32 $0x1, s8  }
0x70c: {  	s0 =	sor.u32 s0, s1;
	p1 =	sne.s32 s8, $0x8  }
.Ltmp6:
0x70d: {  	s0 =	sshrl.u32 s0, $0x3;
	(pc) =	sbr.rel @p1 .LBB2_4-.Ltmp6, $4  }
0x70e: {  	s0 =	smul.u32 $0x300, s0  }
0x70f: {  	s31 =	rddreg [dreg:$0x8]  }
0x710: {  	s3 =	simm.s32 $0xC580;
	s0 =	sadd.s32 s31, s0  }
0x711: {  	v1 =	vlaneseq.u32;
	[hbm4b:s0+s4] =	stream.linear.scatter [tilespmem:s3], [sflag:$0x4], $0x3000, $0x38;
	[tilespmem:$0x18580] =	vst v63  }
0x712: {  	s0 =	simm.s32 $0x3  }
0x713: {  	_ =	swait.ge [sflag:s0], $0x3000  }
0x714: {  	[sflag:s0] =	ssyncset.done $0x0  }
0x715: {  	s1 =	simm.s32 $0x4;
	[sflag:s0] =	ssyncadd.s32 $0xFFFFD000  }
0x716: {  	_ =	swait.ge [sflag:s1], $0x3000  }
0x717: {  	s2 =	rddreg [dreg:$0x15]  }
0x718: {  	s31 =	rddreg [dreg:$0x14];
	s2 =	sadd.s32 $0x1, s2  }
0x719: {  	p1 =	sne.s32 s2, s31  }
.Ltmp7:
0x71a: {  	_ = 	snop;
	(pc) =	sbr.rel @p1 .LBB2_1-.Ltmp7, $3  }
0x71b: {  	_ =	sdelay $0x1  }
0x71c: {  	[sflag:s1] =	ssyncset.done $0x0  }
0x71d: {  	s9 =	simm.s32 $0x0;
	[sflag:s1] =	ssyncadd.s32 $0xFFFFD000  }
0x71e: {  	_ =	sfence.sel $0x180000  }
0x71f: {  	[bflag:$0x0] =	sbarrier.arrive $0xFFFF  }
0x720: {  	_ =	strace $0x90000047  }
0x721: {  	s0 =	stileid.u32;
	[bflag:$0x2] =	sbarrier.arrive $0xFFFF  }
0x722: {  	p0 =	sne.s32 s0, $0x0;
	s0 =	rddreg [dreg:$0x6]  }
0x723: {  	s0 =	sadd.s32 @!p0 $0x100000, s0  }
0x724: {  	[sflag:s0] =	ssyncadd.tile.s32 @!p0 $0x1;
	_ =	shalt  }
.Lfunc_end2:
_tile_overlayer_lowered:
.L_overlay_start_2:
0x725: {  	(tag) =	ssettag $0x2  }
0x726: {  	s0 =	rddreg [dreg:$0x0];
	s2 =	stileid.u32  }
0x727: {  	s1 =	rddreg [dreg:$0x1];
	p0 =	sne.s32 s2, $0x0  }
0x728: {  	s3 =	rddreg [dreg:$0x2];
	[bflag:$0x3] =	sbarrier.arrive $0xFFFF;
	s2 =	simm.s32 @!p0 $0x1C05  }
0x729: {  	[timem:s3], [sflag:s2] =	dma.local @!p0 [hbm:s0], s1  }
0x72a: {  	s0 =	simm.s32 @!p0 $0x5  }
0x72b: {  	_ =	swait.ge @!p0 [sflag:s0], s1  }
0x72c: {  	s1 =	ssub.s32 @!p0 $0x0, s1;
	[sflag:s0] =	ssyncset.done @!p0 $0x0  }
0x72d: {  	[sflag:s0] =	ssyncadd.s32 @!p0 s1  }
0x72e: {  	[bflag:$0x3] =	sbarrier.arrive $0xFFFF  }
0x72f: {  	_ =	shalt  }

</sc_bundles>
